<compile_context>
chip_gen: v7x
topology: tpu7x:2x2x1
jax: 0.10.2.dev20260603
libtpu: 0.0.44.dev20260713+nightly
codegen_flags: <defaults>
</compile_context>

<pallas_src>
import jax
import jax.numpy as jnp
from jax import lax
from jax.experimental import pallas as pl
from jax.experimental.pallas import tpu as pltpu
from jax.experimental.pallas import tpu_sc as plsc
from jax._src.pallas import mpmd as _plmpmd


def _lane_perm(v, idx):
    dnums = lax.GatherDimensionNumbers(
        offset_dims=(), collapsed_slice_dims=(0,), start_index_map=(0,))
    return lax.gather(v, idx[:, None], dnums, slice_sizes=(1,),
                      mode=lax.GatherScatterMode.PROMISE_IN_BOUNDS)


E = 8
W = 8192
D = 1024
NC = 2
NS = 16
NW = NC * NS
WIN_PER = W // NW
CW = 16
ROWS = 2 * CW
NCHUNK = WIN_PER // CW
NBUF = 3


def _sc_body(x3_hbm, eidx_hbm, z_hbm, out_hbm, eidx_v, wlist, dstl,
             buf0, buf1, buf2,
             gsem0, gsem1, gsem2, dsem0, dsem1, dsem2):
    del z_hbm
    bufs = (buf0, buf1, buf2)
    gsems = (gsem0, gsem1, gsem2)
    dsems = (dsem0, dsem1, dsem2)
    wid = lax.axis_index("s") * NC + lax.axis_index("c")
    base = wid * WIN_PER

    pltpu.sync_copy(eidx_hbm.at[pl.ds(2 * base, 2 * WIN_PER)], eidx_v)

    lane = lax.iota(jnp.int32, 16)
    p_even = (2 * lane) & 15
    p_odd = p_even + 1
    p_half0 = lane >> 1
    p_half1 = (lane >> 1) + 8
    low = lane < 8
    even = (lane & 1) == 0
    for k in range(NCHUNK):
        ev0 = eidx_v[pl.ds(32 * k, 16)]
        ev1 = eidx_v[pl.ds(32 * k + 16, 16)]
        ga = jnp.where(low, _lane_perm(ev0, p_even), _lane_perm(ev1, p_even))
        gb = jnp.where(low, _lane_perm(ev0, p_odd), _lane_perm(ev1, p_odd))
        wg = base + k * CW + lane
        wlist[k, pl.ds(0, 16)] = wg
        d0 = jnp.where(ga == gb, base, ga * W + wg)
        d1 = gb * W + wg
        for half, ph in ((0, p_half0), (1, p_half1)):
            inter = jnp.where(even, _lane_perm(d0, ph), _lane_perm(d1, ph))
            dstl[k, pl.ds(16 * half, 16)] = inter

    def fire_gather(k):
        return pltpu.async_copy(x3_hbm.at[wlist.at[k]], bufs[k % NBUF],
                                gsems[k % NBUF])

    gcp = [None] * NCHUNK
    dcp = [None] * NCHUNK
    for k in range(NBUF - 1):
        gcp[k] = fire_gather(k)

    for k in range(NCHUNK):
        s = k % NBUF
        gcp[k].wait()
        dcp[k] = pltpu.async_copy(bufs[s].reshape(ROWS, D),
                                  out_hbm.at[dstl.at[k]], dsems[s])
        nk = k + NBUF - 1
        if nk < NCHUNK:
            if nk >= NBUF:
                dcp[nk - NBUF].wait()
            gcp[nk] = fire_gather(nk)
    for k in range(max(0, NCHUNK - NBUF), NCHUNK):
        dcp[k].wait()


def _fix_body(fix_ref, big_ref, o_hbm, sem):
    del big_ref
    copies = [pltpu.async_copy(fix_ref.at[pl.ds(i, 1)],
                               o_hbm.at[pl.ds(i * WIN_PER, 1)], sem)
              for i in range(NW)]
    for c in copies:
        c.wait()


@jax.jit
def _dispatch(x3, eidx_flat):
    zval = (eidx_flat[0] * 0).astype(jnp.float32)
    zeros = jnp.full((E * W, D), zval, jnp.float32)
    mesh = plsc.VectorSubcoreMesh(core_axis_name="c", subcore_axis_name="s")
    run = _plmpmd._mpmd_map(
        [(mesh, _sc_body)],
        [jax.ShapeDtypeStruct((E * W, D), jnp.float32)],
        input_output_aliases={2: 0},
        scratch_types=[
            pltpu.VMEM((2 * WIN_PER,), jnp.int32),
            pltpu.VMEM((NCHUNK, CW), jnp.int32),
            pltpu.VMEM((NCHUNK, ROWS), jnp.int32),
            pltpu.VMEM((CW, 2, D), jnp.float32),
            pltpu.VMEM((CW, 2, D), jnp.float32),
            pltpu.VMEM((CW, 2, D), jnp.float32),
        ] + [pltpu.SemaphoreType.DMA] * 6,
    )
    (out,) = run(x3, eidx_flat, zeros)

    bases = jnp.arange(NW) * WIN_PER
    ia = eidx_flat[2 * bases]
    ib = eidx_flat[2 * bases + 1]
    xb = x3[bases]
    hit1 = ib == 0
    hit0 = jnp.logical_and(jnp.logical_not(hit1), ia == 0)
    fixvals = jnp.where(hit1[:, None], xb[:, 1],
                        jnp.where(hit0[:, None], xb[:, 0], 0.0))
    out = pl.pallas_call(
        _fix_body,
        in_specs=[pl.BlockSpec(memory_space=pltpu.VMEM),
                  pl.BlockSpec(memory_space=pl.ANY)],
        out_specs=pl.BlockSpec(memory_space=pl.ANY),
        out_shape=jax.ShapeDtypeStruct((E * W, D), jnp.float32),
        input_output_aliases={1: 0},
        scratch_shapes=[pltpu.SemaphoreType.DMA],
    )(fixvals, out)
    return out


def kernel(isp_per_win, expert_indices, num_experts):
    b, w, k, d = isp_per_win.shape
    x3 = isp_per_win.reshape(b * w, k, d)
    eidx_flat = expert_indices.reshape(-1)
    out = _dispatch(x3, eidx_flat)
    return out.reshape(E, b * w, d)

# --- scband reference (transcript-rebuilt; emitter-appended) ---
"""Pipeline reference for scband-ispparameter-generator-23708219474116 (READ-ONLY COPY).

The authoritative reference and input builder live on the scoring server;
editing this copy changes nothing except your own understanding.
"""

import jax, jax.numpy as jnp
import numpy as np


def setup_inputs(seed: int = 0) -> dict:
    key = jax.random.key(seed)
    k1, k2 = jax.random.split(key)
    isp_per_win = jax.random.normal(k1, (4, 2048, 2, 1024), dtype=jnp.float32)
    expert_indices = jax.random.randint(k2, (8192, 2), 0, 8, dtype=jnp.int32)
    return {"isp_per_win": isp_per_win, "expert_indices": expert_indices, "num_experts": 8}


def reference(isp_per_win, expert_indices, num_experts):
    batches, windows, k, embed_dim = isp_per_win.shape
    num_windows = batches * windows
    num_experts_static = 8  # setup_inputs always passes 8; traced num_experts still consumed below
    x = isp_per_win.reshape(num_windows, k, embed_dim)
    win_indices = jnp.broadcast_to(jnp.arange(num_windows)[:, None], (num_windows, k)).reshape(-1)
    k_indices = jnp.broadcast_to(jnp.arange(k)[None, :], (num_windows, k)).reshape(-1)
    flat_expert_indices = expert_indices.reshape(-1)
    # Faithful to torch: invalid (out-of-range) expert indices are dropped.
    valid_mask = (flat_expert_indices >= 0) & (flat_expert_indices < num_experts)
    safe_expert_indices = jnp.where(valid_mask, flat_expert_indices, num_experts)  # OOB sentinel -> dropped
    flat_embeddings = x[win_indices, k_indices]
    expert_embeddings = jnp.zeros((num_experts_static, num_windows, embed_dim), dtype=x.dtype)
    # torch index_put_ with accumulate=False -> scatter-overwrite
    expert_embeddings = expert_embeddings.at[safe_expert_indices, win_indices].set(flat_embeddings, mode='drop')
    return expert_embeddings

if __name__ == "__main__":
    import jax
    _d = setup_inputs()
    print(jax.jit(kernel)(*tuple(_d.values())))

</pallas_src>

<mosaic_0001>
#map = affine_map<(d0, d1) -> (0, 0, 0)>
#map1 = affine_map<(d0, d1) -> (0)>
#map2 = affine_map<(d0, d1) -> (0, 0)>
module attributes {stable_mosaic.version = 14 : i64} {
  func.func @_sc_body(%arg0: i32, %arg1: i32, %arg2: memref<8192x2x1024xf32, #tpu.memory_space<hbm>>, %arg3: memref<16384xi32, #tpu.memory_space<hbm>>, %arg4: memref<65536x1024xf32, #tpu.memory_space<hbm>>, %arg5: memref<65536x1024xf32, #tpu.memory_space<hbm>>, %arg6: memref<512xi32, #tpu.memory_space<vmem>>, %arg7: memref<16x16xi32, #tpu.memory_space<vmem>>, %arg8: memref<16x32xi32, #tpu.memory_space<vmem>>, %arg9: memref<16x2x1024xf32, #tpu.memory_space<vmem>>, %arg10: memref<16x2x1024xf32, #tpu.memory_space<vmem>>, %arg11: memref<16x2x1024xf32, #tpu.memory_space<vmem>>, %arg12: memref<!tpu.dma_semaphore, #tpu.memory_space<semaphore_mem>>, %arg13: memref<!tpu.dma_semaphore, #tpu.memory_space<semaphore_mem>>, %arg14: memref<!tpu.dma_semaphore, #tpu.memory_space<semaphore_mem>>, %arg15: memref<!tpu.dma_semaphore, #tpu.memory_space<semaphore_mem>>, %arg16: memref<!tpu.dma_semaphore, #tpu.memory_space<semaphore_mem>>, %arg17: memref<!tpu.dma_semaphore, #tpu.memory_space<semaphore_mem>>) attributes {dimension_semantics = [#tpu.dimension_semantics<core_parallel>, #tpu.dimension_semantics<subcore_parallel>], iteration_bounds = array<i64: 2, 16>, scalar_prefetch = 0 : i64, scratch_operands = 12 : i64, tpu.core_type = #tpu.core_type<sc_vector_subcore>, window_params = [{transform_indices = #map}, {transform_indices = #map1}, {transform_indices = #map2}, {transform_indices = #map2}]} {
    %mul3A = arith.constant 2 : i32
    %mul3A_0 = arith.muli %arg1, %mul3A : i32
    %add3A = arith.addi %mul3A_0, %arg0 : i32
    %mul3A_1 = arith.constant 256 : i32
    %mul3A_2 = arith.muli %add3A, %mul3A_1 : i32
    %mul3A_3 = arith.constant 2 : i32
    %mul3A_4 = arith.muli %mul3A_3, %mul3A_2 : i32
    "tpu.region"() ({
      %run_scoped3A = tpu.sem_alloc : memref<!tpu.dma_semaphore, #tpu.memory_space<semaphore_mem>>
      %dma_start3A_1605 = tpu.memref_slice %arg3[%mul3A_4] : memref<16384xi32, #tpu.memory_space<hbm>> -> memref<512xi32, #tpu.memory_space<hbm>>
      %dma_start3A_1606 = tpu.memref_slice %arg3[%mul3A_4] : memref<16384xi32, #tpu.memory_space<hbm>> -> memref<512xi32, #tpu.memory_space<hbm>>
      tpu.enqueue_dma source(%dma_start3A_1606 : memref<512xi32, #tpu.memory_space<hbm>>) target(%arg6 : memref<512xi32, #tpu.memory_space<vmem>>) target_semaphore(%run_scoped3A : memref<!tpu.dma_semaphore, #tpu.memory_space<semaphore_mem>>)
      %dma_wait3A_1607 = tpu.memref_slice %arg3[%mul3A_4] : memref<16384xi32, #tpu.memory_space<hbm>> -> memref<512xi32, #tpu.memory_space<hbm>>
      %dma_wait3A_1608 = tpu.memref_slice %arg3[%mul3A_4] : memref<16384xi32, #tpu.memory_space<hbm>> -> memref<512xi32, #tpu.memory_space<hbm>>
      tpu.wait_dma2 semaphore(%run_scoped3A : memref<!tpu.dma_semaphore, #tpu.memory_space<semaphore_mem>>) src(%dma_wait3A_1608 : memref<512xi32, #tpu.memory_space<hbm>>) dst(%arg6 : memref<512xi32, #tpu.memory_space<vmem>>)
      tpu.yield
    }) : () -> ()
    %iota3A = tpu.iota {dimensions = array<i32: 0>} : vector<16xi32>
    %mul3A_5 = arith.constant 2 : i32
    %mul3A_6 = vector.broadcast %mul3A_5 : i32 to vector<16xi32>
    %mul3A_7 = arith.muli %mul3A_6, %iota3A : vector<16xi32>
    %and3A = arith.constant 15 : i32
    %and3A_8 = vector.broadcast %and3A : i32 to vector<16xi32>
    %and3A_9 = arith.andi %mul3A_7, %and3A_8 : vector<16xi32>
    %add3A_10 = arith.constant 1 : i32
    %add3A_11 = vector.broadcast %add3A_10 : i32 to vector<16xi32>
    %add3A_12 = arith.addi %and3A_9, %add3A_11 : vector<16xi32>
    %shift_right_arithmetic3A = arith.constant 1 : i32
    %shift_right_arithmetic3A_13 = vector.broadcast %shift_right_arithmetic3A : i32 to vector<16xi32>
    %shift_right_arithmetic3A_14 = arith.shrsi %iota3A, %shift_right_arithmetic3A_13 : vector<16xi32>
    %shift_right_arithmetic3A_15 = arith.constant 1 : i32
    %shift_right_arithmetic3A_16 = vector.broadcast %shift_right_arithmetic3A_15 : i32 to vector<16xi32>
    %shift_right_arithmetic3A_17 = arith.shrsi %iota3A, %shift_right_arithmetic3A_16 : vector<16xi32>
    %add3A_18 = arith.constant 8 : i32
    %add3A_19 = vector.broadcast %add3A_18 : i32 to vector<16xi32>
    %add3A_20 = arith.addi %shift_right_arithmetic3A_17, %add3A_19 : vector<16xi32>
    %lt3A = arith.constant 8 : i32
    %lt3A_21 = vector.broadcast %lt3A : i32 to vector<16xi32>
    %lt3A_22 = arith.cmpi slt, %iota3A, %lt3A_21 : vector<16xi32>
    %and3A_23 = arith.constant 1 : i32
    %and3A_24 = vector.broadcast %and3A_23 : i32 to vector<16xi32>
    %and3A_25 = arith.andi %iota3A, %and3A_24 : vector<16xi32>
    %eq3A = arith.constant 0 : i32
    %eq3A_26 = vector.broadcast %eq3A : i32 to vector<16xi32>
    %eq3A_27 = arith.cmpi eq, %and3A_25, %eq3A_26 : vector<16xi32>
    %get3A = arith.constant 0 : index
    %get3A_28 = tpu.vector_load %arg6[%get3A] {strides = array<i32>} : memref<512xi32, #tpu.memory_space<vmem>>, vector<16xi32>,
    %get3A_29 = vector.shape_cast %get3A_28 : vector<16xi32> to vector<16xi32>
    %get3A_30 = arith.constant 16 : index
    %get3A_31 = tpu.vector_load %arg6[%get3A_30] {strides = array<i32>} : memref<512xi32, #tpu.memory_space<vmem>>, vector<16xi32>,
    %get3A_32 = vector.shape_cast %get3A_31 : vector<16xi32> to vector<16xi32>
    %broadcast_in_dim3A = vector.shape_cast %and3A_9 : vector<16xi32> to vector<16x1xi32>
    %gather3A = vector.shape_cast %broadcast_in_dim3A : vector<16x1xi32> to vector<16xi32>
    %gather3A_33 = tpu.dynamic_gather %get3A_29[%gather3A] in [0] : vector<16xi32>, vector<16xi32> -> vector<16xi32>
    %broadcast_in_dim3A_34 = vector.shape_cast %and3A_9 : vector<16xi32> to vector<16x1xi32>
    %gather3A_35 = vector.shape_cast %broadcast_in_dim3A_34 : vector<16x1xi32> to vector<16xi32>
    %gather3A_36 = tpu.dynamic_gather %get3A_32[%gather3A_35] in [0] : vector<16xi32>, vector<16xi32> -> vector<16xi32>
    %select_n3A = arith.select %lt3A_22, %gather3A_33, %gather3A_36 : vector<16xi1>, vector<16xi32>
    %broadcast_in_dim3A_37 = vector.shape_cast %add3A_12 : vector<16xi32> to vector<16x1xi32>
    %gather3A_38 = vector.shape_cast %broadcast_in_dim3A_37 : vector<16x1xi32> to vector<16xi32>
    %gather3A_39 = tpu.dynamic_gather %get3A_29[%gather3A_38] in [0] : vector<16xi32>, vector<16xi32> -> vector<16xi32>
    %broadcast_in_dim3A_40 = vector.shape_cast %add3A_12 : vector<16xi32> to vector<16x1xi32>
    %gather3A_41 = vector.shape_cast %broadcast_in_dim3A_40 : vector<16x1xi32> to vector<16xi32>
    %gather3A_42 = tpu.dynamic_gather %get3A_32[%gather3A_41] in [0] : vector<16xi32>, vector<16xi32> -> vector<16xi32>
    %select_n3A_43 = arith.select %lt3A_22, %gather3A_39, %gather3A_42 : vector<16xi1>, vector<16xi32>
    %add3A_44 = arith.constant 0 : i32
    %add3A_45 = arith.addi %mul3A_2, %add3A_44 : i32
    %add3A_46 = vector.broadcast %add3A_45 : i32 to vector<16xi32>
    %add3A_47 = arith.addi %add3A_46, %iota3A : vector<16xi32>
    %swap3A = arith.constant 0 : i32
    %swap3A_48 = arith.index_cast %swap3A : i32 to index
    %swap3A_49 = arith.constant 0 : index
    %swap3A_50 = tpu.vector_load %arg7[%swap3A_48, %swap3A_49] {strides = array<i32>} : memref<16x16xi32, #tpu.memory_space<vmem>>, vector<1x16xi32>,
    %swap3A_51 = vector.shape_cast %swap3A_50 : vector<1x16xi32> to vector<16xi32>
    %swap3A_52 = vector.shape_cast %add3A_47 : vector<16xi32> to vector<1x16xi32>
    tpu.vector_store %arg7[%swap3A_48, %swap3A_49], %swap3A_52 {strides = array<i32>} : memref<16x16xi32, #tpu.memory_space<vmem>>, vector<1x16xi32>,
    %eq3A_53 = arith.cmpi eq, %select_n3A, %select_n3A_43 : vector<16xi32>
    %mul3A_54 = arith.constant 8192 : i32
    %mul3A_55 = vector.broadcast %mul3A_54 : i32 to vector<16xi32>
    %mul3A_56 = arith.muli %select_n3A, %mul3A_55 : vector<16xi32>
    %add3A_57 = arith.addi %mul3A_56, %add3A_47 : vector<16xi32>
    %broadcast_in_dim3A_58 = vector.broadcast %mul3A_2 : i32 to vector<16xi32>
    %select_n3A_59 = arith.select %eq3A_53, %broadcast_in_dim3A_58, %add3A_57 : vector<16xi1>, vector<16xi32>
    %mul3A_60 = arith.constant 8192 : i32
    %mul3A_61 = vector.broadcast %mul3A_60 : i32 to vector<16xi32>
    %mul3A_62 = arith.muli %select_n3A_43, %mul3A_61 : vector<16xi32>
    %add3A_63 = arith.addi %mul3A_62, %add3A_47 : vector<16xi32>
    %broadcast_in_dim3A_64 = vector.shape_cast %shift_right_arithmetic3A_14 : vector<16xi32> to vector<16x1xi32>
    %gather3A_65 = vector.shape_cast %broadcast_in_dim3A_64 : vector<16x1xi32> to vector<16xi32>
    %gather3A_66 = tpu.dynamic_gather %select_n3A_59[%gather3A_65] in [0] : vector<16xi32>, vector<16xi32> -> vector<16xi32>
    %broadcast_in_dim3A_67 = vector.shape_cast %shift_right_arithmetic3A_14 : vector<16xi32> to vector<16x1xi32>
    %gather3A_68 = vector.shape_cast %broadcast_in_dim3A_67 : vector<16x1xi32> to vector<16xi32>
    %gather3A_69 = tpu.dynamic_gather %add3A_63[%gather3A_68] in [0] : vector<16xi32>, vector<16xi32> -> vector<16xi32>
    %select_n3A_70 = arith.select %eq3A_27, %gather3A_66, %gather3A_69 : vector<16xi1>, vector<16xi32>
    %swap3A_71 = arith.constant 0 : i32
    %swap3A_72 = arith.index_cast %swap3A_71 : i32 to index
    %swap3A_73 = arith.constant 0 : index
    %swap3A_74 = tpu.vector_load %arg8[%swap3A_72, %swap3A_73] {strides = array<i32>} : memref<16x32xi32, #tpu.memory_space<vmem>>, vector<1x16xi32>,
    %swap3A_75 = vector.shape_cast %swap3A_74 : vector<1x16xi32> to vector<16xi32>
    %swap3A_76 = vector.shape_cast %select_n3A_70 : vector<16xi32> to vector<1x16xi32>
    tpu.vector_store %arg8[%swap3A_72, %swap3A_73], %swap3A_76 {strides = array<i32>} : memref<16x32xi32, #tpu.memory_space<vmem>>, vector<1x16xi32>,
    %broadcast_in_dim3A_77 = vector.shape_cast %add3A_20 : vector<16xi32> to vector<16x1xi32>
    %gather3A_78 = vector.shape_cast %broadcast_in_dim3A_77 : vector<16x1xi32> to vector<16xi32>
    %gather3A_79 = tpu.dynamic_gather %select_n3A_59[%gather3A_78] in [0] : vector<16xi32>, vector<16xi32> -> vector<16xi32>
    %broadcast_in_dim3A_80 = vector.shape_cast %add3A_20 : vector<16xi32> to vector<16x1xi32>
    %gather3A_81 = vector.shape_cast %broadcast_in_dim3A_80 : vector<16x1xi32> to vector<16xi32>
    %gather3A_82 = tpu.dynamic_gather %add3A_63[%gather3A_81] in [0] : vector<16xi32>, vector<16xi32> -> vector<16xi32>
    %select_n3A_83 = arith.select %eq3A_27, %gather3A_79, %gather3A_82 : vector<16xi1>, vector<16xi32>
    %swap3A_84 = arith.constant 0 : i32
    %swap3A_85 = arith.index_cast %swap3A_84 : i32 to index
    %swap3A_86 = arith.constant 16 : index
    %swap3A_87 = tpu.vector_load %arg8[%swap3A_85, %swap3A_86] {strides = array<i32>} : memref<16x32xi32, #tpu.memory_space<vmem>>, vector<1x16xi32>,
    %swap3A_88 = vector.shape_cast %swap3A_87 : vector<1x16xi32> to vector<16xi32>
    %swap3A_89 = vector.shape_cast %select_n3A_83 : vector<16xi32> to vector<1x16xi32>
    tpu.vector_store %arg8[%swap3A_85, %swap3A_86], %swap3A_89 {strides = array<i32>} : memref<16x32xi32, #tpu.memory_space<vmem>>, vector<1x16xi32>,
    %get3A_90 = arith.constant 32 : index
    %get3A_91 = tpu.vector_load %arg6[%get3A_90] {strides = array<i32>} : memref<512xi32, #tpu.memory_space<vmem>>, vector<16xi32>,
    %get3A_92 = vector.shape_cast %get3A_91 : vector<16xi32> to vector<16xi32>
    %get3A_93 = arith.constant 48 : index
    %get3A_94 = tpu.vector_load %arg6[%get3A_93] {strides = array<i32>} : memref<512xi32, #tpu.memory_space<vmem>>, vector<16xi32>,
    %get3A_95 = vector.shape_cast %get3A_94 : vector<16xi32> to vector<16xi32>
    %broadcast_in_dim3A_96 = vector.shape_cast %and3A_9 : vector<16xi32> to vector<16x1xi32>
    %gather3A_97 = vector.shape_cast %broadcast_in_dim3A_96 : vector<16x1xi32> to vector<16xi32>
    %gather3A_98 = tpu.dynamic_gather %get3A_92[%gather3A_97] in [0] : vector<16xi32>, vector<16xi32> -> vector<16xi32>
    %broadcast_in_dim3A_99 = vector.shape_cast %and3A_9 : vector<16xi32> to vector<16x1xi32>
    %gather3A_100 = vector.shape_cast %broadcast_in_dim3A_99 : vector<16x1xi32> to vector<16xi32>
    %gather3A_101 = tpu.dynamic_gather %get3A_95[%gather3A_100] in [0] : vector<16xi32>, vector<16xi32> -> vector<16xi32>
    %select_n3A_102 = arith.select %lt3A_22, %gather3A_98, %gather3A_101 : vector<16xi1>, vector<16xi32>
    %broadcast_in_dim3A_103 = vector.shape_cast %add3A_12 : vector<16xi32> to vector<16x1xi32>
    %gather3A_104 = vector.shape_cast %broadcast_in_dim3A_103 : vector<16x1xi32> to vector<16xi32>
    %gather3A_105 = tpu.dynamic_gather %get3A_92[%gather3A_104] in [0] : vector<16xi32>, vector<16xi32> -> vector<16xi32>
    %broadcast_in_dim3A_106 = vector.shape_cast %add3A_12 : vector<16xi32> to vector<16x1xi32>
    %gather3A_107 = vector.shape_cast %broadcast_in_dim3A_106 : vector<16x1xi32> to vector<16xi32>
    %gather3A_108 = tpu.dynamic_gather %get3A_95[%gather3A_107] in [0] : vector<16xi32>, vector<16xi32> -> vector<16xi32>
    %select_n3A_109 = arith.select %lt3A_22, %gather3A_105, %gather3A_108 : vector<16xi1>, vector<16xi32>
    %add3A_110 = arith.constant 16 : i32
    %add3A_111 = arith.addi %mul3A_2, %add3A_110 : i32
    %add3A_112 = vector.broadcast %add3A_111 : i32 to vector<16xi32>
    %add3A_113 = arith.addi %add3A_112, %iota3A : vector<16xi32>
    %swap3A_114 = arith.constant 1 : i32
    %swap3A_115 = arith.index_cast %swap3A_114 : i32 to index
    %swap3A_116 = arith.constant 0 : index
    %swap3A_117 = tpu.vector_load %arg7[%swap3A_115, %swap3A_116] {strides = array<i32>} : memref<16x16xi32, #tpu.memory_space<vmem>>, vector<1x16xi32>,
    %swap3A_118 = vector.shape_cast %swap3A_117 : vector<1x16xi32> to vector<16xi32>
    %swap3A_119 = vector.shape_cast %add3A_113 : vector<16xi32> to vector<1x16xi32>
    tpu.vector_store %arg7[%swap3A_115, %swap3A_116], %swap3A_119 {strides = array<i32>} : memref<16x16xi32, #tpu.memory_space<vmem>>, vector<1x16xi32>,
    %eq3A_120 = arith.cmpi eq, %select_n3A_102, %select_n3A_109 : vector<16xi32>
    %mul3A_121 = arith.constant 8192 : i32
    %mul3A_122 = vector.broadcast %mul3A_121 : i32 to vector<16xi32>
    %mul3A_123 = arith.muli %select_n3A_102, %mul3A_122 : vector<16xi32>
    %add3A_124 = arith.addi %mul3A_123, %add3A_113 : vector<16xi32>
    %broadcast_in_dim3A_125 = vector.broadcast %mul3A_2 : i32 to vector<16xi32>
    %select_n3A_126 = arith.select %eq3A_120, %broadcast_in_dim3A_125, %add3A_124 : vector<16xi1>, vector<16xi32>
    %mul3A_127 = arith.constant 8192 : i32
    %mul3A_128 = vector.broadcast %mul3A_127 : i32 to vector<16xi32>
    %mul3A_129 = arith.muli %select_n3A_109, %mul3A_128 : vector<16xi32>
    %add3A_130 = arith.addi %mul3A_129, %add3A_113 : vector<16xi32>
    %broadcast_in_dim3A_131 = vector.shape_cast %shift_right_arithmetic3A_14 : vector<16xi32> to vector<16x1xi32>
    %gather3A_132 = vector.shape_cast %broadcast_in_dim3A_131 : vector<16x1xi32> to vector<16xi32>
    %gather3A_133 = tpu.dynamic_gather %select_n3A_126[%gather3A_132] in [0] : vector<16xi32>, vector<16xi32> -> vector<16xi32>
    %broadcast_in_dim3A_134 = vector.shape_cast %shift_right_arithmetic3A_14 : vector<16xi32> to vector<16x1xi32>
    %gather3A_135 = vector.shape_cast %broadcast_in_dim3A_134 : vector<16x1xi32> to vector<16xi32>
    %gather3A_136 = tpu.dynamic_gather %add3A_130[%gather3A_135] in [0] : vector<16xi32>, vector<16xi32> -> vector<16xi32>
    %select_n3A_137 = arith.select %eq3A_27, %gather3A_133, %gather3A_136 : vector<16xi1>, vector<16xi32>
    %swap3A_138 = arith.constant 1 : i32
    %swap3A_139 = arith.index_cast %swap3A_138 : i32 to index
    %swap3A_140 = arith.constant 0 : index
    %swap3A_141 = tpu.vector_load %arg8[%swap3A_139, %swap3A_140] {strides = array<i32>} : memref<16x32xi32, #tpu.memory_space<vmem>>, vector<1x16xi32>,
    %swap3A_142 = vector.shape_cast %swap3A_141 : vector<1x16xi32> to vector<16xi32>
    %swap3A_143 = vector.shape_cast %select_n3A_137 : vector<16xi32> to vector<1x16xi32>
    tpu.vector_store %arg8[%swap3A_139, %swap3A_140], %swap3A_143 {strides = array<i32>} : memref<16x32xi32, #tpu.memory_space<vmem>>, vector<1x16xi32>,
    %broadcast_in_dim3A_144 = vector.shape_cast %add3A_20 : vector<16xi32> to vector<16x1xi32>
    %gather3A_145 = vector.shape_cast %broadcast_in_dim3A_144 : vector<16x1xi32> to vector<16xi32>
    %gather3A_146 = tpu.dynamic_gather %select_n3A_126[%gather3A_145] in [0] : vector<16xi32>, vector<16xi32> -> vector<16xi32>
    %broadcast_in_dim3A_147 = vector.shape_cast %add3A_20 : vector<16xi32> to vector<16x1xi32>
    %gather3A_148 = vector.shape_cast %broadcast_in_dim3A_147 : vector<16x1xi32> to vector<16xi32>
    %gather3A_149 = tpu.dynamic_gather %add3A_130[%gather3A_148] in [0] : vector<16xi32>, vector<16xi32> -> vector<16xi32>
    %select_n3A_150 = arith.select %eq3A_27, %gather3A_146, %gather3A_149 : vector<16xi1>, vector<16xi32>
    %swap3A_151 = arith.constant 1 : i32
    %swap3A_152 = arith.index_cast %swap3A_151 : i32 to index
    %swap3A_153 = arith.constant 16 : index
    %swap3A_154 = tpu.vector_load %arg8[%swap3A_152, %swap3A_153] {strides = array<i32>} : memref<16x32xi32, #tpu.memory_space<vmem>>, vector<1x16xi32>,
    %swap3A_155 = vector.shape_cast %swap3A_154 : vector<1x16xi32> to vector<16xi32>
    %swap3A_156 = vector.shape_cast %select_n3A_150 : vector<16xi32> to vector<1x16xi32>
    tpu.vector_store %arg8[%swap3A_152, %swap3A_153], %swap3A_156 {strides = array<i32>} : memref<16x32xi32, #tpu.memory_space<vmem>>, vector<1x16xi32>,
    %get3A_157 = arith.constant 64 : index
    %get3A_158 = tpu.vector_load %arg6[%get3A_157] {strides = array<i32>} : memref<512xi32, #tpu.memory_space<vmem>>, vector<16xi32>,
    %get3A_159 = vector.shape_cast %get3A_158 : vector<16xi32> to vector<16xi32>
    %get3A_160 = arith.constant 80 : index
    %get3A_161 = tpu.vector_load %arg6[%get3A_160] {strides = array<i32>} : memref<512xi32, #tpu.memory_space<vmem>>, vector<16xi32>,
    %get3A_162 = vector.shape_cast %get3A_161 : vector<16xi32> to vector<16xi32>
    %broadcast_in_dim3A_163 = vector.shape_cast %and3A_9 : vector<16xi32> to vector<16x1xi32>
    %gather3A_164 = vector.shape_cast %broadcast_in_dim3A_163 : vector<16x1xi32> to vector<16xi32>
    %gather3A_165 = tpu.dynamic_gather %get3A_159[%gather3A_164] in [0] : vector<16xi32>, vector<16xi32> -> vector<16xi32>
    %broadcast_in_dim3A_166 = vector.shape_cast %and3A_9 : vector<16xi32> to vector<16x1xi32>
    %gather3A_167 = vector.shape_cast %broadcast_in_dim3A_166 : vector<16x1xi32> to vector<16xi32>
    %gather3A_168 = tpu.dynamic_gather %get3A_162[%gather3A_167] in [0] : vector<16xi32>, vector<16xi32> -> vector<16xi32>
    %select_n3A_169 = arith.select %lt3A_22, %gather3A_165, %gather3A_168 : vector<16xi1>, vector<16xi32>
    %broadcast_in_dim3A_170 = vector.shape_cast %add3A_12 : vector<16xi32> to vector<16x1xi32>
    %gather3A_171 = vector.shape_cast %broadcast_in_dim3A_170 : vector<16x1xi32> to vector<16xi32>
    %gather3A_172 = tpu.dynamic_gather %get3A_159[%gather3A_171] in [0] : vector<16xi32>, vector<16xi32> -> vector<16xi32>
    %broadcast_in_dim3A_173 = vector.shape_cast %add3A_12 : vector<16xi32> to vector<16x1xi32>
    %gather3A_174 = vector.shape_cast %broadcast_in_dim3A_173 : vector<16x1xi32> to vector<16xi32>
    %gather3A_175 = tpu.dynamic_gather %get3A_162[%gather3A_174] in [0] : vector<16xi32>, vector<16xi32> -> vector<16xi32>
    %select_n3A_176 = arith.select %lt3A_22, %gather3A_172, %gather3A_175 : vector<16xi1>, vector<16xi32>
    %add3A_177 = arith.constant 32 : i32
    %add3A_178 = arith.addi %mul3A_2, %add3A_177 : i32
    %add3A_179 = vector.broadcast %add3A_178 : i32 to vector<16xi32>
    %add3A_180 = arith.addi %add3A_179, %iota3A : vector<16xi32>
    %swap3A_181 = arith.constant 2 : i32
    %swap3A_182 = arith.index_cast %swap3A_181 : i32 to index
    %swap3A_183 = arith.constant 0 : index
    %swap3A_184 = tpu.vector_load %arg7[%swap3A_182, %swap3A_183] {strides = array<i32>} : memref<16x16xi32, #tpu.memory_space<vmem>>, vector<1x16xi32>,
    %swap3A_185 = vector.shape_cast %swap3A_184 : vector<1x16xi32> to vector<16xi32>
    %swap3A_186 = vector.shape_cast %add3A_180 : vector<16xi32> to vector<1x16xi32>
    tpu.vector_store %arg7[%swap3A_182, %swap3A_183], %swap3A_186 {strides = array<i32>} : memref<16x16xi32, #tpu.memory_space<vmem>>, vector<1x16xi32>,
    %eq3A_187 = arith.cmpi eq, %select_n3A_169, %select_n3A_176 : vector<16xi32>
    %mul3A_188 = arith.constant 8192 : i32
    %mul3A_189 = vector.broadcast %mul3A_188 : i32 to vector<16xi32>
    %mul3A_190 = arith.muli %select_n3A_169, %mul3A_189 : vector<16xi32>
    %add3A_191 = arith.addi %mul3A_190, %add3A_180 : vector<16xi32>
    %broadcast_in_dim3A_192 = vector.broadcast %mul3A_2 : i32 to vector<16xi32>
    %select_n3A_193 = arith.select %eq3A_187, %broadcast_in_dim3A_192, %add3A_191 : vector<16xi1>, vector<16xi32>
    %mul3A_194 = arith.constant 8192 : i32
    %mul3A_195 = vector.broadcast %mul3A_194 : i32 to vector<16xi32>
    %mul3A_196 = arith.muli %select_n3A_176, %mul3A_195 : vector<16xi32>
    %add3A_197 = arith.addi %mul3A_196, %add3A_180 : vector<16xi32>
    %broadcast_in_dim3A_198 = vector.shape_cast %shift_right_arithmetic3A_14 : vector<16xi32> to vector<16x1xi32>
    %gather3A_199 = vector.shape_cast %broadcast_in_dim3A_198 : vector<16x1xi32> to vector<16xi32>
    %gather3A_200 = tpu.dynamic_gather %select_n3A_193[%gather3A_199] in [0] : vector<16xi32>, vector<16xi32> -> vector<16xi32>
    %broadcast_in_dim3A_201 = vector.shape_cast %shift_right_arithmetic3A_14 : vector<16xi32> to vector<16x1xi32>
    %gather3A_202 = vector.shape_cast %broadcast_in_dim3A_201 : vector<16x1xi32> to vector<16xi32>
    %gather3A_203 = tpu.dynamic_gather %add3A_197[%gather3A_202] in [0] : vector<16xi32>, vector<16xi32> -> vector<16xi32>
    %select_n3A_204 = arith.select %eq3A_27, %gather3A_200, %gather3A_203 : vector<16xi1>, vector<16xi32>
    %swap3A_205 = arith.constant 2 : i32
    %swap3A_206 = arith.index_cast %swap3A_205 : i32 to index
    %swap3A_207 = arith.constant 0 : index
    %swap3A_208 = tpu.vector_load %arg8[%swap3A_206, %swap3A_207] {strides = array<i32>} : memref<16x32xi32, #tpu.memory_space<vmem>>, vector<1x16xi32>,
    %swap3A_209 = vector.shape_cast %swap3A_208 : vector<1x16xi32> to vector<16xi32>
    %swap3A_210 = vector.shape_cast %select_n3A_204 : vector<16xi32> to vector<1x16xi32>
    tpu.vector_store %arg8[%swap3A_206, %swap3A_207], %swap3A_210 {strides = array<i32>} : memref<16x32xi32, #tpu.memory_space<vmem>>, vector<1x16xi32>,
    %broadcast_in_dim3A_211 = vector.shape_cast %add3A_20 : vector<16xi32> to vector<16x1xi32>
    %gather3A_212 = vector.shape_cast %broadcast_in_dim3A_211 : vector<16x1xi32> to vector<16xi32>
    %gather3A_213 = tpu.dynamic_gather %select_n3A_193[%gather3A_212] in [0] : vector<16xi32>, vector<16xi32> -> vector<16xi32>
    %broadcast_in_dim3A_214 = vector.shape_cast %add3A_20 : vector<16xi32> to vector<16x1xi32>
    %gather3A_215 = vector.shape_cast %broadcast_in_dim3A_214 : vector<16x1xi32> to vector<16xi32>
    %gather3A_216 = tpu.dynamic_gather %add3A_197[%gather3A_215] in [0] : vector<16xi32>, vector<16xi32> -> vector<16xi32>
    %select_n3A_217 = arith.select %eq3A_27, %gather3A_213, %gather3A_216 : vector<16xi1>, vector<16xi32>
    %swap3A_218 = arith.constant 2 : i32
    %swap3A_219 = arith.index_cast %swap3A_218 : i32 to index
    %swap3A_220 = arith.constant 16 : index
    %swap3A_221 = tpu.vector_load %arg8[%swap3A_219, %swap3A_220] {strides = array<i32>} : memref<16x32xi32, #tpu.memory_space<vmem>>, vector<1x16xi32>,
    %swap3A_222 = vector.shape_cast %swap3A_221 : vector<1x16xi32> to vector<16xi32>
    %swap3A_223 = vector.shape_cast %select_n3A_217 : vector<16xi32> to vector<1x16xi32>
    tpu.vector_store %arg8[%swap3A_219, %swap3A_220], %swap3A_223 {strides = array<i32>} : memref<16x32xi32, #tpu.memory_space<vmem>>, vector<1x16xi32>,
    %get3A_224 = arith.constant 96 : index
    %get3A_225 = tpu.vector_load %arg6[%get3A_224] {strides = array<i32>} : memref<512xi32, #tpu.memory_space<vmem>>, vector<16xi32>,
    %get3A_226 = vector.shape_cast %get3A_225 : vector<16xi32> to vector<16xi32>
    %get3A_227 = arith.constant 112 : index
    %get3A_228 = tpu.vector_load %arg6[%get3A_227] {strides = array<i32>} : memref<512xi32, #tpu.memory_space<vmem>>, vector<16xi32>,
    %get3A_229 = vector.shape_cast %get3A_228 : vector<16xi32> to vector<16xi32>
    %broadcast_in_dim3A_230 = vector.shape_cast %and3A_9 : vector<16xi32> to vector<16x1xi32>
    %gather3A_231 = vector.shape_cast %broadcast_in_dim3A_230 : vector<16x1xi32> to vector<16xi32>
    %gather3A_232 = tpu.dynamic_gather %get3A_226[%gather3A_231] in [0] : vector<16xi32>, vector<16xi32> -> vector<16xi32>
    %broadcast_in_dim3A_233 = vector.shape_cast %and3A_9 : vector<16xi32> to vector<16x1xi32>
    %gather3A_234 = vector.shape_cast %broadcast_in_dim3A_233 : vector<16x1xi32> to vector<16xi32>
    %gather3A_235 = tpu.dynamic_gather %get3A_229[%gather3A_234] in [0] : vector<16xi32>, vector<16xi32> -> vector<16xi32>
    %select_n3A_236 = arith.select %lt3A_22, %gather3A_232, %gather3A_235 : vector<16xi1>, vector<16xi32>
    %broadcast_in_dim3A_237 = vector.shape_cast %add3A_12 : vector<16xi32> to vector<16x1xi32>
    %gather3A_238 = vector.shape_cast %broadcast_in_dim3A_237 : vector<16x1xi32> to vector<16xi32>
    %gather3A_239 = tpu.dynamic_gather %get3A_226[%gather3A_238] in [0] : vector<16xi32>, vector<16xi32> -> vector<16xi32>
    %broadcast_in_dim3A_240 = vector.shape_cast %add3A_12 : vector<16xi32> to vector<16x1xi32>
    %gather3A_241 = vector.shape_cast %broadcast_in_dim3A_240 : vector<16x1xi32> to vector<16xi32>
    %gather3A_242 = tpu.dynamic_gather %get3A_229[%gather3A_241] in [0] : vector<16xi32>, vector<16xi32> -> vector<16xi32>
    %select_n3A_243 = arith.select %lt3A_22, %gather3A_239, %gather3A_242 : vector<16xi1>, vector<16xi32>
    %add3A_244 = arith.constant 48 : i32
    %add3A_245 = arith.addi %mul3A_2, %add3A_244 : i32
    %add3A_246 = vector.broadcast %add3A_245 : i32 to vector<16xi32>
    %add3A_247 = arith.addi %add3A_246, %iota3A : vector<16xi32>
    %swap3A_248 = arith.constant 3 : i32
    %swap3A_249 = arith.index_cast %swap3A_248 : i32 to index
    %swap3A_250 = arith.constant 0 : index
    %swap3A_251 = tpu.vector_load %arg7[%swap3A_249, %swap3A_250] {strides = array<i32>} : memref<16x16xi32, #tpu.memory_space<vmem>>, vector<1x16xi32>,
    %swap3A_252 = vector.shape_cast %swap3A_251 : vector<1x16xi32> to vector<16xi32>
    %swap3A_253 = vector.shape_cast %add3A_247 : vector<16xi32> to vector<1x16xi32>
    tpu.vector_store %arg7[%swap3A_249, %swap3A_250], %swap3A_253 {strides = array<i32>} : memref<16x16xi32, #tpu.memory_space<vmem>>, vector<1x16xi32>,
    %eq3A_254 = arith.cmpi eq, %select_n3A_236, %select_n3A_243 : vector<16xi32>
    %mul3A_255 = arith.constant 8192 : i32
    %mul3A_256 = vector.broadcast %mul3A_255 : i32 to vector<16xi32>
    %mul3A_257 = arith.muli %select_n3A_236, %mul3A_256 : vector<16xi32>
    %add3A_258 = arith.addi %mul3A_257, %add3A_247 : vector<16xi32>
    %broadcast_in_dim3A_259 = vector.broadcast %mul3A_2 : i32 to vector<16xi32>
    %select_n3A_260 = arith.select %eq3A_254, %broadcast_in_dim3A_259, %add3A_258 : vector<16xi1>, vector<16xi32>
    %mul3A_261 = arith.constant 8192 : i32
    %mul3A_262 = vector.broadcast %mul3A_261 : i32 to vector<16xi32>
    %mul3A_263 = arith.muli %select_n3A_243, %mul3A_262 : vector<16xi32>
    %add3A_264 = arith.addi %mul3A_263, %add3A_247 : vector<16xi32>
    %broadcast_in_dim3A_265 = vector.shape_cast %shift_right_arithmetic3A_14 : vector<16xi32> to vector<16x1xi32>
    %gather3A_266 = vector.shape_cast %broadcast_in_dim3A_265 : vector<16x1xi32> to vector<16xi32>
    %gather3A_267 = tpu.dynamic_gather %select_n3A_260[%gather3A_266] in [0] : vector<16xi32>, vector<16xi32> -> vector<16xi32>
    %broadcast_in_dim3A_268 = vector.shape_cast %shift_right_arithmetic3A_14 : vector<16xi32> to vector<16x1xi32>
    %gather3A_269 = vector.shape_cast %broadcast_in_dim3A_268 : vector<16x1xi32> to vector<16xi32>
    %gather3A_270 = tpu.dynamic_gather %add3A_264[%gather3A_269] in [0] : vector<16xi32>, vector<16xi32> -> vector<16xi32>
    %select_n3A_271 = arith.select %eq3A_27, %gather3A_267, %gather3A_270 : vector<16xi1>, vector<16xi32>
    %swap3A_272 = arith.constant 3 : i32
    %swap3A_273 = arith.index_cast %swap3A_272 : i32 to index
    %swap3A_274 = arith.constant 0 : index
    %swap3A_275 = tpu.vector_load %arg8[%swap3A_273, %swap3A_274] {strides = array<i32>} : memref<16x32xi32, #tpu.memory_space<vmem>>, vector<1x16xi32>,
    %swap3A_276 = vector.shape_cast %swap3A_275 : vector<1x16xi32> to vector<16xi32>
    %swap3A_277 = vector.shape_cast %select_n3A_271 : vector<16xi32> to vector<1x16xi32>
    tpu.vector_store %arg8[%swap3A_273, %swap3A_274], %swap3A_277 {strides = array<i32>} : memref<16x32xi32, #tpu.memory_space<vmem>>, vector<1x16xi32>,
    %broadcast_in_dim3A_278 = vector.shape_cast %add3A_20 : vector<16xi32> to vector<16x1xi32>
    %gather3A_279 = vector.shape_cast %broadcast_in_dim3A_278 : vector<16x1xi32> to vector<16xi32>
    %gather3A_280 = tpu.dynamic_gather %select_n3A_260[%gather3A_279] in [0] : vector<16xi32>, vector<16xi32> -> vector<16xi32>
    %broadcast_in_dim3A_281 = vector.shape_cast %add3A_20 : vector<16xi32> to vector<16x1xi32>
    %gather3A_282 = vector.shape_cast %broadcast_in_dim3A_281 : vector<16x1xi32> to vector<16xi32>
    %gather3A_283 = tpu.dynamic_gather %add3A_264[%gather3A_282] in [0] : vector<16xi32>, vector<16xi32> -> vector<16xi32>
    %select_n3A_284 = arith.select %eq3A_27, %gather3A_280, %gather3A_283 : vector<16xi1>, vector<16xi32>
    %swap3A_285 = arith.constant 3 : i32
    %swap3A_286 = arith.index_cast %swap3A_285 : i32 to index
    %swap3A_287 = arith.constant 16 : index
    %swap3A_288 = tpu.vector_load %arg8[%swap3A_286, %swap3A_287] {strides = array<i32>} : memref<16x32xi32, #tpu.memory_space<vmem>>, vector<1x16xi32>,
    %swap3A_289 = vector.shape_cast %swap3A_288 : vector<1x16xi32> to vector<16xi32>
    %swap3A_290 = vector.shape_cast %select_n3A_284 : vector<16xi32> to vector<1x16xi32>
    tpu.vector_store %arg8[%swap3A_286, %swap3A_287], %swap3A_290 {strides = array<i32>} : memref<16x32xi32, #tpu.memory_space<vmem>>, vector<1x16xi32>,
    %get3A_291 = arith.constant 128 : index
    %get3A_292 = tpu.vector_load %arg6[%get3A_291] {strides = array<i32>} : memref<512xi32, #tpu.memory_space<vmem>>, vector<16xi32>,
    %get3A_293 = vector.shape_cast %get3A_292 : vector<16xi32> to vector<16xi32>
    %get3A_294 = arith.constant 144 : index
    %get3A_295 = tpu.vector_load %arg6[%get3A_294] {strides = array<i32>} : memref<512xi32, #tpu.memory_space<vmem>>, vector<16xi32>,
    %get3A_296 = vector.shape_cast %get3A_295 : vector<16xi32> to vector<16xi32>
    %broadcast_in_dim3A_297 = vector.shape_cast %and3A_9 : vector<16xi32> to vector<16x1xi32>
    %gather3A_298 = vector.shape_cast %broadcast_in_dim3A_297 : vector<16x1xi32> to vector<16xi32>
    %gather3A_299 = tpu.dynamic_gather %get3A_293[%gather3A_298] in [0] : vector<16xi32>, vector<16xi32> -> vector<16xi32>
    %broadcast_in_dim3A_300 = vector.shape_cast %and3A_9 : vector<16xi32> to vector<16x1xi32>
    %gather3A_301 = vector.shape_cast %broadcast_in_dim3A_300 : vector<16x1xi32> to vector<16xi32>
    %gather3A_302 = tpu.dynamic_gather %get3A_296[%gather3A_301] in [0] : vector<16xi32>, vector<16xi32> -> vector<16xi32>
    %select_n3A_303 = arith.select %lt3A_22, %gather3A_299, %gather3A_302 : vector<16xi1>, vector<16xi32>
    %broadcast_in_dim3A_304 = vector.shape_cast %add3A_12 : vector<16xi32> to vector<16x1xi32>
    %gather3A_305 = vector.shape_cast %broadcast_in_dim3A_304 : vector<16x1xi32> to vector<16xi32>
    %gather3A_306 = tpu.dynamic_gather %get3A_293[%gather3A_305] in [0] : vector<16xi32>, vector<16xi32> -> vector<16xi32>
    %broadcast_in_dim3A_307 = vector.shape_cast %add3A_12 : vector<16xi32> to vector<16x1xi32>
    %gather3A_308 = vector.shape_cast %broadcast_in_dim3A_307 : vector<16x1xi32> to vector<16xi32>
    %gather3A_309 = tpu.dynamic_gather %get3A_296[%gather3A_308] in [0] : vector<16xi32>, vector<16xi32> -> vector<16xi32>
    %select_n3A_310 = arith.select %lt3A_22, %gather3A_306, %gather3A_309 : vector<16xi1>, vector<16xi32>
    %add3A_311 = arith.constant 64 : i32
    %add3A_312 = arith.addi %mul3A_2, %add3A_311 : i32
    %add3A_313 = vector.broadcast %add3A_312 : i32 to vector<16xi32>
    %add3A_314 = arith.addi %add3A_313, %iota3A : vector<16xi32>
    %swap3A_315 = arith.constant 4 : i32
    %swap3A_316 = arith.index_cast %swap3A_315 : i32 to index
    %swap3A_317 = arith.constant 0 : index
    %swap3A_318 = tpu.vector_load %arg7[%swap3A_316, %swap3A_317] {strides = array<i32>} : memref<16x16xi32, #tpu.memory_space<vmem>>, vector<1x16xi32>,
    %swap3A_319 = vector.shape_cast %swap3A_318 : vector<1x16xi32> to vector<16xi32>
    %swap3A_320 = vector.shape_cast %add3A_314 : vector<16xi32> to vector<1x16xi32>
    tpu.vector_store %arg7[%swap3A_316, %swap3A_317], %swap3A_320 {strides = array<i32>} : memref<16x16xi32, #tpu.memory_space<vmem>>, vector<1x16xi32>,
    %eq3A_321 = arith.cmpi eq, %select_n3A_303, %select_n3A_310 : vector<16xi32>
    %mul3A_322 = arith.constant 8192 : i32
    %mul3A_323 = vector.broadcast %mul3A_322 : i32 to vector<16xi32>
    %mul3A_324 = arith.muli %select_n3A_303, %mul3A_323 : vector<16xi32>
    %add3A_325 = arith.addi %mul3A_324, %add3A_314 : vector<16xi32>
    %broadcast_in_dim3A_326 = vector.broadcast %mul3A_2 : i32 to vector<16xi32>
    %select_n3A_327 = arith.select %eq3A_321, %broadcast_in_dim3A_326, %add3A_325 : vector<16xi1>, vector<16xi32>
    %mul3A_328 = arith.constant 8192 : i32
    %mul3A_329 = vector.broadcast %mul3A_328 : i32 to vector<16xi32>
    %mul3A_330 = arith.muli %select_n3A_310, %mul3A_329 : vector<16xi32>
    %add3A_331 = arith.addi %mul3A_330, %add3A_314 : vector<16xi32>
    %broadcast_in_dim3A_332 = vector.shape_cast %shift_right_arithmetic3A_14 : vector<16xi32> to vector<16x1xi32>
    %gather3A_333 = vector.shape_cast %broadcast_in_dim3A_332 : vector<16x1xi32> to vector<16xi32>
    %gather3A_334 = tpu.dynamic_gather %select_n3A_327[%gather3A_333] in [0] : vector<16xi32>, vector<16xi32> -> vector<16xi32>
    %broadcast_in_dim3A_335 = vector.shape_cast %shift_right_arithmetic3A_14 : vector<16xi32> to vector<16x1xi32>
    %gather3A_336 = vector.shape_cast %broadcast_in_dim3A_335 : vector<16x1xi32> to vector<16xi32>
    %gather3A_337 = tpu.dynamic_gather %add3A_331[%gather3A_336] in [0] : vector<16xi32>, vector<16xi32> -> vector<16xi32>
    %select_n3A_338 = arith.select %eq3A_27, %gather3A_334, %gather3A_337 : vector<16xi1>, vector<16xi32>
    %swap3A_339 = arith.constant 4 : i32
    %swap3A_340 = arith.index_cast %swap3A_339 : i32 to index
    %swap3A_341 = arith.constant 0 : index
    %swap3A_342 = tpu.vector_load %arg8[%swap3A_340, %swap3A_341] {strides = array<i32>} : memref<16x32xi32, #tpu.memory_space<vmem>>, vector<1x16xi32>,
    %swap3A_343 = vector.shape_cast %swap3A_342 : vector<1x16xi32> to vector<16xi32>
    %swap3A_344 = vector.shape_cast %select_n3A_338 : vector<16xi32> to vector<1x16xi32>
    tpu.vector_store %arg8[%swap3A_340, %swap3A_341], %swap3A_344 {strides = array<i32>} : memref<16x32xi32, #tpu.memory_space<vmem>>, vector<1x16xi32>,
    %broadcast_in_dim3A_345 = vector.shape_cast %add3A_20 : vector<16xi32> to vector<16x1xi32>
    %gather3A_346 = vector.shape_cast %broadcast_in_dim3A_345 : vector<16x1xi32> to vector<16xi32>
    %gather3A_347 = tpu.dynamic_gather %select_n3A_327[%gather3A_346] in [0] : vector<16xi32>, vector<16xi32> -> vector<16xi32>
    %broadcast_in_dim3A_348 = vector.shape_cast %add3A_20 : vector<16xi32> to vector<16x1xi32>
    %gather3A_349 = vector.shape_cast %broadcast_in_dim3A_348 : vector<16x1xi32> to vector<16xi32>
    %gather3A_350 = tpu.dynamic_gather %add3A_331[%gather3A_349] in [0] : vector<16xi32>, vector<16xi32> -> vector<16xi32>
    %select_n3A_351 = arith.select %eq3A_27, %gather3A_347, %gather3A_350 : vector<16xi1>, vector<16xi32>
    %swap3A_352 = arith.constant 4 : i32
    %swap3A_353 = arith.index_cast %swap3A_352 : i32 to index
    %swap3A_354 = arith.constant 16 : index
    %swap3A_355 = tpu.vector_load %arg8[%swap3A_353, %swap3A_354] {strides = array<i32>} : memref<16x32xi32, #tpu.memory_space<vmem>>, vector<1x16xi32>,
    %swap3A_356 = vector.shape_cast %swap3A_355 : vector<1x16xi32> to vector<16xi32>
    %swap3A_357 = vector.shape_cast %select_n3A_351 : vector<16xi32> to vector<1x16xi32>
    tpu.vector_store %arg8[%swap3A_353, %swap3A_354], %swap3A_357 {strides = array<i32>} : memref<16x32xi32, #tpu.memory_space<vmem>>, vector<1x16xi32>,
    %get3A_358 = arith.constant 160 : index
    %get3A_359 = tpu.vector_load %arg6[%get3A_358] {strides = array<i32>} : memref<512xi32, #tpu.memory_space<vmem>>, vector<16xi32>,
    %get3A_360 = vector.shape_cast %get3A_359 : vector<16xi32> to vector<16xi32>
    %get3A_361 = arith.constant 176 : index
    %get3A_362 = tpu.vector_load %arg6[%get3A_361] {strides = array<i32>} : memref<512xi32, #tpu.memory_space<vmem>>, vector<16xi32>,
    %get3A_363 = vector.shape_cast %get3A_362 : vector<16xi32> to vector<16xi32>
    %broadcast_in_dim3A_364 = vector.shape_cast %and3A_9 : vector<16xi32> to vector<16x1xi32>
    %gather3A_365 = vector.shape_cast %broadcast_in_dim3A_364 : vector<16x1xi32> to vector<16xi32>
    %gather3A_366 = tpu.dynamic_gather %get3A_360[%gather3A_365] in [0] : vector<16xi32>, vector<16xi32> -> vector<16xi32>
    %broadcast_in_dim3A_367 = vector.shape_cast %and3A_9 : vector<16xi32> to vector<16x1xi32>
    %gather3A_368 = vector.shape_cast %broadcast_in_dim3A_367 : vector<16x1xi32> to vector<16xi32>
    %gather3A_369 = tpu.dynamic_gather %get3A_363[%gather3A_368] in [0] : vector<16xi32>, vector<16xi32> -> vector<16xi32>
    %select_n3A_370 = arith.select %lt3A_22, %gather3A_366, %gather3A_369 : vector<16xi1>, vector<16xi32>
    %broadcast_in_dim3A_371 = vector.shape_cast %add3A_12 : vector<16xi32> to vector<16x1xi32>
    %gather3A_372 = vector.shape_cast %broadcast_in_dim3A_371 : vector<16x1xi32> to vector<16xi32>
    %gather3A_373 = tpu.dynamic_gather %get3A_360[%gather3A_372] in [0] : vector<16xi32>, vector<16xi32> -> vector<16xi32>
    %broadcast_in_dim3A_374 = vector.shape_cast %add3A_12 : vector<16xi32> to vector<16x1xi32>
    %gather3A_375 = vector.shape_cast %broadcast_in_dim3A_374 : vector<16x1xi32> to vector<16xi32>
    %gather3A_376 = tpu.dynamic_gather %get3A_363[%gather3A_375] in [0] : vector<16xi32>, vector<16xi32> -> vector<16xi32>
    %select_n3A_377 = arith.select %lt3A_22, %gather3A_373, %gather3A_376 : vector<16xi1>, vector<16xi32>
    %add3A_378 = arith.constant 80 : i32
    %add3A_379 = arith.addi %mul3A_2, %add3A_378 : i32
    %add3A_380 = vector.broadcast %add3A_379 : i32 to vector<16xi32>
    %add3A_381 = arith.addi %add3A_380, %iota3A : vector<16xi32>
    %swap3A_382 = arith.constant 5 : i32
    %swap3A_383 = arith.index_cast %swap3A_382 : i32 to index
    %swap3A_384 = arith.constant 0 : index
    %swap3A_385 = tpu.vector_load %arg7[%swap3A_383, %swap3A_384] {strides = array<i32>} : memref<16x16xi32, #tpu.memory_space<vmem>>, vector<1x16xi32>,
    %swap3A_386 = vector.shape_cast %swap3A_385 : vector<1x16xi32> to vector<16xi32>
    %swap3A_387 = vector.shape_cast %add3A_381 : vector<16xi32> to vector<1x16xi32>
    tpu.vector_store %arg7[%swap3A_383, %swap3A_384], %swap3A_387 {strides = array<i32>} : memref<16x16xi32, #tpu.memory_space<vmem>>, vector<1x16xi32>,
    %eq3A_388 = arith.cmpi eq, %select_n3A_370, %select_n3A_377 : vector<16xi32>
    %mul3A_389 = arith.constant 8192 : i32
    %mul3A_390 = vector.broadcast %mul3A_389 : i32 to vector<16xi32>
    %mul3A_391 = arith.muli %select_n3A_370, %mul3A_390 : vector<16xi32>
    %add3A_392 = arith.addi %mul3A_391, %add3A_381 : vector<16xi32>
    %broadcast_in_dim3A_393 = vector.broadcast %mul3A_2 : i32 to vector<16xi32>
    %select_n3A_394 = arith.select %eq3A_388, %broadcast_in_dim3A_393, %add3A_392 : vector<16xi1>, vector<16xi32>
    %mul3A_395 = arith.constant 8192 : i32
    %mul3A_396 = vector.broadcast %mul3A_395 : i32 to vector<16xi32>
    %mul3A_397 = arith.muli %select_n3A_377, %mul3A_396 : vector<16xi32>
    %add3A_398 = arith.addi %mul3A_397, %add3A_381 : vector<16xi32>
    %broadcast_in_dim3A_399 = vector.shape_cast %shift_right_arithmetic3A_14 : vector<16xi32> to vector<16x1xi32>
    %gather3A_400 = vector.shape_cast %broadcast_in_dim3A_399 : vector<16x1xi32> to vector<16xi32>
    %gather3A_401 = tpu.dynamic_gather %select_n3A_394[%gather3A_400] in [0] : vector<16xi32>, vector<16xi32> -> vector<16xi32>
    %broadcast_in_dim3A_402 = vector.shape_cast %shift_right_arithmetic3A_14 : vector<16xi32> to vector<16x1xi32>
    %gather3A_403 = vector.shape_cast %broadcast_in_dim3A_402 : vector<16x1xi32> to vector<16xi32>
    %gather3A_404 = tpu.dynamic_gather %add3A_398[%gather3A_403] in [0] : vector<16xi32>, vector<16xi32> -> vector<16xi32>
    %select_n3A_405 = arith.select %eq3A_27, %gather3A_401, %gather3A_404 : vector<16xi1>, vector<16xi32>
    %swap3A_406 = arith.constant 5 : i32
    %swap3A_407 = arith.index_cast %swap3A_406 : i32 to index
    %swap3A_408 = arith.constant 0 : index
    %swap3A_409 = tpu.vector_load %arg8[%swap3A_407, %swap3A_408] {strides = array<i32>} : memref<16x32xi32, #tpu.memory_space<vmem>>, vector<1x16xi32>,
    %swap3A_410 = vector.shape_cast %swap3A_409 : vector<1x16xi32> to vector<16xi32>
    %swap3A_411 = vector.shape_cast %select_n3A_405 : vector<16xi32> to vector<1x16xi32>
    tpu.vector_store %arg8[%swap3A_407, %swap3A_408], %swap3A_411 {strides = array<i32>} : memref<16x32xi32, #tpu.memory_space<vmem>>, vector<1x16xi32>,
    %broadcast_in_dim3A_412 = vector.shape_cast %add3A_20 : vector<16xi32> to vector<16x1xi32>
    %gather3A_413 = vector.shape_cast %broadcast_in_dim3A_412 : vector<16x1xi32> to vector<16xi32>
    %gather3A_414 = tpu.dynamic_gather %select_n3A_394[%gather3A_413] in [0] : vector<16xi32>, vector<16xi32> -> vector<16xi32>
    %broadcast_in_dim3A_415 = vector.shape_cast %add3A_20 : vector<16xi32> to vector<16x1xi32>
    %gather3A_416 = vector.shape_cast %broadcast_in_dim3A_415 : vector<16x1xi32> to vector<16xi32>
    %gather3A_417 = tpu.dynamic_gather %add3A_398[%gather3A_416] in [0] : vector<16xi32>, vector<16xi32> -> vector<16xi32>
    %select_n3A_418 = arith.select %eq3A_27, %gather3A_414, %gather3A_417 : vector<16xi1>, vector<16xi32>
    %swap3A_419 = arith.constant 5 : i32
    %swap3A_420 = arith.index_cast %swap3A_419 : i32 to index
    %swap3A_421 = arith.constant 16 : index
    %swap3A_422 = tpu.vector_load %arg8[%swap3A_420, %swap3A_421] {strides = array<i32>} : memref<16x32xi32, #tpu.memory_space<vmem>>, vector<1x16xi32>,
    %swap3A_423 = vector.shape_cast %swap3A_422 : vector<1x16xi32> to vector<16xi32>
    %swap3A_424 = vector.shape_cast %select_n3A_418 : vector<16xi32> to vector<1x16xi32>
    tpu.vector_store %arg8[%swap3A_420, %swap3A_421], %swap3A_424 {strides = array<i32>} : memref<16x32xi32, #tpu.memory_space<vmem>>, vector<1x16xi32>,
    %get3A_425 = arith.constant 192 : index
    %get3A_426 = tpu.vector_load %arg6[%get3A_425] {strides = array<i32>} : memref<512xi32, #tpu.memory_space<vmem>>, vector<16xi32>,
    %get3A_427 = vector.shape_cast %get3A_426 : vector<16xi32> to vector<16xi32>
    %get3A_428 = arith.constant 208 : index
    %get3A_429 = tpu.vector_load %arg6[%get3A_428] {strides = array<i32>} : memref<512xi32, #tpu.memory_space<vmem>>, vector<16xi32>,
    %get3A_430 = vector.shape_cast %get3A_429 : vector<16xi32> to vector<16xi32>
    %broadcast_in_dim3A_431 = vector.shape_cast %and3A_9 : vector<16xi32> to vector<16x1xi32>
    %gather3A_432 = vector.shape_cast %broadcast_in_dim3A_431 : vector<16x1xi32> to vector<16xi32>
    %gather3A_433 = tpu.dynamic_gather %get3A_427[%gather3A_432] in [0] : vector<16xi32>, vector<16xi32> -> vector<16xi32>
    %broadcast_in_dim3A_434 = vector.shape_cast %and3A_9 : vector<16xi32> to vector<16x1xi32>
    %gather3A_435 = vector.shape_cast %broadcast_in_dim3A_434 : vector<16x1xi32> to vector<16xi32>
    %gather3A_436 = tpu.dynamic_gather %get3A_430[%gather3A_435] in [0] : vector<16xi32>, vector<16xi32> -> vector<16xi32>
    %select_n3A_437 = arith.select %lt3A_22, %gather3A_433, %gather3A_436 : vector<16xi1>, vector<16xi32>
    %broadcast_in_dim3A_438 = vector.shape_cast %add3A_12 : vector<16xi32> to vector<16x1xi32>
    %gather3A_439 = vector.shape_cast %broadcast_in_dim3A_438 : vector<16x1xi32> to vector<16xi32>
    %gather3A_440 = tpu.dynamic_gather %get3A_427[%gather3A_439] in [0] : vector<16xi32>, vector<16xi32> -> vector<16xi32>
    %broadcast_in_dim3A_441 = vector.shape_cast %add3A_12 : vector<16xi32> to vector<16x1xi32>
    %gather3A_442 = vector.shape_cast %broadcast_in_dim3A_441 : vector<16x1xi32> to vector<16xi32>
    %gather3A_443 = tpu.dynamic_gather %get3A_430[%gather3A_442] in [0] : vector<16xi32>, vector<16xi32> -> vector<16xi32>
    %select_n3A_444 = arith.select %lt3A_22, %gather3A_440, %gather3A_443 : vector<16xi1>, vector<16xi32>
    %add3A_445 = arith.constant 96 : i32
    %add3A_446 = arith.addi %mul3A_2, %add3A_445 : i32
    %add3A_447 = vector.broadcast %add3A_446 : i32 to vector<16xi32>
    %add3A_448 = arith.addi %add3A_447, %iota3A : vector<16xi32>
    %swap3A_449 = arith.constant 6 : i32
    %swap3A_450 = arith.index_cast %swap3A_449 : i32 to index
    %swap3A_451 = arith.constant 0 : index
    %swap3A_452 = tpu.vector_load %arg7[%swap3A_450, %swap3A_451] {strides = array<i32>} : memref<16x16xi32, #tpu.memory_space<vmem>>, vector<1x16xi32>,
    %swap3A_453 = vector.shape_cast %swap3A_452 : vector<1x16xi32> to vector<16xi32>
    %swap3A_454 = vector.shape_cast %add3A_448 : vector<16xi32> to vector<1x16xi32>
    tpu.vector_store %arg7[%swap3A_450, %swap3A_451], %swap3A_454 {strides = array<i32>} : memref<16x16xi32, #tpu.memory_space<vmem>>, vector<1x16xi32>,
    %eq3A_455 = arith.cmpi eq, %select_n3A_437, %select_n3A_444 : vector<16xi32>
    %mul3A_456 = arith.constant 8192 : i32
    %mul3A_457 = vector.broadcast %mul3A_456 : i32 to vector<16xi32>
    %mul3A_458 = arith.muli %select_n3A_437, %mul3A_457 : vector<16xi32>
    %add3A_459 = arith.addi %mul3A_458, %add3A_448 : vector<16xi32>
    %broadcast_in_dim3A_460 = vector.broadcast %mul3A_2 : i32 to vector<16xi32>
    %select_n3A_461 = arith.select %eq3A_455, %broadcast_in_dim3A_460, %add3A_459 : vector<16xi1>, vector<16xi32>
    %mul3A_462 = arith.constant 8192 : i32
    %mul3A_463 = vector.broadcast %mul3A_462 : i32 to vector<16xi32>
    %mul3A_464 = arith.muli %select_n3A_444, %mul3A_463 : vector<16xi32>
    %add3A_465 = arith.addi %mul3A_464, %add3A_448 : vector<16xi32>
    %broadcast_in_dim3A_466 = vector.shape_cast %shift_right_arithmetic3A_14 : vector<16xi32> to vector<16x1xi32>
    %gather3A_467 = vector.shape_cast %broadcast_in_dim3A_466 : vector<16x1xi32> to vector<16xi32>
    %gather3A_468 = tpu.dynamic_gather %select_n3A_461[%gather3A_467] in [0] : vector<16xi32>, vector<16xi32> -> vector<16xi32>
    %broadcast_in_dim3A_469 = vector.shape_cast %shift_right_arithmetic3A_14 : vector<16xi32> to vector<16x1xi32>
    %gather3A_470 = vector.shape_cast %broadcast_in_dim3A_469 : vector<16x1xi32> to vector<16xi32>
    %gather3A_471 = tpu.dynamic_gather %add3A_465[%gather3A_470] in [0] : vector<16xi32>, vector<16xi32> -> vector<16xi32>
    %select_n3A_472 = arith.select %eq3A_27, %gather3A_468, %gather3A_471 : vector<16xi1>, vector<16xi32>
    %swap3A_473 = arith.constant 6 : i32
    %swap3A_474 = arith.index_cast %swap3A_473 : i32 to index
    %swap3A_475 = arith.constant 0 : index
    %swap3A_476 = tpu.vector_load %arg8[%swap3A_474, %swap3A_475] {strides = array<i32>} : memref<16x32xi32, #tpu.memory_space<vmem>>, vector<1x16xi32>,
    %swap3A_477 = vector.shape_cast %swap3A_476 : vector<1x16xi32> to vector<16xi32>
    %swap3A_478 = vector.shape_cast %select_n3A_472 : vector<16xi32> to vector<1x16xi32>
    tpu.vector_store %arg8[%swap3A_474, %swap3A_475], %swap3A_478 {strides = array<i32>} : memref<16x32xi32, #tpu.memory_space<vmem>>, vector<1x16xi32>,
    %broadcast_in_dim3A_479 = vector.shape_cast %add3A_20 : vector<16xi32> to vector<16x1xi32>
    %gather3A_480 = vector.shape_cast %broadcast_in_dim3A_479 : vector<16x1xi32> to vector<16xi32>
    %gather3A_481 = tpu.dynamic_gather %select_n3A_461[%gather3A_480] in [0] : vector<16xi32>, vector<16xi32> -> vector<16xi32>
    %broadcast_in_dim3A_482 = vector.shape_cast %add3A_20 : vector<16xi32> to vector<16x1xi32>
    %gather3A_483 = vector.shape_cast %broadcast_in_dim3A_482 : vector<16x1xi32> to vector<16xi32>
    %gather3A_484 = tpu.dynamic_gather %add3A_465[%gather3A_483] in [0] : vector<16xi32>, vector<16xi32> -> vector<16xi32>
    %select_n3A_485 = arith.select %eq3A_27, %gather3A_481, %gather3A_484 : vector<16xi1>, vector<16xi32>
    %swap3A_486 = arith.constant 6 : i32
    %swap3A_487 = arith.index_cast %swap3A_486 : i32 to index
    %swap3A_488 = arith.constant 16 : index
    %swap3A_489 = tpu.vector_load %arg8[%swap3A_487, %swap3A_488] {strides = array<i32>} : memref<16x32xi32, #tpu.memory_space<vmem>>, vector<1x16xi32>,
    %swap3A_490 = vector.shape_cast %swap3A_489 : vector<1x16xi32> to vector<16xi32>
    %swap3A_491 = vector.shape_cast %select_n3A_485 : vector<16xi32> to vector<1x16xi32>
    tpu.vector_store %arg8[%swap3A_487, %swap3A_488], %swap3A_491 {strides = array<i32>} : memref<16x32xi32, #tpu.memory_space<vmem>>, vector<1x16xi32>,
    %get3A_492 = arith.constant 224 : index
    %get3A_493 = tpu.vector_load %arg6[%get3A_492] {strides = array<i32>} : memref<512xi32, #tpu.memory_space<vmem>>, vector<16xi32>,
    %get3A_494 = vector.shape_cast %get3A_493 : vector<16xi32> to vector<16xi32>
    %get3A_495 = arith.constant 240 : index
    %get3A_496 = tpu.vector_load %arg6[%get3A_495] {strides = array<i32>} : memref<512xi32, #tpu.memory_space<vmem>>, vector<16xi32>,
    %get3A_497 = vector.shape_cast %get3A_496 : vector<16xi32> to vector<16xi32>
    %broadcast_in_dim3A_498 = vector.shape_cast %and3A_9 : vector<16xi32> to vector<16x1xi32>
    %gather3A_499 = vector.shape_cast %broadcast_in_dim3A_498 : vector<16x1xi32> to vector<16xi32>
    %gather3A_500 = tpu.dynamic_gather %get3A_494[%gather3A_499] in [0] : vector<16xi32>, vector<16xi32> -> vector<16xi32>
    %broadcast_in_dim3A_501 = vector.shape_cast %and3A_9 : vector<16xi32> to vector<16x1xi32>
    %gather3A_502 = vector.shape_cast %broadcast_in_dim3A_501 : vector<16x1xi32> to vector<16xi32>
    %gather3A_503 = tpu.dynamic_gather %get3A_497[%gather3A_502] in [0] : vector<16xi32>, vector<16xi32> -> vector<16xi32>
    %select_n3A_504 = arith.select %lt3A_22, %gather3A_500, %gather3A_503 : vector<16xi1>, vector<16xi32>
    %broadcast_in_dim3A_505 = vector.shape_cast %add3A_12 : vector<16xi32> to vector<16x1xi32>
    %gather3A_506 = vector.shape_cast %broadcast_in_dim3A_505 : vector<16x1xi32> to vector<16xi32>
    %gather3A_507 = tpu.dynamic_gather %get3A_494[%gather3A_506] in [0] : vector<16xi32>, vector<16xi32> -> vector<16xi32>
    %broadcast_in_dim3A_508 = vector.shape_cast %add3A_12 : vector<16xi32> to vector<16x1xi32>
    %gather3A_509 = vector.shape_cast %broadcast_in_dim3A_508 : vector<16x1xi32> to vector<16xi32>
    %gather3A_510 = tpu.dynamic_gather %get3A_497[%gather3A_509] in [0] : vector<16xi32>, vector<16xi32> -> vector<16xi32>
    %select_n3A_511 = arith.select %lt3A_22, %gather3A_507, %gather3A_510 : vector<16xi1>, vector<16xi32>
    %add3A_512 = arith.constant 112 : i32
    %add3A_513 = arith.addi %mul3A_2, %add3A_512 : i32
    %add3A_514 = vector.broadcast %add3A_513 : i32 to vector<16xi32>
    %add3A_515 = arith.addi %add3A_514, %iota3A : vector<16xi32>
    %swap3A_516 = arith.constant 7 : i32
    %swap3A_517 = arith.index_cast %swap3A_516 : i32 to index
    %swap3A_518 = arith.constant 0 : index
    %swap3A_519 = tpu.vector_load %arg7[%swap3A_517, %swap3A_518] {strides = array<i32>} : memref<16x16xi32, #tpu.memory_space<vmem>>, vector<1x16xi32>,
    %swap3A_520 = vector.shape_cast %swap3A_519 : vector<1x16xi32> to vector<16xi32>
    %swap3A_521 = vector.shape_cast %add3A_515 : vector<16xi32> to vector<1x16xi32>
    tpu.vector_store %arg7[%swap3A_517, %swap3A_518], %swap3A_521 {strides = array<i32>} : memref<16x16xi32, #tpu.memory_space<vmem>>, vector<1x16xi32>,
    %eq3A_522 = arith.cmpi eq, %select_n3A_504, %select_n3A_511 : vector<16xi32>
    %mul3A_523 = arith.constant 8192 : i32
    %mul3A_524 = vector.broadcast %mul3A_523 : i32 to vector<16xi32>
    %mul3A_525 = arith.muli %select_n3A_504, %mul3A_524 : vector<16xi32>
    %add3A_526 = arith.addi %mul3A_525, %add3A_515 : vector<16xi32>
    %broadcast_in_dim3A_527 = vector.broadcast %mul3A_2 : i32 to vector<16xi32>
    %select_n3A_528 = arith.select %eq3A_522, %broadcast_in_dim3A_527, %add3A_526 : vector<16xi1>, vector<16xi32>
    %mul3A_529 = arith.constant 8192 : i32
    %mul3A_530 = vector.broadcast %mul3A_529 : i32 to vector<16xi32>
    %mul3A_531 = arith.muli %select_n3A_511, %mul3A_530 : vector<16xi32>
    %add3A_532 = arith.addi %mul3A_531, %add3A_515 : vector<16xi32>
    %broadcast_in_dim3A_533 = vector.shape_cast %shift_right_arithmetic3A_14 : vector<16xi32> to vector<16x1xi32>
    %gather3A_534 = vector.shape_cast %broadcast_in_dim3A_533 : vector<16x1xi32> to vector<16xi32>
    %gather3A_535 = tpu.dynamic_gather %select_n3A_528[%gather3A_534] in [0] : vector<16xi32>, vector<16xi32> -> vector<16xi32>
    %broadcast_in_dim3A_536 = vector.shape_cast %shift_right_arithmetic3A_14 : vector<16xi32> to vector<16x1xi32>
    %gather3A_537 = vector.shape_cast %broadcast_in_dim3A_536 : vector<16x1xi32> to vector<16xi32>
    %gather3A_538 = tpu.dynamic_gather %add3A_532[%gather3A_537] in [0] : vector<16xi32>, vector<16xi32> -> vector<16xi32>
    %select_n3A_539 = arith.select %eq3A_27, %gather3A_535, %gather3A_538 : vector<16xi1>, vector<16xi32>
    %swap3A_540 = arith.constant 7 : i32
    %swap3A_541 = arith.index_cast %swap3A_540 : i32 to index
    %swap3A_542 = arith.constant 0 : index
    %swap3A_543 = tpu.vector_load %arg8[%swap3A_541, %swap3A_542] {strides = array<i32>} : memref<16x32xi32, #tpu.memory_space<vmem>>, vector<1x16xi32>,
    %swap3A_544 = vector.shape_cast %swap3A_543 : vector<1x16xi32> to vector<16xi32>
    %swap3A_545 = vector.shape_cast %select_n3A_539 : vector<16xi32> to vector<1x16xi32>
    tpu.vector_store %arg8[%swap3A_541, %swap3A_542], %swap3A_545 {strides = array<i32>} : memref<16x32xi32, #tpu.memory_space<vmem>>, vector<1x16xi32>,
    %broadcast_in_dim3A_546 = vector.shape_cast %add3A_20 : vector<16xi32> to vector<16x1xi32>
    %gather3A_547 = vector.shape_cast %broadcast_in_dim3A_546 : vector<16x1xi32> to vector<16xi32>
    %gather3A_548 = tpu.dynamic_gather %select_n3A_528[%gather3A_547] in [0] : vector<16xi32>, vector<16xi32> -> vector<16xi32>
    %broadcast_in_dim3A_549 = vector.shape_cast %add3A_20 : vector<16xi32> to vector<16x1xi32>
    %gather3A_550 = vector.shape_cast %broadcast_in_dim3A_549 : vector<16x1xi32> to vector<16xi32>
    %gather3A_551 = tpu.dynamic_gather %add3A_532[%gather3A_550] in [0] : vector<16xi32>, vector<16xi32> -> vector<16xi32>
    %select_n3A_552 = arith.select %eq3A_27, %gather3A_548, %gather3A_551 : vector<16xi1>, vector<16xi32>
    %swap3A_553 = arith.constant 7 : i32
    %swap3A_554 = arith.index_cast %swap3A_553 : i32 to index
    %swap3A_555 = arith.constant 16 : index
    %swap3A_556 = tpu.vector_load %arg8[%swap3A_554, %swap3A_555] {strides = array<i32>} : memref<16x32xi32, #tpu.memory_space<vmem>>, vector<1x16xi32>,
    %swap3A_557 = vector.shape_cast %swap3A_556 : vector<1x16xi32> to vector<16xi32>
    %swap3A_558 = vector.shape_cast %select_n3A_552 : vector<16xi32> to vector<1x16xi32>
    tpu.vector_store %arg8[%swap3A_554, %swap3A_555], %swap3A_558 {strides = array<i32>} : memref<16x32xi32, #tpu.memory_space<vmem>>, vector<1x16xi32>,
    %get3A_559 = arith.constant 256 : index
    %get3A_560 = tpu.vector_load %arg6[%get3A_559] {strides = array<i32>} : memref<512xi32, #tpu.memory_space<vmem>>, vector<16xi32>,
    %get3A_561 = vector.shape_cast %get3A_560 : vector<16xi32> to vector<16xi32>
    %get3A_562 = arith.constant 272 : index
    %get3A_563 = tpu.vector_load %arg6[%get3A_562] {strides = array<i32>} : memref<512xi32, #tpu.memory_space<vmem>>, vector<16xi32>,
    %get3A_564 = vector.shape_cast %get3A_563 : vector<16xi32> to vector<16xi32>
    %broadcast_in_dim3A_565 = vector.shape_cast %and3A_9 : vector<16xi32> to vector<16x1xi32>
    %gather3A_566 = vector.shape_cast %broadcast_in_dim3A_565 : vector<16x1xi32> to vector<16xi32>
    %gather3A_567 = tpu.dynamic_gather %get3A_561[%gather3A_566] in [0] : vector<16xi32>, vector<16xi32> -> vector<16xi32>
    %broadcast_in_dim3A_568 = vector.shape_cast %and3A_9 : vector<16xi32> to vector<16x1xi32>
    %gather3A_569 = vector.shape_cast %broadcast_in_dim3A_568 : vector<16x1xi32> to vector<16xi32>
    %gather3A_570 = tpu.dynamic_gather %get3A_564[%gather3A_569] in [0] : vector<16xi32>, vector<16xi32> -> vector<16xi32>
    %select_n3A_571 = arith.select %lt3A_22, %gather3A_567, %gather3A_570 : vector<16xi1>, vector<16xi32>
    %broadcast_in_dim3A_572 = vector.shape_cast %add3A_12 : vector<16xi32> to vector<16x1xi32>
    %gather3A_573 = vector.shape_cast %broadcast_in_dim3A_572 : vector<16x1xi32> to vector<16xi32>
    %gather3A_574 = tpu.dynamic_gather %get3A_561[%gather3A_573] in [0] : vector<16xi32>, vector<16xi32> -> vector<16xi32>
    %broadcast_in_dim3A_575 = vector.shape_cast %add3A_12 : vector<16xi32> to vector<16x1xi32>
    %gather3A_576 = vector.shape_cast %broadcast_in_dim3A_575 : vector<16x1xi32> to vector<16xi32>
    %gather3A_577 = tpu.dynamic_gather %get3A_564[%gather3A_576] in [0] : vector<16xi32>, vector<16xi32> -> vector<16xi32>
    %select_n3A_578 = arith.select %lt3A_22, %gather3A_574, %gather3A_577 : vector<16xi1>, vector<16xi32>
    %add3A_579 = arith.constant 128 : i32
    %add3A_580 = arith.addi %mul3A_2, %add3A_579 : i32
    %add3A_581 = vector.broadcast %add3A_580 : i32 to vector<16xi32>
    %add3A_582 = arith.addi %add3A_581, %iota3A : vector<16xi32>
    %swap3A_583 = arith.constant 8 : i32
    %swap3A_584 = arith.index_cast %swap3A_583 : i32 to index
    %swap3A_585 = arith.constant 0 : index
    %swap3A_586 = tpu.vector_load %arg7[%swap3A_584, %swap3A_585] {strides = array<i32>} : memref<16x16xi32, #tpu.memory_space<vmem>>, vector<1x16xi32>,
    %swap3A_587 = vector.shape_cast %swap3A_586 : vector<1x16xi32> to vector<16xi32>
    %swap3A_588 = vector.shape_cast %add3A_582 : vector<16xi32> to vector<1x16xi32>
    tpu.vector_store %arg7[%swap3A_584, %swap3A_585], %swap3A_588 {strides = array<i32>} : memref<16x16xi32, #tpu.memory_space<vmem>>, vector<1x16xi32>,
    %eq3A_589 = arith.cmpi eq, %select_n3A_571, %select_n3A_578 : vector<16xi32>
    %mul3A_590 = arith.constant 8192 : i32
    %mul3A_591 = vector.broadcast %mul3A_590 : i32 to vector<16xi32>
    %mul3A_592 = arith.muli %select_n3A_571, %mul3A_591 : vector<16xi32>
    %add3A_593 = arith.addi %mul3A_592, %add3A_582 : vector<16xi32>
    %broadcast_in_dim3A_594 = vector.broadcast %mul3A_2 : i32 to vector<16xi32>
    %select_n3A_595 = arith.select %eq3A_589, %broadcast_in_dim3A_594, %add3A_593 : vector<16xi1>, vector<16xi32>
    %mul3A_596 = arith.constant 8192 : i32
    %mul3A_597 = vector.broadcast %mul3A_596 : i32 to vector<16xi32>
    %mul3A_598 = arith.muli %select_n3A_578, %mul3A_597 : vector<16xi32>
    %add3A_599 = arith.addi %mul3A_598, %add3A_582 : vector<16xi32>
    %broadcast_in_dim3A_600 = vector.shape_cast %shift_right_arithmetic3A_14 : vector<16xi32> to vector<16x1xi32>
    %gather3A_601 = vector.shape_cast %broadcast_in_dim3A_600 : vector<16x1xi32> to vector<16xi32>
    %gather3A_602 = tpu.dynamic_gather %select_n3A_595[%gather3A_601] in [0] : vector<16xi32>, vector<16xi32> -> vector<16xi32>
    %broadcast_in_dim3A_603 = vector.shape_cast %shift_right_arithmetic3A_14 : vector<16xi32> to vector<16x1xi32>
    %gather3A_604 = vector.shape_cast %broadcast_in_dim3A_603 : vector<16x1xi32> to vector<16xi32>
    %gather3A_605 = tpu.dynamic_gather %add3A_599[%gather3A_604] in [0] : vector<16xi32>, vector<16xi32> -> vector<16xi32>
    %select_n3A_606 = arith.select %eq3A_27, %gather3A_602, %gather3A_605 : vector<16xi1>, vector<16xi32>
    %swap3A_607 = arith.constant 8 : i32
    %swap3A_608 = arith.index_cast %swap3A_607 : i32 to index
    %swap3A_609 = arith.constant 0 : index
    %swap3A_610 = tpu.vector_load %arg8[%swap3A_608, %swap3A_609] {strides = array<i32>} : memref<16x32xi32, #tpu.memory_space<vmem>>, vector<1x16xi32>,
    %swap3A_611 = vector.shape_cast %swap3A_610 : vector<1x16xi32> to vector<16xi32>
    %swap3A_612 = vector.shape_cast %select_n3A_606 : vector<16xi32> to vector<1x16xi32>
    tpu.vector_store %arg8[%swap3A_608, %swap3A_609], %swap3A_612 {strides = array<i32>} : memref<16x32xi32, #tpu.memory_space<vmem>>, vector<1x16xi32>,
    %broadcast_in_dim3A_613 = vector.shape_cast %add3A_20 : vector<16xi32> to vector<16x1xi32>
    %gather3A_614 = vector.shape_cast %broadcast_in_dim3A_613 : vector<16x1xi32> to vector<16xi32>
    %gather3A_615 = tpu.dynamic_gather %select_n3A_595[%gather3A_614] in [0] : vector<16xi32>, vector<16xi32> -> vector<16xi32>
    %broadcast_in_dim3A_616 = vector.shape_cast %add3A_20 : vector<16xi32> to vector<16x1xi32>
    %gather3A_617 = vector.shape_cast %broadcast_in_dim3A_616 : vector<16x1xi32> to vector<16xi32>
    %gather3A_618 = tpu.dynamic_gather %add3A_599[%gather3A_617] in [0] : vector<16xi32>, vector<16xi32> -> vector<16xi32>
    %select_n3A_619 = arith.select %eq3A_27, %gather3A_615, %gather3A_618 : vector<16xi1>, vector<16xi32>
    %swap3A_620 = arith.constant 8 : i32
    %swap3A_621 = arith.index_cast %swap3A_620 : i32 to index
    %swap3A_622 = arith.constant 16 : index
    %swap3A_623 = tpu.vector_load %arg8[%swap3A_621, %swap3A_622] {strides = array<i32>} : memref<16x32xi32, #tpu.memory_space<vmem>>, vector<1x16xi32>,
    %swap3A_624 = vector.shape_cast %swap3A_623 : vector<1x16xi32> to vector<16xi32>
    %swap3A_625 = vector.shape_cast %select_n3A_619 : vector<16xi32> to vector<1x16xi32>
    tpu.vector_store %arg8[%swap3A_621, %swap3A_622], %swap3A_625 {strides = array<i32>} : memref<16x32xi32, #tpu.memory_space<vmem>>, vector<1x16xi32>,
    %get3A_626 = arith.constant 288 : index
    %get3A_627 = tpu.vector_load %arg6[%get3A_626] {strides = array<i32>} : memref<512xi32, #tpu.memory_space<vmem>>, vector<16xi32>,
    %get3A_628 = vector.shape_cast %get3A_627 : vector<16xi32> to vector<16xi32>
    %get3A_629 = arith.constant 304 : index
    %get3A_630 = tpu.vector_load %arg6[%get3A_629] {strides = array<i32>} : memref<512xi32, #tpu.memory_space<vmem>>, vector<16xi32>,
    %get3A_631 = vector.shape_cast %get3A_630 : vector<16xi32> to vector<16xi32>
    %broadcast_in_dim3A_632 = vector.shape_cast %and3A_9 : vector<16xi32> to vector<16x1xi32>
    %gather3A_633 = vector.shape_cast %broadcast_in_dim3A_632 : vector<16x1xi32> to vector<16xi32>
    %gather3A_634 = tpu.dynamic_gather %get3A_628[%gather3A_633] in [0] : vector<16xi32>, vector<16xi32> -> vector<16xi32>
    %broadcast_in_dim3A_635 = vector.shape_cast %and3A_9 : vector<16xi32> to vector<16x1xi32>
    %gather3A_636 = vector.shape_cast %broadcast_in_dim3A_635 : vector<16x1xi32> to vector<16xi32>
    %gather3A_637 = tpu.dynamic_gather %get3A_631[%gather3A_636] in [0] : vector<16xi32>, vector<16xi32> -> vector<16xi32>
    %select_n3A_638 = arith.select %lt3A_22, %gather3A_634, %gather3A_637 : vector<16xi1>, vector<16xi32>
    %broadcast_in_dim3A_639 = vector.shape_cast %add3A_12 : vector<16xi32> to vector<16x1xi32>
    %gather3A_640 = vector.shape_cast %broadcast_in_dim3A_639 : vector<16x1xi32> to vector<16xi32>
    %gather3A_641 = tpu.dynamic_gather %get3A_628[%gather3A_640] in [0] : vector<16xi32>, vector<16xi32> -> vector<16xi32>
    %broadcast_in_dim3A_642 = vector.shape_cast %add3A_12 : vector<16xi32> to vector<16x1xi32>
    %gather3A_643 = vector.shape_cast %broadcast_in_dim3A_642 : vector<16x1xi32> to vector<16xi32>
    %gather3A_644 = tpu.dynamic_gather %get3A_631[%gather3A_643] in [0] : vector<16xi32>, vector<16xi32> -> vector<16xi32>
    %select_n3A_645 = arith.select %lt3A_22, %gather3A_641, %gather3A_644 : vector<16xi1>, vector<16xi32>
    %add3A_646 = arith.constant 144 : i32
    %add3A_647 = arith.addi %mul3A_2, %add3A_646 : i32
    %add3A_648 = vector.broadcast %add3A_647 : i32 to vector<16xi32>
    %add3A_649 = arith.addi %add3A_648, %iota3A : vector<16xi32>
    %swap3A_650 = arith.constant 9 : i32
    %swap3A_651 = arith.index_cast %swap3A_650 : i32 to index
    %swap3A_652 = arith.constant 0 : index
    %swap3A_653 = tpu.vector_load %arg7[%swap3A_651, %swap3A_652] {strides = array<i32>} : memref<16x16xi32, #tpu.memory_space<vmem>>, vector<1x16xi32>,
    %swap3A_654 = vector.shape_cast %swap3A_653 : vector<1x16xi32> to vector<16xi32>
    %swap3A_655 = vector.shape_cast %add3A_649 : vector<16xi32> to vector<1x16xi32>
    tpu.vector_store %arg7[%swap3A_651, %swap3A_652], %swap3A_655 {strides = array<i32>} : memref<16x16xi32, #tpu.memory_space<vmem>>, vector<1x16xi32>,
    %eq3A_656 = arith.cmpi eq, %select_n3A_638, %select_n3A_645 : vector<16xi32>
    %mul3A_657 = arith.constant 8192 : i32
    %mul3A_658 = vector.broadcast %mul3A_657 : i32 to vector<16xi32>
    %mul3A_659 = arith.muli %select_n3A_638, %mul3A_658 : vector<16xi32>
    %add3A_660 = arith.addi %mul3A_659, %add3A_649 : vector<16xi32>
    %broadcast_in_dim3A_661 = vector.broadcast %mul3A_2 : i32 to vector<16xi32>
    %select_n3A_662 = arith.select %eq3A_656, %broadcast_in_dim3A_661, %add3A_660 : vector<16xi1>, vector<16xi32>
    %mul3A_663 = arith.constant 8192 : i32
    %mul3A_664 = vector.broadcast %mul3A_663 : i32 to vector<16xi32>
    %mul3A_665 = arith.muli %select_n3A_645, %mul3A_664 : vector<16xi32>
    %add3A_666 = arith.addi %mul3A_665, %add3A_649 : vector<16xi32>
    %broadcast_in_dim3A_667 = vector.shape_cast %shift_right_arithmetic3A_14 : vector<16xi32> to vector<16x1xi32>
    %gather3A_668 = vector.shape_cast %broadcast_in_dim3A_667 : vector<16x1xi32> to vector<16xi32>
    %gather3A_669 = tpu.dynamic_gather %select_n3A_662[%gather3A_668] in [0] : vector<16xi32>, vector<16xi32> -> vector<16xi32>
    %broadcast_in_dim3A_670 = vector.shape_cast %shift_right_arithmetic3A_14 : vector<16xi32> to vector<16x1xi32>
    %gather3A_671 = vector.shape_cast %broadcast_in_dim3A_670 : vector<16x1xi32> to vector<16xi32>
    %gather3A_672 = tpu.dynamic_gather %add3A_666[%gather3A_671] in [0] : vector<16xi32>, vector<16xi32> -> vector<16xi32>
    %select_n3A_673 = arith.select %eq3A_27, %gather3A_669, %gather3A_672 : vector<16xi1>, vector<16xi32>
    %swap3A_674 = arith.constant 9 : i32
    %swap3A_675 = arith.index_cast %swap3A_674 : i32 to index
    %swap3A_676 = arith.constant 0 : index
    %swap3A_677 = tpu.vector_load %arg8[%swap3A_675, %swap3A_676] {strides = array<i32>} : memref<16x32xi32, #tpu.memory_space<vmem>>, vector<1x16xi32>,
    %swap3A_678 = vector.shape_cast %swap3A_677 : vector<1x16xi32> to vector<16xi32>
    %swap3A_679 = vector.shape_cast %select_n3A_673 : vector<16xi32> to vector<1x16xi32>
    tpu.vector_store %arg8[%swap3A_675, %swap3A_676], %swap3A_679 {strides = array<i32>} : memref<16x32xi32, #tpu.memory_space<vmem>>, vector<1x16xi32>,
    %broadcast_in_dim3A_680 = vector.shape_cast %add3A_20 : vector<16xi32> to vector<16x1xi32>
    %gather3A_681 = vector.shape_cast %broadcast_in_dim3A_680 : vector<16x1xi32> to vector<16xi32>
    %gather3A_682 = tpu.dynamic_gather %select_n3A_662[%gather3A_681] in [0] : vector<16xi32>, vector<16xi32> -> vector<16xi32>
    %broadcast_in_dim3A_683 = vector.shape_cast %add3A_20 : vector<16xi32> to vector<16x1xi32>
    %gather3A_684 = vector.shape_cast %broadcast_in_dim3A_683 : vector<16x1xi32> to vector<16xi32>
    %gather3A_685 = tpu.dynamic_gather %add3A_666[%gather3A_684] in [0] : vector<16xi32>, vector<16xi32> -> vector<16xi32>
    %select_n3A_686 = arith.select %eq3A_27, %gather3A_682, %gather3A_685 : vector<16xi1>, vector<16xi32>
    %swap3A_687 = arith.constant 9 : i32
    %swap3A_688 = arith.index_cast %swap3A_687 : i32 to index
    %swap3A_689 = arith.constant 16 : index
    %swap3A_690 = tpu.vector_load %arg8[%swap3A_688, %swap3A_689] {strides = array<i32>} : memref<16x32xi32, #tpu.memory_space<vmem>>, vector<1x16xi32>,
    %swap3A_691 = vector.shape_cast %swap3A_690 : vector<1x16xi32> to vector<16xi32>
    %swap3A_692 = vector.shape_cast %select_n3A_686 : vector<16xi32> to vector<1x16xi32>
    tpu.vector_store %arg8[%swap3A_688, %swap3A_689], %swap3A_692 {strides = array<i32>} : memref<16x32xi32, #tpu.memory_space<vmem>>, vector<1x16xi32>,
    %get3A_693 = arith.constant 320 : index
    %get3A_694 = tpu.vector_load %arg6[%get3A_693] {strides = array<i32>} : memref<512xi32, #tpu.memory_space<vmem>>, vector<16xi32>,
    %get3A_695 = vector.shape_cast %get3A_694 : vector<16xi32> to vector<16xi32>
    %get3A_696 = arith.constant 336 : index
    %get3A_697 = tpu.vector_load %arg6[%get3A_696] {strides = array<i32>} : memref<512xi32, #tpu.memory_space<vmem>>, vector<16xi32>,
    %get3A_698 = vector.shape_cast %get3A_697 : vector<16xi32> to vector<16xi32>
    %broadcast_in_dim3A_699 = vector.shape_cast %and3A_9 : vector<16xi32> to vector<16x1xi32>
    %gather3A_700 = vector.shape_cast %broadcast_in_dim3A_699 : vector<16x1xi32> to vector<16xi32>
    %gather3A_701 = tpu.dynamic_gather %get3A_695[%gather3A_700] in [0] : vector<16xi32>, vector<16xi32> -> vector<16xi32>
    %broadcast_in_dim3A_702 = vector.shape_cast %and3A_9 : vector<16xi32> to vector<16x1xi32>
    %gather3A_703 = vector.shape_cast %broadcast_in_dim3A_702 : vector<16x1xi32> to vector<16xi32>
    %gather3A_704 = tpu.dynamic_gather %get3A_698[%gather3A_703] in [0] : vector<16xi32>, vector<16xi32> -> vector<16xi32>
    %select_n3A_705 = arith.select %lt3A_22, %gather3A_701, %gather3A_704 : vector<16xi1>, vector<16xi32>
    %broadcast_in_dim3A_706 = vector.shape_cast %add3A_12 : vector<16xi32> to vector<16x1xi32>
    %gather3A_707 = vector.shape_cast %broadcast_in_dim3A_706 : vector<16x1xi32> to vector<16xi32>
    %gather3A_708 = tpu.dynamic_gather %get3A_695[%gather3A_707] in [0] : vector<16xi32>, vector<16xi32> -> vector<16xi32>
    %broadcast_in_dim3A_709 = vector.shape_cast %add3A_12 : vector<16xi32> to vector<16x1xi32>
    %gather3A_710 = vector.shape_cast %broadcast_in_dim3A_709 : vector<16x1xi32> to vector<16xi32>
    %gather3A_711 = tpu.dynamic_gather %get3A_698[%gather3A_710] in [0] : vector<16xi32>, vector<16xi32> -> vector<16xi32>
    %select_n3A_712 = arith.select %lt3A_22, %gather3A_708, %gather3A_711 : vector<16xi1>, vector<16xi32>
    %add3A_713 = arith.constant 160 : i32
    %add3A_714 = arith.addi %mul3A_2, %add3A_713 : i32
    %add3A_715 = vector.broadcast %add3A_714 : i32 to vector<16xi32>
    %add3A_716 = arith.addi %add3A_715, %iota3A : vector<16xi32>
    %swap3A_717 = arith.constant 10 : i32
    %swap3A_718 = arith.index_cast %swap3A_717 : i32 to index
    %swap3A_719 = arith.constant 0 : index
    %swap3A_720 = tpu.vector_load %arg7[%swap3A_718, %swap3A_719] {strides = array<i32>} : memref<16x16xi32, #tpu.memory_space<vmem>>, vector<1x16xi32>,
    %swap3A_721 = vector.shape_cast %swap3A_720 : vector<1x16xi32> to vector<16xi32>
    %swap3A_722 = vector.shape_cast %add3A_716 : vector<16xi32> to vector<1x16xi32>
    tpu.vector_store %arg7[%swap3A_718, %swap3A_719], %swap3A_722 {strides = array<i32>} : memref<16x16xi32, #tpu.memory_space<vmem>>, vector<1x16xi32>,
    %eq3A_723 = arith.cmpi eq, %select_n3A_705, %select_n3A_712 : vector<16xi32>
    %mul3A_724 = arith.constant 8192 : i32
    %mul3A_725 = vector.broadcast %mul3A_724 : i32 to vector<16xi32>
    %mul3A_726 = arith.muli %select_n3A_705, %mul3A_725 : vector<16xi32>
    %add3A_727 = arith.addi %mul3A_726, %add3A_716 : vector<16xi32>
    %broadcast_in_dim3A_728 = vector.broadcast %mul3A_2 : i32 to vector<16xi32>
    %select_n3A_729 = arith.select %eq3A_723, %broadcast_in_dim3A_728, %add3A_727 : vector<16xi1>, vector<16xi32>
    %mul3A_730 = arith.constant 8192 : i32
    %mul3A_731 = vector.broadcast %mul3A_730 : i32 to vector<16xi32>
    %mul3A_732 = arith.muli %select_n3A_712, %mul3A_731 : vector<16xi32>
    %add3A_733 = arith.addi %mul3A_732, %add3A_716 : vector<16xi32>
    %broadcast_in_dim3A_734 = vector.shape_cast %shift_right_arithmetic3A_14 : vector<16xi32> to vector<16x1xi32>
    %gather3A_735 = vector.shape_cast %broadcast_in_dim3A_734 : vector<16x1xi32> to vector<16xi32>
    %gather3A_736 = tpu.dynamic_gather %select_n3A_729[%gather3A_735] in [0] : vector<16xi32>, vector<16xi32> -> vector<16xi32>
    %broadcast_in_dim3A_737 = vector.shape_cast %shift_right_arithmetic3A_14 : vector<16xi32> to vector<16x1xi32>
    %gather3A_738 = vector.shape_cast %broadcast_in_dim3A_737 : vector<16x1xi32> to vector<16xi32>
    %gather3A_739 = tpu.dynamic_gather %add3A_733[%gather3A_738] in [0] : vector<16xi32>, vector<16xi32> -> vector<16xi32>
    %select_n3A_740 = arith.select %eq3A_27, %gather3A_736, %gather3A_739 : vector<16xi1>, vector<16xi32>
    %swap3A_741 = arith.constant 10 : i32
    %swap3A_742 = arith.index_cast %swap3A_741 : i32 to index
    %swap3A_743 = arith.constant 0 : index
    %swap3A_744 = tpu.vector_load %arg8[%swap3A_742, %swap3A_743] {strides = array<i32>} : memref<16x32xi32, #tpu.memory_space<vmem>>, vector<1x16xi32>,
    %swap3A_745 = vector.shape_cast %swap3A_744 : vector<1x16xi32> to vector<16xi32>
    %swap3A_746 = vector.shape_cast %select_n3A_740 : vector<16xi32> to vector<1x16xi32>
    tpu.vector_store %arg8[%swap3A_742, %swap3A_743], %swap3A_746 {strides = array<i32>} : memref<16x32xi32, #tpu.memory_space<vmem>>, vector<1x16xi32>,
    %broadcast_in_dim3A_747 = vector.shape_cast %add3A_20 : vector<16xi32> to vector<16x1xi32>
    %gather3A_748 = vector.shape_cast %broadcast_in_dim3A_747 : vector<16x1xi32> to vector<16xi32>
    %gather3A_749 = tpu.dynamic_gather %select_n3A_729[%gather3A_748] in [0] : vector<16xi32>, vector<16xi32> -> vector<16xi32>
    %broadcast_in_dim3A_750 = vector.shape_cast %add3A_20 : vector<16xi32> to vector<16x1xi32>
    %gather3A_751 = vector.shape_cast %broadcast_in_dim3A_750 : vector<16x1xi32> to vector<16xi32>
    %gather3A_752 = tpu.dynamic_gather %add3A_733[%gather3A_751] in [0] : vector<16xi32>, vector<16xi32> -> vector<16xi32>
    %select_n3A_753 = arith.select %eq3A_27, %gather3A_749, %gather3A_752 : vector<16xi1>, vector<16xi32>
    %swap3A_754 = arith.constant 10 : i32
    %swap3A_755 = arith.index_cast %swap3A_754 : i32 to index
    %swap3A_756 = arith.constant 16 : index
    %swap3A_757 = tpu.vector_load %arg8[%swap3A_755, %swap3A_756] {strides = array<i32>} : memref<16x32xi32, #tpu.memory_space<vmem>>, vector<1x16xi32>,
    %swap3A_758 = vector.shape_cast %swap3A_757 : vector<1x16xi32> to vector<16xi32>
    %swap3A_759 = vector.shape_cast %select_n3A_753 : vector<16xi32> to vector<1x16xi32>
    tpu.vector_store %arg8[%swap3A_755, %swap3A_756], %swap3A_759 {strides = array<i32>} : memref<16x32xi32, #tpu.memory_space<vmem>>, vector<1x16xi32>,
    %get3A_760 = arith.constant 352 : index
    %get3A_761 = tpu.vector_load %arg6[%get3A_760] {strides = array<i32>} : memref<512xi32, #tpu.memory_space<vmem>>, vector<16xi32>,
    %get3A_762 = vector.shape_cast %get3A_761 : vector<16xi32> to vector<16xi32>
    %get3A_763 = arith.constant 368 : index
    %get3A_764 = tpu.vector_load %arg6[%get3A_763] {strides = array<i32>} : memref<512xi32, #tpu.memory_space<vmem>>, vector<16xi32>,
    %get3A_765 = vector.shape_cast %get3A_764 : vector<16xi32> to vector<16xi32>
    %broadcast_in_dim3A_766 = vector.shape_cast %and3A_9 : vector<16xi32> to vector<16x1xi32>
    %gather3A_767 = vector.shape_cast %broadcast_in_dim3A_766 : vector<16x1xi32> to vector<16xi32>
    %gather3A_768 = tpu.dynamic_gather %get3A_762[%gather3A_767] in [0] : vector<16xi32>, vector<16xi32> -> vector<16xi32>
    %broadcast_in_dim3A_769 = vector.shape_cast %and3A_9 : vector<16xi32> to vector<16x1xi32>
    %gather3A_770 = vector.shape_cast %broadcast_in_dim3A_769 : vector<16x1xi32> to vector<16xi32>
    %gather3A_771 = tpu.dynamic_gather %get3A_765[%gather3A_770] in [0] : vector<16xi32>, vector<16xi32> -> vector<16xi32>
    %select_n3A_772 = arith.select %lt3A_22, %gather3A_768, %gather3A_771 : vector<16xi1>, vector<16xi32>
    %broadcast_in_dim3A_773 = vector.shape_cast %add3A_12 : vector<16xi32> to vector<16x1xi32>
    %gather3A_774 = vector.shape_cast %broadcast_in_dim3A_773 : vector<16x1xi32> to vector<16xi32>
    %gather3A_775 = tpu.dynamic_gather %get3A_762[%gather3A_774] in [0] : vector<16xi32>, vector<16xi32> -> vector<16xi32>
    %broadcast_in_dim3A_776 = vector.shape_cast %add3A_12 : vector<16xi32> to vector<16x1xi32>
    %gather3A_777 = vector.shape_cast %broadcast_in_dim3A_776 : vector<16x1xi32> to vector<16xi32>
    %gather3A_778 = tpu.dynamic_gather %get3A_765[%gather3A_777] in [0] : vector<16xi32>, vector<16xi32> -> vector<16xi32>
    %select_n3A_779 = arith.select %lt3A_22, %gather3A_775, %gather3A_778 : vector<16xi1>, vector<16xi32>
    %add3A_780 = arith.constant 176 : i32
    %add3A_781 = arith.addi %mul3A_2, %add3A_780 : i32
    %add3A_782 = vector.broadcast %add3A_781 : i32 to vector<16xi32>
    %add3A_783 = arith.addi %add3A_782, %iota3A : vector<16xi32>
    %swap3A_784 = arith.constant 11 : i32
    %swap3A_785 = arith.index_cast %swap3A_784 : i32 to index
    %swap3A_786 = arith.constant 0 : index
    %swap3A_787 = tpu.vector_load %arg7[%swap3A_785, %swap3A_786] {strides = array<i32>} : memref<16x16xi32, #tpu.memory_space<vmem>>, vector<1x16xi32>,
    %swap3A_788 = vector.shape_cast %swap3A_787 : vector<1x16xi32> to vector<16xi32>
    %swap3A_789 = vector.shape_cast %add3A_783 : vector<16xi32> to vector<1x16xi32>
    tpu.vector_store %arg7[%swap3A_785, %swap3A_786], %swap3A_789 {strides = array<i32>} : memref<16x16xi32, #tpu.memory_space<vmem>>, vector<1x16xi32>,
    %eq3A_790 = arith.cmpi eq, %select_n3A_772, %select_n3A_779 : vector<16xi32>
    %mul3A_791 = arith.constant 8192 : i32
    %mul3A_792 = vector.broadcast %mul3A_791 : i32 to vector<16xi32>
    %mul3A_793 = arith.muli %select_n3A_772, %mul3A_792 : vector<16xi32>
    %add3A_794 = arith.addi %mul3A_793, %add3A_783 : vector<16xi32>
    %broadcast_in_dim3A_795 = vector.broadcast %mul3A_2 : i32 to vector<16xi32>
    %select_n3A_796 = arith.select %eq3A_790, %broadcast_in_dim3A_795, %add3A_794 : vector<16xi1>, vector<16xi32>
    %mul3A_797 = arith.constant 8192 : i32
    %mul3A_798 = vector.broadcast %mul3A_797 : i32 to vector<16xi32>
    %mul3A_799 = arith.muli %select_n3A_779, %mul3A_798 : vector<16xi32>
    %add3A_800 = arith.addi %mul3A_799, %add3A_783 : vector<16xi32>
    %broadcast_in_dim3A_801 = vector.shape_cast %shift_right_arithmetic3A_14 : vector<16xi32> to vector<16x1xi32>
    %gather3A_802 = vector.shape_cast %broadcast_in_dim3A_801 : vector<16x1xi32> to vector<16xi32>
    %gather3A_803 = tpu.dynamic_gather %select_n3A_796[%gather3A_802] in [0] : vector<16xi32>, vector<16xi32> -> vector<16xi32>
    %broadcast_in_dim3A_804 = vector.shape_cast %shift_right_arithmetic3A_14 : vector<16xi32> to vector<16x1xi32>
    %gather3A_805 = vector.shape_cast %broadcast_in_dim3A_804 : vector<16x1xi32> to vector<16xi32>
    %gather3A_806 = tpu.dynamic_gather %add3A_800[%gather3A_805] in [0] : vector<16xi32>, vector<16xi32> -> vector<16xi32>
    %select_n3A_807 = arith.select %eq3A_27, %gather3A_803, %gather3A_806 : vector<16xi1>, vector<16xi32>
    %swap3A_808 = arith.constant 11 : i32
    %swap3A_809 = arith.index_cast %swap3A_808 : i32 to index
    %swap3A_810 = arith.constant 0 : index
    %swap3A_811 = tpu.vector_load %arg8[%swap3A_809, %swap3A_810] {strides = array<i32>} : memref<16x32xi32, #tpu.memory_space<vmem>>, vector<1x16xi32>,
    %swap3A_812 = vector.shape_cast %swap3A_811 : vector<1x16xi32> to vector<16xi32>
    %swap3A_813 = vector.shape_cast %select_n3A_807 : vector<16xi32> to vector<1x16xi32>
    tpu.vector_store %arg8[%swap3A_809, %swap3A_810], %swap3A_813 {strides = array<i32>} : memref<16x32xi32, #tpu.memory_space<vmem>>, vector<1x16xi32>,
    %broadcast_in_dim3A_814 = vector.shape_cast %add3A_20 : vector<16xi32> to vector<16x1xi32>
    %gather3A_815 = vector.shape_cast %broadcast_in_dim3A_814 : vector<16x1xi32> to vector<16xi32>
    %gather3A_816 = tpu.dynamic_gather %select_n3A_796[%gather3A_815] in [0] : vector<16xi32>, vector<16xi32> -> vector<16xi32>
    %broadcast_in_dim3A_817 = vector.shape_cast %add3A_20 : vector<16xi32> to vector<16x1xi32>
    %gather3A_818 = vector.shape_cast %broadcast_in_dim3A_817 : vector<16x1xi32> to vector<16xi32>
    %gather3A_819 = tpu.dynamic_gather %add3A_800[%gather3A_818] in [0] : vector<16xi32>, vector<16xi32> -> vector<16xi32>
    %select_n3A_820 = arith.select %eq3A_27, %gather3A_816, %gather3A_819 : vector<16xi1>, vector<16xi32>
    %swap3A_821 = arith.constant 11 : i32
    %swap3A_822 = arith.index_cast %swap3A_821 : i32 to index
    %swap3A_823 = arith.constant 16 : index
    %swap3A_824 = tpu.vector_load %arg8[%swap3A_822, %swap3A_823] {strides = array<i32>} : memref<16x32xi32, #tpu.memory_space<vmem>>, vector<1x16xi32>,
    %swap3A_825 = vector.shape_cast %swap3A_824 : vector<1x16xi32> to vector<16xi32>
    %swap3A_826 = vector.shape_cast %select_n3A_820 : vector<16xi32> to vector<1x16xi32>
    tpu.vector_store %arg8[%swap3A_822, %swap3A_823], %swap3A_826 {strides = array<i32>} : memref<16x32xi32, #tpu.memory_space<vmem>>, vector<1x16xi32>,
    %get3A_827 = arith.constant 384 : index
    %get3A_828 = tpu.vector_load %arg6[%get3A_827] {strides = array<i32>} : memref<512xi32, #tpu.memory_space<vmem>>, vector<16xi32>,
    %get3A_829 = vector.shape_cast %get3A_828 : vector<16xi32> to vector<16xi32>
    %get3A_830 = arith.constant 400 : index
    %get3A_831 = tpu.vector_load %arg6[%get3A_830] {strides = array<i32>} : memref<512xi32, #tpu.memory_space<vmem>>, vector<16xi32>,
    %get3A_832 = vector.shape_cast %get3A_831 : vector<16xi32> to vector<16xi32>
    %broadcast_in_dim3A_833 = vector.shape_cast %and3A_9 : vector<16xi32> to vector<16x1xi32>
    %gather3A_834 = vector.shape_cast %broadcast_in_dim3A_833 : vector<16x1xi32> to vector<16xi32>
    %gather3A_835 = tpu.dynamic_gather %get3A_829[%gather3A_834] in [0] : vector<16xi32>, vector<16xi32> -> vector<16xi32>
    %broadcast_in_dim3A_836 = vector.shape_cast %and3A_9 : vector<16xi32> to vector<16x1xi32>
    %gather3A_837 = vector.shape_cast %broadcast_in_dim3A_836 : vector<16x1xi32> to vector<16xi32>
    %gather3A_838 = tpu.dynamic_gather %get3A_832[%gather3A_837] in [0] : vector<16xi32>, vector<16xi32> -> vector<16xi32>
    %select_n3A_839 = arith.select %lt3A_22, %gather3A_835, %gather3A_838 : vector<16xi1>, vector<16xi32>
    %broadcast_in_dim3A_840 = vector.shape_cast %add3A_12 : vector<16xi32> to vector<16x1xi32>
    %gather3A_841 = vector.shape_cast %broadcast_in_dim3A_840 : vector<16x1xi32> to vector<16xi32>
    %gather3A_842 = tpu.dynamic_gather %get3A_829[%gather3A_841] in [0] : vector<16xi32>, vector<16xi32> -> vector<16xi32>
    %broadcast_in_dim3A_843 = vector.shape_cast %add3A_12 : vector<16xi32> to vector<16x1xi32>
    %gather3A_844 = vector.shape_cast %broadcast_in_dim3A_843 : vector<16x1xi32> to vector<16xi32>
    %gather3A_845 = tpu.dynamic_gather %get3A_832[%gather3A_844] in [0] : vector<16xi32>, vector<16xi32> -> vector<16xi32>
    %select_n3A_846 = arith.select %lt3A_22, %gather3A_842, %gather3A_845 : vector<16xi1>, vector<16xi32>
    %add3A_847 = arith.constant 192 : i32
    %add3A_848 = arith.addi %mul3A_2, %add3A_847 : i32
    %add3A_849 = vector.broadcast %add3A_848 : i32 to vector<16xi32>
    %add3A_850 = arith.addi %add3A_849, %iota3A : vector<16xi32>
    %swap3A_851 = arith.constant 12 : i32
    %swap3A_852 = arith.index_cast %swap3A_851 : i32 to index
    %swap3A_853 = arith.constant 0 : index
    %swap3A_854 = tpu.vector_load %arg7[%swap3A_852, %swap3A_853] {strides = array<i32>} : memref<16x16xi32, #tpu.memory_space<vmem>>, vector<1x16xi32>,
    %swap3A_855 = vector.shape_cast %swap3A_854 : vector<1x16xi32> to vector<16xi32>
    %swap3A_856 = vector.shape_cast %add3A_850 : vector<16xi32> to vector<1x16xi32>
    tpu.vector_store %arg7[%swap3A_852, %swap3A_853], %swap3A_856 {strides = array<i32>} : memref<16x16xi32, #tpu.memory_space<vmem>>, vector<1x16xi32>,
    %eq3A_857 = arith.cmpi eq, %select_n3A_839, %select_n3A_846 : vector<16xi32>
    %mul3A_858 = arith.constant 8192 : i32
    %mul3A_859 = vector.broadcast %mul3A_858 : i32 to vector<16xi32>
    %mul3A_860 = arith.muli %select_n3A_839, %mul3A_859 : vector<16xi32>
    %add3A_861 = arith.addi %mul3A_860, %add3A_850 : vector<16xi32>
    %broadcast_in_dim3A_862 = vector.broadcast %mul3A_2 : i32 to vector<16xi32>
    %select_n3A_863 = arith.select %eq3A_857, %broadcast_in_dim3A_862, %add3A_861 : vector<16xi1>, vector<16xi32>
    %mul3A_864 = arith.constant 8192 : i32
    %mul3A_865 = vector.broadcast %mul3A_864 : i32 to vector<16xi32>
    %mul3A_866 = arith.muli %select_n3A_846, %mul3A_865 : vector<16xi32>
    %add3A_867 = arith.addi %mul3A_866, %add3A_850 : vector<16xi32>
    %broadcast_in_dim3A_868 = vector.shape_cast %shift_right_arithmetic3A_14 : vector<16xi32> to vector<16x1xi32>
    %gather3A_869 = vector.shape_cast %broadcast_in_dim3A_868 : vector<16x1xi32> to vector<16xi32>
    %gather3A_870 = tpu.dynamic_gather %select_n3A_863[%gather3A_869] in [0] : vector<16xi32>, vector<16xi32> -> vector<16xi32>
    %broadcast_in_dim3A_871 = vector.shape_cast %shift_right_arithmetic3A_14 : vector<16xi32> to vector<16x1xi32>
    %gather3A_872 = vector.shape_cast %broadcast_in_dim3A_871 : vector<16x1xi32> to vector<16xi32>
    %gather3A_873 = tpu.dynamic_gather %add3A_867[%gather3A_872] in [0] : vector<16xi32>, vector<16xi32> -> vector<16xi32>
    %select_n3A_874 = arith.select %eq3A_27, %gather3A_870, %gather3A_873 : vector<16xi1>, vector<16xi32>
    %swap3A_875 = arith.constant 12 : i32
    %swap3A_876 = arith.index_cast %swap3A_875 : i32 to index
    %swap3A_877 = arith.constant 0 : index
    %swap3A_878 = tpu.vector_load %arg8[%swap3A_876, %swap3A_877] {strides = array<i32>} : memref<16x32xi32, #tpu.memory_space<vmem>>, vector<1x16xi32>,
    %swap3A_879 = vector.shape_cast %swap3A_878 : vector<1x16xi32> to vector<16xi32>
    %swap3A_880 = vector.shape_cast %select_n3A_874 : vector<16xi32> to vector<1x16xi32>
    tpu.vector_store %arg8[%swap3A_876, %swap3A_877], %swap3A_880 {strides = array<i32>} : memref<16x32xi32, #tpu.memory_space<vmem>>, vector<1x16xi32>,
    %broadcast_in_dim3A_881 = vector.shape_cast %add3A_20 : vector<16xi32> to vector<16x1xi32>
    %gather3A_882 = vector.shape_cast %broadcast_in_dim3A_881 : vector<16x1xi32> to vector<16xi32>
    %gather3A_883 = tpu.dynamic_gather %select_n3A_863[%gather3A_882] in [0] : vector<16xi32>, vector<16xi32> -> vector<16xi32>
    %broadcast_in_dim3A_884 = vector.shape_cast %add3A_20 : vector<16xi32> to vector<16x1xi32>
    %gather3A_885 = vector.shape_cast %broadcast_in_dim3A_884 : vector<16x1xi32> to vector<16xi32>
    %gather3A_886 = tpu.dynamic_gather %add3A_867[%gather3A_885] in [0] : vector<16xi32>, vector<16xi32> -> vector<16xi32>
    %select_n3A_887 = arith.select %eq3A_27, %gather3A_883, %gather3A_886 : vector<16xi1>, vector<16xi32>
    %swap3A_888 = arith.constant 12 : i32
    %swap3A_889 = arith.index_cast %swap3A_888 : i32 to index
    %swap3A_890 = arith.constant 16 : index
    %swap3A_891 = tpu.vector_load %arg8[%swap3A_889, %swap3A_890] {strides = array<i32>} : memref<16x32xi32, #tpu.memory_space<vmem>>, vector<1x16xi32>,
    %swap3A_892 = vector.shape_cast %swap3A_891 : vector<1x16xi32> to vector<16xi32>
    %swap3A_893 = vector.shape_cast %select_n3A_887 : vector<16xi32> to vector<1x16xi32>
    tpu.vector_store %arg8[%swap3A_889, %swap3A_890], %swap3A_893 {strides = array<i32>} : memref<16x32xi32, #tpu.memory_space<vmem>>, vector<1x16xi32>,
    %get3A_894 = arith.constant 416 : index
    %get3A_895 = tpu.vector_load %arg6[%get3A_894] {strides = array<i32>} : memref<512xi32, #tpu.memory_space<vmem>>, vector<16xi32>,
    %get3A_896 = vector.shape_cast %get3A_895 : vector<16xi32> to vector<16xi32>
    %get3A_897 = arith.constant 432 : index
    %get3A_898 = tpu.vector_load %arg6[%get3A_897] {strides = array<i32>} : memref<512xi32, #tpu.memory_space<vmem>>, vector<16xi32>,
    %get3A_899 = vector.shape_cast %get3A_898 : vector<16xi32> to vector<16xi32>
    %broadcast_in_dim3A_900 = vector.shape_cast %and3A_9 : vector<16xi32> to vector<16x1xi32>
    %gather3A_901 = vector.shape_cast %broadcast_in_dim3A_900 : vector<16x1xi32> to vector<16xi32>
    %gather3A_902 = tpu.dynamic_gather %get3A_896[%gather3A_901] in [0] : vector<16xi32>, vector<16xi32> -> vector<16xi32>
    %broadcast_in_dim3A_903 = vector.shape_cast %and3A_9 : vector<16xi32> to vector<16x1xi32>
    %gather3A_904 = vector.shape_cast %broadcast_in_dim3A_903 : vector<16x1xi32> to vector<16xi32>
    %gather3A_905 = tpu.dynamic_gather %get3A_899[%gather3A_904] in [0] : vector<16xi32>, vector<16xi32> -> vector<16xi32>
    %select_n3A_906 = arith.select %lt3A_22, %gather3A_902, %gather3A_905 : vector<16xi1>, vector<16xi32>
    %broadcast_in_dim3A_907 = vector.shape_cast %add3A_12 : vector<16xi32> to vector<16x1xi32>
    %gather3A_908 = vector.shape_cast %broadcast_in_dim3A_907 : vector<16x1xi32> to vector<16xi32>
    %gather3A_909 = tpu.dynamic_gather %get3A_896[%gather3A_908] in [0] : vector<16xi32>, vector<16xi32> -> vector<16xi32>
    %broadcast_in_dim3A_910 = vector.shape_cast %add3A_12 : vector<16xi32> to vector<16x1xi32>
    %gather3A_911 = vector.shape_cast %broadcast_in_dim3A_910 : vector<16x1xi32> to vector<16xi32>
    %gather3A_912 = tpu.dynamic_gather %get3A_899[%gather3A_911] in [0] : vector<16xi32>, vector<16xi32> -> vector<16xi32>
    %select_n3A_913 = arith.select %lt3A_22, %gather3A_909, %gather3A_912 : vector<16xi1>, vector<16xi32>
    %add3A_914 = arith.constant 208 : i32
    %add3A_915 = arith.addi %mul3A_2, %add3A_914 : i32
    %add3A_916 = vector.broadcast %add3A_915 : i32 to vector<16xi32>
    %add3A_917 = arith.addi %add3A_916, %iota3A : vector<16xi32>
    %swap3A_918 = arith.constant 13 : i32
    %swap3A_919 = arith.index_cast %swap3A_918 : i32 to index
    %swap3A_920 = arith.constant 0 : index
    %swap3A_921 = tpu.vector_load %arg7[%swap3A_919, %swap3A_920] {strides = array<i32>} : memref<16x16xi32, #tpu.memory_space<vmem>>, vector<1x16xi32>,
    %swap3A_922 = vector.shape_cast %swap3A_921 : vector<1x16xi32> to vector<16xi32>
    %swap3A_923 = vector.shape_cast %add3A_917 : vector<16xi32> to vector<1x16xi32>
    tpu.vector_store %arg7[%swap3A_919, %swap3A_920], %swap3A_923 {strides = array<i32>} : memref<16x16xi32, #tpu.memory_space<vmem>>, vector<1x16xi32>,
    %eq3A_924 = arith.cmpi eq, %select_n3A_906, %select_n3A_913 : vector<16xi32>
    %mul3A_925 = arith.constant 8192 : i32
    %mul3A_926 = vector.broadcast %mul3A_925 : i32 to vector<16xi32>
    %mul3A_927 = arith.muli %select_n3A_906, %mul3A_926 : vector<16xi32>
    %add3A_928 = arith.addi %mul3A_927, %add3A_917 : vector<16xi32>
    %broadcast_in_dim3A_929 = vector.broadcast %mul3A_2 : i32 to vector<16xi32>
    %select_n3A_930 = arith.select %eq3A_924, %broadcast_in_dim3A_929, %add3A_928 : vector<16xi1>, vector<16xi32>
    %mul3A_931 = arith.constant 8192 : i32
    %mul3A_932 = vector.broadcast %mul3A_931 : i32 to vector<16xi32>
    %mul3A_933 = arith.muli %select_n3A_913, %mul3A_932 : vector<16xi32>
    %add3A_934 = arith.addi %mul3A_933, %add3A_917 : vector<16xi32>
    %broadcast_in_dim3A_935 = vector.shape_cast %shift_right_arithmetic3A_14 : vector<16xi32> to vector<16x1xi32>
    %gather3A_936 = vector.shape_cast %broadcast_in_dim3A_935 : vector<16x1xi32> to vector<16xi32>
    %gather3A_937 = tpu.dynamic_gather %select_n3A_930[%gather3A_936] in [0] : vector<16xi32>, vector<16xi32> -> vector<16xi32>
    %broadcast_in_dim3A_938 = vector.shape_cast %shift_right_arithmetic3A_14 : vector<16xi32> to vector<16x1xi32>
    %gather3A_939 = vector.shape_cast %broadcast_in_dim3A_938 : vector<16x1xi32> to vector<16xi32>
    %gather3A_940 = tpu.dynamic_gather %add3A_934[%gather3A_939] in [0] : vector<16xi32>, vector<16xi32> -> vector<16xi32>
    %select_n3A_941 = arith.select %eq3A_27, %gather3A_937, %gather3A_940 : vector<16xi1>, vector<16xi32>
    %swap3A_942 = arith.constant 13 : i32
    %swap3A_943 = arith.index_cast %swap3A_942 : i32 to index
    %swap3A_944 = arith.constant 0 : index
    %swap3A_945 = tpu.vector_load %arg8[%swap3A_943, %swap3A_944] {strides = array<i32>} : memref<16x32xi32, #tpu.memory_space<vmem>>, vector<1x16xi32>,
    %swap3A_946 = vector.shape_cast %swap3A_945 : vector<1x16xi32> to vector<16xi32>
    %swap3A_947 = vector.shape_cast %select_n3A_941 : vector<16xi32> to vector<1x16xi32>
    tpu.vector_store %arg8[%swap3A_943, %swap3A_944], %swap3A_947 {strides = array<i32>} : memref<16x32xi32, #tpu.memory_space<vmem>>, vector<1x16xi32>,
    %broadcast_in_dim3A_948 = vector.shape_cast %add3A_20 : vector<16xi32> to vector<16x1xi32>
    %gather3A_949 = vector.shape_cast %broadcast_in_dim3A_948 : vector<16x1xi32> to vector<16xi32>
    %gather3A_950 = tpu.dynamic_gather %select_n3A_930[%gather3A_949] in [0] : vector<16xi32>, vector<16xi32> -> vector<16xi32>
    %broadcast_in_dim3A_951 = vector.shape_cast %add3A_20 : vector<16xi32> to vector<16x1xi32>
    %gather3A_952 = vector.shape_cast %broadcast_in_dim3A_951 : vector<16x1xi32> to vector<16xi32>
    %gather3A_953 = tpu.dynamic_gather %add3A_934[%gather3A_952] in [0] : vector<16xi32>, vector<16xi32> -> vector<16xi32>
    %select_n3A_954 = arith.select %eq3A_27, %gather3A_950, %gather3A_953 : vector<16xi1>, vector<16xi32>
    %swap3A_955 = arith.constant 13 : i32
    %swap3A_956 = arith.index_cast %swap3A_955 : i32 to index
    %swap3A_957 = arith.constant 16 : index
    %swap3A_958 = tpu.vector_load %arg8[%swap3A_956, %swap3A_957] {strides = array<i32>} : memref<16x32xi32, #tpu.memory_space<vmem>>, vector<1x16xi32>,
    %swap3A_959 = vector.shape_cast %swap3A_958 : vector<1x16xi32> to vector<16xi32>
    %swap3A_960 = vector.shape_cast %select_n3A_954 : vector<16xi32> to vector<1x16xi32>
    tpu.vector_store %arg8[%swap3A_956, %swap3A_957], %swap3A_960 {strides = array<i32>} : memref<16x32xi32, #tpu.memory_space<vmem>>, vector<1x16xi32>,
    %get3A_961 = arith.constant 448 : index
    %get3A_962 = tpu.vector_load %arg6[%get3A_961] {strides = array<i32>} : memref<512xi32, #tpu.memory_space<vmem>>, vector<16xi32>,
    %get3A_963 = vector.shape_cast %get3A_962 : vector<16xi32> to vector<16xi32>
    %get3A_964 = arith.constant 464 : index
    %get3A_965 = tpu.vector_load %arg6[%get3A_964] {strides = array<i32>} : memref<512xi32, #tpu.memory_space<vmem>>, vector<16xi32>,
    %get3A_966 = vector.shape_cast %get3A_965 : vector<16xi32> to vector<16xi32>
    %broadcast_in_dim3A_967 = vector.shape_cast %and3A_9 : vector<16xi32> to vector<16x1xi32>
    %gather3A_968 = vector.shape_cast %broadcast_in_dim3A_967 : vector<16x1xi32> to vector<16xi32>
    %gather3A_969 = tpu.dynamic_gather %get3A_963[%gather3A_968] in [0] : vector<16xi32>, vector<16xi32> -> vector<16xi32>
    %broadcast_in_dim3A_970 = vector.shape_cast %and3A_9 : vector<16xi32> to vector<16x1xi32>
    %gather3A_971 = vector.shape_cast %broadcast_in_dim3A_970 : vector<16x1xi32> to vector<16xi32>
    %gather3A_972 = tpu.dynamic_gather %get3A_966[%gather3A_971] in [0] : vector<16xi32>, vector<16xi32> -> vector<16xi32>
    %select_n3A_973 = arith.select %lt3A_22, %gather3A_969, %gather3A_972 : vector<16xi1>, vector<16xi32>
    %broadcast_in_dim3A_974 = vector.shape_cast %add3A_12 : vector<16xi32> to vector<16x1xi32>
    %gather3A_975 = vector.shape_cast %broadcast_in_dim3A_974 : vector<16x1xi32> to vector<16xi32>
    %gather3A_976 = tpu.dynamic_gather %get3A_963[%gather3A_975] in [0] : vector<16xi32>, vector<16xi32> -> vector<16xi32>
    %broadcast_in_dim3A_977 = vector.shape_cast %add3A_12 : vector<16xi32> to vector<16x1xi32>
    %gather3A_978 = vector.shape_cast %broadcast_in_dim3A_977 : vector<16x1xi32> to vector<16xi32>
    %gather3A_979 = tpu.dynamic_gather %get3A_966[%gather3A_978] in [0] : vector<16xi32>, vector<16xi32> -> vector<16xi32>
    %select_n3A_980 = arith.select %lt3A_22, %gather3A_976, %gather3A_979 : vector<16xi1>, vector<16xi32>
    %add3A_981 = arith.constant 224 : i32
    %add3A_982 = arith.addi %mul3A_2, %add3A_981 : i32
    %add3A_983 = vector.broadcast %add3A_982 : i32 to vector<16xi32>
    %add3A_984 = arith.addi %add3A_983, %iota3A : vector<16xi32>
    %swap3A_985 = arith.constant 14 : i32
    %swap3A_986 = arith.index_cast %swap3A_985 : i32 to index
    %swap3A_987 = arith.constant 0 : index
    %swap3A_988 = tpu.vector_load %arg7[%swap3A_986, %swap3A_987] {strides = array<i32>} : memref<16x16xi32, #tpu.memory_space<vmem>>, vector<1x16xi32>,
    %swap3A_989 = vector.shape_cast %swap3A_988 : vector<1x16xi32> to vector<16xi32>
    %swap3A_990 = vector.shape_cast %add3A_984 : vector<16xi32> to vector<1x16xi32>
    tpu.vector_store %arg7[%swap3A_986, %swap3A_987], %swap3A_990 {strides = array<i32>} : memref<16x16xi32, #tpu.memory_space<vmem>>, vector<1x16xi32>,
    %eq3A_991 = arith.cmpi eq, %select_n3A_973, %select_n3A_980 : vector<16xi32>
    %mul3A_992 = arith.constant 8192 : i32
    %mul3A_993 = vector.broadcast %mul3A_992 : i32 to vector<16xi32>
    %mul3A_994 = arith.muli %select_n3A_973, %mul3A_993 : vector<16xi32>
    %add3A_995 = arith.addi %mul3A_994, %add3A_984 : vector<16xi32>
    %broadcast_in_dim3A_996 = vector.broadcast %mul3A_2 : i32 to vector<16xi32>
    %select_n3A_997 = arith.select %eq3A_991, %broadcast_in_dim3A_996, %add3A_995 : vector<16xi1>, vector<16xi32>
    %mul3A_998 = arith.constant 8192 : i32
    %mul3A_999 = vector.broadcast %mul3A_998 : i32 to vector<16xi32>
    %mul3A_1000 = arith.muli %select_n3A_980, %mul3A_999 : vector<16xi32>
    %add3A_1001 = arith.addi %mul3A_1000, %add3A_984 : vector<16xi32>
    %broadcast_in_dim3A_1002 = vector.shape_cast %shift_right_arithmetic3A_14 : vector<16xi32> to vector<16x1xi32>
    %gather3A_1003 = vector.shape_cast %broadcast_in_dim3A_1002 : vector<16x1xi32> to vector<16xi32>
    %gather3A_1004 = tpu.dynamic_gather %select_n3A_997[%gather3A_1003] in [0] : vector<16xi32>, vector<16xi32> -> vector<16xi32>
    %broadcast_in_dim3A_1005 = vector.shape_cast %shift_right_arithmetic3A_14 : vector<16xi32> to vector<16x1xi32>
    %gather3A_1006 = vector.shape_cast %broadcast_in_dim3A_1005 : vector<16x1xi32> to vector<16xi32>
    %gather3A_1007 = tpu.dynamic_gather %add3A_1001[%gather3A_1006] in [0] : vector<16xi32>, vector<16xi32> -> vector<16xi32>
    %select_n3A_1008 = arith.select %eq3A_27, %gather3A_1004, %gather3A_1007 : vector<16xi1>, vector<16xi32>
    %swap3A_1009 = arith.constant 14 : i32
    %swap3A_1010 = arith.index_cast %swap3A_1009 : i32 to index
    %swap3A_1011 = arith.constant 0 : index
    %swap3A_1012 = tpu.vector_load %arg8[%swap3A_1010, %swap3A_1011] {strides = array<i32>} : memref<16x32xi32, #tpu.memory_space<vmem>>, vector<1x16xi32>,
    %swap3A_1013 = vector.shape_cast %swap3A_1012 : vector<1x16xi32> to vector<16xi32>
    %swap3A_1014 = vector.shape_cast %select_n3A_1008 : vector<16xi32> to vector<1x16xi32>
    tpu.vector_store %arg8[%swap3A_1010, %swap3A_1011], %swap3A_1014 {strides = array<i32>} : memref<16x32xi32, #tpu.memory_space<vmem>>, vector<1x16xi32>,
    %broadcast_in_dim3A_1015 = vector.shape_cast %add3A_20 : vector<16xi32> to vector<16x1xi32>
    %gather3A_1016 = vector.shape_cast %broadcast_in_dim3A_1015 : vector<16x1xi32> to vector<16xi32>
    %gather3A_1017 = tpu.dynamic_gather %select_n3A_997[%gather3A_1016] in [0] : vector<16xi32>, vector<16xi32> -> vector<16xi32>
    %broadcast_in_dim3A_1018 = vector.shape_cast %add3A_20 : vector<16xi32> to vector<16x1xi32>
    %gather3A_1019 = vector.shape_cast %broadcast_in_dim3A_1018 : vector<16x1xi32> to vector<16xi32>
    %gather3A_1020 = tpu.dynamic_gather %add3A_1001[%gather3A_1019] in [0] : vector<16xi32>, vector<16xi32> -> vector<16xi32>
    %select_n3A_1021 = arith.select %eq3A_27, %gather3A_1017, %gather3A_1020 : vector<16xi1>, vector<16xi32>
    %swap3A_1022 = arith.constant 14 : i32
    %swap3A_1023 = arith.index_cast %swap3A_1022 : i32 to index
    %swap3A_1024 = arith.constant 16 : index
    %swap3A_1025 = tpu.vector_load %arg8[%swap3A_1023, %swap3A_1024] {strides = array<i32>} : memref<16x32xi32, #tpu.memory_space<vmem>>, vector<1x16xi32>,
    %swap3A_1026 = vector.shape_cast %swap3A_1025 : vector<1x16xi32> to vector<16xi32>
    %swap3A_1027 = vector.shape_cast %select_n3A_1021 : vector<16xi32> to vector<1x16xi32>
    tpu.vector_store %arg8[%swap3A_1023, %swap3A_1024], %swap3A_1027 {strides = array<i32>} : memref<16x32xi32, #tpu.memory_space<vmem>>, vector<1x16xi32>,
    %get3A_1028 = arith.constant 480 : index
    %get3A_1029 = tpu.vector_load %arg6[%get3A_1028] {strides = array<i32>} : memref<512xi32, #tpu.memory_space<vmem>>, vector<16xi32>,
    %get3A_1030 = vector.shape_cast %get3A_1029 : vector<16xi32> to vector<16xi32>
    %get3A_1031 = arith.constant 496 : index
    %get3A_1032 = tpu.vector_load %arg6[%get3A_1031] {strides = array<i32>} : memref<512xi32, #tpu.memory_space<vmem>>, vector<16xi32>,
    %get3A_1033 = vector.shape_cast %get3A_1032 : vector<16xi32> to vector<16xi32>
    %broadcast_in_dim3A_1034 = vector.shape_cast %and3A_9 : vector<16xi32> to vector<16x1xi32>
    %gather3A_1035 = vector.shape_cast %broadcast_in_dim3A_1034 : vector<16x1xi32> to vector<16xi32>
    %gather3A_1036 = tpu.dynamic_gather %get3A_1030[%gather3A_1035] in [0] : vector<16xi32>, vector<16xi32> -> vector<16xi32>
    %broadcast_in_dim3A_1037 = vector.shape_cast %and3A_9 : vector<16xi32> to vector<16x1xi32>
    %gather3A_1038 = vector.shape_cast %broadcast_in_dim3A_1037 : vector<16x1xi32> to vector<16xi32>
    %gather3A_1039 = tpu.dynamic_gather %get3A_1033[%gather3A_1038] in [0] : vector<16xi32>, vector<16xi32> -> vector<16xi32>
    %select_n3A_1040 = arith.select %lt3A_22, %gather3A_1036, %gather3A_1039 : vector<16xi1>, vector<16xi32>
    %broadcast_in_dim3A_1041 = vector.shape_cast %add3A_12 : vector<16xi32> to vector<16x1xi32>
    %gather3A_1042 = vector.shape_cast %broadcast_in_dim3A_1041 : vector<16x1xi32> to vector<16xi32>
    %gather3A_1043 = tpu.dynamic_gather %get3A_1030[%gather3A_1042] in [0] : vector<16xi32>, vector<16xi32> -> vector<16xi32>
    %broadcast_in_dim3A_1044 = vector.shape_cast %add3A_12 : vector<16xi32> to vector<16x1xi32>
    %gather3A_1045 = vector.shape_cast %broadcast_in_dim3A_1044 : vector<16x1xi32> to vector<16xi32>
    %gather3A_1046 = tpu.dynamic_gather %get3A_1033[%gather3A_1045] in [0] : vector<16xi32>, vector<16xi32> -> vector<16xi32>
    %select_n3A_1047 = arith.select %lt3A_22, %gather3A_1043, %gather3A_1046 : vector<16xi1>, vector<16xi32>
    %add3A_1048 = arith.constant 240 : i32
    %add3A_1049 = arith.addi %mul3A_2, %add3A_1048 : i32
    %add3A_1050 = vector.broadcast %add3A_1049 : i32 to vector<16xi32>
    %add3A_1051 = arith.addi %add3A_1050, %iota3A : vector<16xi32>
    %swap3A_1052 = arith.constant 15 : i32
    %swap3A_1053 = arith.index_cast %swap3A_1052 : i32 to index
    %swap3A_1054 = arith.constant 0 : index
    %swap3A_1055 = tpu.vector_load %arg7[%swap3A_1053, %swap3A_1054] {strides = array<i32>} : memref<16x16xi32, #tpu.memory_space<vmem>>, vector<1x16xi32>,
    %swap3A_1056 = vector.shape_cast %swap3A_1055 : vector<1x16xi32> to vector<16xi32>
    %swap3A_1057 = vector.shape_cast %add3A_1051 : vector<16xi32> to vector<1x16xi32>
    tpu.vector_store %arg7[%swap3A_1053, %swap3A_1054], %swap3A_1057 {strides = array<i32>} : memref<16x16xi32, #tpu.memory_space<vmem>>, vector<1x16xi32>,
    %eq3A_1058 = arith.cmpi eq, %select_n3A_1040, %select_n3A_1047 : vector<16xi32>
    %mul3A_1059 = arith.constant 8192 : i32
    %mul3A_1060 = vector.broadcast %mul3A_1059 : i32 to vector<16xi32>
    %mul3A_1061 = arith.muli %select_n3A_1040, %mul3A_1060 : vector<16xi32>
    %add3A_1062 = arith.addi %mul3A_1061, %add3A_1051 : vector<16xi32>
    %broadcast_in_dim3A_1063 = vector.broadcast %mul3A_2 : i32 to vector<16xi32>
    %select_n3A_1064 = arith.select %eq3A_1058, %broadcast_in_dim3A_1063, %add3A_1062 : vector<16xi1>, vector<16xi32>
    %mul3A_1065 = arith.constant 8192 : i32
    %mul3A_1066 = vector.broadcast %mul3A_1065 : i32 to vector<16xi32>
    %mul3A_1067 = arith.muli %select_n3A_1047, %mul3A_1066 : vector<16xi32>
    %add3A_1068 = arith.addi %mul3A_1067, %add3A_1051 : vector<16xi32>
    %broadcast_in_dim3A_1069 = vector.shape_cast %shift_right_arithmetic3A_14 : vector<16xi32> to vector<16x1xi32>
    %gather3A_1070 = vector.shape_cast %broadcast_in_dim3A_1069 : vector<16x1xi32> to vector<16xi32>
    %gather3A_1071 = tpu.dynamic_gather %select_n3A_1064[%gather3A_1070] in [0] : vector<16xi32>, vector<16xi32> -> vector<16xi32>
    %broadcast_in_dim3A_1072 = vector.shape_cast %shift_right_arithmetic3A_14 : vector<16xi32> to vector<16x1xi32>
    %gather3A_1073 = vector.shape_cast %broadcast_in_dim3A_1072 : vector<16x1xi32> to vector<16xi32>
    %gather3A_1074 = tpu.dynamic_gather %add3A_1068[%gather3A_1073] in [0] : vector<16xi32>, vector<16xi32> -> vector<16xi32>
    %select_n3A_1075 = arith.select %eq3A_27, %gather3A_1071, %gather3A_1074 : vector<16xi1>, vector<16xi32>
    %swap3A_1076 = arith.constant 15 : i32
    %swap3A_1077 = arith.index_cast %swap3A_1076 : i32 to index
    %swap3A_1078 = arith.constant 0 : index
    %swap3A_1079 = tpu.vector_load %arg8[%swap3A_1077, %swap3A_1078] {strides = array<i32>} : memref<16x32xi32, #tpu.memory_space<vmem>>, vector<1x16xi32>,
    %swap3A_1080 = vector.shape_cast %swap3A_1079 : vector<1x16xi32> to vector<16xi32>
    %swap3A_1081 = vector.shape_cast %select_n3A_1075 : vector<16xi32> to vector<1x16xi32>
    tpu.vector_store %arg8[%swap3A_1077, %swap3A_1078], %swap3A_1081 {strides = array<i32>} : memref<16x32xi32, #tpu.memory_space<vmem>>, vector<1x16xi32>,
    %broadcast_in_dim3A_1082 = vector.shape_cast %add3A_20 : vector<16xi32> to vector<16x1xi32>
    %gather3A_1083 = vector.shape_cast %broadcast_in_dim3A_1082 : vector<16x1xi32> to vector<16xi32>
    %gather3A_1084 = tpu.dynamic_gather %select_n3A_1064[%gather3A_1083] in [0] : vector<16xi32>, vector<16xi32> -> vector<16xi32>
    %broadcast_in_dim3A_1085 = vector.shape_cast %add3A_20 : vector<16xi32> to vector<16x1xi32>
    %gather3A_1086 = vector.shape_cast %broadcast_in_dim3A_1085 : vector<16x1xi32> to vector<16xi32>
    %gather3A_1087 = tpu.dynamic_gather %add3A_1068[%gather3A_1086] in [0] : vector<16xi32>, vector<16xi32> -> vector<16xi32>
    %select_n3A_1088 = arith.select %eq3A_27, %gather3A_1084, %gather3A_1087 : vector<16xi1>, vector<16xi32>
    %swap3A_1089 = arith.constant 15 : i32
    %swap3A_1090 = arith.index_cast %swap3A_1089 : i32 to index
    %swap3A_1091 = arith.constant 16 : index
    %swap3A_1092 = tpu.vector_load %arg8[%swap3A_1090, %swap3A_1091] {strides = array<i32>} : memref<16x32xi32, #tpu.memory_space<vmem>>, vector<1x16xi32>,
    %swap3A_1093 = vector.shape_cast %swap3A_1092 : vector<1x16xi32> to vector<16xi32>
    %swap3A_1094 = vector.shape_cast %select_n3A_1088 : vector<16xi32> to vector<1x16xi32>
    tpu.vector_store %arg8[%swap3A_1090, %swap3A_1091], %swap3A_1094 {strides = array<i32>} : memref<16x32xi32, #tpu.memory_space<vmem>>, vector<1x16xi32>,
    %dma_start3A = arith.constant 0 : i32
    %dma_start3A_1095 = arith.constant 0 : i32
    %dma_start3A_1096 = tpu.memref_slice %arg7[%dma_start3A, %dma_start3A_1095] : memref<16x16xi32, #tpu.memory_space<vmem>> -> memref<1x16xi32, #tpu.memory_space<vmem>>
    %dma_start3A_1097 = tpu.memref_squeeze %dma_start3A_1096 : memref<1x16xi32, #tpu.memory_space<vmem>> -> memref<16xi32, #tpu.memory_space<vmem>>
    %dma_start3A_1098 = arith.constant 0 : i32
    %dma_start3A_1099 = arith.constant 0 : i32
    %dma_start3A_1100 = arith.constant 0 : i32
    %dma_start3A_1101 = tpu.memref_slice %arg2[%dma_start3A_1098, %dma_start3A_1099, %dma_start3A_1100] : memref<8192x2x1024xf32, #tpu.memory_space<hbm>> -> memref<8192x2x1024xf32, #tpu.memory_space<hbm>>
    tpu.enqueue_indirect_dma source(%dma_start3A_1101 : memref<8192x2x1024xf32, #tpu.memory_space<hbm>>) target(%arg9 : memref<16x2x1024xf32, #tpu.memory_space<vmem>>) offsets(%dma_start3A_1097 : memref<16xi32, #tpu.memory_space<vmem>>) semaphore(%arg12 : memref<!tpu.dma_semaphore, #tpu.memory_space<semaphore_mem>>)
    %dma_start3A_1102 = arith.constant 1 : i32
    %dma_start3A_1103 = arith.constant 0 : i32
    %dma_start3A_1104 = tpu.memref_slice %arg7[%dma_start3A_1102, %dma_start3A_1103] : memref<16x16xi32, #tpu.memory_space<vmem>> -> memref<1x16xi32, #tpu.memory_space<vmem>>
    %dma_start3A_1105 = tpu.memref_squeeze %dma_start3A_1104 : memref<1x16xi32, #tpu.memory_space<vmem>> -> memref<16xi32, #tpu.memory_space<vmem>>
    %dma_start3A_1106 = arith.constant 0 : i32
    %dma_start3A_1107 = arith.constant 0 : i32
    %dma_start3A_1108 = arith.constant 0 : i32
    %dma_start3A_1109 = tpu.memref_slice %arg2[%dma_start3A_1106, %dma_start3A_1107, %dma_start3A_1108] : memref<8192x2x1024xf32, #tpu.memory_space<hbm>> -> memref<8192x2x1024xf32, #tpu.memory_space<hbm>>
    tpu.enqueue_indirect_dma source(%dma_start3A_1109 : memref<8192x2x1024xf32, #tpu.memory_space<hbm>>) target(%arg10 : memref<16x2x1024xf32, #tpu.memory_space<vmem>>) offsets(%dma_start3A_1105 : memref<16xi32, #tpu.memory_space<vmem>>) semaphore(%arg13 : memref<!tpu.dma_semaphore, #tpu.memory_space<semaphore_mem>>)
    %dma_wait3A = arith.constant 0 : i32
    %dma_wait3A_1110 = arith.constant 0 : i32
    %dma_wait3A_1111 = tpu.memref_slice %arg7[%dma_wait3A, %dma_wait3A_1110] : memref<16x16xi32, #tpu.memory_space<vmem>> -> memref<1x16xi32, #tpu.memory_space<vmem>>
    %dma_wait3A_1112 = tpu.memref_squeeze %dma_wait3A_1111 : memref<1x16xi32, #tpu.memory_space<vmem>> -> memref<16xi32, #tpu.memory_space<vmem>>
    %dma_wait3A_1113 = arith.constant 0 : i32
    %dma_wait3A_1114 = arith.constant 0 : i32
    %dma_wait3A_1115 = arith.constant 0 : i32
    %dma_wait3A_1116 = tpu.memref_slice %arg2[%dma_wait3A_1113, %dma_wait3A_1114, %dma_wait3A_1115] : memref<8192x2x1024xf32, #tpu.memory_space<hbm>> -> memref<8192x2x1024xf32, #tpu.memory_space<hbm>>
    tpu.wait_indirect_dma semaphore(%arg12 : memref<!tpu.dma_semaphore, #tpu.memory_space<semaphore_mem>>) src(%dma_wait3A_1116 : memref<8192x2x1024xf32, #tpu.memory_space<hbm>>) dst(%arg9 : memref<16x2x1024xf32, #tpu.memory_space<vmem>>)
    %dma_start3A_1117 = arith.constant 0 : i32
    %dma_start3A_1118 = tpu.memref_reshape %arg9 : memref<16x2x1024xf32, #tpu.memory_space<vmem>> -> memref<32x1024xf32, #tpu.memory_space<vmem>>
    %dma_start3A_1119 = arith.constant 0 : i32
    %dma_start3A_1120 = tpu.memref_slice %arg8[%dma_start3A_1117, %dma_start3A_1119] : memref<16x32xi32, #tpu.memory_space<vmem>> -> memref<1x32xi32, #tpu.memory_space<vmem>>
    %dma_start3A_1121 = tpu.memref_squeeze %dma_start3A_1120 : memref<1x32xi32, #tpu.memory_space<vmem>> -> memref<32xi32, #tpu.memory_space<vmem>>
    %dma_start3A_1122 = arith.constant 0 : i32
    %dma_start3A_1123 = arith.constant 0 : i32
    %dma_start3A_1124 = tpu.memref_slice %arg5[%dma_start3A_1122, %dma_start3A_1123] : memref<65536x1024xf32, #tpu.memory_space<hbm>> -> memref<65536x1024xf32, #tpu.memory_space<hbm>>
    tpu.enqueue_indirect_dma source(%dma_start3A_1118 : memref<32x1024xf32, #tpu.memory_space<vmem>>) target(%dma_start3A_1124 : memref<65536x1024xf32, #tpu.memory_space<hbm>>) offsets(%dma_start3A_1121 : memref<32xi32, #tpu.memory_space<vmem>>) semaphore(%arg15 : memref<!tpu.dma_semaphore, #tpu.memory_space<semaphore_mem>>)
    %dma_start3A_1125 = arith.constant 2 : i32
    %dma_start3A_1126 = arith.constant 0 : i32
    %dma_start3A_1127 = tpu.memref_slice %arg7[%dma_start3A_1125, %dma_start3A_1126] : memref<16x16xi32, #tpu.memory_space<vmem>> -> memref<1x16xi32, #tpu.memory_space<vmem>>
    %dma_start3A_1128 = tpu.memref_squeeze %dma_start3A_1127 : memref<1x16xi32, #tpu.memory_space<vmem>> -> memref<16xi32, #tpu.memory_space<vmem>>
    %dma_start3A_1129 = arith.constant 0 : i32
    %dma_start3A_1130 = arith.constant 0 : i32
    %dma_start3A_1131 = arith.constant 0 : i32
    %dma_start3A_1132 = tpu.memref_slice %arg2[%dma_start3A_1129, %dma_start3A_1130, %dma_start3A_1131] : memref<8192x2x1024xf32, #tpu.memory_space<hbm>> -> memref<8192x2x1024xf32, #tpu.memory_space<hbm>>
    tpu.enqueue_indirect_dma source(%dma_start3A_1132 : memref<8192x2x1024xf32, #tpu.memory_space<hbm>>) target(%arg11 : memref<16x2x1024xf32, #tpu.memory_space<vmem>>) offsets(%dma_start3A_1128 : memref<16xi32, #tpu.memory_space<vmem>>) semaphore(%arg14 : memref<!tpu.dma_semaphore, #tpu.memory_space<semaphore_mem>>)
    %dma_wait3A_1133 = arith.constant 1 : i32
    %dma_wait3A_1134 = arith.constant 0 : i32
    %dma_wait3A_1135 = tpu.memref_slice %arg7[%dma_wait3A_1133, %dma_wait3A_1134] : memref<16x16xi32, #tpu.memory_space<vmem>> -> memref<1x16xi32, #tpu.memory_space<vmem>>
    %dma_wait3A_1136 = tpu.memref_squeeze %dma_wait3A_1135 : memref<1x16xi32, #tpu.memory_space<vmem>> -> memref<16xi32, #tpu.memory_space<vmem>>
    %dma_wait3A_1137 = arith.constant 0 : i32
    %dma_wait3A_1138 = arith.constant 0 : i32
    %dma_wait3A_1139 = arith.constant 0 : i32
    %dma_wait3A_1140 = tpu.memref_slice %arg2[%dma_wait3A_1137, %dma_wait3A_1138, %dma_wait3A_1139] : memref<8192x2x1024xf32, #tpu.memory_space<hbm>> -> memref<8192x2x1024xf32, #tpu.memory_space<hbm>>
    tpu.wait_indirect_dma semaphore(%arg13 : memref<!tpu.dma_semaphore, #tpu.memory_space<semaphore_mem>>) src(%dma_wait3A_1140 : memref<8192x2x1024xf32, #tpu.memory_space<hbm>>) dst(%arg10 : memref<16x2x1024xf32, #tpu.memory_space<vmem>>)
    %dma_start3A_1141 = arith.constant 1 : i32
    %dma_start3A_1142 = tpu.memref_reshape %arg10 : memref<16x2x1024xf32, #tpu.memory_space<vmem>> -> memref<32x1024xf32, #tpu.memory_space<vmem>>
    %dma_start3A_1143 = arith.constant 0 : i32
    %dma_start3A_1144 = tpu.memref_slice %arg8[%dma_start3A_1141, %dma_start3A_1143] : memref<16x32xi32, #tpu.memory_space<vmem>> -> memref<1x32xi32, #tpu.memory_space<vmem>>
    %dma_start3A_1145 = tpu.memref_squeeze %dma_start3A_1144 : memref<1x32xi32, #tpu.memory_space<vmem>> -> memref<32xi32, #tpu.memory_space<vmem>>
    %dma_start3A_1146 = arith.constant 0 : i32
    %dma_start3A_1147 = arith.constant 0 : i32
    %dma_start3A_1148 = tpu.memref_slice %arg5[%dma_start3A_1146, %dma_start3A_1147] : memref<65536x1024xf32, #tpu.memory_space<hbm>> -> memref<65536x1024xf32, #tpu.memory_space<hbm>>
    tpu.enqueue_indirect_dma source(%dma_start3A_1142 : memref<32x1024xf32, #tpu.memory_space<vmem>>) target(%dma_start3A_1148 : memref<65536x1024xf32, #tpu.memory_space<hbm>>) offsets(%dma_start3A_1145 : memref<32xi32, #tpu.memory_space<vmem>>) semaphore(%arg16 : memref<!tpu.dma_semaphore, #tpu.memory_space<semaphore_mem>>)
    %dma_wait3A_1149 = arith.constant 0 : i32
    %dma_wait3A_1150 = tpu.memref_reshape %arg9 : memref<16x2x1024xf32, #tpu.memory_space<vmem>> -> memref<32x1024xf32, #tpu.memory_space<vmem>>
    %dma_wait3A_1151 = arith.constant 0 : i32
    %dma_wait3A_1152 = tpu.memref_slice %arg8[%dma_wait3A_1149, %dma_wait3A_1151] : memref<16x32xi32, #tpu.memory_space<vmem>> -> memref<1x32xi32, #tpu.memory_space<vmem>>
    %dma_wait3A_1153 = tpu.memref_squeeze %dma_wait3A_1152 : memref<1x32xi32, #tpu.memory_space<vmem>> -> memref<32xi32, #tpu.memory_space<vmem>>
    %dma_wait3A_1154 = arith.constant 0 : i32
    %dma_wait3A_1155 = arith.constant 0 : i32
    %dma_wait3A_1156 = tpu.memref_slice %arg5[%dma_wait3A_1154, %dma_wait3A_1155] : memref<65536x1024xf32, #tpu.memory_space<hbm>> -> memref<65536x1024xf32, #tpu.memory_space<hbm>>
    tpu.wait_indirect_dma semaphore(%arg15 : memref<!tpu.dma_semaphore, #tpu.memory_space<semaphore_mem>>) src(%dma_wait3A_1150 : memref<32x1024xf32, #tpu.memory_space<vmem>>) dst(%dma_wait3A_1156 : memref<65536x1024xf32, #tpu.memory_space<hbm>>)
    %dma_start3A_1157 = arith.constant 3 : i32
    %dma_start3A_1158 = arith.constant 0 : i32
    %dma_start3A_1159 = tpu.memref_slice %arg7[%dma_start3A_1157, %dma_start3A_1158] : memref<16x16xi32, #tpu.memory_space<vmem>> -> memref<1x16xi32, #tpu.memory_space<vmem>>
    %dma_start3A_1160 = tpu.memref_squeeze %dma_start3A_1159 : memref<1x16xi32, #tpu.memory_space<vmem>> -> memref<16xi32, #tpu.memory_space<vmem>>
    %dma_start3A_1161 = arith.constant 0 : i32
    %dma_start3A_1162 = arith.constant 0 : i32
    %dma_start3A_1163 = arith.constant 0 : i32
    %dma_start3A_1164 = tpu.memref_slice %arg2[%dma_start3A_1161, %dma_start3A_1162, %dma_start3A_1163] : memref<8192x2x1024xf32, #tpu.memory_space<hbm>> -> memref<8192x2x1024xf32, #tpu.memory_space<hbm>>
    tpu.enqueue_indirect_dma source(%dma_start3A_1164 : memref<8192x2x1024xf32, #tpu.memory_space<hbm>>) target(%arg9 : memref<16x2x1024xf32, #tpu.memory_space<vmem>>) offsets(%dma_start3A_1160 : memref<16xi32, #tpu.memory_space<vmem>>) semaphore(%arg12 : memref<!tpu.dma_semaphore, #tpu.memory_space<semaphore_mem>>)
    %dma_wait3A_1165 = arith.constant 2 : i32
    %dma_wait3A_1166 = arith.constant 0 : i32
    %dma_wait3A_1167 = tpu.memref_slice %arg7[%dma_wait3A_1165, %dma_wait3A_1166] : memref<16x16xi32, #tpu.memory_space<vmem>> -> memref<1x16xi32, #tpu.memory_space<vmem>>
    %dma_wait3A_1168 = tpu.memref_squeeze %dma_wait3A_1167 : memref<1x16xi32, #tpu.memory_space<vmem>> -> memref<16xi32, #tpu.memory_space<vmem>>
    %dma_wait3A_1169 = arith.constant 0 : i32
    %dma_wait3A_1170 = arith.constant 0 : i32
    %dma_wait3A_1171 = arith.constant 0 : i32
    %dma_wait3A_1172 = tpu.memref_slice %arg2[%dma_wait3A_1169, %dma_wait3A_1170, %dma_wait3A_1171] : memref<8192x2x1024xf32, #tpu.memory_space<hbm>> -> memref<8192x2x1024xf32, #tpu.memory_space<hbm>>
    tpu.wait_indirect_dma semaphore(%arg14 : memref<!tpu.dma_semaphore, #tpu.memory_space<semaphore_mem>>) src(%dma_wait3A_1172 : memref<8192x2x1024xf32, #tpu.memory_space<hbm>>) dst(%arg11 : memref<16x2x1024xf32, #tpu.memory_space<vmem>>)
    %dma_start3A_1173 = arith.constant 2 : i32
    %dma_start3A_1174 = tpu.memref_reshape %arg11 : memref<16x2x1024xf32, #tpu.memory_space<vmem>> -> memref<32x1024xf32, #tpu.memory_space<vmem>>
    %dma_start3A_1175 = arith.constant 0 : i32
    %dma_start3A_1176 = tpu.memref_slice %arg8[%dma_start3A_1173, %dma_start3A_1175] : memref<16x32xi32, #tpu.memory_space<vmem>> -> memref<1x32xi32, #tpu.memory_space<vmem>>
    %dma_start3A_1177 = tpu.memref_squeeze %dma_start3A_1176 : memref<1x32xi32, #tpu.memory_space<vmem>> -> memref<32xi32, #tpu.memory_space<vmem>>
    %dma_start3A_1178 = arith.constant 0 : i32
    %dma_start3A_1179 = arith.constant 0 : i32
    %dma_start3A_1180 = tpu.memref_slice %arg5[%dma_start3A_1178, %dma_start3A_1179] : memref<65536x1024xf32, #tpu.memory_space<hbm>> -> memref<65536x1024xf32, #tpu.memory_space<hbm>>
    tpu.enqueue_indirect_dma source(%dma_start3A_1174 : memref<32x1024xf32, #tpu.memory_space<vmem>>) target(%dma_start3A_1180 : memref<65536x1024xf32, #tpu.memory_space<hbm>>) offsets(%dma_start3A_1177 : memref<32xi32, #tpu.memory_space<vmem>>) semaphore(%arg17 : memref<!tpu.dma_semaphore, #tpu.memory_space<semaphore_mem>>)
    %dma_wait3A_1181 = arith.constant 1 : i32
    %dma_wait3A_1182 = tpu.memref_reshape %arg10 : memref<16x2x1024xf32, #tpu.memory_space<vmem>> -> memref<32x1024xf32, #tpu.memory_space<vmem>>
    %dma_wait3A_1183 = arith.constant 0 : i32
    %dma_wait3A_1184 = tpu.memref_slice %arg8[%dma_wait3A_1181, %dma_wait3A_1183] : memref<16x32xi32, #tpu.memory_space<vmem>> -> memref<1x32xi32, #tpu.memory_space<vmem>>
    %dma_wait3A_1185 = tpu.memref_squeeze %dma_wait3A_1184 : memref<1x32xi32, #tpu.memory_space<vmem>> -> memref<32xi32, #tpu.memory_space<vmem>>
    %dma_wait3A_1186 = arith.constant 0 : i32
    %dma_wait3A_1187 = arith.constant 0 : i32
    %dma_wait3A_1188 = tpu.memref_slice %arg5[%dma_wait3A_1186, %dma_wait3A_1187] : memref<65536x1024xf32, #tpu.memory_space<hbm>> -> memref<65536x1024xf32, #tpu.memory_space<hbm>>
    tpu.wait_indirect_dma semaphore(%arg16 : memref<!tpu.dma_semaphore, #tpu.memory_space<semaphore_mem>>) src(%dma_wait3A_1182 : memref<32x1024xf32, #tpu.memory_space<vmem>>) dst(%dma_wait3A_1188 : memref<65536x1024xf32, #tpu.memory_space<hbm>>)
    %dma_start3A_1189 = arith.constant 4 : i32
    %dma_start3A_1190 = arith.constant 0 : i32
    %dma_start3A_1191 = tpu.memref_slice %arg7[%dma_start3A_1189, %dma_start3A_1190] : memref<16x16xi32, #tpu.memory_space<vmem>> -> memref<1x16xi32, #tpu.memory_space<vmem>>
    %dma_start3A_1192 = tpu.memref_squeeze %dma_start3A_1191 : memref<1x16xi32, #tpu.memory_space<vmem>> -> memref<16xi32, #tpu.memory_space<vmem>>
    %dma_start3A_1193 = arith.constant 0 : i32
    %dma_start3A_1194 = arith.constant 0 : i32
    %dma_start3A_1195 = arith.constant 0 : i32
    %dma_start3A_1196 = tpu.memref_slice %arg2[%dma_start3A_1193, %dma_start3A_1194, %dma_start3A_1195] : memref<8192x2x1024xf32, #tpu.memory_space<hbm>> -> memref<8192x2x1024xf32, #tpu.memory_space<hbm>>
    tpu.enqueue_indirect_dma source(%dma_start3A_1196 : memref<8192x2x1024xf32, #tpu.memory_space<hbm>>) target(%arg10 : memref<16x2x1024xf32, #tpu.memory_space<vmem>>) offsets(%dma_start3A_1192 : memref<16xi32, #tpu.memory_space<vmem>>) semaphore(%arg13 : memref<!tpu.dma_semaphore, #tpu.memory_space<semaphore_mem>>)
    %dma_wait3A_1197 = arith.constant 3 : i32
    %dma_wait3A_1198 = arith.constant 0 : i32
    %dma_wait3A_1199 = tpu.memref_slice %arg7[%dma_wait3A_1197, %dma_wait3A_1198] : memref<16x16xi32, #tpu.memory_space<vmem>> -> memref<1x16xi32, #tpu.memory_space<vmem>>
    %dma_wait3A_1200 = tpu.memref_squeeze %dma_wait3A_1199 : memref<1x16xi32, #tpu.memory_space<vmem>> -> memref<16xi32, #tpu.memory_space<vmem>>
    %dma_wait3A_1201 = arith.constant 0 : i32
    %dma_wait3A_1202 = arith.constant 0 : i32
    %dma_wait3A_1203 = arith.constant 0 : i32
    %dma_wait3A_1204 = tpu.memref_slice %arg2[%dma_wait3A_1201, %dma_wait3A_1202, %dma_wait3A_1203] : memref<8192x2x1024xf32, #tpu.memory_space<hbm>> -> memref<8192x2x1024xf32, #tpu.memory_space<hbm>>
    tpu.wait_indirect_dma semaphore(%arg12 : memref<!tpu.dma_semaphore, #tpu.memory_space<semaphore_mem>>) src(%dma_wait3A_1204 : memref<8192x2x1024xf32, #tpu.memory_space<hbm>>) dst(%arg9 : memref<16x2x1024xf32, #tpu.memory_space<vmem>>)
    %dma_start3A_1205 = arith.constant 3 : i32
    %dma_start3A_1206 = tpu.memref_reshape %arg9 : memref<16x2x1024xf32, #tpu.memory_space<vmem>> -> memref<32x1024xf32, #tpu.memory_space<vmem>>
    %dma_start3A_1207 = arith.constant 0 : i32
    %dma_start3A_1208 = tpu.memref_slice %arg8[%dma_start3A_1205, %dma_start3A_1207] : memref<16x32xi32, #tpu.memory_space<vmem>> -> memref<1x32xi32, #tpu.memory_space<vmem>>
    %dma_start3A_1209 = tpu.memref_squeeze %dma_start3A_1208 : memref<1x32xi32, #tpu.memory_space<vmem>> -> memref<32xi32, #tpu.memory_space<vmem>>
    %dma_start3A_1210 = arith.constant 0 : i32
    %dma_start3A_1211 = arith.constant 0 : i32
    %dma_start3A_1212 = tpu.memref_slice %arg5[%dma_start3A_1210, %dma_start3A_1211] : memref<65536x1024xf32, #tpu.memory_space<hbm>> -> memref<65536x1024xf32, #tpu.memory_space<hbm>>
    tpu.enqueue_indirect_dma source(%dma_start3A_1206 : memref<32x1024xf32, #tpu.memory_space<vmem>>) target(%dma_start3A_1212 : memref<65536x1024xf32, #tpu.memory_space<hbm>>) offsets(%dma_start3A_1209 : memref<32xi32, #tpu.memory_space<vmem>>) semaphore(%arg15 : memref<!tpu.dma_semaphore, #tpu.memory_space<semaphore_mem>>)
    %dma_wait3A_1213 = arith.constant 2 : i32
    %dma_wait3A_1214 = tpu.memref_reshape %arg11 : memref<16x2x1024xf32, #tpu.memory_space<vmem>> -> memref<32x1024xf32, #tpu.memory_space<vmem>>
    %dma_wait3A_1215 = arith.constant 0 : i32
    %dma_wait3A_1216 = tpu.memref_slice %arg8[%dma_wait3A_1213, %dma_wait3A_1215] : memref<16x32xi32, #tpu.memory_space<vmem>> -> memref<1x32xi32, #tpu.memory_space<vmem>>
    %dma_wait3A_1217 = tpu.memref_squeeze %dma_wait3A_1216 : memref<1x32xi32, #tpu.memory_space<vmem>> -> memref<32xi32, #tpu.memory_space<vmem>>
    %dma_wait3A_1218 = arith.constant 0 : i32
    %dma_wait3A_1219 = arith.constant 0 : i32
    %dma_wait3A_1220 = tpu.memref_slice %arg5[%dma_wait3A_1218, %dma_wait3A_1219] : memref<65536x1024xf32, #tpu.memory_space<hbm>> -> memref<65536x1024xf32, #tpu.memory_space<hbm>>
    tpu.wait_indirect_dma semaphore(%arg17 : memref<!tpu.dma_semaphore, #tpu.memory_space<semaphore_mem>>) src(%dma_wait3A_1214 : memref<32x1024xf32, #tpu.memory_space<vmem>>) dst(%dma_wait3A_1220 : memref<65536x1024xf32, #tpu.memory_space<hbm>>)
    %dma_start3A_1221 = arith.constant 5 : i32
    %dma_start3A_1222 = arith.constant 0 : i32
    %dma_start3A_1223 = tpu.memref_slice %arg7[%dma_start3A_1221, %dma_start3A_1222] : memref<16x16xi32, #tpu.memory_space<vmem>> -> memref<1x16xi32, #tpu.memory_space<vmem>>
    %dma_start3A_1224 = tpu.memref_squeeze %dma_start3A_1223 : memref<1x16xi32, #tpu.memory_space<vmem>> -> memref<16xi32, #tpu.memory_space<vmem>>
    %dma_start3A_1225 = arith.constant 0 : i32
    %dma_start3A_1226 = arith.constant 0 : i32
    %dma_start3A_1227 = arith.constant 0 : i32
    %dma_start3A_1228 = tpu.memref_slice %arg2[%dma_start3A_1225, %dma_start3A_1226, %dma_start3A_1227] : memref<8192x2x1024xf32, #tpu.memory_space<hbm>> -> memref<8192x2x1024xf32, #tpu.memory_space<hbm>>
    tpu.enqueue_indirect_dma source(%dma_start3A_1228 : memref<8192x2x1024xf32, #tpu.memory_space<hbm>>) target(%arg11 : memref<16x2x1024xf32, #tpu.memory_space<vmem>>) offsets(%dma_start3A_1224 : memref<16xi32, #tpu.memory_space<vmem>>) semaphore(%arg14 : memref<!tpu.dma_semaphore, #tpu.memory_space<semaphore_mem>>)
    %dma_wait3A_1229 = arith.constant 4 : i32
    %dma_wait3A_1230 = arith.constant 0 : i32
    %dma_wait3A_1231 = tpu.memref_slice %arg7[%dma_wait3A_1229, %dma_wait3A_1230] : memref<16x16xi32, #tpu.memory_space<vmem>> -> memref<1x16xi32, #tpu.memory_space<vmem>>
    %dma_wait3A_1232 = tpu.memref_squeeze %dma_wait3A_1231 : memref<1x16xi32, #tpu.memory_space<vmem>> -> memref<16xi32, #tpu.memory_space<vmem>>
    %dma_wait3A_1233 = arith.constant 0 : i32
    %dma_wait3A_1234 = arith.constant 0 : i32
    %dma_wait3A_1235 = arith.constant 0 : i32
    %dma_wait3A_1236 = tpu.memref_slice %arg2[%dma_wait3A_1233, %dma_wait3A_1234, %dma_wait3A_1235] : memref<8192x2x1024xf32, #tpu.memory_space<hbm>> -> memref<8192x2x1024xf32, #tpu.memory_space<hbm>>
    tpu.wait_indirect_dma semaphore(%arg13 : memref<!tpu.dma_semaphore, #tpu.memory_space<semaphore_mem>>) src(%dma_wait3A_1236 : memref<8192x2x1024xf32, #tpu.memory_space<hbm>>) dst(%arg10 : memref<16x2x1024xf32, #tpu.memory_space<vmem>>)
    %dma_start3A_1237 = arith.constant 4 : i32
    %dma_start3A_1238 = tpu.memref_reshape %arg10 : memref<16x2x1024xf32, #tpu.memory_space<vmem>> -> memref<32x1024xf32, #tpu.memory_space<vmem>>
    %dma_start3A_1239 = arith.constant 0 : i32
    %dma_start3A_1240 = tpu.memref_slice %arg8[%dma_start3A_1237, %dma_start3A_1239] : memref<16x32xi32, #tpu.memory_space<vmem>> -> memref<1x32xi32, #tpu.memory_space<vmem>>
    %dma_start3A_1241 = tpu.memref_squeeze %dma_start3A_1240 : memref<1x32xi32, #tpu.memory_space<vmem>> -> memref<32xi32, #tpu.memory_space<vmem>>
    %dma_start3A_1242 = arith.constant 0 : i32
    %dma_start3A_1243 = arith.constant 0 : i32
    %dma_start3A_1244 = tpu.memref_slice %arg5[%dma_start3A_1242, %dma_start3A_1243] : memref<65536x1024xf32, #tpu.memory_space<hbm>> -> memref<65536x1024xf32, #tpu.memory_space<hbm>>
    tpu.enqueue_indirect_dma source(%dma_start3A_1238 : memref<32x1024xf32, #tpu.memory_space<vmem>>) target(%dma_start3A_1244 : memref<65536x1024xf32, #tpu.memory_space<hbm>>) offsets(%dma_start3A_1241 : memref<32xi32, #tpu.memory_space<vmem>>) semaphore(%arg16 : memref<!tpu.dma_semaphore, #tpu.memory_space<semaphore_mem>>)
    %dma_wait3A_1245 = arith.constant 3 : i32
    %dma_wait3A_1246 = tpu.memref_reshape %arg9 : memref<16x2x1024xf32, #tpu.memory_space<vmem>> -> memref<32x1024xf32, #tpu.memory_space<vmem>>
    %dma_wait3A_1247 = arith.constant 0 : i32
    %dma_wait3A_1248 = tpu.memref_slice %arg8[%dma_wait3A_1245, %dma_wait3A_1247] : memref<16x32xi32, #tpu.memory_space<vmem>> -> memref<1x32xi32, #tpu.memory_space<vmem>>
    %dma_wait3A_1249 = tpu.memref_squeeze %dma_wait3A_1248 : memref<1x32xi32, #tpu.memory_space<vmem>> -> memref<32xi32, #tpu.memory_space<vmem>>
    %dma_wait3A_1250 = arith.constant 0 : i32
    %dma_wait3A_1251 = arith.constant 0 : i32
    %dma_wait3A_1252 = tpu.memref_slice %arg5[%dma_wait3A_1250, %dma_wait3A_1251] : memref<65536x1024xf32, #tpu.memory_space<hbm>> -> memref<65536x1024xf32, #tpu.memory_space<hbm>>
    tpu.wait_indirect_dma semaphore(%arg15 : memref<!tpu.dma_semaphore, #tpu.memory_space<semaphore_mem>>) src(%dma_wait3A_1246 : memref<32x1024xf32, #tpu.memory_space<vmem>>) dst(%dma_wait3A_1252 : memref<65536x1024xf32, #tpu.memory_space<hbm>>)
    %dma_start3A_1253 = arith.constant 6 : i32
    %dma_start3A_1254 = arith.constant 0 : i32
    %dma_start3A_1255 = tpu.memref_slice %arg7[%dma_start3A_1253, %dma_start3A_1254] : memref<16x16xi32, #tpu.memory_space<vmem>> -> memref<1x16xi32, #tpu.memory_space<vmem>>
    %dma_start3A_1256 = tpu.memref_squeeze %dma_start3A_1255 : memref<1x16xi32, #tpu.memory_space<vmem>> -> memref<16xi32, #tpu.memory_space<vmem>>
    %dma_start3A_1257 = arith.constant 0 : i32
    %dma_start3A_1258 = arith.constant 0 : i32
    %dma_start3A_1259 = arith.constant 0 : i32
    %dma_start3A_1260 = tpu.memref_slice %arg2[%dma_start3A_1257, %dma_start3A_1258, %dma_start3A_1259] : memref<8192x2x1024xf32, #tpu.memory_space<hbm>> -> memref<8192x2x1024xf32, #tpu.memory_space<hbm>>
    tpu.enqueue_indirect_dma source(%dma_start3A_1260 : memref<8192x2x1024xf32, #tpu.memory_space<hbm>>) target(%arg9 : memref<16x2x1024xf32, #tpu.memory_space<vmem>>) offsets(%dma_start3A_1256 : memref<16xi32, #tpu.memory_space<vmem>>) semaphore(%arg12 : memref<!tpu.dma_semaphore, #tpu.memory_space<semaphore_mem>>)
    %dma_wait3A_1261 = arith.constant 5 : i32
    %dma_wait3A_1262 = arith.constant 0 : i32
    %dma_wait3A_1263 = tpu.memref_slice %arg7[%dma_wait3A_1261, %dma_wait3A_1262] : memref<16x16xi32, #tpu.memory_space<vmem>> -> memref<1x16xi32, #tpu.memory_space<vmem>>
    %dma_wait3A_1264 = tpu.memref_squeeze %dma_wait3A_1263 : memref<1x16xi32, #tpu.memory_space<vmem>> -> memref<16xi32, #tpu.memory_space<vmem>>
    %dma_wait3A_1265 = arith.constant 0 : i32
    %dma_wait3A_1266 = arith.constant 0 : i32
    %dma_wait3A_1267 = arith.constant 0 : i32
    %dma_wait3A_1268 = tpu.memref_slice %arg2[%dma_wait3A_1265, %dma_wait3A_1266, %dma_wait3A_1267] : memref<8192x2x1024xf32, #tpu.memory_space<hbm>> -> memref<8192x2x1024xf32, #tpu.memory_space<hbm>>
    tpu.wait_indirect_dma semaphore(%arg14 : memref<!tpu.dma_semaphore, #tpu.memory_space<semaphore_mem>>) src(%dma_wait3A_1268 : memref<8192x2x1024xf32, #tpu.memory_space<hbm>>) dst(%arg11 : memref<16x2x1024xf32, #tpu.memory_space<vmem>>)
    %dma_start3A_1269 = arith.constant 5 : i32
    %dma_start3A_1270 = tpu.memref_reshape %arg11 : memref<16x2x1024xf32, #tpu.memory_space<vmem>> -> memref<32x1024xf32, #tpu.memory_space<vmem>>
    %dma_start3A_1271 = arith.constant 0 : i32
    %dma_start3A_1272 = tpu.memref_slice %arg8[%dma_start3A_1269, %dma_start3A_1271] : memref<16x32xi32, #tpu.memory_space<vmem>> -> memref<1x32xi32, #tpu.memory_space<vmem>>
    %dma_start3A_1273 = tpu.memref_squeeze %dma_start3A_1272 : memref<1x32xi32, #tpu.memory_space<vmem>> -> memref<32xi32, #tpu.memory_space<vmem>>
    %dma_start3A_1274 = arith.constant 0 : i32
    %dma_start3A_1275 = arith.constant 0 : i32
    %dma_start3A_1276 = tpu.memref_slice %arg5[%dma_start3A_1274, %dma_start3A_1275] : memref<65536x1024xf32, #tpu.memory_space<hbm>> -> memref<65536x1024xf32, #tpu.memory_space<hbm>>
    tpu.enqueue_indirect_dma source(%dma_start3A_1270 : memref<32x1024xf32, #tpu.memory_space<vmem>>) target(%dma_start3A_1276 : memref<65536x1024xf32, #tpu.memory_space<hbm>>) offsets(%dma_start3A_1273 : memref<32xi32, #tpu.memory_space<vmem>>) semaphore(%arg17 : memref<!tpu.dma_semaphore, #tpu.memory_space<semaphore_mem>>)
    %dma_wait3A_1277 = arith.constant 4 : i32
    %dma_wait3A_1278 = tpu.memref_reshape %arg10 : memref<16x2x1024xf32, #tpu.memory_space<vmem>> -> memref<32x1024xf32, #tpu.memory_space<vmem>>
    %dma_wait3A_1279 = arith.constant 0 : i32
    %dma_wait3A_1280 = tpu.memref_slice %arg8[%dma_wait3A_1277, %dma_wait3A_1279] : memref<16x32xi32, #tpu.memory_space<vmem>> -> memref<1x32xi32, #tpu.memory_space<vmem>>
    %dma_wait3A_1281 = tpu.memref_squeeze %dma_wait3A_1280 : memref<1x32xi32, #tpu.memory_space<vmem>> -> memref<32xi32, #tpu.memory_space<vmem>>
    %dma_wait3A_1282 = arith.constant 0 : i32
    %dma_wait3A_1283 = arith.constant 0 : i32
    %dma_wait3A_1284 = tpu.memref_slice %arg5[%dma_wait3A_1282, %dma_wait3A_1283] : memref<65536x1024xf32, #tpu.memory_space<hbm>> -> memref<65536x1024xf32, #tpu.memory_space<hbm>>
    tpu.wait_indirect_dma semaphore(%arg16 : memref<!tpu.dma_semaphore, #tpu.memory_space<semaphore_mem>>) src(%dma_wait3A_1278 : memref<32x1024xf32, #tpu.memory_space<vmem>>) dst(%dma_wait3A_1284 : memref<65536x1024xf32, #tpu.memory_space<hbm>>)
    %dma_start3A_1285 = arith.constant 7 : i32
    %dma_start3A_1286 = arith.constant 0 : i32
    %dma_start3A_1287 = tpu.memref_slice %arg7[%dma_start3A_1285, %dma_start3A_1286] : memref<16x16xi32, #tpu.memory_space<vmem>> -> memref<1x16xi32, #tpu.memory_space<vmem>>
    %dma_start3A_1288 = tpu.memref_squeeze %dma_start3A_1287 : memref<1x16xi32, #tpu.memory_space<vmem>> -> memref<16xi32, #tpu.memory_space<vmem>>
    %dma_start3A_1289 = arith.constant 0 : i32
    %dma_start3A_1290 = arith.constant 0 : i32
    %dma_start3A_1291 = arith.constant 0 : i32
    %dma_start3A_1292 = tpu.memref_slice %arg2[%dma_start3A_1289, %dma_start3A_1290, %dma_start3A_1291] : memref<8192x2x1024xf32, #tpu.memory_space<hbm>> -> memref<8192x2x1024xf32, #tpu.memory_space<hbm>>
    tpu.enqueue_indirect_dma source(%dma_start3A_1292 : memref<8192x2x1024xf32, #tpu.memory_space<hbm>>) target(%arg10 : memref<16x2x1024xf32, #tpu.memory_space<vmem>>) offsets(%dma_start3A_1288 : memref<16xi32, #tpu.memory_space<vmem>>) semaphore(%arg13 : memref<!tpu.dma_semaphore, #tpu.memory_space<semaphore_mem>>)
    %dma_wait3A_1293 = arith.constant 6 : i32
    %dma_wait3A_1294 = arith.constant 0 : i32
    %dma_wait3A_1295 = tpu.memref_slice %arg7[%dma_wait3A_1293, %dma_wait3A_1294] : memref<16x16xi32, #tpu.memory_space<vmem>> -> memref<1x16xi32, #tpu.memory_space<vmem>>
    %dma_wait3A_1296 = tpu.memref_squeeze %dma_wait3A_1295 : memref<1x16xi32, #tpu.memory_space<vmem>> -> memref<16xi32, #tpu.memory_space<vmem>>
    %dma_wait3A_1297 = arith.constant 0 : i32
    %dma_wait3A_1298 = arith.constant 0 : i32
    %dma_wait3A_1299 = arith.constant 0 : i32
    %dma_wait3A_1300 = tpu.memref_slice %arg2[%dma_wait3A_1297, %dma_wait3A_1298, %dma_wait3A_1299] : memref<8192x2x1024xf32, #tpu.memory_space<hbm>> -> memref<8192x2x1024xf32, #tpu.memory_space<hbm>>
    tpu.wait_indirect_dma semaphore(%arg12 : memref<!tpu.dma_semaphore, #tpu.memory_space<semaphore_mem>>) src(%dma_wait3A_1300 : memref<8192x2x1024xf32, #tpu.memory_space<hbm>>) dst(%arg9 : memref<16x2x1024xf32, #tpu.memory_space<vmem>>)
    %dma_start3A_1301 = arith.constant 6 : i32
    %dma_start3A_1302 = tpu.memref_reshape %arg9 : memref<16x2x1024xf32, #tpu.memory_space<vmem>> -> memref<32x1024xf32, #tpu.memory_space<vmem>>
    %dma_start3A_1303 = arith.constant 0 : i32
    %dma_start3A_1304 = tpu.memref_slice %arg8[%dma_start3A_1301, %dma_start3A_1303] : memref<16x32xi32, #tpu.memory_space<vmem>> -> memref<1x32xi32, #tpu.memory_space<vmem>>
    %dma_start3A_1305 = tpu.memref_squeeze %dma_start3A_1304 : memref<1x32xi32, #tpu.memory_space<vmem>> -> memref<32xi32, #tpu.memory_space<vmem>>
    %dma_start3A_1306 = arith.constant 0 : i32
    %dma_start3A_1307 = arith.constant 0 : i32
    %dma_start3A_1308 = tpu.memref_slice %arg5[%dma_start3A_1306, %dma_start3A_1307] : memref<65536x1024xf32, #tpu.memory_space<hbm>> -> memref<65536x1024xf32, #tpu.memory_space<hbm>>
    tpu.enqueue_indirect_dma source(%dma_start3A_1302 : memref<32x1024xf32, #tpu.memory_space<vmem>>) target(%dma_start3A_1308 : memref<65536x1024xf32, #tpu.memory_space<hbm>>) offsets(%dma_start3A_1305 : memref<32xi32, #tpu.memory_space<vmem>>) semaphore(%arg15 : memref<!tpu.dma_semaphore, #tpu.memory_space<semaphore_mem>>)
    %dma_wait3A_1309 = arith.constant 5 : i32
    %dma_wait3A_1310 = tpu.memref_reshape %arg11 : memref<16x2x1024xf32, #tpu.memory_space<vmem>> -> memref<32x1024xf32, #tpu.memory_space<vmem>>
    %dma_wait3A_1311 = arith.constant 0 : i32
    %dma_wait3A_1312 = tpu.memref_slice %arg8[%dma_wait3A_1309, %dma_wait3A_1311] : memref<16x32xi32, #tpu.memory_space<vmem>> -> memref<1x32xi32, #tpu.memory_space<vmem>>
    %dma_wait3A_1313 = tpu.memref_squeeze %dma_wait3A_1312 : memref<1x32xi32, #tpu.memory_space<vmem>> -> memref<32xi32, #tpu.memory_space<vmem>>
    %dma_wait3A_1314 = arith.constant 0 : i32
    %dma_wait3A_1315 = arith.constant 0 : i32
    %dma_wait3A_1316 = tpu.memref_slice %arg5[%dma_wait3A_1314, %dma_wait3A_1315] : memref<65536x1024xf32, #tpu.memory_space<hbm>> -> memref<65536x1024xf32, #tpu.memory_space<hbm>>
    tpu.wait_indirect_dma semaphore(%arg17 : memref<!tpu.dma_semaphore, #tpu.memory_space<semaphore_mem>>) src(%dma_wait3A_1310 : memref<32x1024xf32, #tpu.memory_space<vmem>>) dst(%dma_wait3A_1316 : memref<65536x1024xf32, #tpu.memory_space<hbm>>)
    %dma_start3A_1317 = arith.constant 8 : i32
    %dma_start3A_1318 = arith.constant 0 : i32
    %dma_start3A_1319 = tpu.memref_slice %arg7[%dma_start3A_1317, %dma_start3A_1318] : memref<16x16xi32, #tpu.memory_space<vmem>> -> memref<1x16xi32, #tpu.memory_space<vmem>>
    %dma_start3A_1320 = tpu.memref_squeeze %dma_start3A_1319 : memref<1x16xi32, #tpu.memory_space<vmem>> -> memref<16xi32, #tpu.memory_space<vmem>>
    %dma_start3A_1321 = arith.constant 0 : i32
    %dma_start3A_1322 = arith.constant 0 : i32
    %dma_start3A_1323 = arith.constant 0 : i32
    %dma_start3A_1324 = tpu.memref_slice %arg2[%dma_start3A_1321, %dma_start3A_1322, %dma_start3A_1323] : memref<8192x2x1024xf32, #tpu.memory_space<hbm>> -> memref<8192x2x1024xf32, #tpu.memory_space<hbm>>
    tpu.enqueue_indirect_dma source(%dma_start3A_1324 : memref<8192x2x1024xf32, #tpu.memory_space<hbm>>) target(%arg11 : memref<16x2x1024xf32, #tpu.memory_space<vmem>>) offsets(%dma_start3A_1320 : memref<16xi32, #tpu.memory_space<vmem>>) semaphore(%arg14 : memref<!tpu.dma_semaphore, #tpu.memory_space<semaphore_mem>>)
    %dma_wait3A_1325 = arith.constant 7 : i32
    %dma_wait3A_1326 = arith.constant 0 : i32
    %dma_wait3A_1327 = tpu.memref_slice %arg7[%dma_wait3A_1325, %dma_wait3A_1326] : memref<16x16xi32, #tpu.memory_space<vmem>> -> memref<1x16xi32, #tpu.memory_space<vmem>>
    %dma_wait3A_1328 = tpu.memref_squeeze %dma_wait3A_1327 : memref<1x16xi32, #tpu.memory_space<vmem>> -> memref<16xi32, #tpu.memory_space<vmem>>
    %dma_wait3A_1329 = arith.constant 0 : i32
    %dma_wait3A_1330 = arith.constant 0 : i32
    %dma_wait3A_1331 = arith.constant 0 : i32
    %dma_wait3A_1332 = tpu.memref_slice %arg2[%dma_wait3A_1329, %dma_wait3A_1330, %dma_wait3A_1331] : memref<8192x2x1024xf32, #tpu.memory_space<hbm>> -> memref<8192x2x1024xf32, #tpu.memory_space<hbm>>
    tpu.wait_indirect_dma semaphore(%arg13 : memref<!tpu.dma_semaphore, #tpu.memory_space<semaphore_mem>>) src(%dma_wait3A_1332 : memref<8192x2x1024xf32, #tpu.memory_space<hbm>>) dst(%arg10 : memref<16x2x1024xf32, #tpu.memory_space<vmem>>)
    %dma_start3A_1333 = arith.constant 7 : i32
    %dma_start3A_1334 = tpu.memref_reshape %arg10 : memref<16x2x1024xf32, #tpu.memory_space<vmem>> -> memref<32x1024xf32, #tpu.memory_space<vmem>>
    %dma_start3A_1335 = arith.constant 0 : i32
    %dma_start3A_1336 = tpu.memref_slice %arg8[%dma_start3A_1333, %dma_start3A_1335] : memref<16x32xi32, #tpu.memory_space<vmem>> -> memref<1x32xi32, #tpu.memory_space<vmem>>
    %dma_start3A_1337 = tpu.memref_squeeze %dma_start3A_1336 : memref<1x32xi32, #tpu.memory_space<vmem>> -> memref<32xi32, #tpu.memory_space<vmem>>
    %dma_start3A_1338 = arith.constant 0 : i32
    %dma_start3A_1339 = arith.constant 0 : i32
    %dma_start3A_1340 = tpu.memref_slice %arg5[%dma_start3A_1338, %dma_start3A_1339] : memref<65536x1024xf32, #tpu.memory_space<hbm>> -> memref<65536x1024xf32, #tpu.memory_space<hbm>>
    tpu.enqueue_indirect_dma source(%dma_start3A_1334 : memref<32x1024xf32, #tpu.memory_space<vmem>>) target(%dma_start3A_1340 : memref<65536x1024xf32, #tpu.memory_space<hbm>>) offsets(%dma_start3A_1337 : memref<32xi32, #tpu.memory_space<vmem>>) semaphore(%arg16 : memref<!tpu.dma_semaphore, #tpu.memory_space<semaphore_mem>>)
    %dma_wait3A_1341 = arith.constant 6 : i32
    %dma_wait3A_1342 = tpu.memref_reshape %arg9 : memref<16x2x1024xf32, #tpu.memory_space<vmem>> -> memref<32x1024xf32, #tpu.memory_space<vmem>>
    %dma_wait3A_1343 = arith.constant 0 : i32
    %dma_wait3A_1344 = tpu.memref_slice %arg8[%dma_wait3A_1341, %dma_wait3A_1343] : memref<16x32xi32, #tpu.memory_space<vmem>> -> memref<1x32xi32, #tpu.memory_space<vmem>>
    %dma_wait3A_1345 = tpu.memref_squeeze %dma_wait3A_1344 : memref<1x32xi32, #tpu.memory_space<vmem>> -> memref<32xi32, #tpu.memory_space<vmem>>
    %dma_wait3A_1346 = arith.constant 0 : i32
    %dma_wait3A_1347 = arith.constant 0 : i32
    %dma_wait3A_1348 = tpu.memref_slice %arg5[%dma_wait3A_1346, %dma_wait3A_1347] : memref<65536x1024xf32, #tpu.memory_space<hbm>> -> memref<65536x1024xf32, #tpu.memory_space<hbm>>
    tpu.wait_indirect_dma semaphore(%arg15 : memref<!tpu.dma_semaphore, #tpu.memory_space<semaphore_mem>>) src(%dma_wait3A_1342 : memref<32x1024xf32, #tpu.memory_space<vmem>>) dst(%dma_wait3A_1348 : memref<65536x1024xf32, #tpu.memory_space<hbm>>)
    %dma_start3A_1349 = arith.constant 9 : i32
    %dma_start3A_1350 = arith.constant 0 : i32
    %dma_start3A_1351 = tpu.memref_slice %arg7[%dma_start3A_1349, %dma_start3A_1350] : memref<16x16xi32, #tpu.memory_space<vmem>> -> memref<1x16xi32, #tpu.memory_space<vmem>>
    %dma_start3A_1352 = tpu.memref_squeeze %dma_start3A_1351 : memref<1x16xi32, #tpu.memory_space<vmem>> -> memref<16xi32, #tpu.memory_space<vmem>>
    %dma_start3A_1353 = arith.constant 0 : i32
    %dma_start3A_1354 = arith.constant 0 : i32
    %dma_start3A_1355 = arith.constant 0 : i32
    %dma_start3A_1356 = tpu.memref_slice %arg2[%dma_start3A_1353, %dma_start3A_1354, %dma_start3A_1355] : memref<8192x2x1024xf32, #tpu.memory_space<hbm>> -> memref<8192x2x1024xf32, #tpu.memory_space<hbm>>
    tpu.enqueue_indirect_dma source(%dma_start3A_1356 : memref<8192x2x1024xf32, #tpu.memory_space<hbm>>) target(%arg9 : memref<16x2x1024xf32, #tpu.memory_space<vmem>>) offsets(%dma_start3A_1352 : memref<16xi32, #tpu.memory_space<vmem>>) semaphore(%arg12 : memref<!tpu.dma_semaphore, #tpu.memory_space<semaphore_mem>>)
    %dma_wait3A_1357 = arith.constant 8 : i32
    %dma_wait3A_1358 = arith.constant 0 : i32
    %dma_wait3A_1359 = tpu.memref_slice %arg7[%dma_wait3A_1357, %dma_wait3A_1358] : memref<16x16xi32, #tpu.memory_space<vmem>> -> memref<1x16xi32, #tpu.memory_space<vmem>>
    %dma_wait3A_1360 = tpu.memref_squeeze %dma_wait3A_1359 : memref<1x16xi32, #tpu.memory_space<vmem>> -> memref<16xi32, #tpu.memory_space<vmem>>
    %dma_wait3A_1361 = arith.constant 0 : i32
    %dma_wait3A_1362 = arith.constant 0 : i32
    %dma_wait3A_1363 = arith.constant 0 : i32
    %dma_wait3A_1364 = tpu.memref_slice %arg2[%dma_wait3A_1361, %dma_wait3A_1362, %dma_wait3A_1363] : memref<8192x2x1024xf32, #tpu.memory_space<hbm>> -> memref<8192x2x1024xf32, #tpu.memory_space<hbm>>
    tpu.wait_indirect_dma semaphore(%arg14 : memref<!tpu.dma_semaphore, #tpu.memory_space<semaphore_mem>>) src(%dma_wait3A_1364 : memref<8192x2x1024xf32, #tpu.memory_space<hbm>>) dst(%arg11 : memref<16x2x1024xf32, #tpu.memory_space<vmem>>)
    %dma_start3A_1365 = arith.constant 8 : i32
    %dma_start3A_1366 = tpu.memref_reshape %arg11 : memref<16x2x1024xf32, #tpu.memory_space<vmem>> -> memref<32x1024xf32, #tpu.memory_space<vmem>>
    %dma_start3A_1367 = arith.constant 0 : i32
    %dma_start3A_1368 = tpu.memref_slice %arg8[%dma_start3A_1365, %dma_start3A_1367] : memref<16x32xi32, #tpu.memory_space<vmem>> -> memref<1x32xi32, #tpu.memory_space<vmem>>
    %dma_start3A_1369 = tpu.memref_squeeze %dma_start3A_1368 : memref<1x32xi32, #tpu.memory_space<vmem>> -> memref<32xi32, #tpu.memory_space<vmem>>
    %dma_start3A_1370 = arith.constant 0 : i32
    %dma_start3A_1371 = arith.constant 0 : i32
    %dma_start3A_1372 = tpu.memref_slice %arg5[%dma_start3A_1370, %dma_start3A_1371] : memref<65536x1024xf32, #tpu.memory_space<hbm>> -> memref<65536x1024xf32, #tpu.memory_space<hbm>>
    tpu.enqueue_indirect_dma source(%dma_start3A_1366 : memref<32x1024xf32, #tpu.memory_space<vmem>>) target(%dma_start3A_1372 : memref<65536x1024xf32, #tpu.memory_space<hbm>>) offsets(%dma_start3A_1369 : memref<32xi32, #tpu.memory_space<vmem>>) semaphore(%arg17 : memref<!tpu.dma_semaphore, #tpu.memory_space<semaphore_mem>>)
    %dma_wait3A_1373 = arith.constant 7 : i32
    %dma_wait3A_1374 = tpu.memref_reshape %arg10 : memref<16x2x1024xf32, #tpu.memory_space<vmem>> -> memref<32x1024xf32, #tpu.memory_space<vmem>>
    %dma_wait3A_1375 = arith.constant 0 : i32
    %dma_wait3A_1376 = tpu.memref_slice %arg8[%dma_wait3A_1373, %dma_wait3A_1375] : memref<16x32xi32, #tpu.memory_space<vmem>> -> memref<1x32xi32, #tpu.memory_space<vmem>>
    %dma_wait3A_1377 = tpu.memref_squeeze %dma_wait3A_1376 : memref<1x32xi32, #tpu.memory_space<vmem>> -> memref<32xi32, #tpu.memory_space<vmem>>
    %dma_wait3A_1378 = arith.constant 0 : i32
    %dma_wait3A_1379 = arith.constant 0 : i32
    %dma_wait3A_1380 = tpu.memref_slice %arg5[%dma_wait3A_1378, %dma_wait3A_1379] : memref<65536x1024xf32, #tpu.memory_space<hbm>> -> memref<65536x1024xf32, #tpu.memory_space<hbm>>
    tpu.wait_indirect_dma semaphore(%arg16 : memref<!tpu.dma_semaphore, #tpu.memory_space<semaphore_mem>>) src(%dma_wait3A_1374 : memref<32x1024xf32, #tpu.memory_space<vmem>>) dst(%dma_wait3A_1380 : memref<65536x1024xf32, #tpu.memory_space<hbm>>)
    %dma_start3A_1381 = arith.constant 10 : i32
    %dma_start3A_1382 = arith.constant 0 : i32
    %dma_start3A_1383 = tpu.memref_slice %arg7[%dma_start3A_1381, %dma_start3A_1382] : memref<16x16xi32, #tpu.memory_space<vmem>> -> memref<1x16xi32, #tpu.memory_space<vmem>>
    %dma_start3A_1384 = tpu.memref_squeeze %dma_start3A_1383 : memref<1x16xi32, #tpu.memory_space<vmem>> -> memref<16xi32, #tpu.memory_space<vmem>>
    %dma_start3A_1385 = arith.constant 0 : i32
    %dma_start3A_1386 = arith.constant 0 : i32
    %dma_start3A_1387 = arith.constant 0 : i32
    %dma_start3A_1388 = tpu.memref_slice %arg2[%dma_start3A_1385, %dma_start3A_1386, %dma_start3A_1387] : memref<8192x2x1024xf32, #tpu.memory_space<hbm>> -> memref<8192x2x1024xf32, #tpu.memory_space<hbm>>
    tpu.enqueue_indirect_dma source(%dma_start3A_1388 : memref<8192x2x1024xf32, #tpu.memory_space<hbm>>) target(%arg10 : memref<16x2x1024xf32, #tpu.memory_space<vmem>>) offsets(%dma_start3A_1384 : memref<16xi32, #tpu.memory_space<vmem>>) semaphore(%arg13 : memref<!tpu.dma_semaphore, #tpu.memory_space<semaphore_mem>>)
    %dma_wait3A_1389 = arith.constant 9 : i32
    %dma_wait3A_1390 = arith.constant 0 : i32
    %dma_wait3A_1391 = tpu.memref_slice %arg7[%dma_wait3A_1389, %dma_wait3A_1390] : memref<16x16xi32, #tpu.memory_space<vmem>> -> memref<1x16xi32, #tpu.memory_space<vmem>>
    %dma_wait3A_1392 = tpu.memref_squeeze %dma_wait3A_1391 : memref<1x16xi32, #tpu.memory_space<vmem>> -> memref<16xi32, #tpu.memory_space<vmem>>
    %dma_wait3A_1393 = arith.constant 0 : i32
    %dma_wait3A_1394 = arith.constant 0 : i32
    %dma_wait3A_1395 = arith.constant 0 : i32
    %dma_wait3A_1396 = tpu.memref_slice %arg2[%dma_wait3A_1393, %dma_wait3A_1394, %dma_wait3A_1395] : memref<8192x2x1024xf32, #tpu.memory_space<hbm>> -> memref<8192x2x1024xf32, #tpu.memory_space<hbm>>
    tpu.wait_indirect_dma semaphore(%arg12 : memref<!tpu.dma_semaphore, #tpu.memory_space<semaphore_mem>>) src(%dma_wait3A_1396 : memref<8192x2x1024xf32, #tpu.memory_space<hbm>>) dst(%arg9 : memref<16x2x1024xf32, #tpu.memory_space<vmem>>)
    %dma_start3A_1397 = arith.constant 9 : i32
    %dma_start3A_1398 = tpu.memref_reshape %arg9 : memref<16x2x1024xf32, #tpu.memory_space<vmem>> -> memref<32x1024xf32, #tpu.memory_space<vmem>>
    %dma_start3A_1399 = arith.constant 0 : i32
    %dma_start3A_1400 = tpu.memref_slice %arg8[%dma_start3A_1397, %dma_start3A_1399] : memref<16x32xi32, #tpu.memory_space<vmem>> -> memref<1x32xi32, #tpu.memory_space<vmem>>
    %dma_start3A_1401 = tpu.memref_squeeze %dma_start3A_1400 : memref<1x32xi32, #tpu.memory_space<vmem>> -> memref<32xi32, #tpu.memory_space<vmem>>
    %dma_start3A_1402 = arith.constant 0 : i32
    %dma_start3A_1403 = arith.constant 0 : i32
    %dma_start3A_1404 = tpu.memref_slice %arg5[%dma_start3A_1402, %dma_start3A_1403] : memref<65536x1024xf32, #tpu.memory_space<hbm>> -> memref<65536x1024xf32, #tpu.memory_space<hbm>>
    tpu.enqueue_indirect_dma source(%dma_start3A_1398 : memref<32x1024xf32, #tpu.memory_space<vmem>>) target(%dma_start3A_1404 : memref<65536x1024xf32, #tpu.memory_space<hbm>>) offsets(%dma_start3A_1401 : memref<32xi32, #tpu.memory_space<vmem>>) semaphore(%arg15 : memref<!tpu.dma_semaphore, #tpu.memory_space<semaphore_mem>>)
    %dma_wait3A_1405 = arith.constant 8 : i32
    %dma_wait3A_1406 = tpu.memref_reshape %arg11 : memref<16x2x1024xf32, #tpu.memory_space<vmem>> -> memref<32x1024xf32, #tpu.memory_space<vmem>>
    %dma_wait3A_1407 = arith.constant 0 : i32
    %dma_wait3A_1408 = tpu.memref_slice %arg8[%dma_wait3A_1405, %dma_wait3A_1407] : memref<16x32xi32, #tpu.memory_space<vmem>> -> memref<1x32xi32, #tpu.memory_space<vmem>>
    %dma_wait3A_1409 = tpu.memref_squeeze %dma_wait3A_1408 : memref<1x32xi32, #tpu.memory_space<vmem>> -> memref<32xi32, #tpu.memory_space<vmem>>
    %dma_wait3A_1410 = arith.constant 0 : i32
    %dma_wait3A_1411 = arith.constant 0 : i32
    %dma_wait3A_1412 = tpu.memref_slice %arg5[%dma_wait3A_1410, %dma_wait3A_1411] : memref<65536x1024xf32, #tpu.memory_space<hbm>> -> memref<65536x1024xf32, #tpu.memory_space<hbm>>
    tpu.wait_indirect_dma semaphore(%arg17 : memref<!tpu.dma_semaphore, #tpu.memory_space<semaphore_mem>>) src(%dma_wait3A_1406 : memref<32x1024xf32, #tpu.memory_space<vmem>>) dst(%dma_wait3A_1412 : memref<65536x1024xf32, #tpu.memory_space<hbm>>)
    %dma_start3A_1413 = arith.constant 11 : i32
    %dma_start3A_1414 = arith.constant 0 : i32
    %dma_start3A_1415 = tpu.memref_slice %arg7[%dma_start3A_1413, %dma_start3A_1414] : memref<16x16xi32, #tpu.memory_space<vmem>> -> memref<1x16xi32, #tpu.memory_space<vmem>>
    %dma_start3A_1416 = tpu.memref_squeeze %dma_start3A_1415 : memref<1x16xi32, #tpu.memory_space<vmem>> -> memref<16xi32, #tpu.memory_space<vmem>>
    %dma_start3A_1417 = arith.constant 0 : i32
    %dma_start3A_1418 = arith.constant 0 : i32
    %dma_start3A_1419 = arith.constant 0 : i32
    %dma_start3A_1420 = tpu.memref_slice %arg2[%dma_start3A_1417, %dma_start3A_1418, %dma_start3A_1419] : memref<8192x2x1024xf32, #tpu.memory_space<hbm>> -> memref<8192x2x1024xf32, #tpu.memory_space<hbm>>
    tpu.enqueue_indirect_dma source(%dma_start3A_1420 : memref<8192x2x1024xf32, #tpu.memory_space<hbm>>) target(%arg11 : memref<16x2x1024xf32, #tpu.memory_space<vmem>>) offsets(%dma_start3A_1416 : memref<16xi32, #tpu.memory_space<vmem>>) semaphore(%arg14 : memref<!tpu.dma_semaphore, #tpu.memory_space<semaphore_mem>>)
    %dma_wait3A_1421 = arith.constant 10 : i32
    %dma_wait3A_1422 = arith.constant 0 : i32
    %dma_wait3A_1423 = tpu.memref_slice %arg7[%dma_wait3A_1421, %dma_wait3A_1422] : memref<16x16xi32, #tpu.memory_space<vmem>> -> memref<1x16xi32, #tpu.memory_space<vmem>>
    %dma_wait3A_1424 = tpu.memref_squeeze %dma_wait3A_1423 : memref<1x16xi32, #tpu.memory_space<vmem>> -> memref<16xi32, #tpu.memory_space<vmem>>
    %dma_wait3A_1425 = arith.constant 0 : i32
    %dma_wait3A_1426 = arith.constant 0 : i32
    %dma_wait3A_1427 = arith.constant 0 : i32
    %dma_wait3A_1428 = tpu.memref_slice %arg2[%dma_wait3A_1425, %dma_wait3A_1426, %dma_wait3A_1427] : memref<8192x2x1024xf32, #tpu.memory_space<hbm>> -> memref<8192x2x1024xf32, #tpu.memory_space<hbm>>
    tpu.wait_indirect_dma semaphore(%arg13 : memref<!tpu.dma_semaphore, #tpu.memory_space<semaphore_mem>>) src(%dma_wait3A_1428 : memref<8192x2x1024xf32, #tpu.memory_space<hbm>>) dst(%arg10 : memref<16x2x1024xf32, #tpu.memory_space<vmem>>)
    %dma_start3A_1429 = arith.constant 10 : i32
    %dma_start3A_1430 = tpu.memref_reshape %arg10 : memref<16x2x1024xf32, #tpu.memory_space<vmem>> -> memref<32x1024xf32, #tpu.memory_space<vmem>>
    %dma_start3A_1431 = arith.constant 0 : i32
    %dma_start3A_1432 = tpu.memref_slice %arg8[%dma_start3A_1429, %dma_start3A_1431] : memref<16x32xi32, #tpu.memory_space<vmem>> -> memref<1x32xi32, #tpu.memory_space<vmem>>
    %dma_start3A_1433 = tpu.memref_squeeze %dma_start3A_1432 : memref<1x32xi32, #tpu.memory_space<vmem>> -> memref<32xi32, #tpu.memory_space<vmem>>
    %dma_start3A_1434 = arith.constant 0 : i32
    %dma_start3A_1435 = arith.constant 0 : i32
    %dma_start3A_1436 = tpu.memref_slice %arg5[%dma_start3A_1434, %dma_start3A_1435] : memref<65536x1024xf32, #tpu.memory_space<hbm>> -> memref<65536x1024xf32, #tpu.memory_space<hbm>>
    tpu.enqueue_indirect_dma source(%dma_start3A_1430 : memref<32x1024xf32, #tpu.memory_space<vmem>>) target(%dma_start3A_1436 : memref<65536x1024xf32, #tpu.memory_space<hbm>>) offsets(%dma_start3A_1433 : memref<32xi32, #tpu.memory_space<vmem>>) semaphore(%arg16 : memref<!tpu.dma_semaphore, #tpu.memory_space<semaphore_mem>>)
    %dma_wait3A_1437 = arith.constant 9 : i32
    %dma_wait3A_1438 = tpu.memref_reshape %arg9 : memref<16x2x1024xf32, #tpu.memory_space<vmem>> -> memref<32x1024xf32, #tpu.memory_space<vmem>>
    %dma_wait3A_1439 = arith.constant 0 : i32
    %dma_wait3A_1440 = tpu.memref_slice %arg8[%dma_wait3A_1437, %dma_wait3A_1439] : memref<16x32xi32, #tpu.memory_space<vmem>> -> memref<1x32xi32, #tpu.memory_space<vmem>>
    %dma_wait3A_1441 = tpu.memref_squeeze %dma_wait3A_1440 : memref<1x32xi32, #tpu.memory_space<vmem>> -> memref<32xi32, #tpu.memory_space<vmem>>
    %dma_wait3A_1442 = arith.constant 0 : i32
    %dma_wait3A_1443 = arith.constant 0 : i32
    %dma_wait3A_1444 = tpu.memref_slice %arg5[%dma_wait3A_1442, %dma_wait3A_1443] : memref<65536x1024xf32, #tpu.memory_space<hbm>> -> memref<65536x1024xf32, #tpu.memory_space<hbm>>
    tpu.wait_indirect_dma semaphore(%arg15 : memref<!tpu.dma_semaphore, #tpu.memory_space<semaphore_mem>>) src(%dma_wait3A_1438 : memref<32x1024xf32, #tpu.memory_space<vmem>>) dst(%dma_wait3A_1444 : memref<65536x1024xf32, #tpu.memory_space<hbm>>)
    %dma_start3A_1445 = arith.constant 12 : i32
    %dma_start3A_1446 = arith.constant 0 : i32
    %dma_start3A_1447 = tpu.memref_slice %arg7[%dma_start3A_1445, %dma_start3A_1446] : memref<16x16xi32, #tpu.memory_space<vmem>> -> memref<1x16xi32, #tpu.memory_space<vmem>>
    %dma_start3A_1448 = tpu.memref_squeeze %dma_start3A_1447 : memref<1x16xi32, #tpu.memory_space<vmem>> -> memref<16xi32, #tpu.memory_space<vmem>>
    %dma_start3A_1449 = arith.constant 0 : i32
    %dma_start3A_1450 = arith.constant 0 : i32
    %dma_start3A_1451 = arith.constant 0 : i32
    %dma_start3A_1452 = tpu.memref_slice %arg2[%dma_start3A_1449, %dma_start3A_1450, %dma_start3A_1451] : memref<8192x2x1024xf32, #tpu.memory_space<hbm>> -> memref<8192x2x1024xf32, #tpu.memory_space<hbm>>
    tpu.enqueue_indirect_dma source(%dma_start3A_1452 : memref<8192x2x1024xf32, #tpu.memory_space<hbm>>) target(%arg9 : memref<16x2x1024xf32, #tpu.memory_space<vmem>>) offsets(%dma_start3A_1448 : memref<16xi32, #tpu.memory_space<vmem>>) semaphore(%arg12 : memref<!tpu.dma_semaphore, #tpu.memory_space<semaphore_mem>>)
    %dma_wait3A_1453 = arith.constant 11 : i32
    %dma_wait3A_1454 = arith.constant 0 : i32
    %dma_wait3A_1455 = tpu.memref_slice %arg7[%dma_wait3A_1453, %dma_wait3A_1454] : memref<16x16xi32, #tpu.memory_space<vmem>> -> memref<1x16xi32, #tpu.memory_space<vmem>>
    %dma_wait3A_1456 = tpu.memref_squeeze %dma_wait3A_1455 : memref<1x16xi32, #tpu.memory_space<vmem>> -> memref<16xi32, #tpu.memory_space<vmem>>
    %dma_wait3A_1457 = arith.constant 0 : i32
    %dma_wait3A_1458 = arith.constant 0 : i32
    %dma_wait3A_1459 = arith.constant 0 : i32
    %dma_wait3A_1460 = tpu.memref_slice %arg2[%dma_wait3A_1457, %dma_wait3A_1458, %dma_wait3A_1459] : memref<8192x2x1024xf32, #tpu.memory_space<hbm>> -> memref<8192x2x1024xf32, #tpu.memory_space<hbm>>
    tpu.wait_indirect_dma semaphore(%arg14 : memref<!tpu.dma_semaphore, #tpu.memory_space<semaphore_mem>>) src(%dma_wait3A_1460 : memref<8192x2x1024xf32, #tpu.memory_space<hbm>>) dst(%arg11 : memref<16x2x1024xf32, #tpu.memory_space<vmem>>)
    %dma_start3A_1461 = arith.constant 11 : i32
    %dma_start3A_1462 = tpu.memref_reshape %arg11 : memref<16x2x1024xf32, #tpu.memory_space<vmem>> -> memref<32x1024xf32, #tpu.memory_space<vmem>>
    %dma_start3A_1463 = arith.constant 0 : i32
    %dma_start3A_1464 = tpu.memref_slice %arg8[%dma_start3A_1461, %dma_start3A_1463] : memref<16x32xi32, #tpu.memory_space<vmem>> -> memref<1x32xi32, #tpu.memory_space<vmem>>
    %dma_start3A_1465 = tpu.memref_squeeze %dma_start3A_1464 : memref<1x32xi32, #tpu.memory_space<vmem>> -> memref<32xi32, #tpu.memory_space<vmem>>
    %dma_start3A_1466 = arith.constant 0 : i32
    %dma_start3A_1467 = arith.constant 0 : i32
    %dma_start3A_1468 = tpu.memref_slice %arg5[%dma_start3A_1466, %dma_start3A_1467] : memref<65536x1024xf32, #tpu.memory_space<hbm>> -> memref<65536x1024xf32, #tpu.memory_space<hbm>>
    tpu.enqueue_indirect_dma source(%dma_start3A_1462 : memref<32x1024xf32, #tpu.memory_space<vmem>>) target(%dma_start3A_1468 : memref<65536x1024xf32, #tpu.memory_space<hbm>>) offsets(%dma_start3A_1465 : memref<32xi32, #tpu.memory_space<vmem>>) semaphore(%arg17 : memref<!tpu.dma_semaphore, #tpu.memory_space<semaphore_mem>>)
    %dma_wait3A_1469 = arith.constant 10 : i32
    %dma_wait3A_1470 = tpu.memref_reshape %arg10 : memref<16x2x1024xf32, #tpu.memory_space<vmem>> -> memref<32x1024xf32, #tpu.memory_space<vmem>>
    %dma_wait3A_1471 = arith.constant 0 : i32
    %dma_wait3A_1472 = tpu.memref_slice %arg8[%dma_wait3A_1469, %dma_wait3A_1471] : memref<16x32xi32, #tpu.memory_space<vmem>> -> memref<1x32xi32, #tpu.memory_space<vmem>>
    %dma_wait3A_1473 = tpu.memref_squeeze %dma_wait3A_1472 : memref<1x32xi32, #tpu.memory_space<vmem>> -> memref<32xi32, #tpu.memory_space<vmem>>
    %dma_wait3A_1474 = arith.constant 0 : i32
    %dma_wait3A_1475 = arith.constant 0 : i32
    %dma_wait3A_1476 = tpu.memref_slice %arg5[%dma_wait3A_1474, %dma_wait3A_1475] : memref<65536x1024xf32, #tpu.memory_space<hbm>> -> memref<65536x1024xf32, #tpu.memory_space<hbm>>
    tpu.wait_indirect_dma semaphore(%arg16 : memref<!tpu.dma_semaphore, #tpu.memory_space<semaphore_mem>>) src(%dma_wait3A_1470 : memref<32x1024xf32, #tpu.memory_space<vmem>>) dst(%dma_wait3A_1476 : memref<65536x1024xf32, #tpu.memory_space<hbm>>)
    %dma_start3A_1477 = arith.constant 13 : i32
    %dma_start3A_1478 = arith.constant 0 : i32
    %dma_start3A_1479 = tpu.memref_slice %arg7[%dma_start3A_1477, %dma_start3A_1478] : memref<16x16xi32, #tpu.memory_space<vmem>> -> memref<1x16xi32, #tpu.memory_space<vmem>>
    %dma_start3A_1480 = tpu.memref_squeeze %dma_start3A_1479 : memref<1x16xi32, #tpu.memory_space<vmem>> -> memref<16xi32, #tpu.memory_space<vmem>>
    %dma_start3A_1481 = arith.constant 0 : i32
    %dma_start3A_1482 = arith.constant 0 : i32
    %dma_start3A_1483 = arith.constant 0 : i32
    %dma_start3A_1484 = tpu.memref_slice %arg2[%dma_start3A_1481, %dma_start3A_1482, %dma_start3A_1483] : memref<8192x2x1024xf32, #tpu.memory_space<hbm>> -> memref<8192x2x1024xf32, #tpu.memory_space<hbm>>
    tpu.enqueue_indirect_dma source(%dma_start3A_1484 : memref<8192x2x1024xf32, #tpu.memory_space<hbm>>) target(%arg10 : memref<16x2x1024xf32, #tpu.memory_space<vmem>>) offsets(%dma_start3A_1480 : memref<16xi32, #tpu.memory_space<vmem>>) semaphore(%arg13 : memref<!tpu.dma_semaphore, #tpu.memory_space<semaphore_mem>>)
    %dma_wait3A_1485 = arith.constant 12 : i32
    %dma_wait3A_1486 = arith.constant 0 : i32
    %dma_wait3A_1487 = tpu.memref_slice %arg7[%dma_wait3A_1485, %dma_wait3A_1486] : memref<16x16xi32, #tpu.memory_space<vmem>> -> memref<1x16xi32, #tpu.memory_space<vmem>>
    %dma_wait3A_1488 = tpu.memref_squeeze %dma_wait3A_1487 : memref<1x16xi32, #tpu.memory_space<vmem>> -> memref<16xi32, #tpu.memory_space<vmem>>
    %dma_wait3A_1489 = arith.constant 0 : i32
    %dma_wait3A_1490 = arith.constant 0 : i32
    %dma_wait3A_1491 = arith.constant 0 : i32
    %dma_wait3A_1492 = tpu.memref_slice %arg2[%dma_wait3A_1489, %dma_wait3A_1490, %dma_wait3A_1491] : memref<8192x2x1024xf32, #tpu.memory_space<hbm>> -> memref<8192x2x1024xf32, #tpu.memory_space<hbm>>
    tpu.wait_indirect_dma semaphore(%arg12 : memref<!tpu.dma_semaphore, #tpu.memory_space<semaphore_mem>>) src(%dma_wait3A_1492 : memref<8192x2x1024xf32, #tpu.memory_space<hbm>>) dst(%arg9 : memref<16x2x1024xf32, #tpu.memory_space<vmem>>)
    %dma_start3A_1493 = arith.constant 12 : i32
    %dma_start3A_1494 = tpu.memref_reshape %arg9 : memref<16x2x1024xf32, #tpu.memory_space<vmem>> -> memref<32x1024xf32, #tpu.memory_space<vmem>>
    %dma_start3A_1495 = arith.constant 0 : i32
    %dma_start3A_1496 = tpu.memref_slice %arg8[%dma_start3A_1493, %dma_start3A_1495] : memref<16x32xi32, #tpu.memory_space<vmem>> -> memref<1x32xi32, #tpu.memory_space<vmem>>
    %dma_start3A_1497 = tpu.memref_squeeze %dma_start3A_1496 : memref<1x32xi32, #tpu.memory_space<vmem>> -> memref<32xi32, #tpu.memory_space<vmem>>
    %dma_start3A_1498 = arith.constant 0 : i32
    %dma_start3A_1499 = arith.constant 0 : i32
    %dma_start3A_1500 = tpu.memref_slice %arg5[%dma_start3A_1498, %dma_start3A_1499] : memref<65536x1024xf32, #tpu.memory_space<hbm>> -> memref<65536x1024xf32, #tpu.memory_space<hbm>>
    tpu.enqueue_indirect_dma source(%dma_start3A_1494 : memref<32x1024xf32, #tpu.memory_space<vmem>>) target(%dma_start3A_1500 : memref<65536x1024xf32, #tpu.memory_space<hbm>>) offsets(%dma_start3A_1497 : memref<32xi32, #tpu.memory_space<vmem>>) semaphore(%arg15 : memref<!tpu.dma_semaphore, #tpu.memory_space<semaphore_mem>>)
    %dma_wait3A_1501 = arith.constant 11 : i32
    %dma_wait3A_1502 = tpu.memref_reshape %arg11 : memref<16x2x1024xf32, #tpu.memory_space<vmem>> -> memref<32x1024xf32, #tpu.memory_space<vmem>>
    %dma_wait3A_1503 = arith.constant 0 : i32
    %dma_wait3A_1504 = tpu.memref_slice %arg8[%dma_wait3A_1501, %dma_wait3A_1503] : memref<16x32xi32, #tpu.memory_space<vmem>> -> memref<1x32xi32, #tpu.memory_space<vmem>>
    %dma_wait3A_1505 = tpu.memref_squeeze %dma_wait3A_1504 : memref<1x32xi32, #tpu.memory_space<vmem>> -> memref<32xi32, #tpu.memory_space<vmem>>
    %dma_wait3A_1506 = arith.constant 0 : i32
    %dma_wait3A_1507 = arith.constant 0 : i32
    %dma_wait3A_1508 = tpu.memref_slice %arg5[%dma_wait3A_1506, %dma_wait3A_1507] : memref<65536x1024xf32, #tpu.memory_space<hbm>> -> memref<65536x1024xf32, #tpu.memory_space<hbm>>
    tpu.wait_indirect_dma semaphore(%arg17 : memref<!tpu.dma_semaphore, #tpu.memory_space<semaphore_mem>>) src(%dma_wait3A_1502 : memref<32x1024xf32, #tpu.memory_space<vmem>>) dst(%dma_wait3A_1508 : memref<65536x1024xf32, #tpu.memory_space<hbm>>)
    %dma_start3A_1509 = arith.constant 14 : i32
    %dma_start3A_1510 = arith.constant 0 : i32
    %dma_start3A_1511 = tpu.memref_slice %arg7[%dma_start3A_1509, %dma_start3A_1510] : memref<16x16xi32, #tpu.memory_space<vmem>> -> memref<1x16xi32, #tpu.memory_space<vmem>>
    %dma_start3A_1512 = tpu.memref_squeeze %dma_start3A_1511 : memref<1x16xi32, #tpu.memory_space<vmem>> -> memref<16xi32, #tpu.memory_space<vmem>>
    %dma_start3A_1513 = arith.constant 0 : i32
    %dma_start3A_1514 = arith.constant 0 : i32
    %dma_start3A_1515 = arith.constant 0 : i32
    %dma_start3A_1516 = tpu.memref_slice %arg2[%dma_start3A_1513, %dma_start3A_1514, %dma_start3A_1515] : memref<8192x2x1024xf32, #tpu.memory_space<hbm>> -> memref<8192x2x1024xf32, #tpu.memory_space<hbm>>
    tpu.enqueue_indirect_dma source(%dma_start3A_1516 : memref<8192x2x1024xf32, #tpu.memory_space<hbm>>) target(%arg11 : memref<16x2x1024xf32, #tpu.memory_space<vmem>>) offsets(%dma_start3A_1512 : memref<16xi32, #tpu.memory_space<vmem>>) semaphore(%arg14 : memref<!tpu.dma_semaphore, #tpu.memory_space<semaphore_mem>>)
    %dma_wait3A_1517 = arith.constant 13 : i32
    %dma_wait3A_1518 = arith.constant 0 : i32
    %dma_wait3A_1519 = tpu.memref_slice %arg7[%dma_wait3A_1517, %dma_wait3A_1518] : memref<16x16xi32, #tpu.memory_space<vmem>> -> memref<1x16xi32, #tpu.memory_space<vmem>>
    %dma_wait3A_1520 = tpu.memref_squeeze %dma_wait3A_1519 : memref<1x16xi32, #tpu.memory_space<vmem>> -> memref<16xi32, #tpu.memory_space<vmem>>
    %dma_wait3A_1521 = arith.constant 0 : i32
    %dma_wait3A_1522 = arith.constant 0 : i32
    %dma_wait3A_1523 = arith.constant 0 : i32
    %dma_wait3A_1524 = tpu.memref_slice %arg2[%dma_wait3A_1521, %dma_wait3A_1522, %dma_wait3A_1523] : memref<8192x2x1024xf32, #tpu.memory_space<hbm>> -> memref<8192x2x1024xf32, #tpu.memory_space<hbm>>
    tpu.wait_indirect_dma semaphore(%arg13 : memref<!tpu.dma_semaphore, #tpu.memory_space<semaphore_mem>>) src(%dma_wait3A_1524 : memref<8192x2x1024xf32, #tpu.memory_space<hbm>>) dst(%arg10 : memref<16x2x1024xf32, #tpu.memory_space<vmem>>)
    %dma_start3A_1525 = arith.constant 13 : i32
    %dma_start3A_1526 = tpu.memref_reshape %arg10 : memref<16x2x1024xf32, #tpu.memory_space<vmem>> -> memref<32x1024xf32, #tpu.memory_space<vmem>>
    %dma_start3A_1527 = arith.constant 0 : i32
    %dma_start3A_1528 = tpu.memref_slice %arg8[%dma_start3A_1525, %dma_start3A_1527] : memref<16x32xi32, #tpu.memory_space<vmem>> -> memref<1x32xi32, #tpu.memory_space<vmem>>
    %dma_start3A_1529 = tpu.memref_squeeze %dma_start3A_1528 : memref<1x32xi32, #tpu.memory_space<vmem>> -> memref<32xi32, #tpu.memory_space<vmem>>
    %dma_start3A_1530 = arith.constant 0 : i32
    %dma_start3A_1531 = arith.constant 0 : i32
    %dma_start3A_1532 = tpu.memref_slice %arg5[%dma_start3A_1530, %dma_start3A_1531] : memref<65536x1024xf32, #tpu.memory_space<hbm>> -> memref<65536x1024xf32, #tpu.memory_space<hbm>>
    tpu.enqueue_indirect_dma source(%dma_start3A_1526 : memref<32x1024xf32, #tpu.memory_space<vmem>>) target(%dma_start3A_1532 : memref<65536x1024xf32, #tpu.memory_space<hbm>>) offsets(%dma_start3A_1529 : memref<32xi32, #tpu.memory_space<vmem>>) semaphore(%arg16 : memref<!tpu.dma_semaphore, #tpu.memory_space<semaphore_mem>>)
    %dma_wait3A_1533 = arith.constant 12 : i32
    %dma_wait3A_1534 = tpu.memref_reshape %arg9 : memref<16x2x1024xf32, #tpu.memory_space<vmem>> -> memref<32x1024xf32, #tpu.memory_space<vmem>>
    %dma_wait3A_1535 = arith.constant 0 : i32
    %dma_wait3A_1536 = tpu.memref_slice %arg8[%dma_wait3A_1533, %dma_wait3A_1535] : memref<16x32xi32, #tpu.memory_space<vmem>> -> memref<1x32xi32, #tpu.memory_space<vmem>>
    %dma_wait3A_1537 = tpu.memref_squeeze %dma_wait3A_1536 : memref<1x32xi32, #tpu.memory_space<vmem>> -> memref<32xi32, #tpu.memory_space<vmem>>
    %dma_wait3A_1538 = arith.constant 0 : i32
    %dma_wait3A_1539 = arith.constant 0 : i32
    %dma_wait3A_1540 = tpu.memref_slice %arg5[%dma_wait3A_1538, %dma_wait3A_1539] : memref<65536x1024xf32, #tpu.memory_space<hbm>> -> memref<65536x1024xf32, #tpu.memory_space<hbm>>
    tpu.wait_indirect_dma semaphore(%arg15 : memref<!tpu.dma_semaphore, #tpu.memory_space<semaphore_mem>>) src(%dma_wait3A_1534 : memref<32x1024xf32, #tpu.memory_space<vmem>>) dst(%dma_wait3A_1540 : memref<65536x1024xf32, #tpu.memory_space<hbm>>)
    %dma_start3A_1541 = arith.constant 15 : i32
    %dma_start3A_1542 = arith.constant 0 : i32
    %dma_start3A_1543 = tpu.memref_slice %arg7[%dma_start3A_1541, %dma_start3A_1542] : memref<16x16xi32, #tpu.memory_space<vmem>> -> memref<1x16xi32, #tpu.memory_space<vmem>>
    %dma_start3A_1544 = tpu.memref_squeeze %dma_start3A_1543 : memref<1x16xi32, #tpu.memory_space<vmem>> -> memref<16xi32, #tpu.memory_space<vmem>>
    %dma_start3A_1545 = arith.constant 0 : i32
    %dma_start3A_1546 = arith.constant 0 : i32
    %dma_start3A_1547 = arith.constant 0 : i32
    %dma_start3A_1548 = tpu.memref_slice %arg2[%dma_start3A_1545, %dma_start3A_1546, %dma_start3A_1547] : memref<8192x2x1024xf32, #tpu.memory_space<hbm>> -> memref<8192x2x1024xf32, #tpu.memory_space<hbm>>
    tpu.enqueue_indirect_dma source(%dma_start3A_1548 : memref<8192x2x1024xf32, #tpu.memory_space<hbm>>) target(%arg9 : memref<16x2x1024xf32, #tpu.memory_space<vmem>>) offsets(%dma_start3A_1544 : memref<16xi32, #tpu.memory_space<vmem>>) semaphore(%arg12 : memref<!tpu.dma_semaphore, #tpu.memory_space<semaphore_mem>>)
    %dma_wait3A_1549 = arith.constant 14 : i32
    %dma_wait3A_1550 = arith.constant 0 : i32
    %dma_wait3A_1551 = tpu.memref_slice %arg7[%dma_wait3A_1549, %dma_wait3A_1550] : memref<16x16xi32, #tpu.memory_space<vmem>> -> memref<1x16xi32, #tpu.memory_space<vmem>>
    %dma_wait3A_1552 = tpu.memref_squeeze %dma_wait3A_1551 : memref<1x16xi32, #tpu.memory_space<vmem>> -> memref<16xi32, #tpu.memory_space<vmem>>
    %dma_wait3A_1553 = arith.constant 0 : i32
    %dma_wait3A_1554 = arith.constant 0 : i32
    %dma_wait3A_1555 = arith.constant 0 : i32
    %dma_wait3A_1556 = tpu.memref_slice %arg2[%dma_wait3A_1553, %dma_wait3A_1554, %dma_wait3A_1555] : memref<8192x2x1024xf32, #tpu.memory_space<hbm>> -> memref<8192x2x1024xf32, #tpu.memory_space<hbm>>
    tpu.wait_indirect_dma semaphore(%arg14 : memref<!tpu.dma_semaphore, #tpu.memory_space<semaphore_mem>>) src(%dma_wait3A_1556 : memref<8192x2x1024xf32, #tpu.memory_space<hbm>>) dst(%arg11 : memref<16x2x1024xf32, #tpu.memory_space<vmem>>)
    %dma_start3A_1557 = arith.constant 14 : i32
    %dma_start3A_1558 = tpu.memref_reshape %arg11 : memref<16x2x1024xf32, #tpu.memory_space<vmem>> -> memref<32x1024xf32, #tpu.memory_space<vmem>>
    %dma_start3A_1559 = arith.constant 0 : i32
    %dma_start3A_1560 = tpu.memref_slice %arg8[%dma_start3A_1557, %dma_start3A_1559] : memref<16x32xi32, #tpu.memory_space<vmem>> -> memref<1x32xi32, #tpu.memory_space<vmem>>
    %dma_start3A_1561 = tpu.memref_squeeze %dma_start3A_1560 : memref<1x32xi32, #tpu.memory_space<vmem>> -> memref<32xi32, #tpu.memory_space<vmem>>
    %dma_start3A_1562 = arith.constant 0 : i32
    %dma_start3A_1563 = arith.constant 0 : i32
    %dma_start3A_1564 = tpu.memref_slice %arg5[%dma_start3A_1562, %dma_start3A_1563] : memref<65536x1024xf32, #tpu.memory_space<hbm>> -> memref<65536x1024xf32, #tpu.memory_space<hbm>>
    tpu.enqueue_indirect_dma source(%dma_start3A_1558 : memref<32x1024xf32, #tpu.memory_space<vmem>>) target(%dma_start3A_1564 : memref<65536x1024xf32, #tpu.memory_space<hbm>>) offsets(%dma_start3A_1561 : memref<32xi32, #tpu.memory_space<vmem>>) semaphore(%arg17 : memref<!tpu.dma_semaphore, #tpu.memory_space<semaphore_mem>>)
    %dma_wait3A_1565 = arith.constant 15 : i32
    %dma_wait3A_1566 = arith.constant 0 : i32
    %dma_wait3A_1567 = tpu.memref_slice %arg7[%dma_wait3A_1565, %dma_wait3A_1566] : memref<16x16xi32, #tpu.memory_space<vmem>> -> memref<1x16xi32, #tpu.memory_space<vmem>>
    %dma_wait3A_1568 = tpu.memref_squeeze %dma_wait3A_1567 : memref<1x16xi32, #tpu.memory_space<vmem>> -> memref<16xi32, #tpu.memory_space<vmem>>
    %dma_wait3A_1569 = arith.constant 0 : i32
    %dma_wait3A_1570 = arith.constant 0 : i32
    %dma_wait3A_1571 = arith.constant 0 : i32
    %dma_wait3A_1572 = tpu.memref_slice %arg2[%dma_wait3A_1569, %dma_wait3A_1570, %dma_wait3A_1571] : memref<8192x2x1024xf32, #tpu.memory_space<hbm>> -> memref<8192x2x1024xf32, #tpu.memory_space<hbm>>
    tpu.wait_indirect_dma semaphore(%arg12 : memref<!tpu.dma_semaphore, #tpu.memory_space<semaphore_mem>>) src(%dma_wait3A_1572 : memref<8192x2x1024xf32, #tpu.memory_space<hbm>>) dst(%arg9 : memref<16x2x1024xf32, #tpu.memory_space<vmem>>)
    %dma_start3A_1573 = arith.constant 15 : i32
    %dma_start3A_1574 = tpu.memref_reshape %arg9 : memref<16x2x1024xf32, #tpu.memory_space<vmem>> -> memref<32x1024xf32, #tpu.memory_space<vmem>>
    %dma_start3A_1575 = arith.constant 0 : i32
    %dma_start3A_1576 = tpu.memref_slice %arg8[%dma_start3A_1573, %dma_start3A_1575] : memref<16x32xi32, #tpu.memory_space<vmem>> -> memref<1x32xi32, #tpu.memory_space<vmem>>
    %dma_start3A_1577 = tpu.memref_squeeze %dma_start3A_1576 : memref<1x32xi32, #tpu.memory_space<vmem>> -> memref<32xi32, #tpu.memory_space<vmem>>
    %dma_start3A_1578 = arith.constant 0 : i32
    %dma_start3A_1579 = arith.constant 0 : i32
    %dma_start3A_1580 = tpu.memref_slice %arg5[%dma_start3A_1578, %dma_start3A_1579] : memref<65536x1024xf32, #tpu.memory_space<hbm>> -> memref<65536x1024xf32, #tpu.memory_space<hbm>>
    tpu.enqueue_indirect_dma source(%dma_start3A_1574 : memref<32x1024xf32, #tpu.memory_space<vmem>>) target(%dma_start3A_1580 : memref<65536x1024xf32, #tpu.memory_space<hbm>>) offsets(%dma_start3A_1577 : memref<32xi32, #tpu.memory_space<vmem>>) semaphore(%arg15 : memref<!tpu.dma_semaphore, #tpu.memory_space<semaphore_mem>>)
    %dma_wait3A_1581 = arith.constant 13 : i32
    %dma_wait3A_1582 = tpu.memref_reshape %arg10 : memref<16x2x1024xf32, #tpu.memory_space<vmem>> -> memref<32x1024xf32, #tpu.memory_space<vmem>>
    %dma_wait3A_1583 = arith.constant 0 : i32
    %dma_wait3A_1584 = tpu.memref_slice %arg8[%dma_wait3A_1581, %dma_wait3A_1583] : memref<16x32xi32, #tpu.memory_space<vmem>> -> memref<1x32xi32, #tpu.memory_space<vmem>>
    %dma_wait3A_1585 = tpu.memref_squeeze %dma_wait3A_1584 : memref<1x32xi32, #tpu.memory_space<vmem>> -> memref<32xi32, #tpu.memory_space<vmem>>
    %dma_wait3A_1586 = arith.constant 0 : i32
    %dma_wait3A_1587 = arith.constant 0 : i32
    %dma_wait3A_1588 = tpu.memref_slice %arg5[%dma_wait3A_1586, %dma_wait3A_1587] : memref<65536x1024xf32, #tpu.memory_space<hbm>> -> memref<65536x1024xf32, #tpu.memory_space<hbm>>
    tpu.wait_indirect_dma semaphore(%arg16 : memref<!tpu.dma_semaphore, #tpu.memory_space<semaphore_mem>>) src(%dma_wait3A_1582 : memref<32x1024xf32, #tpu.memory_space<vmem>>) dst(%dma_wait3A_1588 : memref<65536x1024xf32, #tpu.memory_space<hbm>>)
    %dma_wait3A_1589 = arith.constant 14 : i32
    %dma_wait3A_1590 = tpu.memref_reshape %arg11 : memref<16x2x1024xf32, #tpu.memory_space<vmem>> -> memref<32x1024xf32, #tpu.memory_space<vmem>>
    %dma_wait3A_1591 = arith.constant 0 : i32
    %dma_wait3A_1592 = tpu.memref_slice %arg8[%dma_wait3A_1589, %dma_wait3A_1591] : memref<16x32xi32, #tpu.memory_space<vmem>> -> memref<1x32xi32, #tpu.memory_space<vmem>>
    %dma_wait3A_1593 = tpu.memref_squeeze %dma_wait3A_1592 : memref<1x32xi32, #tpu.memory_space<vmem>> -> memref<32xi32, #tpu.memory_space<vmem>>
    %dma_wait3A_1594 = arith.constant 0 : i32
    %dma_wait3A_1595 = arith.constant 0 : i32
    %dma_wait3A_1596 = tpu.memref_slice %arg5[%dma_wait3A_1594, %dma_wait3A_1595] : memref<65536x1024xf32, #tpu.memory_space<hbm>> -> memref<65536x1024xf32, #tpu.memory_space<hbm>>
    tpu.wait_indirect_dma semaphore(%arg17 : memref<!tpu.dma_semaphore, #tpu.memory_space<semaphore_mem>>) src(%dma_wait3A_1590 : memref<32x1024xf32, #tpu.memory_space<vmem>>) dst(%dma_wait3A_1596 : memref<65536x1024xf32, #tpu.memory_space<hbm>>)
    %dma_wait3A_1597 = arith.constant 15 : i32
    %dma_wait3A_1598 = tpu.memref_reshape %arg9 : memref<16x2x1024xf32, #tpu.memory_space<vmem>> -> memref<32x1024xf32, #tpu.memory_space<vmem>>
    %dma_wait3A_1599 = arith.constant 0 : i32
    %dma_wait3A_1600 = tpu.memref_slice %arg8[%dma_wait3A_1597, %dma_wait3A_1599] : memref<16x32xi32, #tpu.memory_space<vmem>> -> memref<1x32xi32, #tpu.memory_space<vmem>>
    %dma_wait3A_1601 = tpu.memref_squeeze %dma_wait3A_1600 : memref<1x32xi32, #tpu.memory_space<vmem>> -> memref<32xi32, #tpu.memory_space<vmem>>
    %dma_wait3A_1602 = arith.constant 0 : i32
    %dma_wait3A_1603 = arith.constant 0 : i32
    %dma_wait3A_1604 = tpu.memref_slice %arg5[%dma_wait3A_1602, %dma_wait3A_1603] : memref<65536x1024xf32, #tpu.memory_space<hbm>> -> memref<65536x1024xf32, #tpu.memory_space<hbm>>
    tpu.wait_indirect_dma semaphore(%arg15 : memref<!tpu.dma_semaphore, #tpu.memory_space<semaphore_mem>>) src(%dma_wait3A_1598 : memref<32x1024xf32, #tpu.memory_space<vmem>>) dst(%dma_wait3A_1604 : memref<65536x1024xf32, #tpu.memory_space<hbm>>)
    return
  }
}

module attributes {stable_mosaic.version = 14 : i64} {
  func.func @_fix_body(%arg0: memref<32x1024xf32, #tpu.memory_space<vmem>>, %arg1: memref<65536x1024xf32, #tpu.memory_space<any>>, %arg2: memref<65536x1024xf32, #tpu.memory_space<any>>, %arg3: memref<!tpu.dma_semaphore, #tpu.memory_space<semaphore_mem>>) attributes {dimension_semantics = [], scalar_prefetch = 0 : i64, scratch_operands = 1 : i64, tpu.core_type = #tpu.core_type<tc>} {
    %dma_start3A = arith.constant 0 : i32
    %dma_start3A_0 = arith.constant 0 : i32
    %dma_start3A_1 = tpu.memref_slice %arg2[%dma_start3A, %dma_start3A_0] : memref<65536x1024xf32, #tpu.memory_space<any>> -> memref<1x1024xf32, #tpu.memory_space<any>>
    %dma_start3A_2 = arith.constant 0 : i32
    %dma_start3A_3 = arith.constant 0 : i32
    %dma_start3A_4 = tpu.memref_slice %arg0[%dma_start3A_2, %dma_start3A_3] : memref<32x1024xf32, #tpu.memory_space<vmem>> -> memref<1x1024xf32, #tpu.memory_space<vmem>>
    tpu.enqueue_dma source(%dma_start3A_4 : memref<1x1024xf32, #tpu.memory_space<vmem>>) target(%dma_start3A_1 : memref<1x1024xf32, #tpu.memory_space<any>>) target_semaphore(%arg3 : memref<!tpu.dma_semaphore, #tpu.memory_space<semaphore_mem>>)
    %dma_start3A_5 = arith.constant 256 : i32
    %dma_start3A_6 = arith.constant 0 : i32
    %dma_start3A_7 = tpu.memref_slice %arg2[%dma_start3A_5, %dma_start3A_6] : memref<65536x1024xf32, #tpu.memory_space<any>> -> memref<1x1024xf32, #tpu.memory_space<any>>
    %dma_start3A_8 = arith.constant 1 : i32
    %dma_start3A_9 = arith.constant 0 : i32
    %dma_start3A_10 = tpu.memref_slice %arg0[%dma_start3A_8, %dma_start3A_9] : memref<32x1024xf32, #tpu.memory_space<vmem>> -> memref<1x1024xf32, #tpu.memory_space<vmem>>
    tpu.enqueue_dma source(%dma_start3A_10 : memref<1x1024xf32, #tpu.memory_space<vmem>>) target(%dma_start3A_7 : memref<1x1024xf32, #tpu.memory_space<any>>) target_semaphore(%arg3 : memref<!tpu.dma_semaphore, #tpu.memory_space<semaphore_mem>>)
    %dma_start3A_11 = arith.constant 512 : i32
    %dma_start3A_12 = arith.constant 0 : i32
    %dma_start3A_13 = tpu.memref_slice %arg2[%dma_start3A_11, %dma_start3A_12] : memref<65536x1024xf32, #tpu.memory_space<any>> -> memref<1x1024xf32, #tpu.memory_space<any>>
    %dma_start3A_14 = arith.constant 2 : i32
    %dma_start3A_15 = arith.constant 0 : i32
    %dma_start3A_16 = tpu.memref_slice %arg0[%dma_start3A_14, %dma_start3A_15] : memref<32x1024xf32, #tpu.memory_space<vmem>> -> memref<1x1024xf32, #tpu.memory_space<vmem>>
    tpu.enqueue_dma source(%dma_start3A_16 : memref<1x1024xf32, #tpu.memory_space<vmem>>) target(%dma_start3A_13 : memref<1x1024xf32, #tpu.memory_space<any>>) target_semaphore(%arg3 : memref<!tpu.dma_semaphore, #tpu.memory_space<semaphore_mem>>)
    %dma_start3A_17 = arith.constant 768 : i32
    %dma_start3A_18 = arith.constant 0 : i32
    %dma_start3A_19 = tpu.memref_slice %arg2[%dma_start3A_17, %dma_start3A_18] : memref<65536x1024xf32, #tpu.memory_space<any>> -> memref<1x1024xf32, #tpu.memory_space<any>>
    %dma_start3A_20 = arith.constant 3 : i32
    %dma_start3A_21 = arith.constant 0 : i32
    %dma_start3A_22 = tpu.memref_slice %arg0[%dma_start3A_20, %dma_start3A_21] : memref<32x1024xf32, #tpu.memory_space<vmem>> -> memref<1x1024xf32, #tpu.memory_space<vmem>>
    tpu.enqueue_dma source(%dma_start3A_22 : memref<1x1024xf32, #tpu.memory_space<vmem>>) target(%dma_start3A_19 : memref<1x1024xf32, #tpu.memory_space<any>>) target_semaphore(%arg3 : memref<!tpu.dma_semaphore, #tpu.memory_space<semaphore_mem>>)
    %dma_start3A_23 = arith.constant 1024 : i32
    %dma_start3A_24 = arith.constant 0 : i32
    %dma_start3A_25 = tpu.memref_slice %arg2[%dma_start3A_23, %dma_start3A_24] : memref<65536x1024xf32, #tpu.memory_space<any>> -> memref<1x1024xf32, #tpu.memory_space<any>>
    %dma_start3A_26 = arith.constant 4 : i32
    %dma_start3A_27 = arith.constant 0 : i32
    %dma_start3A_28 = tpu.memref_slice %arg0[%dma_start3A_26, %dma_start3A_27] : memref<32x1024xf32, #tpu.memory_space<vmem>> -> memref<1x1024xf32, #tpu.memory_space<vmem>>
    tpu.enqueue_dma source(%dma_start3A_28 : memref<1x1024xf32, #tpu.memory_space<vmem>>) target(%dma_start3A_25 : memref<1x1024xf32, #tpu.memory_space<any>>) target_semaphore(%arg3 : memref<!tpu.dma_semaphore, #tpu.memory_space<semaphore_mem>>)
    %dma_start3A_29 = arith.constant 1280 : i32
    %dma_start3A_30 = arith.constant 0 : i32
    %dma_start3A_31 = tpu.memref_slice %arg2[%dma_start3A_29, %dma_start3A_30] : memref<65536x1024xf32, #tpu.memory_space<any>> -> memref<1x1024xf32, #tpu.memory_space<any>>
    %dma_start3A_32 = arith.constant 5 : i32
    %dma_start3A_33 = arith.constant 0 : i32
    %dma_start3A_34 = tpu.memref_slice %arg0[%dma_start3A_32, %dma_start3A_33] : memref<32x1024xf32, #tpu.memory_space<vmem>> -> memref<1x1024xf32, #tpu.memory_space<vmem>>
    tpu.enqueue_dma source(%dma_start3A_34 : memref<1x1024xf32, #tpu.memory_space<vmem>>) target(%dma_start3A_31 : memref<1x1024xf32, #tpu.memory_space<any>>) target_semaphore(%arg3 : memref<!tpu.dma_semaphore, #tpu.memory_space<semaphore_mem>>)
    %dma_start3A_35 = arith.constant 1536 : i32
    %dma_start3A_36 = arith.constant 0 : i32
    %dma_start3A_37 = tpu.memref_slice %arg2[%dma_start3A_35, %dma_start3A_36] : memref<65536x1024xf32, #tpu.memory_space<any>> -> memref<1x1024xf32, #tpu.memory_space<any>>
    %dma_start3A_38 = arith.constant 6 : i32
    %dma_start3A_39 = arith.constant 0 : i32
    %dma_start3A_40 = tpu.memref_slice %arg0[%dma_start3A_38, %dma_start3A_39] : memref<32x1024xf32, #tpu.memory_space<vmem>> -> memref<1x1024xf32, #tpu.memory_space<vmem>>
    tpu.enqueue_dma source(%dma_start3A_40 : memref<1x1024xf32, #tpu.memory_space<vmem>>) target(%dma_start3A_37 : memref<1x1024xf32, #tpu.memory_space<any>>) target_semaphore(%arg3 : memref<!tpu.dma_semaphore, #tpu.memory_space<semaphore_mem>>)
    %dma_start3A_41 = arith.constant 1792 : i32
    %dma_start3A_42 = arith.constant 0 : i32
    %dma_start3A_43 = tpu.memref_slice %arg2[%dma_start3A_41, %dma_start3A_42] : memref<65536x1024xf32, #tpu.memory_space<any>> -> memref<1x1024xf32, #tpu.memory_space<any>>
    %dma_start3A_44 = arith.constant 7 : i32
    %dma_start3A_45 = arith.constant 0 : i32
    %dma_start3A_46 = tpu.memref_slice %arg0[%dma_start3A_44, %dma_start3A_45] : memref<32x1024xf32, #tpu.memory_space<vmem>> -> memref<1x1024xf32, #tpu.memory_space<vmem>>
    tpu.enqueue_dma source(%dma_start3A_46 : memref<1x1024xf32, #tpu.memory_space<vmem>>) target(%dma_start3A_43 : memref<1x1024xf32, #tpu.memory_space<any>>) target_semaphore(%arg3 : memref<!tpu.dma_semaphore, #tpu.memory_space<semaphore_mem>>)
    %dma_start3A_47 = arith.constant 2048 : i32
    %dma_start3A_48 = arith.constant 0 : i32
    %dma_start3A_49 = tpu.memref_slice %arg2[%dma_start3A_47, %dma_start3A_48] : memref<65536x1024xf32, #tpu.memory_space<any>> -> memref<1x1024xf32, #tpu.memory_space<any>>
    %dma_start3A_50 = arith.constant 8 : i32
    %dma_start3A_51 = arith.constant 0 : i32
    %dma_start3A_52 = tpu.memref_slice %arg0[%dma_start3A_50, %dma_start3A_51] : memref<32x1024xf32, #tpu.memory_space<vmem>> -> memref<1x1024xf32, #tpu.memory_space<vmem>>
    tpu.enqueue_dma source(%dma_start3A_52 : memref<1x1024xf32, #tpu.memory_space<vmem>>) target(%dma_start3A_49 : memref<1x1024xf32, #tpu.memory_space<any>>) target_semaphore(%arg3 : memref<!tpu.dma_semaphore, #tpu.memory_space<semaphore_mem>>)
    %dma_start3A_53 = arith.constant 2304 : i32
    %dma_start3A_54 = arith.constant 0 : i32
    %dma_start3A_55 = tpu.memref_slice %arg2[%dma_start3A_53, %dma_start3A_54] : memref<65536x1024xf32, #tpu.memory_space<any>> -> memref<1x1024xf32, #tpu.memory_space<any>>
    %dma_start3A_56 = arith.constant 9 : i32
    %dma_start3A_57 = arith.constant 0 : i32
    %dma_start3A_58 = tpu.memref_slice %arg0[%dma_start3A_56, %dma_start3A_57] : memref<32x1024xf32, #tpu.memory_space<vmem>> -> memref<1x1024xf32, #tpu.memory_space<vmem>>
    tpu.enqueue_dma source(%dma_start3A_58 : memref<1x1024xf32, #tpu.memory_space<vmem>>) target(%dma_start3A_55 : memref<1x1024xf32, #tpu.memory_space<any>>) target_semaphore(%arg3 : memref<!tpu.dma_semaphore, #tpu.memory_space<semaphore_mem>>)
    %dma_start3A_59 = arith.constant 2560 : i32
    %dma_start3A_60 = arith.constant 0 : i32
    %dma_start3A_61 = tpu.memref_slice %arg2[%dma_start3A_59, %dma_start3A_60] : memref<65536x1024xf32, #tpu.memory_space<any>> -> memref<1x1024xf32, #tpu.memory_space<any>>
    %dma_start3A_62 = arith.constant 10 : i32
    %dma_start3A_63 = arith.constant 0 : i32
    %dma_start3A_64 = tpu.memref_slice %arg0[%dma_start3A_62, %dma_start3A_63] : memref<32x1024xf32, #tpu.memory_space<vmem>> -> memref<1x1024xf32, #tpu.memory_space<vmem>>
    tpu.enqueue_dma source(%dma_start3A_64 : memref<1x1024xf32, #tpu.memory_space<vmem>>) target(%dma_start3A_61 : memref<1x1024xf32, #tpu.memory_space<any>>) target_semaphore(%arg3 : memref<!tpu.dma_semaphore, #tpu.memory_space<semaphore_mem>>)
    %dma_start3A_65 = arith.constant 2816 : i32
    %dma_start3A_66 = arith.constant 0 : i32
    %dma_start3A_67 = tpu.memref_slice %arg2[%dma_start3A_65, %dma_start3A_66] : memref<65536x1024xf32, #tpu.memory_space<any>> -> memref<1x1024xf32, #tpu.memory_space<any>>
    %dma_start3A_68 = arith.constant 11 : i32
    %dma_start3A_69 = arith.constant 0 : i32
    %dma_start3A_70 = tpu.memref_slice %arg0[%dma_start3A_68, %dma_start3A_69] : memref<32x1024xf32, #tpu.memory_space<vmem>> -> memref<1x1024xf32, #tpu.memory_space<vmem>>
    tpu.enqueue_dma source(%dma_start3A_70 : memref<1x1024xf32, #tpu.memory_space<vmem>>) target(%dma_start3A_67 : memref<1x1024xf32, #tpu.memory_space<any>>) target_semaphore(%arg3 : memref<!tpu.dma_semaphore, #tpu.memory_space<semaphore_mem>>)
    %dma_start3A_71 = arith.constant 3072 : i32
    %dma_start3A_72 = arith.constant 0 : i32
    %dma_start3A_73 = tpu.memref_slice %arg2[%dma_start3A_71, %dma_start3A_72] : memref<65536x1024xf32, #tpu.memory_space<any>> -> memref<1x1024xf32, #tpu.memory_space<any>>
    %dma_start3A_74 = arith.constant 12 : i32
    %dma_start3A_75 = arith.constant 0 : i32
    %dma_start3A_76 = tpu.memref_slice %arg0[%dma_start3A_74, %dma_start3A_75] : memref<32x1024xf32, #tpu.memory_space<vmem>> -> memref<1x1024xf32, #tpu.memory_space<vmem>>
    tpu.enqueue_dma source(%dma_start3A_76 : memref<1x1024xf32, #tpu.memory_space<vmem>>) target(%dma_start3A_73 : memref<1x1024xf32, #tpu.memory_space<any>>) target_semaphore(%arg3 : memref<!tpu.dma_semaphore, #tpu.memory_space<semaphore_mem>>)
    %dma_start3A_77 = arith.constant 3328 : i32
    %dma_start3A_78 = arith.constant 0 : i32
    %dma_start3A_79 = tpu.memref_slice %arg2[%dma_start3A_77, %dma_start3A_78] : memref<65536x1024xf32, #tpu.memory_space<any>> -> memref<1x1024xf32, #tpu.memory_space<any>>
    %dma_start3A_80 = arith.constant 13 : i32
    %dma_start3A_81 = arith.constant 0 : i32
    %dma_start3A_82 = tpu.memref_slice %arg0[%dma_start3A_80, %dma_start3A_81] : memref<32x1024xf32, #tpu.memory_space<vmem>> -> memref<1x1024xf32, #tpu.memory_space<vmem>>
    tpu.enqueue_dma source(%dma_start3A_82 : memref<1x1024xf32, #tpu.memory_space<vmem>>) target(%dma_start3A_79 : memref<1x1024xf32, #tpu.memory_space<any>>) target_semaphore(%arg3 : memref<!tpu.dma_semaphore, #tpu.memory_space<semaphore_mem>>)
    %dma_start3A_83 = arith.constant 3584 : i32
    %dma_start3A_84 = arith.constant 0 : i32
    %dma_start3A_85 = tpu.memref_slice %arg2[%dma_start3A_83, %dma_start3A_84] : memref<65536x1024xf32, #tpu.memory_space<any>> -> memref<1x1024xf32, #tpu.memory_space<any>>
    %dma_start3A_86 = arith.constant 14 : i32
    %dma_start3A_87 = arith.constant 0 : i32
    %dma_start3A_88 = tpu.memref_slice %arg0[%dma_start3A_86, %dma_start3A_87] : memref<32x1024xf32, #tpu.memory_space<vmem>> -> memref<1x1024xf32, #tpu.memory_space<vmem>>
    tpu.enqueue_dma source(%dma_start3A_88 : memref<1x1024xf32, #tpu.memory_space<vmem>>) target(%dma_start3A_85 : memref<1x1024xf32, #tpu.memory_space<any>>) target_semaphore(%arg3 : memref<!tpu.dma_semaphore, #tpu.memory_space<semaphore_mem>>)
    %dma_start3A_89 = arith.constant 3840 : i32
    %dma_start3A_90 = arith.constant 0 : i32
    %dma_start3A_91 = tpu.memref_slice %arg2[%dma_start3A_89, %dma_start3A_90] : memref<65536x1024xf32, #tpu.memory_space<any>> -> memref<1x1024xf32, #tpu.memory_space<any>>
    %dma_start3A_92 = arith.constant 15 : i32
    %dma_start3A_93 = arith.constant 0 : i32
    %dma_start3A_94 = tpu.memref_slice %arg0[%dma_start3A_92, %dma_start3A_93] : memref<32x1024xf32, #tpu.memory_space<vmem>> -> memref<1x1024xf32, #tpu.memory_space<vmem>>
    tpu.enqueue_dma source(%dma_start3A_94 : memref<1x1024xf32, #tpu.memory_space<vmem>>) target(%dma_start3A_91 : memref<1x1024xf32, #tpu.memory_space<any>>) target_semaphore(%arg3 : memref<!tpu.dma_semaphore, #tpu.memory_space<semaphore_mem>>)
    %dma_start3A_95 = arith.constant 4096 : i32
    %dma_start3A_96 = arith.constant 0 : i32
    %dma_start3A_97 = tpu.memref_slice %arg2[%dma_start3A_95, %dma_start3A_96] : memref<65536x1024xf32, #tpu.memory_space<any>> -> memref<1x1024xf32, #tpu.memory_space<any>>
    %dma_start3A_98 = arith.constant 16 : i32
    %dma_start3A_99 = arith.constant 0 : i32
    %dma_start3A_100 = tpu.memref_slice %arg0[%dma_start3A_98, %dma_start3A_99] : memref<32x1024xf32, #tpu.memory_space<vmem>> -> memref<1x1024xf32, #tpu.memory_space<vmem>>
    tpu.enqueue_dma source(%dma_start3A_100 : memref<1x1024xf32, #tpu.memory_space<vmem>>) target(%dma_start3A_97 : memref<1x1024xf32, #tpu.memory_space<any>>) target_semaphore(%arg3 : memref<!tpu.dma_semaphore, #tpu.memory_space<semaphore_mem>>)
    %dma_start3A_101 = arith.constant 4352 : i32
    %dma_start3A_102 = arith.constant 0 : i32
    %dma_start3A_103 = tpu.memref_slice %arg2[%dma_start3A_101, %dma_start3A_102] : memref<65536x1024xf32, #tpu.memory_space<any>> -> memref<1x1024xf32, #tpu.memory_space<any>>
    %dma_start3A_104 = arith.constant 17 : i32
    %dma_start3A_105 = arith.constant 0 : i32
    %dma_start3A_106 = tpu.memref_slice %arg0[%dma_start3A_104, %dma_start3A_105] : memref<32x1024xf32, #tpu.memory_space<vmem>> -> memref<1x1024xf32, #tpu.memory_space<vmem>>
    tpu.enqueue_dma source(%dma_start3A_106 : memref<1x1024xf32, #tpu.memory_space<vmem>>) target(%dma_start3A_103 : memref<1x1024xf32, #tpu.memory_space<any>>) target_semaphore(%arg3 : memref<!tpu.dma_semaphore, #tpu.memory_space<semaphore_mem>>)
    %dma_start3A_107 = arith.constant 4608 : i32
    %dma_start3A_108 = arith.constant 0 : i32
    %dma_start3A_109 = tpu.memref_slice %arg2[%dma_start3A_107, %dma_start3A_108] : memref<65536x1024xf32, #tpu.memory_space<any>> -> memref<1x1024xf32, #tpu.memory_space<any>>
    %dma_start3A_110 = arith.constant 18 : i32
    %dma_start3A_111 = arith.constant 0 : i32
    %dma_start3A_112 = tpu.memref_slice %arg0[%dma_start3A_110, %dma_start3A_111] : memref<32x1024xf32, #tpu.memory_space<vmem>> -> memref<1x1024xf32, #tpu.memory_space<vmem>>
    tpu.enqueue_dma source(%dma_start3A_112 : memref<1x1024xf32, #tpu.memory_space<vmem>>) target(%dma_start3A_109 : memref<1x1024xf32, #tpu.memory_space<any>>) target_semaphore(%arg3 : memref<!tpu.dma_semaphore, #tpu.memory_space<semaphore_mem>>)
    %dma_start3A_113 = arith.constant 4864 : i32
    %dma_start3A_114 = arith.constant 0 : i32
    %dma_start3A_115 = tpu.memref_slice %arg2[%dma_start3A_113, %dma_start3A_114] : memref<65536x1024xf32, #tpu.memory_space<any>> -> memref<1x1024xf32, #tpu.memory_space<any>>
    %dma_start3A_116 = arith.constant 19 : i32
    %dma_start3A_117 = arith.constant 0 : i32
    %dma_start3A_118 = tpu.memref_slice %arg0[%dma_start3A_116, %dma_start3A_117] : memref<32x1024xf32, #tpu.memory_space<vmem>> -> memref<1x1024xf32, #tpu.memory_space<vmem>>
    tpu.enqueue_dma source(%dma_start3A_118 : memref<1x1024xf32, #tpu.memory_space<vmem>>) target(%dma_start3A_115 : memref<1x1024xf32, #tpu.memory_space<any>>) target_semaphore(%arg3 : memref<!tpu.dma_semaphore, #tpu.memory_space<semaphore_mem>>)
    %dma_start3A_119 = arith.constant 5120 : i32
    %dma_start3A_120 = arith.constant 0 : i32
    %dma_start3A_121 = tpu.memref_slice %arg2[%dma_start3A_119, %dma_start3A_120] : memref<65536x1024xf32, #tpu.memory_space<any>> -> memref<1x1024xf32, #tpu.memory_space<any>>
    %dma_start3A_122 = arith.constant 20 : i32
    %dma_start3A_123 = arith.constant 0 : i32
    %dma_start3A_124 = tpu.memref_slice %arg0[%dma_start3A_122, %dma_start3A_123] : memref<32x1024xf32, #tpu.memory_space<vmem>> -> memref<1x1024xf32, #tpu.memory_space<vmem>>
    tpu.enqueue_dma source(%dma_start3A_124 : memref<1x1024xf32, #tpu.memory_space<vmem>>) target(%dma_start3A_121 : memref<1x1024xf32, #tpu.memory_space<any>>) target_semaphore(%arg3 : memref<!tpu.dma_semaphore, #tpu.memory_space<semaphore_mem>>)
    %dma_start3A_125 = arith.constant 5376 : i32
    %dma_start3A_126 = arith.constant 0 : i32
    %dma_start3A_127 = tpu.memref_slice %arg2[%dma_start3A_125, %dma_start3A_126] : memref<65536x1024xf32, #tpu.memory_space<any>> -> memref<1x1024xf32, #tpu.memory_space<any>>
    %dma_start3A_128 = arith.constant 21 : i32
    %dma_start3A_129 = arith.constant 0 : i32
    %dma_start3A_130 = tpu.memref_slice %arg0[%dma_start3A_128, %dma_start3A_129] : memref<32x1024xf32, #tpu.memory_space<vmem>> -> memref<1x1024xf32, #tpu.memory_space<vmem>>
    tpu.enqueue_dma source(%dma_start3A_130 : memref<1x1024xf32, #tpu.memory_space<vmem>>) target(%dma_start3A_127 : memref<1x1024xf32, #tpu.memory_space<any>>) target_semaphore(%arg3 : memref<!tpu.dma_semaphore, #tpu.memory_space<semaphore_mem>>)
    %dma_start3A_131 = arith.constant 5632 : i32
    %dma_start3A_132 = arith.constant 0 : i32
    %dma_start3A_133 = tpu.memref_slice %arg2[%dma_start3A_131, %dma_start3A_132] : memref<65536x1024xf32, #tpu.memory_space<any>> -> memref<1x1024xf32, #tpu.memory_space<any>>
    %dma_start3A_134 = arith.constant 22 : i32
    %dma_start3A_135 = arith.constant 0 : i32
    %dma_start3A_136 = tpu.memref_slice %arg0[%dma_start3A_134, %dma_start3A_135] : memref<32x1024xf32, #tpu.memory_space<vmem>> -> memref<1x1024xf32, #tpu.memory_space<vmem>>
    tpu.enqueue_dma source(%dma_start3A_136 : memref<1x1024xf32, #tpu.memory_space<vmem>>) target(%dma_start3A_133 : memref<1x1024xf32, #tpu.memory_space<any>>) target_semaphore(%arg3 : memref<!tpu.dma_semaphore, #tpu.memory_space<semaphore_mem>>)
    %dma_start3A_137 = arith.constant 5888 : i32
    %dma_start3A_138 = arith.constant 0 : i32
    %dma_start3A_139 = tpu.memref_slice %arg2[%dma_start3A_137, %dma_start3A_138] : memref<65536x1024xf32, #tpu.memory_space<any>> -> memref<1x1024xf32, #tpu.memory_space<any>>
    %dma_start3A_140 = arith.constant 23 : i32
    %dma_start3A_141 = arith.constant 0 : i32
    %dma_start3A_142 = tpu.memref_slice %arg0[%dma_start3A_140, %dma_start3A_141] : memref<32x1024xf32, #tpu.memory_space<vmem>> -> memref<1x1024xf32, #tpu.memory_space<vmem>>
    tpu.enqueue_dma source(%dma_start3A_142 : memref<1x1024xf32, #tpu.memory_space<vmem>>) target(%dma_start3A_139 : memref<1x1024xf32, #tpu.memory_space<any>>) target_semaphore(%arg3 : memref<!tpu.dma_semaphore, #tpu.memory_space<semaphore_mem>>)
    %dma_start3A_143 = arith.constant 6144 : i32
    %dma_start3A_144 = arith.constant 0 : i32
    %dma_start3A_145 = tpu.memref_slice %arg2[%dma_start3A_143, %dma_start3A_144] : memref<65536x1024xf32, #tpu.memory_space<any>> -> memref<1x1024xf32, #tpu.memory_space<any>>
    %dma_start3A_146 = arith.constant 24 : i32
    %dma_start3A_147 = arith.constant 0 : i32
    %dma_start3A_148 = tpu.memref_slice %arg0[%dma_start3A_146, %dma_start3A_147] : memref<32x1024xf32, #tpu.memory_space<vmem>> -> memref<1x1024xf32, #tpu.memory_space<vmem>>
    tpu.enqueue_dma source(%dma_start3A_148 : memref<1x1024xf32, #tpu.memory_space<vmem>>) target(%dma_start3A_145 : memref<1x1024xf32, #tpu.memory_space<any>>) target_semaphore(%arg3 : memref<!tpu.dma_semaphore, #tpu.memory_space<semaphore_mem>>)
    %dma_start3A_149 = arith.constant 6400 : i32
    %dma_start3A_150 = arith.constant 0 : i32
    %dma_start3A_151 = tpu.memref_slice %arg2[%dma_start3A_149, %dma_start3A_150] : memref<65536x1024xf32, #tpu.memory_space<any>> -> memref<1x1024xf32, #tpu.memory_space<any>>
    %dma_start3A_152 = arith.constant 25 : i32
    %dma_start3A_153 = arith.constant 0 : i32
    %dma_start3A_154 = tpu.memref_slice %arg0[%dma_start3A_152, %dma_start3A_153] : memref<32x1024xf32, #tpu.memory_space<vmem>> -> memref<1x1024xf32, #tpu.memory_space<vmem>>
    tpu.enqueue_dma source(%dma_start3A_154 : memref<1x1024xf32, #tpu.memory_space<vmem>>) target(%dma_start3A_151 : memref<1x1024xf32, #tpu.memory_space<any>>) target_semaphore(%arg3 : memref<!tpu.dma_semaphore, #tpu.memory_space<semaphore_mem>>)
    %dma_start3A_155 = arith.constant 6656 : i32
    %dma_start3A_156 = arith.constant 0 : i32
    %dma_start3A_157 = tpu.memref_slice %arg2[%dma_start3A_155, %dma_start3A_156] : memref<65536x1024xf32, #tpu.memory_space<any>> -> memref<1x1024xf32, #tpu.memory_space<any>>
    %dma_start3A_158 = arith.constant 26 : i32
    %dma_start3A_159 = arith.constant 0 : i32
    %dma_start3A_160 = tpu.memref_slice %arg0[%dma_start3A_158, %dma_start3A_159] : memref<32x1024xf32, #tpu.memory_space<vmem>> -> memref<1x1024xf32, #tpu.memory_space<vmem>>
    tpu.enqueue_dma source(%dma_start3A_160 : memref<1x1024xf32, #tpu.memory_space<vmem>>) target(%dma_start3A_157 : memref<1x1024xf32, #tpu.memory_space<any>>) target_semaphore(%arg3 : memref<!tpu.dma_semaphore, #tpu.memory_space<semaphore_mem>>)
    %dma_start3A_161 = arith.constant 6912 : i32
    %dma_start3A_162 = arith.constant 0 : i32
    %dma_start3A_163 = tpu.memref_slice %arg2[%dma_start3A_161, %dma_start3A_162] : memref<65536x1024xf32, #tpu.memory_space<any>> -> memref<1x1024xf32, #tpu.memory_space<any>>
    %dma_start3A_164 = arith.constant 27 : i32
    %dma_start3A_165 = arith.constant 0 : i32
    %dma_start3A_166 = tpu.memref_slice %arg0[%dma_start3A_164, %dma_start3A_165] : memref<32x1024xf32, #tpu.memory_space<vmem>> -> memref<1x1024xf32, #tpu.memory_space<vmem>>
    tpu.enqueue_dma source(%dma_start3A_166 : memref<1x1024xf32, #tpu.memory_space<vmem>>) target(%dma_start3A_163 : memref<1x1024xf32, #tpu.memory_space<any>>) target_semaphore(%arg3 : memref<!tpu.dma_semaphore, #tpu.memory_space<semaphore_mem>>)
    %dma_start3A_167 = arith.constant 7168 : i32
    %dma_start3A_168 = arith.constant 0 : i32
    %dma_start3A_169 = tpu.memref_slice %arg2[%dma_start3A_167, %dma_start3A_168] : memref<65536x1024xf32, #tpu.memory_space<any>> -> memref<1x1024xf32, #tpu.memory_space<any>>
    %dma_start3A_170 = arith.constant 28 : i32
    %dma_start3A_171 = arith.constant 0 : i32
    %dma_start3A_172 = tpu.memref_slice %arg0[%dma_start3A_170, %dma_start3A_171] : memref<32x1024xf32, #tpu.memory_space<vmem>> -> memref<1x1024xf32, #tpu.memory_space<vmem>>
    tpu.enqueue_dma source(%dma_start3A_172 : memref<1x1024xf32, #tpu.memory_space<vmem>>) target(%dma_start3A_169 : memref<1x1024xf32, #tpu.memory_space<any>>) target_semaphore(%arg3 : memref<!tpu.dma_semaphore, #tpu.memory_space<semaphore_mem>>)
    %dma_start3A_173 = arith.constant 7424 : i32
    %dma_start3A_174 = arith.constant 0 : i32
    %dma_start3A_175 = tpu.memref_slice %arg2[%dma_start3A_173, %dma_start3A_174] : memref<65536x1024xf32, #tpu.memory_space<any>> -> memref<1x1024xf32, #tpu.memory_space<any>>
    %dma_start3A_176 = arith.constant 29 : i32
    %dma_start3A_177 = arith.constant 0 : i32
    %dma_start3A_178 = tpu.memref_slice %arg0[%dma_start3A_176, %dma_start3A_177] : memref<32x1024xf32, #tpu.memory_space<vmem>> -> memref<1x1024xf32, #tpu.memory_space<vmem>>
    tpu.enqueue_dma source(%dma_start3A_178 : memref<1x1024xf32, #tpu.memory_space<vmem>>) target(%dma_start3A_175 : memref<1x1024xf32, #tpu.memory_space<any>>) target_semaphore(%arg3 : memref<!tpu.dma_semaphore, #tpu.memory_space<semaphore_mem>>)
    %dma_start3A_179 = arith.constant 7680 : i32
    %dma_start3A_180 = arith.constant 0 : i32
    %dma_start3A_181 = tpu.memref_slice %arg2[%dma_start3A_179, %dma_start3A_180] : memref<65536x1024xf32, #tpu.memory_space<any>> -> memref<1x1024xf32, #tpu.memory_space<any>>
    %dma_start3A_182 = arith.constant 30 : i32
    %dma_start3A_183 = arith.constant 0 : i32
    %dma_start3A_184 = tpu.memref_slice %arg0[%dma_start3A_182, %dma_start3A_183] : memref<32x1024xf32, #tpu.memory_space<vmem>> -> memref<1x1024xf32, #tpu.memory_space<vmem>>
    tpu.enqueue_dma source(%dma_start3A_184 : memref<1x1024xf32, #tpu.memory_space<vmem>>) target(%dma_start3A_181 : memref<1x1024xf32, #tpu.memory_space<any>>) target_semaphore(%arg3 : memref<!tpu.dma_semaphore, #tpu.memory_space<semaphore_mem>>)
    %dma_start3A_185 = arith.constant 7936 : i32
    %dma_start3A_186 = arith.constant 0 : i32
    %dma_start3A_187 = tpu.memref_slice %arg2[%dma_start3A_185, %dma_start3A_186] : memref<65536x1024xf32, #tpu.memory_space<any>> -> memref<1x1024xf32, #tpu.memory_space<any>>
    %dma_start3A_188 = arith.constant 31 : i32
    %dma_start3A_189 = arith.constant 0 : i32
    %dma_start3A_190 = tpu.memref_slice %arg0[%dma_start3A_188, %dma_start3A_189] : memref<32x1024xf32, #tpu.memory_space<vmem>> -> memref<1x1024xf32, #tpu.memory_space<vmem>>
    tpu.enqueue_dma source(%dma_start3A_190 : memref<1x1024xf32, #tpu.memory_space<vmem>>) target(%dma_start3A_187 : memref<1x1024xf32, #tpu.memory_space<any>>) target_semaphore(%arg3 : memref<!tpu.dma_semaphore, #tpu.memory_space<semaphore_mem>>)
    %dma_wait3A = arith.constant 0 : i32
    %dma_wait3A_191 = arith.constant 0 : i32
    %dma_wait3A_192 = tpu.memref_slice %arg2[%dma_wait3A, %dma_wait3A_191] : memref<65536x1024xf32, #tpu.memory_space<any>> -> memref<1x1024xf32, #tpu.memory_space<any>>
    %dma_wait3A_193 = arith.constant 0 : i32
    %dma_wait3A_194 = arith.constant 0 : i32
    %dma_wait3A_195 = tpu.memref_slice %arg0[%dma_wait3A_193, %dma_wait3A_194] : memref<32x1024xf32, #tpu.memory_space<vmem>> -> memref<1x1024xf32, #tpu.memory_space<vmem>>
    tpu.wait_dma2 semaphore(%arg3 : memref<!tpu.dma_semaphore, #tpu.memory_space<semaphore_mem>>) src(%dma_wait3A_195 : memref<1x1024xf32, #tpu.memory_space<vmem>>) dst(%dma_wait3A_192 : memref<1x1024xf32, #tpu.memory_space<any>>)
    %dma_wait3A_196 = arith.constant 256 : i32
    %dma_wait3A_197 = arith.constant 0 : i32
    %dma_wait3A_198 = tpu.memref_slice %arg2[%dma_wait3A_196, %dma_wait3A_197] : memref<65536x1024xf32, #tpu.memory_space<any>> -> memref<1x1024xf32, #tpu.memory_space<any>>
    %dma_wait3A_199 = arith.constant 1 : i32
    %dma_wait3A_200 = arith.constant 0 : i32
    %dma_wait3A_201 = tpu.memref_slice %arg0[%dma_wait3A_199, %dma_wait3A_200] : memref<32x1024xf32, #tpu.memory_space<vmem>> -> memref<1x1024xf32, #tpu.memory_space<vmem>>
    tpu.wait_dma2 semaphore(%arg3 : memref<!tpu.dma_semaphore, #tpu.memory_space<semaphore_mem>>) src(%dma_wait3A_201 : memref<1x1024xf32, #tpu.memory_space<vmem>>) dst(%dma_wait3A_198 : memref<1x1024xf32, #tpu.memory_space<any>>)
    %dma_wait3A_202 = arith.constant 512 : i32
    %dma_wait3A_203 = arith.constant 0 : i32
    %dma_wait3A_204 = tpu.memref_slice %arg2[%dma_wait3A_202, %dma_wait3A_203] : memref<65536x1024xf32, #tpu.memory_space<any>> -> memref<1x1024xf32, #tpu.memory_space<any>>
    %dma_wait3A_205 = arith.constant 2 : i32
    %dma_wait3A_206 = arith.constant 0 : i32
    %dma_wait3A_207 = tpu.memref_slice %arg0[%dma_wait3A_205, %dma_wait3A_206] : memref<32x1024xf32, #tpu.memory_space<vmem>> -> memref<1x1024xf32, #tpu.memory_space<vmem>>
    tpu.wait_dma2 semaphore(%arg3 : memref<!tpu.dma_semaphore, #tpu.memory_space<semaphore_mem>>) src(%dma_wait3A_207 : memref<1x1024xf32, #tpu.memory_space<vmem>>) dst(%dma_wait3A_204 : memref<1x1024xf32, #tpu.memory_space<any>>)
    %dma_wait3A_208 = arith.constant 768 : i32
    %dma_wait3A_209 = arith.constant 0 : i32
    %dma_wait3A_210 = tpu.memref_slice %arg2[%dma_wait3A_208, %dma_wait3A_209] : memref<65536x1024xf32, #tpu.memory_space<any>> -> memref<1x1024xf32, #tpu.memory_space<any>>
    %dma_wait3A_211 = arith.constant 3 : i32
    %dma_wait3A_212 = arith.constant 0 : i32
    %dma_wait3A_213 = tpu.memref_slice %arg0[%dma_wait3A_211, %dma_wait3A_212] : memref<32x1024xf32, #tpu.memory_space<vmem>> -> memref<1x1024xf32, #tpu.memory_space<vmem>>
    tpu.wait_dma2 semaphore(%arg3 : memref<!tpu.dma_semaphore, #tpu.memory_space<semaphore_mem>>) src(%dma_wait3A_213 : memref<1x1024xf32, #tpu.memory_space<vmem>>) dst(%dma_wait3A_210 : memref<1x1024xf32, #tpu.memory_space<any>>)
    %dma_wait3A_214 = arith.constant 1024 : i32
    %dma_wait3A_215 = arith.constant 0 : i32
    %dma_wait3A_216 = tpu.memref_slice %arg2[%dma_wait3A_214, %dma_wait3A_215] : memref<65536x1024xf32, #tpu.memory_space<any>> -> memref<1x1024xf32, #tpu.memory_space<any>>
    %dma_wait3A_217 = arith.constant 4 : i32
    %dma_wait3A_218 = arith.constant 0 : i32
    %dma_wait3A_219 = tpu.memref_slice %arg0[%dma_wait3A_217, %dma_wait3A_218] : memref<32x1024xf32, #tpu.memory_space<vmem>> -> memref<1x1024xf32, #tpu.memory_space<vmem>>
    tpu.wait_dma2 semaphore(%arg3 : memref<!tpu.dma_semaphore, #tpu.memory_space<semaphore_mem>>) src(%dma_wait3A_219 : memref<1x1024xf32, #tpu.memory_space<vmem>>) dst(%dma_wait3A_216 : memref<1x1024xf32, #tpu.memory_space<any>>)
    %dma_wait3A_220 = arith.constant 1280 : i32
    %dma_wait3A_221 = arith.constant 0 : i32
    %dma_wait3A_222 = tpu.memref_slice %arg2[%dma_wait3A_220, %dma_wait3A_221] : memref<65536x1024xf32, #tpu.memory_space<any>> -> memref<1x1024xf32, #tpu.memory_space<any>>
    %dma_wait3A_223 = arith.constant 5 : i32
    %dma_wait3A_224 = arith.constant 0 : i32
    %dma_wait3A_225 = tpu.memref_slice %arg0[%dma_wait3A_223, %dma_wait3A_224] : memref<32x1024xf32, #tpu.memory_space<vmem>> -> memref<1x1024xf32, #tpu.memory_space<vmem>>
    tpu.wait_dma2 semaphore(%arg3 : memref<!tpu.dma_semaphore, #tpu.memory_space<semaphore_mem>>) src(%dma_wait3A_225 : memref<1x1024xf32, #tpu.memory_space<vmem>>) dst(%dma_wait3A_222 : memref<1x1024xf32, #tpu.memory_space<any>>)
    %dma_wait3A_226 = arith.constant 1536 : i32
    %dma_wait3A_227 = arith.constant 0 : i32
    %dma_wait3A_228 = tpu.memref_slice %arg2[%dma_wait3A_226, %dma_wait3A_227] : memref<65536x1024xf32, #tpu.memory_space<any>> -> memref<1x1024xf32, #tpu.memory_space<any>>
    %dma_wait3A_229 = arith.constant 6 : i32
    %dma_wait3A_230 = arith.constant 0 : i32
    %dma_wait3A_231 = tpu.memref_slice %arg0[%dma_wait3A_229, %dma_wait3A_230] : memref<32x1024xf32, #tpu.memory_space<vmem>> -> memref<1x1024xf32, #tpu.memory_space<vmem>>
    tpu.wait_dma2 semaphore(%arg3 : memref<!tpu.dma_semaphore, #tpu.memory_space<semaphore_mem>>) src(%dma_wait3A_231 : memref<1x1024xf32, #tpu.memory_space<vmem>>) dst(%dma_wait3A_228 : memref<1x1024xf32, #tpu.memory_space<any>>)
    %dma_wait3A_232 = arith.constant 1792 : i32
    %dma_wait3A_233 = arith.constant 0 : i32
    %dma_wait3A_234 = tpu.memref_slice %arg2[%dma_wait3A_232, %dma_wait3A_233] : memref<65536x1024xf32, #tpu.memory_space<any>> -> memref<1x1024xf32, #tpu.memory_space<any>>
    %dma_wait3A_235 = arith.constant 7 : i32
    %dma_wait3A_236 = arith.constant 0 : i32
    %dma_wait3A_237 = tpu.memref_slice %arg0[%dma_wait3A_235, %dma_wait3A_236] : memref<32x1024xf32, #tpu.memory_space<vmem>> -> memref<1x1024xf32, #tpu.memory_space<vmem>>
    tpu.wait_dma2 semaphore(%arg3 : memref<!tpu.dma_semaphore, #tpu.memory_space<semaphore_mem>>) src(%dma_wait3A_237 : memref<1x1024xf32, #tpu.memory_space<vmem>>) dst(%dma_wait3A_234 : memref<1x1024xf32, #tpu.memory_space<any>>)
    %dma_wait3A_238 = arith.constant 2048 : i32
    %dma_wait3A_239 = arith.constant 0 : i32
    %dma_wait3A_240 = tpu.memref_slice %arg2[%dma_wait3A_238, %dma_wait3A_239] : memref<65536x1024xf32, #tpu.memory_space<any>> -> memref<1x1024xf32, #tpu.memory_space<any>>
    %dma_wait3A_241 = arith.constant 8 : i32
    %dma_wait3A_242 = arith.constant 0 : i32
    %dma_wait3A_243 = tpu.memref_slice %arg0[%dma_wait3A_241, %dma_wait3A_242] : memref<32x1024xf32, #tpu.memory_space<vmem>> -> memref<1x1024xf32, #tpu.memory_space<vmem>>
    tpu.wait_dma2 semaphore(%arg3 : memref<!tpu.dma_semaphore, #tpu.memory_space<semaphore_mem>>) src(%dma_wait3A_243 : memref<1x1024xf32, #tpu.memory_space<vmem>>) dst(%dma_wait3A_240 : memref<1x1024xf32, #tpu.memory_space<any>>)
    %dma_wait3A_244 = arith.constant 2304 : i32
    %dma_wait3A_245 = arith.constant 0 : i32
    %dma_wait3A_246 = tpu.memref_slice %arg2[%dma_wait3A_244, %dma_wait3A_245] : memref<65536x1024xf32, #tpu.memory_space<any>> -> memref<1x1024xf32, #tpu.memory_space<any>>
    %dma_wait3A_247 = arith.constant 9 : i32
    %dma_wait3A_248 = arith.constant 0 : i32
    %dma_wait3A_249 = tpu.memref_slice %arg0[%dma_wait3A_247, %dma_wait3A_248] : memref<32x1024xf32, #tpu.memory_space<vmem>> -> memref<1x1024xf32, #tpu.memory_space<vmem>>
    tpu.wait_dma2 semaphore(%arg3 : memref<!tpu.dma_semaphore, #tpu.memory_space<semaphore_mem>>) src(%dma_wait3A_249 : memref<1x1024xf32, #tpu.memory_space<vmem>>) dst(%dma_wait3A_246 : memref<1x1024xf32, #tpu.memory_space<any>>)
    %dma_wait3A_250 = arith.constant 2560 : i32
    %dma_wait3A_251 = arith.constant 0 : i32
    %dma_wait3A_252 = tpu.memref_slice %arg2[%dma_wait3A_250, %dma_wait3A_251] : memref<65536x1024xf32, #tpu.memory_space<any>> -> memref<1x1024xf32, #tpu.memory_space<any>>
    %dma_wait3A_253 = arith.constant 10 : i32
    %dma_wait3A_254 = arith.constant 0 : i32
    %dma_wait3A_255 = tpu.memref_slice %arg0[%dma_wait3A_253, %dma_wait3A_254] : memref<32x1024xf32, #tpu.memory_space<vmem>> -> memref<1x1024xf32, #tpu.memory_space<vmem>>
    tpu.wait_dma2 semaphore(%arg3 : memref<!tpu.dma_semaphore, #tpu.memory_space<semaphore_mem>>) src(%dma_wait3A_255 : memref<1x1024xf32, #tpu.memory_space<vmem>>) dst(%dma_wait3A_252 : memref<1x1024xf32, #tpu.memory_space<any>>)
    %dma_wait3A_256 = arith.constant 2816 : i32
    %dma_wait3A_257 = arith.constant 0 : i32
    %dma_wait3A_258 = tpu.memref_slice %arg2[%dma_wait3A_256, %dma_wait3A_257] : memref<65536x1024xf32, #tpu.memory_space<any>> -> memref<1x1024xf32, #tpu.memory_space<any>>
    %dma_wait3A_259 = arith.constant 11 : i32
    %dma_wait3A_260 = arith.constant 0 : i32
    %dma_wait3A_261 = tpu.memref_slice %arg0[%dma_wait3A_259, %dma_wait3A_260] : memref<32x1024xf32, #tpu.memory_space<vmem>> -> memref<1x1024xf32, #tpu.memory_space<vmem>>
    tpu.wait_dma2 semaphore(%arg3 : memref<!tpu.dma_semaphore, #tpu.memory_space<semaphore_mem>>) src(%dma_wait3A_261 : memref<1x1024xf32, #tpu.memory_space<vmem>>) dst(%dma_wait3A_258 : memref<1x1024xf32, #tpu.memory_space<any>>)
    %dma_wait3A_262 = arith.constant 3072 : i32
    %dma_wait3A_263 = arith.constant 0 : i32
    %dma_wait3A_264 = tpu.memref_slice %arg2[%dma_wait3A_262, %dma_wait3A_263] : memref<65536x1024xf32, #tpu.memory_space<any>> -> memref<1x1024xf32, #tpu.memory_space<any>>
    %dma_wait3A_265 = arith.constant 12 : i32
    %dma_wait3A_266 = arith.constant 0 : i32
    %dma_wait3A_267 = tpu.memref_slice %arg0[%dma_wait3A_265, %dma_wait3A_266] : memref<32x1024xf32, #tpu.memory_space<vmem>> -> memref<1x1024xf32, #tpu.memory_space<vmem>>
    tpu.wait_dma2 semaphore(%arg3 : memref<!tpu.dma_semaphore, #tpu.memory_space<semaphore_mem>>) src(%dma_wait3A_267 : memref<1x1024xf32, #tpu.memory_space<vmem>>) dst(%dma_wait3A_264 : memref<1x1024xf32, #tpu.memory_space<any>>)
    %dma_wait3A_268 = arith.constant 3328 : i32
    %dma_wait3A_269 = arith.constant 0 : i32
    %dma_wait3A_270 = tpu.memref_slice %arg2[%dma_wait3A_268, %dma_wait3A_269] : memref<65536x1024xf32, #tpu.memory_space<any>> -> memref<1x1024xf32, #tpu.memory_space<any>>
    %dma_wait3A_271 = arith.constant 13 : i32
    %dma_wait3A_272 = arith.constant 0 : i32
    %dma_wait3A_273 = tpu.memref_slice %arg0[%dma_wait3A_271, %dma_wait3A_272] : memref<32x1024xf32, #tpu.memory_space<vmem>> -> memref<1x1024xf32, #tpu.memory_space<vmem>>
    tpu.wait_dma2 semaphore(%arg3 : memref<!tpu.dma_semaphore, #tpu.memory_space<semaphore_mem>>) src(%dma_wait3A_273 : memref<1x1024xf32, #tpu.memory_space<vmem>>) dst(%dma_wait3A_270 : memref<1x1024xf32, #tpu.memory_space<any>>)
    %dma_wait3A_274 = arith.constant 3584 : i32
    %dma_wait3A_275 = arith.constant 0 : i32
    %dma_wait3A_276 = tpu.memref_slice %arg2[%dma_wait3A_274, %dma_wait3A_275] : memref<65536x1024xf32, #tpu.memory_space<any>> -> memref<1x1024xf32, #tpu.memory_space<any>>
    %dma_wait3A_277 = arith.constant 14 : i32
    %dma_wait3A_278 = arith.constant 0 : i32
    %dma_wait3A_279 = tpu.memref_slice %arg0[%dma_wait3A_277, %dma_wait3A_278] : memref<32x1024xf32, #tpu.memory_space<vmem>> -> memref<1x1024xf32, #tpu.memory_space<vmem>>
    tpu.wait_dma2 semaphore(%arg3 : memref<!tpu.dma_semaphore, #tpu.memory_space<semaphore_mem>>) src(%dma_wait3A_279 : memref<1x1024xf32, #tpu.memory_space<vmem>>) dst(%dma_wait3A_276 : memref<1x1024xf32, #tpu.memory_space<any>>)
    %dma_wait3A_280 = arith.constant 3840 : i32
    %dma_wait3A_281 = arith.constant 0 : i32
    %dma_wait3A_282 = tpu.memref_slice %arg2[%dma_wait3A_280, %dma_wait3A_281] : memref<65536x1024xf32, #tpu.memory_space<any>> -> memref<1x1024xf32, #tpu.memory_space<any>>
    %dma_wait3A_283 = arith.constant 15 : i32
    %dma_wait3A_284 = arith.constant 0 : i32
    %dma_wait3A_285 = tpu.memref_slice %arg0[%dma_wait3A_283, %dma_wait3A_284] : memref<32x1024xf32, #tpu.memory_space<vmem>> -> memref<1x1024xf32, #tpu.memory_space<vmem>>
    tpu.wait_dma2 semaphore(%arg3 : memref<!tpu.dma_semaphore, #tpu.memory_space<semaphore_mem>>) src(%dma_wait3A_285 : memref<1x1024xf32, #tpu.memory_space<vmem>>) dst(%dma_wait3A_282 : memref<1x1024xf32, #tpu.memory_space<any>>)
    %dma_wait3A_286 = arith.constant 4096 : i32
    %dma_wait3A_287 = arith.constant 0 : i32
    %dma_wait3A_288 = tpu.memref_slice %arg2[%dma_wait3A_286, %dma_wait3A_287] : memref<65536x1024xf32, #tpu.memory_space<any>> -> memref<1x1024xf32, #tpu.memory_space<any>>
    %dma_wait3A_289 = arith.constant 16 : i32
    %dma_wait3A_290 = arith.constant 0 : i32
    %dma_wait3A_291 = tpu.memref_slice %arg0[%dma_wait3A_289, %dma_wait3A_290] : memref<32x1024xf32, #tpu.memory_space<vmem>> -> memref<1x1024xf32, #tpu.memory_space<vmem>>
    tpu.wait_dma2 semaphore(%arg3 : memref<!tpu.dma_semaphore, #tpu.memory_space<semaphore_mem>>) src(%dma_wait3A_291 : memref<1x1024xf32, #tpu.memory_space<vmem>>) dst(%dma_wait3A_288 : memref<1x1024xf32, #tpu.memory_space<any>>)
    %dma_wait3A_292 = arith.constant 4352 : i32
    %dma_wait3A_293 = arith.constant 0 : i32
    %dma_wait3A_294 = tpu.memref_slice %arg2[%dma_wait3A_292, %dma_wait3A_293] : memref<65536x1024xf32, #tpu.memory_space<any>> -> memref<1x1024xf32, #tpu.memory_space<any>>
    %dma_wait3A_295 = arith.constant 17 : i32
    %dma_wait3A_296 = arith.constant 0 : i32
    %dma_wait3A_297 = tpu.memref_slice %arg0[%dma_wait3A_295, %dma_wait3A_296] : memref<32x1024xf32, #tpu.memory_space<vmem>> -> memref<1x1024xf32, #tpu.memory_space<vmem>>
    tpu.wait_dma2 semaphore(%arg3 : memref<!tpu.dma_semaphore, #tpu.memory_space<semaphore_mem>>) src(%dma_wait3A_297 : memref<1x1024xf32, #tpu.memory_space<vmem>>) dst(%dma_wait3A_294 : memref<1x1024xf32, #tpu.memory_space<any>>)
    %dma_wait3A_298 = arith.constant 4608 : i32
    %dma_wait3A_299 = arith.constant 0 : i32
    %dma_wait3A_300 = tpu.memref_slice %arg2[%dma_wait3A_298, %dma_wait3A_299] : memref<65536x1024xf32, #tpu.memory_space<any>> -> memref<1x1024xf32, #tpu.memory_space<any>>
    %dma_wait3A_301 = arith.constant 18 : i32
    %dma_wait3A_302 = arith.constant 0 : i32
    %dma_wait3A_303 = tpu.memref_slice %arg0[%dma_wait3A_301, %dma_wait3A_302] : memref<32x1024xf32, #tpu.memory_space<vmem>> -> memref<1x1024xf32, #tpu.memory_space<vmem>>
    tpu.wait_dma2 semaphore(%arg3 : memref<!tpu.dma_semaphore, #tpu.memory_space<semaphore_mem>>) src(%dma_wait3A_303 : memref<1x1024xf32, #tpu.memory_space<vmem>>) dst(%dma_wait3A_300 : memref<1x1024xf32, #tpu.memory_space<any>>)
    %dma_wait3A_304 = arith.constant 4864 : i32
    %dma_wait3A_305 = arith.constant 0 : i32
    %dma_wait3A_306 = tpu.memref_slice %arg2[%dma_wait3A_304, %dma_wait3A_305] : memref<65536x1024xf32, #tpu.memory_space<any>> -> memref<1x1024xf32, #tpu.memory_space<any>>
    %dma_wait3A_307 = arith.constant 19 : i32
    %dma_wait3A_308 = arith.constant 0 : i32
    %dma_wait3A_309 = tpu.memref_slice %arg0[%dma_wait3A_307, %dma_wait3A_308] : memref<32x1024xf32, #tpu.memory_space<vmem>> -> memref<1x1024xf32, #tpu.memory_space<vmem>>
    tpu.wait_dma2 semaphore(%arg3 : memref<!tpu.dma_semaphore, #tpu.memory_space<semaphore_mem>>) src(%dma_wait3A_309 : memref<1x1024xf32, #tpu.memory_space<vmem>>) dst(%dma_wait3A_306 : memref<1x1024xf32, #tpu.memory_space<any>>)
    %dma_wait3A_310 = arith.constant 5120 : i32
    %dma_wait3A_311 = arith.constant 0 : i32
    %dma_wait3A_312 = tpu.memref_slice %arg2[%dma_wait3A_310, %dma_wait3A_311] : memref<65536x1024xf32, #tpu.memory_space<any>> -> memref<1x1024xf32, #tpu.memory_space<any>>
    %dma_wait3A_313 = arith.constant 20 : i32
    %dma_wait3A_314 = arith.constant 0 : i32
    %dma_wait3A_315 = tpu.memref_slice %arg0[%dma_wait3A_313, %dma_wait3A_314] : memref<32x1024xf32, #tpu.memory_space<vmem>> -> memref<1x1024xf32, #tpu.memory_space<vmem>>
    tpu.wait_dma2 semaphore(%arg3 : memref<!tpu.dma_semaphore, #tpu.memory_space<semaphore_mem>>) src(%dma_wait3A_315 : memref<1x1024xf32, #tpu.memory_space<vmem>>) dst(%dma_wait3A_312 : memref<1x1024xf32, #tpu.memory_space<any>>)
    %dma_wait3A_316 = arith.constant 5376 : i32
    %dma_wait3A_317 = arith.constant 0 : i32
    %dma_wait3A_318 = tpu.memref_slice %arg2[%dma_wait3A_316, %dma_wait3A_317] : memref<65536x1024xf32, #tpu.memory_space<any>> -> memref<1x1024xf32, #tpu.memory_space<any>>
    %dma_wait3A_319 = arith.constant 21 : i32
    %dma_wait3A_320 = arith.constant 0 : i32
    %dma_wait3A_321 = tpu.memref_slice %arg0[%dma_wait3A_319, %dma_wait3A_320] : memref<32x1024xf32, #tpu.memory_space<vmem>> -> memref<1x1024xf32, #tpu.memory_space<vmem>>
    tpu.wait_dma2 semaphore(%arg3 : memref<!tpu.dma_semaphore, #tpu.memory_space<semaphore_mem>>) src(%dma_wait3A_321 : memref<1x1024xf32, #tpu.memory_space<vmem>>) dst(%dma_wait3A_318 : memref<1x1024xf32, #tpu.memory_space<any>>)
    %dma_wait3A_322 = arith.constant 5632 : i32
    %dma_wait3A_323 = arith.constant 0 : i32
    %dma_wait3A_324 = tpu.memref_slice %arg2[%dma_wait3A_322, %dma_wait3A_323] : memref<65536x1024xf32, #tpu.memory_space<any>> -> memref<1x1024xf32, #tpu.memory_space<any>>
    %dma_wait3A_325 = arith.constant 22 : i32
    %dma_wait3A_326 = arith.constant 0 : i32
    %dma_wait3A_327 = tpu.memref_slice %arg0[%dma_wait3A_325, %dma_wait3A_326] : memref<32x1024xf32, #tpu.memory_space<vmem>> -> memref<1x1024xf32, #tpu.memory_space<vmem>>
    tpu.wait_dma2 semaphore(%arg3 : memref<!tpu.dma_semaphore, #tpu.memory_space<semaphore_mem>>) src(%dma_wait3A_327 : memref<1x1024xf32, #tpu.memory_space<vmem>>) dst(%dma_wait3A_324 : memref<1x1024xf32, #tpu.memory_space<any>>)
    %dma_wait3A_328 = arith.constant 5888 : i32
    %dma_wait3A_329 = arith.constant 0 : i32
    %dma_wait3A_330 = tpu.memref_slice %arg2[%dma_wait3A_328, %dma_wait3A_329] : memref<65536x1024xf32, #tpu.memory_space<any>> -> memref<1x1024xf32, #tpu.memory_space<any>>
    %dma_wait3A_331 = arith.constant 23 : i32
    %dma_wait3A_332 = arith.constant 0 : i32
    %dma_wait3A_333 = tpu.memref_slice %arg0[%dma_wait3A_331, %dma_wait3A_332] : memref<32x1024xf32, #tpu.memory_space<vmem>> -> memref<1x1024xf32, #tpu.memory_space<vmem>>
    tpu.wait_dma2 semaphore(%arg3 : memref<!tpu.dma_semaphore, #tpu.memory_space<semaphore_mem>>) src(%dma_wait3A_333 : memref<1x1024xf32, #tpu.memory_space<vmem>>) dst(%dma_wait3A_330 : memref<1x1024xf32, #tpu.memory_space<any>>)
    %dma_wait3A_334 = arith.constant 6144 : i32
    %dma_wait3A_335 = arith.constant 0 : i32
    %dma_wait3A_336 = tpu.memref_slice %arg2[%dma_wait3A_334, %dma_wait3A_335] : memref<65536x1024xf32, #tpu.memory_space<any>> -> memref<1x1024xf32, #tpu.memory_space<any>>
    %dma_wait3A_337 = arith.constant 24 : i32
    %dma_wait3A_338 = arith.constant 0 : i32
    %dma_wait3A_339 = tpu.memref_slice %arg0[%dma_wait3A_337, %dma_wait3A_338] : memref<32x1024xf32, #tpu.memory_space<vmem>> -> memref<1x1024xf32, #tpu.memory_space<vmem>>
    tpu.wait_dma2 semaphore(%arg3 : memref<!tpu.dma_semaphore, #tpu.memory_space<semaphore_mem>>) src(%dma_wait3A_339 : memref<1x1024xf32, #tpu.memory_space<vmem>>) dst(%dma_wait3A_336 : memref<1x1024xf32, #tpu.memory_space<any>>)
    %dma_wait3A_340 = arith.constant 6400 : i32
    %dma_wait3A_341 = arith.constant 0 : i32
    %dma_wait3A_342 = tpu.memref_slice %arg2[%dma_wait3A_340, %dma_wait3A_341] : memref<65536x1024xf32, #tpu.memory_space<any>> -> memref<1x1024xf32, #tpu.memory_space<any>>
    %dma_wait3A_343 = arith.constant 25 : i32
    %dma_wait3A_344 = arith.constant 0 : i32
    %dma_wait3A_345 = tpu.memref_slice %arg0[%dma_wait3A_343, %dma_wait3A_344] : memref<32x1024xf32, #tpu.memory_space<vmem>> -> memref<1x1024xf32, #tpu.memory_space<vmem>>
    tpu.wait_dma2 semaphore(%arg3 : memref<!tpu.dma_semaphore, #tpu.memory_space<semaphore_mem>>) src(%dma_wait3A_345 : memref<1x1024xf32, #tpu.memory_space<vmem>>) dst(%dma_wait3A_342 : memref<1x1024xf32, #tpu.memory_space<any>>)
    %dma_wait3A_346 = arith.constant 6656 : i32
    %dma_wait3A_347 = arith.constant 0 : i32
    %dma_wait3A_348 = tpu.memref_slice %arg2[%dma_wait3A_346, %dma_wait3A_347] : memref<65536x1024xf32, #tpu.memory_space<any>> -> memref<1x1024xf32, #tpu.memory_space<any>>
    %dma_wait3A_349 = arith.constant 26 : i32
    %dma_wait3A_350 = arith.constant 0 : i32
    %dma_wait3A_351 = tpu.memref_slice %arg0[%dma_wait3A_349, %dma_wait3A_350] : memref<32x1024xf32, #tpu.memory_space<vmem>> -> memref<1x1024xf32, #tpu.memory_space<vmem>>
    tpu.wait_dma2 semaphore(%arg3 : memref<!tpu.dma_semaphore, #tpu.memory_space<semaphore_mem>>) src(%dma_wait3A_351 : memref<1x1024xf32, #tpu.memory_space<vmem>>) dst(%dma_wait3A_348 : memref<1x1024xf32, #tpu.memory_space<any>>)
    %dma_wait3A_352 = arith.constant 6912 : i32
    %dma_wait3A_353 = arith.constant 0 : i32
    %dma_wait3A_354 = tpu.memref_slice %arg2[%dma_wait3A_352, %dma_wait3A_353] : memref<65536x1024xf32, #tpu.memory_space<any>> -> memref<1x1024xf32, #tpu.memory_space<any>>
    %dma_wait3A_355 = arith.constant 27 : i32
    %dma_wait3A_356 = arith.constant 0 : i32
    %dma_wait3A_357 = tpu.memref_slice %arg0[%dma_wait3A_355, %dma_wait3A_356] : memref<32x1024xf32, #tpu.memory_space<vmem>> -> memref<1x1024xf32, #tpu.memory_space<vmem>>
    tpu.wait_dma2 semaphore(%arg3 : memref<!tpu.dma_semaphore, #tpu.memory_space<semaphore_mem>>) src(%dma_wait3A_357 : memref<1x1024xf32, #tpu.memory_space<vmem>>) dst(%dma_wait3A_354 : memref<1x1024xf32, #tpu.memory_space<any>>)
    %dma_wait3A_358 = arith.constant 7168 : i32
    %dma_wait3A_359 = arith.constant 0 : i32
    %dma_wait3A_360 = tpu.memref_slice %arg2[%dma_wait3A_358, %dma_wait3A_359] : memref<65536x1024xf32, #tpu.memory_space<any>> -> memref<1x1024xf32, #tpu.memory_space<any>>
    %dma_wait3A_361 = arith.constant 28 : i32
    %dma_wait3A_362 = arith.constant 0 : i32
    %dma_wait3A_363 = tpu.memref_slice %arg0[%dma_wait3A_361, %dma_wait3A_362] : memref<32x1024xf32, #tpu.memory_space<vmem>> -> memref<1x1024xf32, #tpu.memory_space<vmem>>
    tpu.wait_dma2 semaphore(%arg3 : memref<!tpu.dma_semaphore, #tpu.memory_space<semaphore_mem>>) src(%dma_wait3A_363 : memref<1x1024xf32, #tpu.memory_space<vmem>>) dst(%dma_wait3A_360 : memref<1x1024xf32, #tpu.memory_space<any>>)
    %dma_wait3A_364 = arith.constant 7424 : i32
    %dma_wait3A_365 = arith.constant 0 : i32
    %dma_wait3A_366 = tpu.memref_slice %arg2[%dma_wait3A_364, %dma_wait3A_365] : memref<65536x1024xf32, #tpu.memory_space<any>> -> memref<1x1024xf32, #tpu.memory_space<any>>
    %dma_wait3A_367 = arith.constant 29 : i32
    %dma_wait3A_368 = arith.constant 0 : i32
    %dma_wait3A_369 = tpu.memref_slice %arg0[%dma_wait3A_367, %dma_wait3A_368] : memref<32x1024xf32, #tpu.memory_space<vmem>> -> memref<1x1024xf32, #tpu.memory_space<vmem>>
    tpu.wait_dma2 semaphore(%arg3 : memref<!tpu.dma_semaphore, #tpu.memory_space<semaphore_mem>>) src(%dma_wait3A_369 : memref<1x1024xf32, #tpu.memory_space<vmem>>) dst(%dma_wait3A_366 : memref<1x1024xf32, #tpu.memory_space<any>>)
    %dma_wait3A_370 = arith.constant 7680 : i32
    %dma_wait3A_371 = arith.constant 0 : i32
    %dma_wait3A_372 = tpu.memref_slice %arg2[%dma_wait3A_370, %dma_wait3A_371] : memref<65536x1024xf32, #tpu.memory_space<any>> -> memref<1x1024xf32, #tpu.memory_space<any>>
    %dma_wait3A_373 = arith.constant 30 : i32
    %dma_wait3A_374 = arith.constant 0 : i32
    %dma_wait3A_375 = tpu.memref_slice %arg0[%dma_wait3A_373, %dma_wait3A_374] : memref<32x1024xf32, #tpu.memory_space<vmem>> -> memref<1x1024xf32, #tpu.memory_space<vmem>>
    tpu.wait_dma2 semaphore(%arg3 : memref<!tpu.dma_semaphore, #tpu.memory_space<semaphore_mem>>) src(%dma_wait3A_375 : memref<1x1024xf32, #tpu.memory_space<vmem>>) dst(%dma_wait3A_372 : memref<1x1024xf32, #tpu.memory_space<any>>)
    %dma_wait3A_376 = arith.constant 7936 : i32
    %dma_wait3A_377 = arith.constant 0 : i32
    %dma_wait3A_378 = tpu.memref_slice %arg2[%dma_wait3A_376, %dma_wait3A_377] : memref<65536x1024xf32, #tpu.memory_space<any>> -> memref<1x1024xf32, #tpu.memory_space<any>>
    %dma_wait3A_379 = arith.constant 31 : i32
    %dma_wait3A_380 = arith.constant 0 : i32
    %dma_wait3A_381 = tpu.memref_slice %arg0[%dma_wait3A_379, %dma_wait3A_380] : memref<32x1024xf32, #tpu.memory_space<vmem>> -> memref<1x1024xf32, #tpu.memory_space<vmem>>
    tpu.wait_dma2 semaphore(%arg3 : memref<!tpu.dma_semaphore, #tpu.memory_space<semaphore_mem>>) src(%dma_wait3A_381 : memref<1x1024xf32, #tpu.memory_space<vmem>>) dst(%dma_wait3A_378 : memref<1x1024xf32, #tpu.memory_space<any>>)
    return
  }
}

</mosaic_0001>

<sc_bundles>
// kernel: _dispatch.4.cloned.1.call-start
scs
__scs_entry_jumppad:
0x0: {  	(pc) =	sbr.rel $0x88, $3  }
0x1: {  	(tag) =	ssettag $0x0;
	lr =	simm.s32 $0x1  }
0x2: {  	[smem:$0x3F9F] =	sst lr;
	_ =	strace $0xD0000000  }
0x3: {  	_ = 	snop  }
0x4: {  	_ = 	snop  }
0x5: {  	_ = 	snop  }
0x6: {  	_ = 	snop  }
0x7: {  	_ = 	snop  }
__scs_overlays_trampoline_lowered:
0x8: {  	[smem:$0x3FAE] =	sst s0  }
0x9: {  	[smem:$0x3FAF] =	sst s1  }
0xa: {  	[smem:$0x3FB0] =	sst s2  }
0xb: {  	[smem:$0x3FB1] =	sst s3  }
0xc: {  	[smem:$0x3FB2] =	sst s4  }
0xd: {  	[smem:$0x3FB3] =	sst s5  }
0xe: {  	[smem:$0x3FB4] =	sst s6  }
0xf: {  	[smem:$0x3FB5] =	sst s7  }
0x10: {  	[smem:$0x3FB6] =	sst s8  }
0x11: {  	[smem:$0x3FB7] =	sst s9;
	s0 =	simm.s32 @!p0 $0x0  }
0x12: {  	s1 =	sld [smem:$0x3F9D];
	s0 =	simm.s32 @p0 $0x1  }
0x13: {  	[smem:$0x3FB8] =	sst s0;
	s0 =	simm.s32 @!p1 $0x0  }
0x14: {  	s2 =	sld [smem:$0x3F9C];
	s0 =	simm.s32 @p1 $0x1  }
0x15: {  	[smem:$0x3FB9] =	sst s0;
	s0 =	simm.s32 @!p2 $0x0  }
0x16: {  	s3 =	sld [smem:$0x3FDB];
	s0 =	simm.s32 @p2 $0x1  }
0x17: {  	s4 =	simm.s32 $0x1BF5;
	[smem:$0x3FBB] =	sst s0  }
0x18: {  	s0 =	sld [smem:$0x3F9E];
	_ =	swait.ge [sflag:s4], $0x0  }
0x19: {  	s7 =	sld [smem:$0x3F9F]  }
0x1a: {  	s8 =	sadd.s32 $0xFFFFE003, lr  }
0x1b: {  	s9 =	sadd.s32 $0xFFFFFEF7, lr;
	s5 =	simm.s32 $0xFFFFFFFF;
	p2 =	slt.u32 s8, $0xFFFFF086  }
0x1c: {  	p1 =	slt.u32 s9, $0xF7A;
	s5 =	simm.s32 @!p2 $0x0  }
0x1d: {  	s5 =	simm.s32 @p1 $0x1;
	p0 =	seq.s32 s7, s2  }
0x1e: {  	s7 =	smul.u32 @!p0 $0xF7A, s2;
	p2 =	seq.s32 @!p0 s5, $0x0  }
0x1f: {  	s9 =	smul.u32 $0xF7A, s1;
	s8 =	simm.s32 @!p0 $0x1BF5;
	p2 =	por !p2, p0  }
0x20: {  	[sflag:s8] =	ssyncset.s32 @!p0 $0xFFFFF086;
	s6 =	sadd.s32 @!p0 s3, s7;
	s7 =	simm.s32 @!p0 $0x108  }
0x21: {  	s3 =	sadd.s32 s3, s9;
	s6 =	sadd.s32 @!p0 $0x88, s6;
	s7 =	simm.s32 @p2 $0x1082  }
0x22: {  	[simem:s7], [sflag:s8] =	dma.local @!p0 [hbm:s6], $0xF7A  }
0x23: {  	s9 =	sor.u32 $0xD0000000, s2;
	s6 =	simm.s32 $0x108;
	_ =	swait.ge @!p0 [sflag:s8], $0x0  }
0x24: {  	s3 =	sadd.s32 $0x88, s3;
	s6 =	simm.s32 @!p1 $0x1082;
	[sflag:s4] =	ssyncset.s32 $0xFFFFF086  }
0x25: {  	[simem:s6], [sflag:s4] =	dma.local [hbm:s3], $0xF7A  }
0x26: {  	[smem:$0x3F9F] =	sst s1;
	(tag) =	ssettag s2;
	_ =	strace s9  }
0x27: {  	s1 =	sld [smem:$0x3FAF]  }
0x28: {  	s2 =	sld [smem:$0x3FB0]  }
0x29: {  	s4 =	sld [smem:$0x3FB2]  }
0x2a: {  	p0 =	seq.s32 s5, $0x0;
	s5 =	sld [smem:$0x3FB3]  }
0x2b: {  	s6 =	sld [smem:$0x3FB4]  }
0x2c: {  	s7 =	sld [smem:$0x3FB5]  }
0x2d: {  	s3 =	simm.s32 $0x108;
	s8 =	sld [smem:$0x3FB6]  }
0x2e: {  	s3 =	simm.s32 @!p0 $0x1082;
	s9 =	sld [smem:$0x3FB7]  }
0x2f: {  	lr =	sadd.s32 s0, s3;
	s0 =	sld [smem:$0x3FAE]  }
0x30: {  	s3 =	sld [smem:$0x3FB1]  }
0x31: {  	[smem:$0x3FBA] =	sst s10  }
0x32: {  	s10 =	sld [smem:$0x3FB8];
	_ =	sdelay $0x3  }
0x33: {  	p0 =	seq.s32 s10, $0x1;
	s10 =	sld [smem:$0x3FBA];
	_ =	sdelay $0x3  }
0x34: {  	[smem:$0x3FBA] =	sst s10  }
0x35: {  	s10 =	sld [smem:$0x3FB9];
	_ =	sdelay $0x3  }
0x36: {  	p1 =	seq.s32 s10, $0x1;
	s10 =	sld [smem:$0x3FBA];
	_ =	sdelay $0x3  }
0x37: {  	[smem:$0x3FBA] =	sst s10  }
0x38: {  	s10 =	sld [smem:$0x3FBB]  }
0x39: {  	_ = 	snop;
	(pc) =	sbr.ind lr, $3  }
0x3a: {  	_ = 	snop  }
0x3b: {  	_ = 	snop  }
0x3c: {  	p2 =	seq.s32 s10, $0x1;
	s10 =	sld [smem:$0x3FBA]  }
0x3d: {  	_ =	shalt  }
0x3e: {  	_ =	shalt  }
0x3f: {  	_ =	shalt  }
0x40: {  	_ =	shalt  }
0x41: {  	_ =	shalt  }
0x42: {  	_ =	shalt  }
0x43: {  	_ =	shalt  }
0x44: {  	_ =	shalt  }
0x45: {  	_ =	shalt  }
0x46: {  	_ =	shalt  }
0x47: {  	_ =	shalt  }
0x48: {  	_ =	shalt  }
0x49: {  	_ =	shalt  }
0x4a: {  	_ =	shalt  }
0x4b: {  	_ =	shalt  }
0x4c: {  	_ =	shalt  }
0x4d: {  	_ =	shalt  }
0x4e: {  	_ =	shalt  }
0x4f: {  	_ =	shalt  }
0x50: {  	_ =	shalt  }
0x51: {  	_ =	shalt  }
0x52: {  	_ =	shalt  }
0x53: {  	_ =	shalt  }
0x54: {  	_ =	shalt  }
0x55: {  	_ =	shalt  }
0x56: {  	_ =	shalt  }
0x57: {  	_ =	shalt  }
0x58: {  	_ =	shalt  }
0x59: {  	_ =	shalt  }
0x5a: {  	_ =	shalt  }
0x5b: {  	_ =	shalt  }
0x5c: {  	_ =	shalt  }
0x5d: {  	_ =	shalt  }
0x5e: {  	_ =	shalt  }
0x5f: {  	_ =	shalt  }
0x60: {  	_ =	shalt  }
0x61: {  	_ =	shalt  }
0x62: {  	_ =	shalt  }
0x63: {  	_ =	shalt  }
0x64: {  	_ =	shalt  }
0x65: {  	_ =	shalt  }
0x66: {  	_ =	shalt  }
0x67: {  	_ =	shalt  }
0x68: {  	_ =	shalt  }
0x69: {  	_ =	shalt  }
0x6a: {  	_ =	shalt  }
0x6b: {  	_ =	shalt  }
0x6c: {  	_ =	shalt  }
0x6d: {  	_ =	shalt  }
0x6e: {  	_ =	shalt  }
0x6f: {  	_ =	shalt  }
0x70: {  	_ =	shalt  }
0x71: {  	_ =	shalt  }
0x72: {  	_ =	shalt  }
0x73: {  	_ =	shalt  }
0x74: {  	_ =	shalt  }
0x75: {  	_ =	shalt  }
0x76: {  	_ =	shalt  }
0x77: {  	_ =	shalt  }
0x78: {  	_ =	shalt  }
0x79: {  	_ =	shalt  }
0x7a: {  	_ =	shalt  }
0x7b: {  	_ =	shalt  }
0x7c: {  	_ =	shalt  }
0x7d: {  	_ =	shalt  }
0x7e: {  	_ =	shalt  }
0x7f: {  	_ =	shalt  }
0x80: {  	_ =	shalt  }
0x81: {  	_ =	shalt  }
0x82: {  	_ =	shalt  }
0x83: {  	_ =	shalt  }
0x84: {  	_ =	shalt  }
0x85: {  	_ =	shalt  }
0x86: {  	_ =	shalt  }
0x87: {  	_ =	shalt  }
.Lfunc_end0:
.L_simem_size_0:
called_computation_lowered:
.L_overlay_start_0:
0x88: {  	s2 =	sld [smem:$0x3FD9]  }
0x89: {  	s3 =	sld [smem:$0x3FFE];
	_ =	sdelay $0x1  }
0x8a: {  	s1 =	srdreg.scid  }
0x8b: {  	s0 =	sand.u32 $0x1, s1  }
0x8c: {  	s18 =	sshll.u32 s0, $0xA;
	s2 =	sadd.s32 s3, s2  }
0x8d: {  	s2 =	sadd.s32 s2, s18  }
0x8e: {  	[smem:$0x3FC6] =	sst s2  }
0x8f: {  	_ = 	snop  }
0x90: {  	s2 =	sld [smem:$0x3FC9]  }
0x91: {  	s19 =	sld [smem:$0x3FC8]  }
0x92: {  	s4 =	sld [smem:$0x3FD0];
	(tm) =	ssettm $0x1  }
0x93: {  	s5 =	sld [smem:$0x3FFB];
	_ =	sdelay $0x3  }
0x94: {  	_ =	strace s5  }
0x95: {  	s5 =	sld [smem:$0x3FFC];
	_ =	sdelay $0x3  }
0x96: {  	_ =	strace s5  }
0x97: {  	s5 =	sld [smem:$0x3FFD];
	_ =	sdelay $0x3  }
0x98: {  	_ =	strace s5  }
0x99: {  	_ =	strace $0x8FFFFFFF  }
0x9a: {  	s20 =	sld [smem:$0x3FDB];
	_ =	sdelay $0x1  }
0x9b: {  	s6 =	simm.s32 $_scs_section_size  }
0x9c: {  	s7 =	simm.s32 $_size__tile_overlayer_lowered;
	s8 =	simm.s32 $_tile_overlayer_lowered  }
0x9d: {  	s23 =	simm.s32 $0x1BFF;
	s22 =	sshll.u32 s8, $0x1;
	s5 =	sadd.s32 s6, s20  }
0x9e: {  	s9 =	simm.s32 $0x0;
	s21 =	sshll.u32 s7, $0x1;
	s7 =	sadd.s32 s22, s5  }
0x9f: {  	[timem:s9], [sflag:s23] =	dma.local [hbm:s7], s21  }
0xa0: {  	_ =	swait.ge [sflag:s23], s21  }
0xa1: {  	s6 =	ssub.s32 $0x0, s21;
	[sflag:s23] =	ssyncset.done $0x0  }
0xa2: {  	[sflag:s23] =	ssyncadd.s32 s6;
	_ =	sdelay $0x1  }
0xa3: {  	s24 =	simm.s32 $0x1B8B  }
0xa4: {  	_ =	swait.ge [sflag:s24], $0x1  }
0xa5: {  	[sflag:s24] =	ssyncset.done $0x0  }
0xa6: {  	s25 =	simm.s32 $0x1B8E;
	[sflag:s24] =	ssyncadd.s32 $0xFFFFFFFF  }
0xa7: {  	s26 =	simm.s32 $execute0_lowered;
	[smem:$0x3FD2] =	sst s25  }
0xa8: {  	s6 =	sshll.u32 s26, $0x1;
	_ =	strace $0x80000046;
	[dreg:$0x1] =	wrdreg $0xFFFFFFFF  }
0xa9: {  	s28 =	simm.s32 $_size_execute0_lowered;
	s5 =	sadd.s32 s5, s6;
	[dreg:$0x0] =	wrdreg $0x0  }
0xaa: {  	s6 =	sshll.u32 s28, $0x1;
	[dreg:$0x2] =	wrdreg s5  }
0xab: {  	[dreg:$0x3] =	wrdreg s6  }
0xac: {  	[dreg:$0x4] =	wrdreg $0xC0  }
0xad: {  	_ =	task [dreg:s9], $0x5FFFF  }
0xae: {  	[dreg:$0x1] =	wrdreg $0xFFFFFFFF  }
0xaf: {  	[dreg:$0x0] =	wrdreg $0x60  }
0xb0: {  	[dreg:$0x2] =	wrdreg s2  }
0xb1: {  	[dreg:$0x3] =	wrdreg s19  }
0xb2: {  	[dreg:$0x4] =	wrdreg s4  }
0xb3: {  	[dreg:$0x5] =	wrdreg $0x9  }
0xb4: {  	_ =	task.clear_ibuf [dreg:s9], $0x6FFFF;
	_ =	strace $0x90000046  }
0xb5: {  	s29 =	simm.s32 $0x9;
	_ =	strace $0x80000048  }
0xb6: {  	_ =	swait.ge [sflag:s29], $0x1  }
0xb7: {  	[sflag:s29] =	ssyncadd.s32 $0xFFFFFFFF  }
0xb8: {  	_ =	strace $0x90000048  }
0xb9: {  	_ =	sfence  }
0xba: {  	s30 =	sld [smem:$0x0];
	_ =	sdelay $0x2  }
0xbb: {  	s31 =	sshll.u32 s1, $0xD;
	s1 =	sshrl.u32 s1, $0x2  }
0xbc: {  	s3 =	sand.u32 $0x4000, s31;
	s1 =	sadd.s32 s1, s30  }
0xbd: {  	s0 =	sor.u32 s3, s0;
	s1 =	sshll.u32 s1, $0x11  }
0xbe: {  	s0 =	sor.u32 s1, s0  }
0xbf: {  	s0 =	sadd.s32 $0x8F2B, s0  }
0xc0: {  	[sflag:s0] =	ssyncadd.remote.s32 $0x1  }
0xc1: {  	_ =	sfence.sel $0xFFFF  }
0xc2: {  	[dreg:$0x0] =	wrdreg $0xFFFFFFFF;
	(pc) =	sbr.abs _section_cstart, $3  }
0xc3: {  	[dreg:$0x1] =	wrdreg $0xFFFFFFFF  }
0xc4: {  	_ =	task.clear_ibuf [dreg:s9], $0x2FFFF;
	_ =	strace $0x9FFFFFFF  }
0xc5: {  	(tm) =	ssettm $0x7FFFFFFF  }
tec
execute0_lowered:
.L_overlay_start_1:
0x0: {  	(tag) =	ssettag $0x1  }
0x1: {  	v0 =	vlaneseq.u32  }
0x2: {  	vm0 =	vcmask $0xB08;
	vm1 =	vcmask $0x300;
	vm2 =	vcmask $0x2320  }
0x3: {  	vm0 =	vmor vm1, vm0;
	vm1 =	vcmask $0x1310;
	v18 =	vand.u32 $0x7, v0  }
0x4: {  	v20 =	vshrl.u32 v0, $0x1;
	v22 =	vand.u32 $0x1, v0;
	v30 =	vor.u32 $0xE, v0  }
0x5: {  	s2 =	srdreg.scid;
	s5 =	stileid.u32;
	vm0 =	vmor vm0, vm1;
	vm1 =	vcmask $0x1B18;
	v18 =	vmul.u32 $0x2, v18  }
0x6: {  	s0 =	rddreg [dreg:$0x1];
	s2 =	sand.u32 $0x1, s2;
	s5 =	sshll.u32 s5, $0x1;
	v21 =	vor.u32 $0x8, v20;
	v23 =	vmul.u32 $0x8, v20;
	v24 =	vor.u32 $0x2, v22  }
0x7: {  	s3 =	rddreg [dreg:$0x2];
	s6 =	ssub.s32 $0x2, s2;
	s2 =	sor.u32 s2, s5;
	v25 =	vor.u32 $0x4, v22;
	v26 =	vor.u32 $0x6, v22;
	v27 =	vor.u32 $0x8, v22  }
0x8: {  	s4 =	simm.s32 $0x0;
	v28 =	vor.u32 $0xA, v22;
	v29 =	vor.u32 $0xC, v22;
	s7 =	sshll.u32 s2, $0x6;
	s2 =	sshll.u32 s2, $0x8;
	vm1 =	vmor vm0, vm1  }
0x9: {  	s31 =	simm.s32 $0x3;
	[smem:$0x7FF] =	sst s4;
	vm0 =	vmmov $0xff;
	v1 =	vmov s2;
	v2 =	vor.u32 s2, v0  }
0xa: {  	s23 =	sor.u32 $0x10, s2;
	s24 =	sor.u32 $0x20, s2;
	s28 =	sor.u32 $0x30, s2;
	vm1 =	vmor vm1, vm2;
	vm2 =	vcmask $0x2B28;
	v19 =	vor.u32 $0x1, v18  }
0xb: {  	s8 =	sor.u32 $0x40, s2;
	s10 =	sor.u32 $0x50, s2;
	s11 =	sor.u32 $0x60, s2;
	v3 =	vor.u32 s23, v0;
	v4 =	vor.u32 s24, v0;
	v5 =	vor.u32 s28, v0  }
0xc: {  	s12 =	sor.u32 $0x70, s2;
	s13 =	sor.u32 $0x80, s2;
	s14 =	sor.u32 $0x90, s2;
	v6 =	vor.u32 s8, v0;
	v7 =	vor.u32 s10, v0;
	v8 =	vor.u32 s11, v0  }
0xd: {  	s15 =	sor.u32 $0xA0, s2;
	s25 =	sor.u32 $0xB0, s2;
	s26 =	sor.u32 $0xC0, s2;
	v9 =	vor.u32 s12, v0;
	v10 =	vor.u32 s13, v0;
	v11 =	vor.u32 s14, v0  }
0xe: {  	_ =	strace $0x80000047;
	s22 =	sshrl.u32 s6, $0x1;
	s16 =	sor.u32 $0xD0, s2;
	v12 =	vor.u32 s15, v0;
	v13 =	vor.u32 s25, v0;
	v14 =	vor.u32 s26, v0  }
0xf: {  	s5 =	ssub.s32 s6, s22;
	s0 =	sadd.s32 s0, s7;
	s29 =	sor.u32 $0xE0, s2;
	v15 =	vor.u32 s16, v0;
	vm1 =	vmor vm1, vm2;
	vm2 =	vcmask $0x3330  }
0x10: {  	s30 =	sor.u32 $0xF0, s2;
	[dreg:$0x4] =	wrdreg s0;
	s5 =	smax.u32 s5, $0x1;
	v16 =	vor.u32 s29, v0;
	vm1 =	vmor vm1, vm2;
	vm2 =	vcmask $0x3B38  }
0x11: {  	v17 =	vor.u32 s30, v0;
	s29 =	simm.s32 $0x1;
	s10 =	simm.s32 $0x2;
	s11 =	simm.s32 $0x5;
	vm1 =	vmor vm1, vm2;
	vm2 =	vmmov $0xffff  }
.LBB2_1:
0x12: {  	[dreg:$0x5] =	wrdreg s5  }
0x13: {  	s2 =	rddreg [dreg:$0x4];
	s8 =	simm.s32 $0x7  }
0x14: {  	[tilespmem:s4], [sflag:$0x7] =	stream.linear.gather [hbm4b:s2+s4], $0x200, $0x38;
	[tilespmem:$0x19200] =	vst v63  }
0x15: {  	_ =	swait.ge [sflag:s8], $0x200  }
0x16: {  	[sflag:s8] =	ssyncset.done $0x0  }
0x17: {  	[sflag:s8] =	ssyncadd.s32 $0xFFFFFE00  }
0x18: {  	v31 =	vld [tilespmem:$0x0]  }
0x19: {  	v32 =	vld [tilespmem:$0x10]  }
0x1a: {  	v35 =	vld [tilespmem:$0x20]  }
0x1b: {  	v36 =	vld [tilespmem:$0x30]  }
0x1c: {  	v37 =	vld [tilespmem:$0x40]  }
0x1d: {  	v54 =	vld [tilespmem:$0x50]  }
0x1e: {  	v33 =	vperm.xlane v31, v18  }
0x1f: {  	v42 =	vld [tilespmem:$0x70];
	v34 =	vperm.xlane v32, v18;
	v31 =	vperm.xlane v31, v19  }
0x20: {  	v32 =	vperm.xlane v32, v19;
	v51 =	vperm.xlane v35, v18  }
0x21: {  	v52 =	vperm.xlane v36, v18;
	v53 =	vperm.xlane v36, v19  }
0x22: {  	v61 =	vperm.xlane v37, v18;
	v62 =	vperm.xlane v54, v18  }
0x23: {  	v37 =	vperm.xlane v37, v19;
	v36 =	vperm.xlane v54, v19  }
0x24: {  	v54 =	vperm.xlane v42, v18;
	v33 =	vsel vm0, v33, v34;
	v31 =	vsel vm0, v31, v32  }
0x25: {  	v34 =	vsel vm0, v61, v62;
	v46 =	vsel vm0, v37, v36;
	v50 =	vshll.u32 v33, $0xD  }
0x26: {  	vm3 =	veq.s32 v33, v31;
	v31 =	vshll.u32 v31, $0xD;
	v33 =	vsel vm0, v51, v52  }
0x27: {  	v63 =	vld [tilespmem:$0x60];
	v47 =	vshll.u32 v34, $0xD;
	v52 =	vshll.u32 v46, $0xD;
	v32 =	vor.u32 v2, v50  }
0x28: {  	v38 =	vor.u32 v2, v31;
	v31 =	vperm.xlane v35, v19;
	v56 =	vshll.u32 v33, $0xD  }
0x29: {  	v48 =	vadd.s32 v4, v47;
	v32 =	vsel vm3, v1, v32;
	v40 =	vperm.xlane v38, v20  }
0x2a: {  	v57 =	vadd.s32 v3, v56;
	v58 =	vperm.xlane v38, v21;
	v56 =	vadd.s32 v4, v52  }
0x2b: {  	v39 =	vperm.xlane v32, v20;
	v55 =	vsel vm0, v31, v53;
	v32 =	vperm.xlane v32, v21  }
0x2c: {  	v53 =	vperm.xlane v63, v18;
	v45 =	vperm.xlane v56, v20;
	vm3 =	veq.s32 v33, v55  }
0x2d: {  	v60 =	vshll.u32 v55, $0xD;
	v31 =	vsel vm1, v39, v40;
	v59 =	vsel vm3, v1, v57  }
0x2e: {  	v41 =	vadd.s32 v3, v60;
	v33 =	vsel vm1, v32, v58;
	v57 =	vperm.xlane v63, v19  }
0x2f: {  	vm3 =	veq.s32 v34, v46;
	v58 =	vperm.xlane v42, v19;
	v63 =	vperm.xlane v56, v21  }
0x30: {  	v55 =	vld [tilespmem:$0x80];
	v39 =	vsel vm0, v53, v54;
	v43 =	vperm.xlane v59, v20;
	v44 =	vperm.xlane v41, v20  }
0x31: {  	v49 =	vperm.xlane v59, v21;
	v50 =	vperm.xlane v41, v21;
	v51 =	vsel vm3, v1, v48  }
0x32: {  	v59 =	vld [tilespmem:$0x90];
	v62 =	vshll.u32 v39, $0xD;
	v60 =	vperm.xlane v51, v20;
	v61 =	vsel vm0, v57, v58  }
0x33: {  	v37 =	vadd.s32 v5, v62;
	v38 =	vperm.xlane v51, v21;
	v51 =	vld [tilespmem:$0xB0];
	vm3 =	veq.s32 v39, v61  }
0x34: {  	v57 =	vld [tilespmem:$0xC0];
	v32 =	vsel vm1, v43, v44;
	v36 =	vshll.u32 v61, $0xD;
	v37 =	vsel vm3, v1, v37  }
0x35: {  	v58 =	vld [tilespmem:$0xD0];
	v48 =	vperm.xlane v55, v18;
	v36 =	vadd.s32 v5, v36;
	v41 =	vperm.xlane v55, v19  }
0x36: {  	v35 =	vsel vm1, v49, v50;
	v50 =	vld [tilespmem:$0xA0];
	v46 =	vperm.xlane v37, v20;
	v47 =	vperm.xlane v36, v20  }
0x37: {  	v34 =	vsel vm1, v60, v45;
	v37 =	vperm.xlane v37, v21;
	v36 =	vperm.xlane v36, v21  }
0x38: {  	v38 =	vsel vm1, v38, v63;
	v49 =	vperm.xlane v59, v18;
	v42 =	vperm.xlane v59, v19  }
0x39: {  	v63 =	vld [tilespmem:$0xE0];
	v56 =	vperm.xlane v51, v18;
	v45 =	vperm.xlane v51, v19;
	v36 =	vsel vm1, v37, v36  }
0x3a: {  	v61 =	vperm.xlane v57, v18;
	v62 =	vperm.xlane v58, v18;
	v40 =	vsel vm0, v48, v49  }
0x3b: {  	v52 =	vsel vm0, v41, v42;
	v55 =	vperm.xlane v50, v18;
	v44 =	vperm.xlane v50, v19  }
0x3c: {  	v42 =	vsel vm1, v46, v47;
	v46 =	vperm.xlane v57, v19;
	v47 =	vperm.xlane v58, v19  }
0x3d: {  	v53 =	vshll.u32 v40, $0xD;
	vm3 =	veq.s32 v40, v52;
	v39 =	vshll.u32 v52, $0xD  }
0x3e: {  	v57 =	vperm.xlane v63, v18;
	v54 =	vadd.s32 v6, v53;
	v39 =	vadd.s32 v6, v39  }
0x3f: {  	v41 =	vsel vm0, v55, v56;
	v59 =	vsel vm0, v44, v45;
	v55 =	vsel vm0, v46, v47  }
0x40: {  	v40 =	vsel vm3, v1, v54;
	v49 =	vperm.xlane v39, v20;
	v43 =	vshll.u32 v41, $0xD  }
0x41: {  	vm3 =	veq.s32 v41, v59;
	v39 =	vperm.xlane v39, v21;
	v37 =	vshll.u32 v59, $0xD  }
0x42: {  	v48 =	vperm.xlane v40, v20;
	v60 =	vadd.s32 v7, v43;
	v40 =	vperm.xlane v40, v21  }
0x43: {  	v54 =	vld [tilespmem:$0xF0];
	v37 =	vadd.s32 v7, v37;
	v43 =	vsel vm0, v61, v62;
	v41 =	vsel vm3, v1, v60  }
0x44: {  	v51 =	vperm.xlane v37, v20;
	v45 =	vshll.u32 v43, $0xD;
	vm3 =	veq.s32 v43, v55  }
0x45: {  	v37 =	vperm.xlane v37, v21;
	v44 =	vsel vm1, v48, v49;
	v50 =	vperm.xlane v41, v20  }
0x46: {  	v59 =	vld [tilespmem:$0x100];
	v39 =	vsel vm1, v40, v39;
	v56 =	vadd.s32 v8, v45;
	v41 =	vperm.xlane v41, v21  }
0x47: {  	v40 =	vshll.u32 v55, $0xD;
	v48 =	vperm.xlane v63, v19;
	v43 =	vsel vm3, v1, v56  }
0x48: {  	v60 =	vld [tilespmem:$0x110];
	v40 =	vadd.s32 v8, v40;
	v58 =	vperm.xlane v54, v18;
	v49 =	vperm.xlane v54, v19  }
0x49: {  	v52 =	vperm.xlane v43, v20;
	v53 =	vperm.xlane v40, v20  }
0x4a: {  	v46 =	vsel vm1, v50, v51;
	v43 =	vperm.xlane v43, v21;
	v40 =	vperm.xlane v40, v21  }
0x4b: {  	v37 =	vsel vm1, v41, v37;
	v63 =	vperm.xlane v59, v18;
	v50 =	vperm.xlane v59, v19  }
0x4c: {  	v45 =	vsel vm0, v57, v58;
	v61 =	vsel vm0, v48, v49;
	v48 =	vsel vm1, v52, v53  }
0x4d: {  	v59 =	vld [tilespmem:$0x130];
	v57 =	vperm.xlane v60, v18;
	v51 =	vperm.xlane v60, v19;
	v40 =	vsel vm1, v43, v40  }
0x4e: {  	v47 =	vshll.u32 v45, $0xD;
	vm3 =	veq.s32 v45, v61;
	v41 =	vshll.u32 v61, $0xD  }
0x4f: {  	v58 =	vld [tilespmem:$0x120];
	v62 =	vadd.s32 v9, v47;
	v41 =	vadd.s32 v9, v41;
	v47 =	vsel vm0, v63, v57  }
0x50: {  	v60 =	vsel vm0, v50, v51;
	v45 =	vsel vm3, v1, v62;
	v55 =	vperm.xlane v41, v20  }
0x51: {  	v49 =	vshll.u32 v47, $0xD;
	vm3 =	veq.s32 v47, v60;
	v41 =	vperm.xlane v41, v21  }
0x52: {  	v43 =	vshll.u32 v60, $0xD;
	v63 =	vperm.xlane v59, v18;
	v53 =	vperm.xlane v59, v19  }
0x53: {  	[tilespmem:$0xC80] =	vst v46;
	v46 =	vld [tilespmem:$0x1C0];
	v54 =	vperm.xlane v45, v20;
	v61 =	vadd.s32 v10, v49;
	v45 =	vperm.xlane v45, v21  }
0x54: {  	v43 =	vadd.s32 v10, v43;
	v47 =	vsel vm3, v1, v61;
	v62 =	vperm.xlane v58, v18  }
0x55: {  	v52 =	vperm.xlane v58, v19;
	v59 =	vperm.xlane v43, v20;
	v50 =	vsel vm1, v54, v55;
	v54 =	vld [tilespmem:$0x140]  }
0x56: {  	[tilespmem:$0xA00] =	vst v31;
	v43 =	vperm.xlane v43, v21;
	v55 =	vld [tilespmem:$0x150];
	v56 =	vperm.xlane v47, v20  }
0x57: {  	[tilespmem:$0xA10] =	vst v33;
	v41 =	vsel vm1, v45, v41;
	v33 =	vperm.xlane v47, v21;
	v60 =	vsel vm0, v52, v53  }
0x58: {  	v49 =	vsel vm0, v62, v63;
	[tilespmem:$0xD90] =	vst v41;
	v41 =	vperm.xlane v46, v19;
	v63 =	vshll.u32 v60, $0xD  }
0x59: {  	[tilespmem:$0xA80] =	vst v32;
	v58 =	vld [tilespmem:$0x160];
	v61 =	vshll.u32 v49, $0xD;
	v31 =	vsel vm1, v56, v59;
	v32 =	vadd.s32 v11, v63  }
0x5a: {  	[tilespmem:$0x200] =	vst v2;
	vm3 =	veq.s32 v49, v60;
	v63 =	vperm.xlane v32, v20;
	v32 =	vperm.xlane v32, v21  }
0x5b: {  	[tilespmem:$0x280] =	vst v3;
	v62 =	vadd.s32 v11, v61;
	v56 =	vperm.xlane v54, v18;
	v57 =	vperm.xlane v55, v18  }
0x5c: {  	[tilespmem:$0x300] =	vst v4;
	v61 =	vld [tilespmem:$0x170];
	v47 =	vsel vm3, v1, v62;
	v59 =	vperm.xlane v54, v19;
	v60 =	vperm.xlane v55, v19  }
0x5d: {  	[tilespmem:$0x380] =	vst v5;
	v53 =	vld [tilespmem:$0x1B0];
	v33 =	vsel vm1, v33, v43;
	v62 =	vperm.xlane v47, v20;
	v49 =	vperm.xlane v47, v21  }
0x5e: {  	[tilespmem:$0xA90] =	vst v35;
	v52 =	vperm.xlane v58, v18;
	v45 =	vsel vm0, v56, v57;
	v35 =	vsel vm0, v59, v60  }
0x5f: {  	[tilespmem:$0xB00] =	vst v34;
	v55 =	vld [tilespmem:$0x180];
	v34 =	vsel vm1, v62, v63;
	v56 =	vperm.xlane v58, v19;
	v32 =	vsel vm1, v49, v32  }
0x60: {  	[tilespmem:$0xB10] =	vst v38;
	v43 =	vshll.u32 v45, $0xD;
	vm3 =	veq.s32 v45, v35;
	v35 =	vshll.u32 v35, $0xD  }
0x61: {  	[tilespmem:$0xD80] =	vst v50;
	v50 =	vld [tilespmem:$0x1A0];
	v54 =	vperm.xlane v61, v18;
	v57 =	vperm.xlane v61, v19;
	v38 =	vadd.s32 v12, v43  }
0x62: {  	[tilespmem:$0x400] =	vst v6;
	v58 =	vld [tilespmem:$0x190];
	v45 =	vperm.xlane v53, v19;
	v35 =	vadd.s32 v12, v35;
	v38 =	vsel vm3, v1, v38  }
0x63: {  	[tilespmem:$0xB80] =	vst v42;
	v42 =	vsel vm0, v52, v54;
	v60 =	vperm.xlane v35, v20;
	v35 =	vperm.xlane v35, v21  }
0x64: {  	[tilespmem:$0xD00] =	vst v48;
	v61 =	vsel vm0, v56, v57;
	v48 =	vperm.xlane v55, v18;
	v51 =	vperm.xlane v55, v19  }
0x65: {  	[tilespmem:$0x480] =	vst v7;
	v59 =	vperm.xlane v38, v20;
	v62 =	vshll.u32 v42, $0xD;
	vm3 =	veq.s32 v42, v61  }
0x66: {  	[tilespmem:$0xB90] =	vst v36;
	v38 =	vperm.xlane v38, v21;
	v36 =	vshll.u32 v61, $0xD;
	v61 =	vperm.xlane v50, v18  }
0x67: {  	[tilespmem:$0xC90] =	vst v37;
	v37 =	vadd.s32 v13, v62;
	v49 =	vperm.xlane v58, v18;
	v36 =	vadd.s32 v13, v36  }
0x68: {  	[tilespmem:$0x500] =	vst v8;
	v52 =	vperm.xlane v58, v19;
	v62 =	vperm.xlane v53, v18;
	v63 =	vsel vm1, v59, v60  }
0x69: {  	[tilespmem:$0xD10] =	vst v40;
	v37 =	vsel vm3, v1, v37;
	v54 =	vperm.xlane v36, v20;
	v55 =	vsel vm1, v38, v35  }
0x6a: {  	[tilespmem:$0xE00] =	vst v31;
	v36 =	vperm.xlane v36, v21;
	v31 =	vperm.xlane v37, v20;
	v40 =	vsel vm0, v48, v49  }
0x6b: {  	v56 =	vsel vm0, v51, v52;
	v58 =	vperm.xlane v37, v21;
	[tilespmem:$0xF00] =	vst v63;
	v63 =	vperm.xlane v50, v19  }
0x6c: {  	[tilespmem:$0x580] =	vst v9;
	v35 =	vsel vm0, v61, v62;
	v57 =	vshll.u32 v40, $0xD;
	vm3 =	veq.s32 v40, v56  }
0x6d: {  	[tilespmem:$0xC10] =	vst v39;
	v60 =	vshll.u32 v56, $0xD;
	v50 =	vshll.u32 v35, $0xD;
	v31 =	vsel vm1, v31, v54  }
0x6e: {  	[tilespmem:$0xE90] =	vst v32;
	v38 =	vadd.s32 v14, v57;
	v32 =	vadd.s32 v14, v60;
	v39 =	vsel vm0, v63, v45  }
0x6f: {  	[tilespmem:$0x600] =	vst v10;
	v49 =	vld [tilespmem:$0x1D0];
	v51 =	vadd.s32 v15, v50;
	v59 =	vsel vm3, v1, v38;
	v48 =	vperm.xlane v32, v20  }
0x70: {  	[tilespmem:$0x680] =	vst v11;
	v42 =	vld [tilespmem:$0x200];
	vm3 =	veq.s32 v35, v39;
	v39 =	vshll.u32 v39, $0xD;
	v32 =	vperm.xlane v32, v21  }
0x71: {  	[tilespmem:$0xF80] =	vst v31;
	v31 =	vsel vm1, v58, v36;
	v47 =	vperm.xlane v59, v20;
	v37 =	vperm.xlane v59, v21  }
0x72: {  	v60 =	vld [tilespmem:$0x1F0];
	v35 =	vsel vm3, v1, v51;
	v39 =	vadd.s32 v15, v39;
	[tilespmem:$0xF90] =	vst v31;
	v31 =	vperm.xlane v46, v18  }
0x73: {  	[tilespmem:$0x700] =	vst v12;
	v52 =	vperm.xlane v35, v20;
	v53 =	vperm.xlane v39, v20  }
0x74: {  	[tilespmem:$0x780] =	vst v13;
	v58 =	vld [tilespmem:$0x1E0];
	v54 =	vperm.xlane v49, v18;
	v38 =	vperm.xlane v49, v19  }
0x75: {  	[tilespmem:$0xF10] =	vst v55;
	v46 =	vshll.u32 v42, $0xB;
	v55 =	vperm.xlane v35, v21;
	v61 =	vperm.xlane v39, v21  }
0x76: {  	[tilespmem:$0xE10] =	vst v33;
	v33 =	vsel vm1, v47, v48;
	v32 =	vsel vm1, v37, v32;
	v31 =	vsel vm0, v31, v54  }
0x77: {  	[tilespmem:$0x1000] =	vst v33;
	v56 =	vsel vm0, v41, v38;
	v33 =	vsel vm1, v55, v61;
	v41 =	vperm.xlane v60, v18  }
0x78: {  	[tilespmem:$0x800] =	vst v14;
	v35 =	vperm.xlane v60, v19;
	v57 =	vshll.u32 v31, $0xD;
	vm3 =	veq.s32 v31, v56  }
0x79: {  	[tilespmem:$0x880] =	vst v15;
	v59 =	vshll.u32 v56, $0xD;
	v40 =	vperm.xlane v58, v18;
	v31 =	vadd.s32 v16, v57  }
0x7a: {  	[tilespmem:$0x1010] =	vst v32;
	v37 =	vperm.xlane v58, v19;
	v32 =	vadd.s32 v16, v59;
	v31 =	vsel vm3, v1, v31  }
0x7b: {  	[tilespmem:$0x1090] =	vst v33;
	v63 =	vperm.xlane v32, v20;
	v32 =	vperm.xlane v32, v21;
	v33 =	vsel vm0, v40, v41  }
0x7c: {  	[tilespmem:$0xC00] =	vst v44;
	v43 =	vsel vm0, v37, v35;
	v62 =	vperm.xlane v31, v20;
	v31 =	vperm.xlane v31, v21  }
0x7d: {  	[tilespmem:$0xE80] =	vst v34;
	v34 =	vsel vm1, v52, v53;
	vm3 =	veq.s32 v33, v43;
	v44 =	vshll.u32 v33, $0xD  }
0x7e: {  	[tilespmem:$0x900] =	vst v16;
	v45 =	vshll.u32 v43, $0xD;
	v31 =	vsel vm1, v31, v32;
	v32 =	vadd.s32 v17, v44  }
0x7f: {  	[tilespmem:$0x1080] =	vst v34;
	v34 =	vperm.xlane v46, v0;
	v33 =	vadd.s32 v17, v45;
	v32 =	vsel vm3, v1, v32  }
0x80: {  	v47 =	vperm.xlane v33, v20;
	[tilespmem:$0x1110] =	vst v31;
	v31 =	vperm.xlane v32, v20  }
0x81: {  	[tilespmem:$0x980] =	vst v17;
	v39 =	vsel vm1, v62, v63;
	v33 =	vperm.xlane v33, v21;
	v32 =	vperm.xlane v32, v21  }
0x82: {  	[tilespmem:$0x1100] =	vst v39;
	v31 =	vsel vm1, v31, v47  }
0x83: {  	[tilespmem:$0x1180] =	vst v31;
	v31 =	vsel vm1, v32, v33  }
0x84: {  	s0 =	simm.s32 $0x1200;
	s30 =	rddreg [dreg:$0x0];
	[tilespmem:$0x1190] =	vst v31  }
0x85: {  	[tilespmem:s0], [sflag:$0x1] =	stream.indirect_vreg.gather [hbm4b:s30+s4], $0x800, v34, vm2, $0x38;
	[tilespmem:$0x19200] =	vst v63  }
0x86: {  	v31 =	vld [tilespmem:$0x280];
	_ =	sdelay $0x4  }
0x87: {  	v31 =	vshll.u32 v31, $0xB  }
0x88: {  	v31 =	vperm.xlane v31, v0;
	_ =	sdelay $0x4  }
0x89: {  	s9 =	simm.s32 $0x9200  }
0x8a: {  	[tilespmem:s9], [sflag:$0x2] =	stream.indirect_vreg.gather [hbm4b:s30+s4], $0x800, v31, vm2, $0x38;
	[tilespmem:$0x19200] =	vst v63  }
0x8b: {  	_ =	swait.ge [sflag:s29], $0x8000  }
0x8c: {  	[sflag:s29] =	ssyncset.done $0x0  }
0x8d: {  	[sflag:s29] =	ssyncadd.s32 $0xFFFF8000  }
0x8e: {  	v31 =	vld [tilespmem:$0xA00];
	_ =	sdelay $0x4  }
0x8f: {  	v48 =	vshll.u32 v31, $0x3  }
0x90: {  	v31 =	vand.u32 $0x7, v31;
	v32 =	vand.u32 $0xFFFFFFC0, v48  }
0x91: {  	v31 =	vor.u32 v31, v32  }
0x92: {  	v32 =	vperm.xlane v31, v22;
	_ =	sdelay $0x1  }
0x93: {  	v49 =	vperm.xlane v31, v24;
	v32 =	vadd.s32 v23, v32;
	_ =	sdelay $0x1  }
0x94: {  	v50 =	vperm.xlane v31, v25;
	v33 =	vadd.s32 v23, v49;
	_ =	sdelay $0x1  }
0x95: {  	s1 =	simm.s32 $0x1200;
	v51 =	vperm.xlane v31, v26;
	v34 =	vadd.s32 v23, v50  }
0x96: {  	[hbm4b:s3+s4] =	stream.indirect_vreg.scatter [tilespmem:s1], [sflag:$0x4], $0x80, v32, vm2, $0xb8;
	[tilespmem:$0x19200] =	vst v63  }
0x97: {  	s12 =	simm.s32 $0x1A00;
	v53 =	vperm.xlane v31, v27;
	v52 =	vadd.s32 v23, v51  }
0x98: {  	[hbm4b:s3+s4] =	stream.indirect_vreg.scatter [tilespmem:s12], [sflag:$0x4], $0x80, v33, vm2, $0xb8;
	[tilespmem:$0x19200] =	vst v63  }
0x99: {  	s13 =	simm.s32 $0x2200;
	v55 =	vperm.xlane v31, v28;
	v54 =	vadd.s32 v23, v53  }
0x9a: {  	[hbm4b:s3+s4] =	stream.indirect_vreg.scatter [tilespmem:s13], [sflag:$0x4], $0x80, v34, vm2, $0xb8;
	[tilespmem:$0x19200] =	vst v63  }
0x9b: {  	s14 =	simm.s32 $0x2A00;
	v57 =	vperm.xlane v31, v29;
	v56 =	vadd.s32 v23, v55  }
0x9c: {  	[hbm4b:s3+s4] =	stream.indirect_vreg.scatter [tilespmem:s14], [sflag:$0x4], $0x80, v52, vm2, $0xb8;
	[tilespmem:$0x19200] =	vst v63  }
0x9d: {  	s15 =	simm.s32 $0x3200;
	v31 =	vperm.xlane v31, v30;
	v58 =	vadd.s32 v23, v57  }
0x9e: {  	[hbm4b:s3+s4] =	stream.indirect_vreg.scatter [tilespmem:s15], [sflag:$0x4], $0x80, v54, vm2, $0xb8;
	[tilespmem:$0x19200] =	vst v63  }
0x9f: {  	s16 =	simm.s32 $0x3A00;
	v31 =	vadd.s32 v23, v31  }
0xa0: {  	[hbm4b:s3+s4] =	stream.indirect_vreg.scatter [tilespmem:s16], [sflag:$0x4], $0x80, v56, vm2, $0xb8;
	[tilespmem:$0x19200] =	vst v63  }
0xa1: {  	s17 =	simm.s32 $0x4200  }
0xa2: {  	[hbm4b:s3+s4] =	stream.indirect_vreg.scatter [tilespmem:s17], [sflag:$0x4], $0x80, v58, vm2, $0xb8;
	[tilespmem:$0x19200] =	vst v63  }
0xa3: {  	s18 =	simm.s32 $0x4A00  }
0xa4: {  	[hbm4b:s3+s4] =	stream.indirect_vreg.scatter [tilespmem:s18], [sflag:$0x4], $0x80, v31, vm2, $0xb8;
	[tilespmem:$0x19200] =	vst v63  }
0xa5: {  	v31 =	vld [tilespmem:$0xA10];
	_ =	sdelay $0x4  }
0xa6: {  	v59 =	vshll.u32 v31, $0x3  }
0xa7: {  	v31 =	vand.u32 $0x7, v31;
	v32 =	vand.u32 $0xFFFFFFC0, v59  }
0xa8: {  	v31 =	vor.u32 v31, v32  }
0xa9: {  	v32 =	vperm.xlane v31, v22;
	_ =	sdelay $0x1  }
0xaa: {  	v60 =	vperm.xlane v31, v24;
	v32 =	vadd.s32 v23, v32;
	_ =	sdelay $0x1  }
0xab: {  	v61 =	vperm.xlane v31, v25;
	v33 =	vadd.s32 v23, v60;
	_ =	sdelay $0x1  }
0xac: {  	s19 =	simm.s32 $0x5200;
	v62 =	vperm.xlane v31, v26;
	v34 =	vadd.s32 v23, v61  }
0xad: {  	[hbm4b:s3+s4] =	stream.indirect_vreg.scatter [tilespmem:s19], [sflag:$0x4], $0x80, v32, vm2, $0xb8;
	[tilespmem:$0x19200] =	vst v63  }
0xae: {  	s20 =	simm.s32 $0x5A00;
	v36 =	vperm.xlane v31, v27;
	v63 =	vadd.s32 v23, v62  }
0xaf: {  	[hbm4b:s3+s4] =	stream.indirect_vreg.scatter [tilespmem:s20], [sflag:$0x4], $0x80, v33, vm2, $0xb8;
	[tilespmem:$0x19200] =	vst v63  }
0xb0: {  	s21 =	simm.s32 $0x6200;
	v38 =	vperm.xlane v31, v28;
	v37 =	vadd.s32 v23, v36  }
0xb1: {  	[hbm4b:s3+s4] =	stream.indirect_vreg.scatter [tilespmem:s21], [sflag:$0x4], $0x80, v34, vm2, $0xb8;
	[tilespmem:$0x19200] =	vst v63  }
0xb2: {  	s22 =	simm.s32 $0x6A00;
	v40 =	vperm.xlane v31, v29;
	v39 =	vadd.s32 v23, v38  }
0xb3: {  	[hbm4b:s3+s4] =	stream.indirect_vreg.scatter [tilespmem:s22], [sflag:$0x4], $0x80, v63, vm2, $0xb8;
	[tilespmem:$0x19200] =	vst v63  }
0xb4: {  	s23 =	simm.s32 $0x7200;
	v31 =	vperm.xlane v31, v30;
	v41 =	vadd.s32 v23, v40  }
0xb5: {  	[hbm4b:s3+s4] =	stream.indirect_vreg.scatter [tilespmem:s23], [sflag:$0x4], $0x80, v37, vm2, $0xb8;
	[tilespmem:$0x19200] =	vst v63  }
0xb6: {  	s24 =	simm.s32 $0x7A00;
	v31 =	vadd.s32 v23, v31  }
0xb7: {  	[hbm4b:s3+s4] =	stream.indirect_vreg.scatter [tilespmem:s24], [sflag:$0x4], $0x80, v39, vm2, $0xb8;
	[tilespmem:$0x19200] =	vst v63  }
0xb8: {  	s25 =	simm.s32 $0x8200  }
0xb9: {  	[hbm4b:s3+s4] =	stream.indirect_vreg.scatter [tilespmem:s25], [sflag:$0x4], $0x80, v41, vm2, $0xb8;
	[tilespmem:$0x19200] =	vst v63  }
0xba: {  	s26 =	simm.s32 $0x8A00  }
0xbb: {  	[hbm4b:s3+s4] =	stream.indirect_vreg.scatter [tilespmem:s26], [sflag:$0x4], $0x80, v31, vm2, $0xb8;
	[tilespmem:$0x19200] =	vst v63  }
0xbc: {  	v31 =	vld [tilespmem:$0x300];
	_ =	sdelay $0x4  }
0xbd: {  	v31 =	vshll.u32 v31, $0xB  }
0xbe: {  	v31 =	vperm.xlane v31, v0;
	_ =	sdelay $0x4  }
0xbf: {  	s28 =	simm.s32 $0x11200  }
0xc0: {  	[tilespmem:s28], [sflag:$0x3] =	stream.indirect_vreg.gather [hbm4b:s30+s4], $0x800, v31, vm2, $0x38;
	[tilespmem:$0x19200] =	vst v63  }
0xc1: {  	_ =	swait.ge [sflag:s10], $0x8000  }
0xc2: {  	[sflag:s10] =	ssyncset.done $0x0  }
0xc3: {  	[sflag:s10] =	ssyncadd.s32 $0xFFFF8000  }
0xc4: {  	v31 =	vld [tilespmem:$0xA80];
	_ =	sdelay $0x4  }
0xc5: {  	v42 =	vshll.u32 v31, $0x3  }
0xc6: {  	v31 =	vand.u32 $0x7, v31;
	v32 =	vand.u32 $0xFFFFFFC0, v42  }
0xc7: {  	v31 =	vor.u32 v31, v32  }
0xc8: {  	v32 =	vperm.xlane v31, v22;
	_ =	sdelay $0x1  }
0xc9: {  	v43 =	vperm.xlane v31, v24;
	v32 =	vadd.s32 v23, v32;
	_ =	sdelay $0x1  }
0xca: {  	v44 =	vperm.xlane v31, v25;
	v33 =	vadd.s32 v23, v43;
	_ =	sdelay $0x1  }
0xcb: {  	s6 =	simm.s32 $0x9200;
	v45 =	vperm.xlane v31, v26;
	v34 =	vadd.s32 v23, v44  }
0xcc: {  	[hbm4b:s3+s4] =	stream.indirect_vreg.scatter [tilespmem:s6], [sflag:$0x5], $0x80, v32, vm2, $0xb8;
	[tilespmem:$0x19200] =	vst v63  }
0xcd: {  	s2 =	simm.s32 $0x9A00;
	v47 =	vperm.xlane v31, v27;
	v46 =	vadd.s32 v23, v45  }
0xce: {  	[hbm4b:s3+s4] =	stream.indirect_vreg.scatter [tilespmem:s2], [sflag:$0x5], $0x80, v33, vm2, $0xb8;
	[tilespmem:$0x19200] =	vst v63  }
0xcf: {  	s5 =	simm.s32 $0xA200;
	v49 =	vperm.xlane v31, v28;
	v48 =	vadd.s32 v23, v47  }
0xd0: {  	[hbm4b:s3+s4] =	stream.indirect_vreg.scatter [tilespmem:s5], [sflag:$0x5], $0x80, v34, vm2, $0xb8;
	[tilespmem:$0x19200] =	vst v63  }
0xd1: {  	s7 =	simm.s32 $0xAA00;
	v51 =	vperm.xlane v31, v29;
	v50 =	vadd.s32 v23, v49  }
0xd2: {  	[hbm4b:s3+s4] =	stream.indirect_vreg.scatter [tilespmem:s7], [sflag:$0x5], $0x80, v46, vm2, $0xb8;
	[tilespmem:$0x19200] =	vst v63  }
0xd3: {  	s8 =	simm.s32 $0xB200;
	v31 =	vperm.xlane v31, v30;
	v52 =	vadd.s32 v23, v51  }
0xd4: {  	[hbm4b:s3+s4] =	stream.indirect_vreg.scatter [tilespmem:s8], [sflag:$0x5], $0x80, v48, vm2, $0xb8;
	[tilespmem:$0x19200] =	vst v63  }
0xd5: {  	s12 =	simm.s32 $0xBA00;
	v31 =	vadd.s32 v23, v31  }
0xd6: {  	[hbm4b:s3+s4] =	stream.indirect_vreg.scatter [tilespmem:s12], [sflag:$0x5], $0x80, v50, vm2, $0xb8;
	[tilespmem:$0x19200] =	vst v63  }
0xd7: {  	s13 =	simm.s32 $0xC200  }
0xd8: {  	[hbm4b:s3+s4] =	stream.indirect_vreg.scatter [tilespmem:s13], [sflag:$0x5], $0x80, v52, vm2, $0xb8;
	[tilespmem:$0x19200] =	vst v63  }
0xd9: {  	s14 =	simm.s32 $0xCA00  }
0xda: {  	[hbm4b:s3+s4] =	stream.indirect_vreg.scatter [tilespmem:s14], [sflag:$0x5], $0x80, v31, vm2, $0xb8;
	[tilespmem:$0x19200] =	vst v63  }
0xdb: {  	v31 =	vld [tilespmem:$0xA90];
	_ =	sdelay $0x4  }
0xdc: {  	v53 =	vshll.u32 v31, $0x3  }
0xdd: {  	v31 =	vand.u32 $0x7, v31;
	v32 =	vand.u32 $0xFFFFFFC0, v53  }
0xde: {  	v31 =	vor.u32 v31, v32  }
0xdf: {  	v32 =	vperm.xlane v31, v22;
	_ =	sdelay $0x1  }
0xe0: {  	v54 =	vperm.xlane v31, v24;
	v32 =	vadd.s32 v23, v32;
	_ =	sdelay $0x1  }
0xe1: {  	v55 =	vperm.xlane v31, v25;
	v33 =	vadd.s32 v23, v54;
	_ =	sdelay $0x1  }
0xe2: {  	s15 =	simm.s32 $0xD200;
	v56 =	vperm.xlane v31, v26;
	v34 =	vadd.s32 v23, v55  }
0xe3: {  	[hbm4b:s3+s4] =	stream.indirect_vreg.scatter [tilespmem:s15], [sflag:$0x5], $0x80, v32, vm2, $0xb8;
	[tilespmem:$0x19200] =	vst v63  }
0xe4: {  	s16 =	simm.s32 $0xDA00;
	v58 =	vperm.xlane v31, v27;
	v57 =	vadd.s32 v23, v56  }
0xe5: {  	[hbm4b:s3+s4] =	stream.indirect_vreg.scatter [tilespmem:s16], [sflag:$0x5], $0x80, v33, vm2, $0xb8;
	[tilespmem:$0x19200] =	vst v63  }
0xe6: {  	s17 =	simm.s32 $0xE200;
	v60 =	vperm.xlane v31, v28;
	v59 =	vadd.s32 v23, v58  }
0xe7: {  	[hbm4b:s3+s4] =	stream.indirect_vreg.scatter [tilespmem:s17], [sflag:$0x5], $0x80, v34, vm2, $0xb8;
	[tilespmem:$0x19200] =	vst v63  }
0xe8: {  	s18 =	simm.s32 $0xEA00;
	v62 =	vperm.xlane v31, v29;
	v61 =	vadd.s32 v23, v60  }
0xe9: {  	[hbm4b:s3+s4] =	stream.indirect_vreg.scatter [tilespmem:s18], [sflag:$0x5], $0x80, v57, vm2, $0xb8;
	[tilespmem:$0x19200] =	vst v63  }
0xea: {  	s19 =	simm.s32 $0xF200;
	v31 =	vperm.xlane v31, v30;
	v63 =	vadd.s32 v23, v62  }
0xeb: {  	[hbm4b:s3+s4] =	stream.indirect_vreg.scatter [tilespmem:s19], [sflag:$0x5], $0x80, v59, vm2, $0xb8;
	[tilespmem:$0x19200] =	vst v63  }
0xec: {  	s20 =	simm.s32 $0xFA00;
	v31 =	vadd.s32 v23, v31  }
0xed: {  	[hbm4b:s3+s4] =	stream.indirect_vreg.scatter [tilespmem:s20], [sflag:$0x5], $0x80, v61, vm2, $0xb8;
	[tilespmem:$0x19200] =	vst v63  }
0xee: {  	s21 =	simm.s32 $0x10200  }
0xef: {  	[hbm4b:s3+s4] =	stream.indirect_vreg.scatter [tilespmem:s21], [sflag:$0x5], $0x80, v63, vm2, $0xb8;
	[tilespmem:$0x19200] =	vst v63  }
0xf0: {  	s26 =	simm.s32 $0x10A00;
	s2 =	simm.s32 $0x4  }
0xf1: {  	[hbm4b:s3+s4] =	stream.indirect_vreg.scatter [tilespmem:s26], [sflag:$0x5], $0x80, v31, vm2, $0xb8;
	[tilespmem:$0x19200] =	vst v63  }
0xf2: {  	_ =	swait.ge [sflag:s2], $0x8000  }
0xf3: {  	[sflag:s2] =	ssyncset.done $0x0  }
0xf4: {  	[sflag:s2] =	ssyncadd.s32 $0xFFFF8000  }
0xf5: {  	v31 =	vld [tilespmem:$0x380];
	_ =	sdelay $0x4  }
0xf6: {  	v31 =	vshll.u32 v31, $0xB  }
0xf7: {  	v31 =	vperm.xlane v31, v0;
	_ =	sdelay $0x4  }
0xf8: {  	s8 =	simm.s32 $0x1200  }
0xf9: {  	[tilespmem:s8], [sflag:$0x1] =	stream.indirect_vreg.gather [hbm4b:s30+s4], $0x800, v31, vm2, $0x38;
	[tilespmem:$0x19200] =	vst v63  }
0xfa: {  	_ =	swait.ge [sflag:s31], $0x8000  }
0xfb: {  	[sflag:s31] =	ssyncset.done $0x0  }
0xfc: {  	[sflag:s31] =	ssyncadd.s32 $0xFFFF8000  }
0xfd: {  	v31 =	vld [tilespmem:$0xB00];
	_ =	sdelay $0x4  }
0xfe: {  	v36 =	vshll.u32 v31, $0x3  }
0xff: {  	v31 =	vand.u32 $0x7, v31;
	v32 =	vand.u32 $0xFFFFFFC0, v36  }
0x100: {  	v31 =	vor.u32 v31, v32  }
0x101: {  	v32 =	vperm.xlane v31, v22;
	_ =	sdelay $0x1  }
0x102: {  	v37 =	vperm.xlane v31, v24;
	v32 =	vadd.s32 v23, v32;
	_ =	sdelay $0x1  }
0x103: {  	v38 =	vperm.xlane v31, v25;
	v33 =	vadd.s32 v23, v37;
	_ =	sdelay $0x1  }
0x104: {  	s1 =	simm.s32 $0x11200;
	v39 =	vperm.xlane v31, v26;
	v34 =	vadd.s32 v23, v38  }
0x105: {  	[hbm4b:s3+s4] =	stream.indirect_vreg.scatter [tilespmem:s1], [sflag:$0x6], $0x80, v32, vm2, $0xb8;
	[tilespmem:$0x19200] =	vst v63  }
0x106: {  	v41 =	vperm.xlane v31, v27;
	v40 =	vadd.s32 v23, v39;
	s1 =	simm.s32 $0x11A00  }
0x107: {  	[hbm4b:s3+s4] =	stream.indirect_vreg.scatter [tilespmem:s1], [sflag:$0x6], $0x80, v33, vm2, $0xb8;
	[tilespmem:$0x19200] =	vst v63  }
0x108: {  	s5 =	simm.s32 $0x12200;
	v43 =	vperm.xlane v31, v28;
	v42 =	vadd.s32 v23, v41  }
0x109: {  	[hbm4b:s3+s4] =	stream.indirect_vreg.scatter [tilespmem:s5], [sflag:$0x6], $0x80, v34, vm2, $0xb8;
	[tilespmem:$0x19200] =	vst v63  }
0x10a: {  	s7 =	simm.s32 $0x12A00;
	v45 =	vperm.xlane v31, v29;
	v44 =	vadd.s32 v23, v43  }
0x10b: {  	[hbm4b:s3+s4] =	stream.indirect_vreg.scatter [tilespmem:s7], [sflag:$0x6], $0x80, v40, vm2, $0xb8;
	[tilespmem:$0x19200] =	vst v63  }
0x10c: {  	s12 =	simm.s32 $0x13200;
	v31 =	vperm.xlane v31, v30;
	v46 =	vadd.s32 v23, v45  }
0x10d: {  	[hbm4b:s3+s4] =	stream.indirect_vreg.scatter [tilespmem:s12], [sflag:$0x6], $0x80, v42, vm2, $0xb8;
	[tilespmem:$0x19200] =	vst v63  }
0x10e: {  	s13 =	simm.s32 $0x13A00;
	v31 =	vadd.s32 v23, v31  }
0x10f: {  	[hbm4b:s3+s4] =	stream.indirect_vreg.scatter [tilespmem:s13], [sflag:$0x6], $0x80, v44, vm2, $0xb8;
	[tilespmem:$0x19200] =	vst v63  }
0x110: {  	s14 =	simm.s32 $0x14200  }
0x111: {  	[hbm4b:s3+s4] =	stream.indirect_vreg.scatter [tilespmem:s14], [sflag:$0x6], $0x80, v46, vm2, $0xb8;
	[tilespmem:$0x19200] =	vst v63  }
0x112: {  	s15 =	simm.s32 $0x14A00  }
0x113: {  	[hbm4b:s3+s4] =	stream.indirect_vreg.scatter [tilespmem:s15], [sflag:$0x6], $0x80, v31, vm2, $0xb8;
	[tilespmem:$0x19200] =	vst v63  }
0x114: {  	v31 =	vld [tilespmem:$0xB10];
	_ =	sdelay $0x4  }
0x115: {  	v47 =	vshll.u32 v31, $0x3  }
0x116: {  	v31 =	vand.u32 $0x7, v31;
	v32 =	vand.u32 $0xFFFFFFC0, v47  }
0x117: {  	v31 =	vor.u32 v31, v32  }
0x118: {  	v32 =	vperm.xlane v31, v22;
	_ =	sdelay $0x1  }
0x119: {  	v48 =	vperm.xlane v31, v24;
	v32 =	vadd.s32 v23, v32;
	_ =	sdelay $0x1  }
0x11a: {  	v49 =	vperm.xlane v31, v25;
	v33 =	vadd.s32 v23, v48;
	_ =	sdelay $0x1  }
0x11b: {  	s16 =	simm.s32 $0x15200;
	v50 =	vperm.xlane v31, v26;
	v34 =	vadd.s32 v23, v49  }
0x11c: {  	[hbm4b:s3+s4] =	stream.indirect_vreg.scatter [tilespmem:s16], [sflag:$0x6], $0x80, v32, vm2, $0xb8;
	[tilespmem:$0x19200] =	vst v63  }
0x11d: {  	s17 =	simm.s32 $0x15A00;
	v52 =	vperm.xlane v31, v27;
	v51 =	vadd.s32 v23, v50  }
0x11e: {  	[hbm4b:s3+s4] =	stream.indirect_vreg.scatter [tilespmem:s17], [sflag:$0x6], $0x80, v33, vm2, $0xb8;
	[tilespmem:$0x19200] =	vst v63  }
0x11f: {  	s18 =	simm.s32 $0x16200;
	v54 =	vperm.xlane v31, v28;
	v53 =	vadd.s32 v23, v52  }
0x120: {  	[hbm4b:s3+s4] =	stream.indirect_vreg.scatter [tilespmem:s18], [sflag:$0x6], $0x80, v34, vm2, $0xb8;
	[tilespmem:$0x19200] =	vst v63  }
0x121: {  	s19 =	simm.s32 $0x16A00;
	v56 =	vperm.xlane v31, v29;
	v55 =	vadd.s32 v23, v54  }
0x122: {  	[hbm4b:s3+s4] =	stream.indirect_vreg.scatter [tilespmem:s19], [sflag:$0x6], $0x80, v51, vm2, $0xb8;
	[tilespmem:$0x19200] =	vst v63  }
0x123: {  	s20 =	simm.s32 $0x17200;
	v31 =	vperm.xlane v31, v30;
	v57 =	vadd.s32 v23, v56  }
0x124: {  	[hbm4b:s3+s4] =	stream.indirect_vreg.scatter [tilespmem:s20], [sflag:$0x6], $0x80, v53, vm2, $0xb8;
	[tilespmem:$0x19200] =	vst v63  }
0x125: {  	s21 =	simm.s32 $0x17A00;
	v31 =	vadd.s32 v23, v31  }
0x126: {  	[hbm4b:s3+s4] =	stream.indirect_vreg.scatter [tilespmem:s21], [sflag:$0x6], $0x80, v55, vm2, $0xb8;
	[tilespmem:$0x19200] =	vst v63  }
0x127: {  	s26 =	simm.s32 $0x18200  }
0x128: {  	[hbm4b:s3+s4] =	stream.indirect_vreg.scatter [tilespmem:s26], [sflag:$0x6], $0x80, v57, vm2, $0xb8;
	[tilespmem:$0x19200] =	vst v63  }
0x129: {  	s0 =	simm.s32 $0x18A00  }
0x12a: {  	[hbm4b:s3+s4] =	stream.indirect_vreg.scatter [tilespmem:s0], [sflag:$0x6], $0x80, v31, vm2, $0xb8;
	[tilespmem:$0x19200] =	vst v63  }
0x12b: {  	_ =	swait.ge [sflag:s11], $0x8000  }
0x12c: {  	[sflag:s11] =	ssyncset.done $0x0  }
0x12d: {  	[sflag:s11] =	ssyncadd.s32 $0xFFFF8000  }
0x12e: {  	v31 =	vld [tilespmem:$0x400];
	_ =	sdelay $0x4  }
0x12f: {  	v31 =	vshll.u32 v31, $0xB  }
0x130: {  	v31 =	vperm.xlane v31, v0;
	_ =	sdelay $0x4  }
0x131: {  	s7 =	simm.s32 $0x9200  }
0x132: {  	[tilespmem:s7], [sflag:$0x2] =	stream.indirect_vreg.gather [hbm4b:s30+s4], $0x800, v31, vm2, $0x38;
	[tilespmem:$0x19200] =	vst v63  }
0x133: {  	_ =	swait.ge [sflag:s29], $0x8000  }
0x134: {  	[sflag:s29] =	ssyncset.done $0x0  }
0x135: {  	[sflag:s29] =	ssyncadd.s32 $0xFFFF8000  }
0x136: {  	v31 =	vld [tilespmem:$0xB80];
	_ =	sdelay $0x4  }
0x137: {  	v58 =	vshll.u32 v31, $0x3  }
0x138: {  	v31 =	vand.u32 $0x7, v31;
	v32 =	vand.u32 $0xFFFFFFC0, v58  }
0x139: {  	v31 =	vor.u32 v31, v32  }
0x13a: {  	v32 =	vperm.xlane v31, v22;
	_ =	sdelay $0x1  }
0x13b: {  	v59 =	vperm.xlane v31, v24;
	v32 =	vadd.s32 v23, v32;
	_ =	sdelay $0x1  }
0x13c: {  	v60 =	vperm.xlane v31, v25;
	v33 =	vadd.s32 v23, v59;
	_ =	sdelay $0x1  }
0x13d: {  	v61 =	vperm.xlane v31, v26;
	v34 =	vadd.s32 v23, v60  }
0x13e: {  	[hbm4b:s3+s4] =	stream.indirect_vreg.scatter [tilespmem:s8], [sflag:$0x4], $0x80, v32, vm2, $0xb8;
	[tilespmem:$0x19200] =	vst v63  }
0x13f: {  	s12 =	simm.s32 $0x1A00;
	v63 =	vperm.xlane v31, v27;
	v62 =	vadd.s32 v23, v61  }
0x140: {  	[hbm4b:s3+s4] =	stream.indirect_vreg.scatter [tilespmem:s12], [sflag:$0x4], $0x80, v33, vm2, $0xb8;
	[tilespmem:$0x19200] =	vst v63  }
0x141: {  	s13 =	simm.s32 $0x2200;
	v37 =	vperm.xlane v31, v28;
	v36 =	vadd.s32 v23, v63  }
0x142: {  	[hbm4b:s3+s4] =	stream.indirect_vreg.scatter [tilespmem:s13], [sflag:$0x4], $0x80, v34, vm2, $0xb8;
	[tilespmem:$0x19200] =	vst v63  }
0x143: {  	s14 =	simm.s32 $0x2A00;
	v39 =	vperm.xlane v31, v29;
	v38 =	vadd.s32 v23, v37  }
0x144: {  	[hbm4b:s3+s4] =	stream.indirect_vreg.scatter [tilespmem:s14], [sflag:$0x4], $0x80, v62, vm2, $0xb8;
	[tilespmem:$0x19200] =	vst v63  }
0x145: {  	s15 =	simm.s32 $0x3200;
	v31 =	vperm.xlane v31, v30;
	v40 =	vadd.s32 v23, v39  }
0x146: {  	[hbm4b:s3+s4] =	stream.indirect_vreg.scatter [tilespmem:s15], [sflag:$0x4], $0x80, v36, vm2, $0xb8;
	[tilespmem:$0x19200] =	vst v63  }
0x147: {  	v31 =	vadd.s32 v23, v31;
	s8 =	simm.s32 $0x3A00  }
0x148: {  	[hbm4b:s3+s4] =	stream.indirect_vreg.scatter [tilespmem:s8], [sflag:$0x4], $0x80, v38, vm2, $0xb8;
	[tilespmem:$0x19200] =	vst v63  }
0x149: {  	s1 =	simm.s32 $0x4200  }
0x14a: {  	[hbm4b:s3+s4] =	stream.indirect_vreg.scatter [tilespmem:s1], [sflag:$0x4], $0x80, v40, vm2, $0xb8;
	[tilespmem:$0x19200] =	vst v63  }
0x14b: {  	s16 =	simm.s32 $0x4A00  }
0x14c: {  	[hbm4b:s3+s4] =	stream.indirect_vreg.scatter [tilespmem:s16], [sflag:$0x4], $0x80, v31, vm2, $0xb8;
	[tilespmem:$0x19200] =	vst v63  }
0x14d: {  	v31 =	vld [tilespmem:$0xB90];
	_ =	sdelay $0x4  }
0x14e: {  	v41 =	vshll.u32 v31, $0x3  }
0x14f: {  	v31 =	vand.u32 $0x7, v31;
	v32 =	vand.u32 $0xFFFFFFC0, v41  }
0x150: {  	v31 =	vor.u32 v31, v32  }
0x151: {  	v32 =	vperm.xlane v31, v22;
	_ =	sdelay $0x1  }
0x152: {  	v42 =	vperm.xlane v31, v24;
	v32 =	vadd.s32 v23, v32;
	_ =	sdelay $0x1  }
0x153: {  	v43 =	vperm.xlane v31, v25;
	v33 =	vadd.s32 v23, v42;
	_ =	sdelay $0x1  }
0x154: {  	s17 =	simm.s32 $0x5200;
	v44 =	vperm.xlane v31, v26;
	v34 =	vadd.s32 v23, v43  }
0x155: {  	[hbm4b:s3+s4] =	stream.indirect_vreg.scatter [tilespmem:s17], [sflag:$0x4], $0x80, v32, vm2, $0xb8;
	[tilespmem:$0x19200] =	vst v63  }
0x156: {  	s18 =	simm.s32 $0x5A00;
	v46 =	vperm.xlane v31, v27;
	v45 =	vadd.s32 v23, v44  }
0x157: {  	[hbm4b:s3+s4] =	stream.indirect_vreg.scatter [tilespmem:s18], [sflag:$0x4], $0x80, v33, vm2, $0xb8;
	[tilespmem:$0x19200] =	vst v63  }
0x158: {  	s19 =	simm.s32 $0x6200;
	v48 =	vperm.xlane v31, v28;
	v47 =	vadd.s32 v23, v46  }
0x159: {  	[hbm4b:s3+s4] =	stream.indirect_vreg.scatter [tilespmem:s19], [sflag:$0x4], $0x80, v34, vm2, $0xb8;
	[tilespmem:$0x19200] =	vst v63  }
0x15a: {  	s20 =	simm.s32 $0x6A00;
	v50 =	vperm.xlane v31, v29;
	v49 =	vadd.s32 v23, v48  }
0x15b: {  	[hbm4b:s3+s4] =	stream.indirect_vreg.scatter [tilespmem:s20], [sflag:$0x4], $0x80, v45, vm2, $0xb8;
	[tilespmem:$0x19200] =	vst v63  }
0x15c: {  	s21 =	simm.s32 $0x7200;
	v31 =	vperm.xlane v31, v30;
	v51 =	vadd.s32 v23, v50  }
0x15d: {  	[hbm4b:s3+s4] =	stream.indirect_vreg.scatter [tilespmem:s21], [sflag:$0x4], $0x80, v47, vm2, $0xb8;
	[tilespmem:$0x19200] =	vst v63  }
0x15e: {  	s0 =	simm.s32 $0x7A00;
	v31 =	vadd.s32 v23, v31  }
0x15f: {  	[hbm4b:s3+s4] =	stream.indirect_vreg.scatter [tilespmem:s0], [sflag:$0x4], $0x80, v49, vm2, $0xb8;
	[tilespmem:$0x19200] =	vst v63  }
0x160: {  	s6 =	simm.s32 $0x8200  }
0x161: {  	[hbm4b:s3+s4] =	stream.indirect_vreg.scatter [tilespmem:s6], [sflag:$0x4], $0x80, v51, vm2, $0xb8;
	[tilespmem:$0x19200] =	vst v63  }
0x162: {  	s9 =	simm.s32 $0x8A00  }
0x163: {  	[hbm4b:s3+s4] =	stream.indirect_vreg.scatter [tilespmem:s9], [sflag:$0x4], $0x80, v31, vm2, $0xb8;
	[tilespmem:$0x19200] =	vst v63  }
0x164: {  	s9 =	simm.s32 $0x6  }
0x165: {  	_ =	swait.ge [sflag:s9], $0x8000  }
0x166: {  	[sflag:s9] =	ssyncset.done $0x0  }
0x167: {  	[sflag:s9] =	ssyncadd.s32 $0xFFFF8000  }
0x168: {  	v31 =	vld [tilespmem:$0x480];
	_ =	sdelay $0x4  }
0x169: {  	v31 =	vshll.u32 v31, $0xB  }
0x16a: {  	v31 =	vperm.xlane v31, v0;
	_ =	sdelay $0x4  }
0x16b: {  	s26 =	simm.s32 $0x11200  }
0x16c: {  	[tilespmem:s26], [sflag:$0x3] =	stream.indirect_vreg.gather [hbm4b:s30+s4], $0x800, v31, vm2, $0x38;
	[tilespmem:$0x19200] =	vst v63  }
0x16d: {  	_ =	swait.ge [sflag:s10], $0x8000  }
0x16e: {  	[sflag:s10] =	ssyncset.done $0x0  }
0x16f: {  	[sflag:s10] =	ssyncadd.s32 $0xFFFF8000  }
0x170: {  	v31 =	vld [tilespmem:$0xC00];
	_ =	sdelay $0x4  }
0x171: {  	v52 =	vshll.u32 v31, $0x3  }
0x172: {  	v31 =	vand.u32 $0x7, v31;
	v32 =	vand.u32 $0xFFFFFFC0, v52  }
0x173: {  	v31 =	vor.u32 v31, v32  }
0x174: {  	v32 =	vperm.xlane v31, v22;
	_ =	sdelay $0x1  }
0x175: {  	v53 =	vperm.xlane v31, v24;
	v32 =	vadd.s32 v23, v32;
	_ =	sdelay $0x1  }
0x176: {  	v54 =	vperm.xlane v31, v25;
	v33 =	vadd.s32 v23, v53;
	_ =	sdelay $0x1  }
0x177: {  	v55 =	vperm.xlane v31, v26;
	v34 =	vadd.s32 v23, v54  }
0x178: {  	[hbm4b:s3+s4] =	stream.indirect_vreg.scatter [tilespmem:s7], [sflag:$0x5], $0x80, v32, vm2, $0xb8;
	[tilespmem:$0x19200] =	vst v63  }
0x179: {  	s22 =	simm.s32 $0x9A00;
	v57 =	vperm.xlane v31, v27;
	v56 =	vadd.s32 v23, v55  }
0x17a: {  	[hbm4b:s3+s4] =	stream.indirect_vreg.scatter [tilespmem:s22], [sflag:$0x5], $0x80, v33, vm2, $0xb8;
	[tilespmem:$0x19200] =	vst v63  }
0x17b: {  	s23 =	simm.s32 $0xA200;
	v59 =	vperm.xlane v31, v28;
	v58 =	vadd.s32 v23, v57  }
0x17c: {  	[hbm4b:s3+s4] =	stream.indirect_vreg.scatter [tilespmem:s23], [sflag:$0x5], $0x80, v34, vm2, $0xb8;
	[tilespmem:$0x19200] =	vst v63  }
0x17d: {  	v61 =	vperm.xlane v31, v29;
	v60 =	vadd.s32 v23, v59;
	s23 =	simm.s32 $0xAA00  }
0x17e: {  	[hbm4b:s3+s4] =	stream.indirect_vreg.scatter [tilespmem:s23], [sflag:$0x5], $0x80, v56, vm2, $0xb8;
	[tilespmem:$0x19200] =	vst v63  }
0x17f: {  	s24 =	simm.s32 $0xB200;
	v31 =	vperm.xlane v31, v30;
	v62 =	vadd.s32 v23, v61  }
0x180: {  	[hbm4b:s3+s4] =	stream.indirect_vreg.scatter [tilespmem:s24], [sflag:$0x5], $0x80, v58, vm2, $0xb8;
	[tilespmem:$0x19200] =	vst v63  }
0x181: {  	v31 =	vadd.s32 v23, v31;
	s24 =	simm.s32 $0xBA00  }
0x182: {  	[hbm4b:s3+s4] =	stream.indirect_vreg.scatter [tilespmem:s24], [sflag:$0x5], $0x80, v60, vm2, $0xb8;
	[tilespmem:$0x19200] =	vst v63  }
0x183: {  	s22 =	simm.s32 $0xC200  }
0x184: {  	[hbm4b:s3+s4] =	stream.indirect_vreg.scatter [tilespmem:s22], [sflag:$0x5], $0x80, v62, vm2, $0xb8;
	[tilespmem:$0x19200] =	vst v63  }
0x185: {  	s25 =	simm.s32 $0xCA00  }
0x186: {  	[hbm4b:s3+s4] =	stream.indirect_vreg.scatter [tilespmem:s25], [sflag:$0x5], $0x80, v31, vm2, $0xb8;
	[tilespmem:$0x19200] =	vst v63  }
0x187: {  	v31 =	vld [tilespmem:$0xC10];
	_ =	sdelay $0x4  }
0x188: {  	v63 =	vshll.u32 v31, $0x3  }
0x189: {  	v31 =	vand.u32 $0x7, v31;
	v32 =	vand.u32 $0xFFFFFFC0, v63  }
0x18a: {  	v31 =	vor.u32 v31, v32  }
0x18b: {  	v32 =	vperm.xlane v31, v22;
	_ =	sdelay $0x1  }
0x18c: {  	v36 =	vperm.xlane v31, v24;
	v32 =	vadd.s32 v23, v32;
	_ =	sdelay $0x1  }
0x18d: {  	v37 =	vperm.xlane v31, v25;
	v33 =	vadd.s32 v23, v36;
	_ =	sdelay $0x1  }
0x18e: {  	s28 =	simm.s32 $0xD200;
	v38 =	vperm.xlane v31, v26;
	v34 =	vadd.s32 v23, v37  }
0x18f: {  	[hbm4b:s3+s4] =	stream.indirect_vreg.scatter [tilespmem:s28], [sflag:$0x5], $0x80, v32, vm2, $0xb8;
	[tilespmem:$0x19200] =	vst v63  }
0x190: {  	v40 =	vperm.xlane v31, v27;
	v39 =	vadd.s32 v23, v38;
	s28 =	simm.s32 $0xDA00  }
0x191: {  	[hbm4b:s3+s4] =	stream.indirect_vreg.scatter [tilespmem:s28], [sflag:$0x5], $0x80, v33, vm2, $0xb8;
	[tilespmem:$0x19200] =	vst v63  }
0x192: {  	s6 =	simm.s32 $0xE200;
	v42 =	vperm.xlane v31, v28;
	v41 =	vadd.s32 v23, v40  }
0x193: {  	[hbm4b:s3+s4] =	stream.indirect_vreg.scatter [tilespmem:s6], [sflag:$0x5], $0x80, v34, vm2, $0xb8;
	[tilespmem:$0x19200] =	vst v63  }
0x194: {  	s23 =	simm.s32 $0xEA00;
	v44 =	vperm.xlane v31, v29;
	v43 =	vadd.s32 v23, v42  }
0x195: {  	[hbm4b:s3+s4] =	stream.indirect_vreg.scatter [tilespmem:s23], [sflag:$0x5], $0x80, v39, vm2, $0xb8;
	[tilespmem:$0x19200] =	vst v63  }
0x196: {  	s24 =	simm.s32 $0xF200;
	v31 =	vperm.xlane v31, v30;
	v45 =	vadd.s32 v23, v44  }
0x197: {  	[hbm4b:s3+s4] =	stream.indirect_vreg.scatter [tilespmem:s24], [sflag:$0x5], $0x80, v41, vm2, $0xb8;
	[tilespmem:$0x19200] =	vst v63  }
0x198: {  	v31 =	vadd.s32 v23, v31;
	s23 =	simm.s32 $0xFA00  }
0x199: {  	[hbm4b:s3+s4] =	stream.indirect_vreg.scatter [tilespmem:s23], [sflag:$0x5], $0x80, v43, vm2, $0xb8;
	[tilespmem:$0x19200] =	vst v63  }
0x19a: {  	s24 =	simm.s32 $0x10200  }
0x19b: {  	[hbm4b:s3+s4] =	stream.indirect_vreg.scatter [tilespmem:s24], [sflag:$0x5], $0x80, v45, vm2, $0xb8;
	[tilespmem:$0x19200] =	vst v63  }
0x19c: {  	s25 =	simm.s32 $0x10A00  }
0x19d: {  	[hbm4b:s3+s4] =	stream.indirect_vreg.scatter [tilespmem:s25], [sflag:$0x5], $0x80, v31, vm2, $0xb8;
	[tilespmem:$0x19200] =	vst v63  }
0x19e: {  	_ =	swait.ge [sflag:s2], $0x8000  }
0x19f: {  	[sflag:s2] =	ssyncset.done $0x0  }
0x1a0: {  	[sflag:s2] =	ssyncadd.s32 $0xFFFF8000  }
0x1a1: {  	v31 =	vld [tilespmem:$0x500];
	_ =	sdelay $0x4  }
0x1a2: {  	v31 =	vshll.u32 v31, $0xB  }
0x1a3: {  	v31 =	vperm.xlane v31, v0;
	_ =	sdelay $0x4  }
0x1a4: {  	s5 =	simm.s32 $0x1200  }
0x1a5: {  	[tilespmem:s5], [sflag:$0x1] =	stream.indirect_vreg.gather [hbm4b:s30+s4], $0x800, v31, vm2, $0x38;
	[tilespmem:$0x19200] =	vst v63  }
0x1a6: {  	_ =	swait.ge [sflag:s31], $0x8000  }
0x1a7: {  	[sflag:s31] =	ssyncset.done $0x0  }
0x1a8: {  	[sflag:s31] =	ssyncadd.s32 $0xFFFF8000  }
0x1a9: {  	v31 =	vld [tilespmem:$0xC80];
	_ =	sdelay $0x4  }
0x1aa: {  	v46 =	vshll.u32 v31, $0x3  }
0x1ab: {  	v31 =	vand.u32 $0x7, v31;
	v32 =	vand.u32 $0xFFFFFFC0, v46  }
0x1ac: {  	v31 =	vor.u32 v31, v32  }
0x1ad: {  	v32 =	vperm.xlane v31, v22;
	_ =	sdelay $0x1  }
0x1ae: {  	v47 =	vperm.xlane v31, v24;
	v32 =	vadd.s32 v23, v32;
	_ =	sdelay $0x1  }
0x1af: {  	v48 =	vperm.xlane v31, v25;
	v33 =	vadd.s32 v23, v47;
	_ =	sdelay $0x1  }
0x1b0: {  	v49 =	vperm.xlane v31, v26;
	v34 =	vadd.s32 v23, v48  }
0x1b1: {  	[hbm4b:s3+s4] =	stream.indirect_vreg.scatter [tilespmem:s26], [sflag:$0x6], $0x80, v32, vm2, $0xb8;
	[tilespmem:$0x19200] =	vst v63  }
0x1b2: {  	s28 =	simm.s32 $0x11A00;
	v51 =	vperm.xlane v31, v27;
	v50 =	vadd.s32 v23, v49  }
0x1b3: {  	[hbm4b:s3+s4] =	stream.indirect_vreg.scatter [tilespmem:s28], [sflag:$0x6], $0x80, v33, vm2, $0xb8;
	[tilespmem:$0x19200] =	vst v63  }
0x1b4: {  	s25 =	simm.s32 $0x12200;
	v53 =	vperm.xlane v31, v28;
	v52 =	vadd.s32 v23, v51  }
0x1b5: {  	[hbm4b:s3+s4] =	stream.indirect_vreg.scatter [tilespmem:s25], [sflag:$0x6], $0x80, v34, vm2, $0xb8;
	[tilespmem:$0x19200] =	vst v63  }
0x1b6: {  	v55 =	vperm.xlane v31, v29;
	v54 =	vadd.s32 v23, v53;
	s26 =	simm.s32 $0x12A00  }
0x1b7: {  	[hbm4b:s3+s4] =	stream.indirect_vreg.scatter [tilespmem:s26], [sflag:$0x6], $0x80, v50, vm2, $0xb8;
	[tilespmem:$0x19200] =	vst v63  }
0x1b8: {  	v31 =	vperm.xlane v31, v30;
	v56 =	vadd.s32 v23, v55;
	s28 =	simm.s32 $0x13200  }
0x1b9: {  	[hbm4b:s3+s4] =	stream.indirect_vreg.scatter [tilespmem:s28], [sflag:$0x6], $0x80, v52, vm2, $0xb8;
	[tilespmem:$0x19200] =	vst v63  }
0x1ba: {  	v31 =	vadd.s32 v23, v31;
	s28 =	simm.s32 $0x13A00  }
0x1bb: {  	[hbm4b:s3+s4] =	stream.indirect_vreg.scatter [tilespmem:s28], [sflag:$0x6], $0x80, v54, vm2, $0xb8;
	[tilespmem:$0x19200] =	vst v63  }
0x1bc: {  	s26 =	simm.s32 $0x14200  }
0x1bd: {  	[hbm4b:s3+s4] =	stream.indirect_vreg.scatter [tilespmem:s26], [sflag:$0x6], $0x80, v56, vm2, $0xb8;
	[tilespmem:$0x19200] =	vst v63  }
0x1be: {  	s25 =	simm.s32 $0x14A00  }
0x1bf: {  	[hbm4b:s3+s4] =	stream.indirect_vreg.scatter [tilespmem:s25], [sflag:$0x6], $0x80, v31, vm2, $0xb8;
	[tilespmem:$0x19200] =	vst v63  }
0x1c0: {  	v31 =	vld [tilespmem:$0xC90];
	_ =	sdelay $0x4  }
0x1c1: {  	v57 =	vshll.u32 v31, $0x3  }
0x1c2: {  	v31 =	vand.u32 $0x7, v31;
	v32 =	vand.u32 $0xFFFFFFC0, v57  }
0x1c3: {  	v31 =	vor.u32 v31, v32  }
0x1c4: {  	v32 =	vperm.xlane v31, v22;
	_ =	sdelay $0x1  }
0x1c5: {  	v58 =	vperm.xlane v31, v24;
	v32 =	vadd.s32 v23, v32;
	_ =	sdelay $0x1  }
0x1c6: {  	v59 =	vperm.xlane v31, v25;
	v33 =	vadd.s32 v23, v58;
	_ =	sdelay $0x1  }
0x1c7: {  	s25 =	simm.s32 $0x15200;
	v60 =	vperm.xlane v31, v26;
	v34 =	vadd.s32 v23, v59  }
0x1c8: {  	[hbm4b:s3+s4] =	stream.indirect_vreg.scatter [tilespmem:s25], [sflag:$0x6], $0x80, v32, vm2, $0xb8;
	[tilespmem:$0x19200] =	vst v63  }
0x1c9: {  	v62 =	vperm.xlane v31, v27;
	v61 =	vadd.s32 v23, v60;
	s25 =	simm.s32 $0x15A00  }
0x1ca: {  	[hbm4b:s3+s4] =	stream.indirect_vreg.scatter [tilespmem:s25], [sflag:$0x6], $0x80, v33, vm2, $0xb8;
	[tilespmem:$0x19200] =	vst v63  }
0x1cb: {  	v36 =	vperm.xlane v31, v28;
	v63 =	vadd.s32 v23, v62;
	s25 =	simm.s32 $0x16200  }
0x1cc: {  	[hbm4b:s3+s4] =	stream.indirect_vreg.scatter [tilespmem:s25], [sflag:$0x6], $0x80, v34, vm2, $0xb8;
	[tilespmem:$0x19200] =	vst v63  }
0x1cd: {  	v38 =	vperm.xlane v31, v29;
	v37 =	vadd.s32 v23, v36;
	s25 =	simm.s32 $0x16A00  }
0x1ce: {  	[hbm4b:s3+s4] =	stream.indirect_vreg.scatter [tilespmem:s25], [sflag:$0x6], $0x80, v61, vm2, $0xb8;
	[tilespmem:$0x19200] =	vst v63  }
0x1cf: {  	v31 =	vperm.xlane v31, v30;
	v39 =	vadd.s32 v23, v38;
	s25 =	simm.s32 $0x17200  }
0x1d0: {  	[hbm4b:s3+s4] =	stream.indirect_vreg.scatter [tilespmem:s25], [sflag:$0x6], $0x80, v63, vm2, $0xb8;
	[tilespmem:$0x19200] =	vst v63  }
0x1d1: {  	v31 =	vadd.s32 v23, v31;
	s25 =	simm.s32 $0x17A00  }
0x1d2: {  	[hbm4b:s3+s4] =	stream.indirect_vreg.scatter [tilespmem:s25], [sflag:$0x6], $0x80, v37, vm2, $0xb8;
	[tilespmem:$0x19200] =	vst v63  }
0x1d3: {  	s25 =	simm.s32 $0x18200  }
0x1d4: {  	[hbm4b:s3+s4] =	stream.indirect_vreg.scatter [tilespmem:s25], [sflag:$0x6], $0x80, v39, vm2, $0xb8;
	[tilespmem:$0x19200] =	vst v63  }
0x1d5: {  	s1 =	simm.s32 $0x18A00  }
0x1d6: {  	[hbm4b:s3+s4] =	stream.indirect_vreg.scatter [tilespmem:s1], [sflag:$0x6], $0x80, v31, vm2, $0xb8;
	[tilespmem:$0x19200] =	vst v63  }
0x1d7: {  	_ =	swait.ge [sflag:s11], $0x8000  }
0x1d8: {  	[sflag:s11] =	ssyncset.done $0x0  }
0x1d9: {  	[sflag:s11] =	ssyncadd.s32 $0xFFFF8000  }
0x1da: {  	v31 =	vld [tilespmem:$0x580];
	_ =	sdelay $0x4  }
0x1db: {  	v31 =	vshll.u32 v31, $0xB  }
0x1dc: {  	v31 =	vperm.xlane v31, v0;
	_ =	sdelay $0x4  }
0x1dd: {  	s7 =	simm.s32 $0x9200  }
0x1de: {  	[tilespmem:s7], [sflag:$0x2] =	stream.indirect_vreg.gather [hbm4b:s30+s4], $0x800, v31, vm2, $0x38;
	[tilespmem:$0x19200] =	vst v63  }
0x1df: {  	_ =	swait.ge [sflag:s29], $0x8000  }
0x1e0: {  	[sflag:s29] =	ssyncset.done $0x0  }
0x1e1: {  	[sflag:s29] =	ssyncadd.s32 $0xFFFF8000  }
0x1e2: {  	v31 =	vld [tilespmem:$0xD00];
	_ =	sdelay $0x4  }
0x1e3: {  	v40 =	vshll.u32 v31, $0x3  }
0x1e4: {  	v31 =	vand.u32 $0x7, v31;
	v32 =	vand.u32 $0xFFFFFFC0, v40  }
0x1e5: {  	v31 =	vor.u32 v31, v32  }
0x1e6: {  	v32 =	vperm.xlane v31, v22;
	_ =	sdelay $0x1  }
0x1e7: {  	v41 =	vperm.xlane v31, v24;
	v32 =	vadd.s32 v23, v32;
	_ =	sdelay $0x1  }
0x1e8: {  	v42 =	vperm.xlane v31, v25;
	v33 =	vadd.s32 v23, v41;
	_ =	sdelay $0x1  }
0x1e9: {  	s5 =	simm.s32 $0x1200;
	v43 =	vperm.xlane v31, v26;
	v34 =	vadd.s32 v23, v42  }
0x1ea: {  	[hbm4b:s3+s4] =	stream.indirect_vreg.scatter [tilespmem:s5], [sflag:$0x4], $0x80, v32, vm2, $0xb8;
	[tilespmem:$0x19200] =	vst v63  }
0x1eb: {  	v45 =	vperm.xlane v31, v27;
	v44 =	vadd.s32 v23, v43  }
0x1ec: {  	[hbm4b:s3+s4] =	stream.indirect_vreg.scatter [tilespmem:s12], [sflag:$0x4], $0x80, v33, vm2, $0xb8;
	[tilespmem:$0x19200] =	vst v63  }
0x1ed: {  	v47 =	vperm.xlane v31, v28;
	v46 =	vadd.s32 v23, v45  }
0x1ee: {  	[hbm4b:s3+s4] =	stream.indirect_vreg.scatter [tilespmem:s13], [sflag:$0x4], $0x80, v34, vm2, $0xb8;
	[tilespmem:$0x19200] =	vst v63  }
0x1ef: {  	v49 =	vperm.xlane v31, v29;
	v48 =	vadd.s32 v23, v47  }
0x1f0: {  	[hbm4b:s3+s4] =	stream.indirect_vreg.scatter [tilespmem:s14], [sflag:$0x4], $0x80, v44, vm2, $0xb8;
	[tilespmem:$0x19200] =	vst v63  }
0x1f1: {  	v31 =	vperm.xlane v31, v30;
	v50 =	vadd.s32 v23, v49  }
0x1f2: {  	[hbm4b:s3+s4] =	stream.indirect_vreg.scatter [tilespmem:s15], [sflag:$0x4], $0x80, v46, vm2, $0xb8;
	[tilespmem:$0x19200] =	vst v63  }
0x1f3: {  	v31 =	vadd.s32 v23, v31  }
0x1f4: {  	[hbm4b:s3+s4] =	stream.indirect_vreg.scatter [tilespmem:s8], [sflag:$0x4], $0x80, v48, vm2, $0xb8;
	[tilespmem:$0x19200] =	vst v63  }
0x1f5: {  	s15 =	simm.s32 $0x4200  }
0x1f6: {  	[hbm4b:s3+s4] =	stream.indirect_vreg.scatter [tilespmem:s15], [sflag:$0x4], $0x80, v50, vm2, $0xb8;
	[tilespmem:$0x19200] =	vst v63  }
0x1f7: {  	_ = 	snop  }
0x1f8: {  	[hbm4b:s3+s4] =	stream.indirect_vreg.scatter [tilespmem:s16], [sflag:$0x4], $0x80, v31, vm2, $0xb8;
	[tilespmem:$0x19200] =	vst v63  }
0x1f9: {  	v31 =	vld [tilespmem:$0xD10];
	_ =	sdelay $0x4  }
0x1fa: {  	v51 =	vshll.u32 v31, $0x3  }
0x1fb: {  	v31 =	vand.u32 $0x7, v31;
	v32 =	vand.u32 $0xFFFFFFC0, v51  }
0x1fc: {  	v31 =	vor.u32 v31, v32  }
0x1fd: {  	v32 =	vperm.xlane v31, v22;
	_ =	sdelay $0x1  }
0x1fe: {  	v52 =	vperm.xlane v31, v24;
	v32 =	vadd.s32 v23, v32;
	_ =	sdelay $0x1  }
0x1ff: {  	v53 =	vperm.xlane v31, v25;
	v33 =	vadd.s32 v23, v52;
	_ =	sdelay $0x1  }
0x200: {  	v54 =	vperm.xlane v31, v26;
	v34 =	vadd.s32 v23, v53  }
0x201: {  	[hbm4b:s3+s4] =	stream.indirect_vreg.scatter [tilespmem:s17], [sflag:$0x4], $0x80, v32, vm2, $0xb8;
	[tilespmem:$0x19200] =	vst v63  }
0x202: {  	v56 =	vperm.xlane v31, v27;
	v55 =	vadd.s32 v23, v54  }
0x203: {  	[hbm4b:s3+s4] =	stream.indirect_vreg.scatter [tilespmem:s18], [sflag:$0x4], $0x80, v33, vm2, $0xb8;
	[tilespmem:$0x19200] =	vst v63  }
0x204: {  	v58 =	vperm.xlane v31, v28;
	v57 =	vadd.s32 v23, v56  }
0x205: {  	[hbm4b:s3+s4] =	stream.indirect_vreg.scatter [tilespmem:s19], [sflag:$0x4], $0x80, v34, vm2, $0xb8;
	[tilespmem:$0x19200] =	vst v63  }
0x206: {  	v60 =	vperm.xlane v31, v29;
	v59 =	vadd.s32 v23, v58  }
0x207: {  	[hbm4b:s3+s4] =	stream.indirect_vreg.scatter [tilespmem:s20], [sflag:$0x4], $0x80, v55, vm2, $0xb8;
	[tilespmem:$0x19200] =	vst v63  }
0x208: {  	v31 =	vperm.xlane v31, v30;
	v61 =	vadd.s32 v23, v60  }
0x209: {  	[hbm4b:s3+s4] =	stream.indirect_vreg.scatter [tilespmem:s21], [sflag:$0x4], $0x80, v57, vm2, $0xb8;
	[tilespmem:$0x19200] =	vst v63  }
0x20a: {  	v31 =	vadd.s32 v23, v31  }
0x20b: {  	[hbm4b:s3+s4] =	stream.indirect_vreg.scatter [tilespmem:s0], [sflag:$0x4], $0x80, v59, vm2, $0xb8;
	[tilespmem:$0x19200] =	vst v63  }
0x20c: {  	s16 =	simm.s32 $0x8200  }
0x20d: {  	[hbm4b:s3+s4] =	stream.indirect_vreg.scatter [tilespmem:s16], [sflag:$0x4], $0x80, v61, vm2, $0xb8;
	[tilespmem:$0x19200] =	vst v63  }
0x20e: {  	s5 =	simm.s32 $0x8A00  }
0x20f: {  	[hbm4b:s3+s4] =	stream.indirect_vreg.scatter [tilespmem:s5], [sflag:$0x4], $0x80, v31, vm2, $0xb8;
	[tilespmem:$0x19200] =	vst v63  }
0x210: {  	_ =	swait.ge [sflag:s9], $0x8000  }
0x211: {  	[sflag:s9] =	ssyncset.done $0x0  }
0x212: {  	[sflag:s9] =	ssyncadd.s32 $0xFFFF8000  }
0x213: {  	v31 =	vld [tilespmem:$0x600];
	_ =	sdelay $0x4  }
0x214: {  	v31 =	vshll.u32 v31, $0xB  }
0x215: {  	v31 =	vperm.xlane v31, v0;
	_ =	sdelay $0x4  }
0x216: {  	s6 =	simm.s32 $0x11200  }
0x217: {  	[tilespmem:s6], [sflag:$0x3] =	stream.indirect_vreg.gather [hbm4b:s30+s4], $0x800, v31, vm2, $0x38;
	[tilespmem:$0x19200] =	vst v63  }
0x218: {  	_ =	swait.ge [sflag:s10], $0x8000  }
0x219: {  	[sflag:s10] =	ssyncset.done $0x0  }
0x21a: {  	[sflag:s10] =	ssyncadd.s32 $0xFFFF8000  }
0x21b: {  	v31 =	vld [tilespmem:$0xD80];
	_ =	sdelay $0x4  }
0x21c: {  	v62 =	vshll.u32 v31, $0x3  }
0x21d: {  	v31 =	vand.u32 $0x7, v31;
	v32 =	vand.u32 $0xFFFFFFC0, v62  }
0x21e: {  	v31 =	vor.u32 v31, v32  }
0x21f: {  	v32 =	vperm.xlane v31, v22;
	_ =	sdelay $0x1  }
0x220: {  	v63 =	vperm.xlane v31, v24;
	v32 =	vadd.s32 v23, v32;
	_ =	sdelay $0x1  }
0x221: {  	v36 =	vperm.xlane v31, v25;
	v33 =	vadd.s32 v23, v63;
	_ =	sdelay $0x1  }
0x222: {  	s1 =	simm.s32 $0x9200;
	v37 =	vperm.xlane v31, v26;
	v34 =	vadd.s32 v23, v36  }
0x223: {  	[hbm4b:s3+s4] =	stream.indirect_vreg.scatter [tilespmem:s1], [sflag:$0x5], $0x80, v32, vm2, $0xb8;
	[tilespmem:$0x19200] =	vst v63  }
0x224: {  	s18 =	simm.s32 $0x9A00;
	v39 =	vperm.xlane v31, v27;
	v38 =	vadd.s32 v23, v37  }
0x225: {  	[hbm4b:s3+s4] =	stream.indirect_vreg.scatter [tilespmem:s18], [sflag:$0x5], $0x80, v33, vm2, $0xb8;
	[tilespmem:$0x19200] =	vst v63  }
0x226: {  	s13 =	simm.s32 $0xA200;
	v41 =	vperm.xlane v31, v28;
	v40 =	vadd.s32 v23, v39  }
0x227: {  	[hbm4b:s3+s4] =	stream.indirect_vreg.scatter [tilespmem:s13], [sflag:$0x5], $0x80, v34, vm2, $0xb8;
	[tilespmem:$0x19200] =	vst v63  }
0x228: {  	s19 =	simm.s32 $0xAA00;
	v43 =	vperm.xlane v31, v29;
	v42 =	vadd.s32 v23, v41  }
0x229: {  	[hbm4b:s3+s4] =	stream.indirect_vreg.scatter [tilespmem:s19], [sflag:$0x5], $0x80, v38, vm2, $0xb8;
	[tilespmem:$0x19200] =	vst v63  }
0x22a: {  	s14 =	simm.s32 $0xB200;
	v31 =	vperm.xlane v31, v30;
	v44 =	vadd.s32 v23, v43  }
0x22b: {  	[hbm4b:s3+s4] =	stream.indirect_vreg.scatter [tilespmem:s14], [sflag:$0x5], $0x80, v40, vm2, $0xb8;
	[tilespmem:$0x19200] =	vst v63  }
0x22c: {  	s20 =	simm.s32 $0xBA00;
	v31 =	vadd.s32 v23, v31  }
0x22d: {  	[hbm4b:s3+s4] =	stream.indirect_vreg.scatter [tilespmem:s20], [sflag:$0x5], $0x80, v42, vm2, $0xb8;
	[tilespmem:$0x19200] =	vst v63  }
0x22e: {  	_ = 	snop  }
0x22f: {  	[hbm4b:s3+s4] =	stream.indirect_vreg.scatter [tilespmem:s22], [sflag:$0x5], $0x80, v44, vm2, $0xb8;
	[tilespmem:$0x19200] =	vst v63  }
0x230: {  	s6 =	simm.s32 $0xCA00  }
0x231: {  	[hbm4b:s3+s4] =	stream.indirect_vreg.scatter [tilespmem:s6], [sflag:$0x5], $0x80, v31, vm2, $0xb8;
	[tilespmem:$0x19200] =	vst v63  }
0x232: {  	v31 =	vld [tilespmem:$0xD90];
	_ =	sdelay $0x4  }
0x233: {  	v45 =	vshll.u32 v31, $0x3  }
0x234: {  	v31 =	vand.u32 $0x7, v31;
	v32 =	vand.u32 $0xFFFFFFC0, v45  }
0x235: {  	v31 =	vor.u32 v31, v32  }
0x236: {  	v32 =	vperm.xlane v31, v22;
	_ =	sdelay $0x1  }
0x237: {  	v46 =	vperm.xlane v31, v24;
	v32 =	vadd.s32 v23, v32;
	_ =	sdelay $0x1  }
0x238: {  	v47 =	vperm.xlane v31, v25;
	v33 =	vadd.s32 v23, v46;
	_ =	sdelay $0x1  }
0x239: {  	s16 =	simm.s32 $0xD200;
	v48 =	vperm.xlane v31, v26;
	v34 =	vadd.s32 v23, v47  }
0x23a: {  	[hbm4b:s3+s4] =	stream.indirect_vreg.scatter [tilespmem:s16], [sflag:$0x5], $0x80, v32, vm2, $0xb8;
	[tilespmem:$0x19200] =	vst v63  }
0x23b: {  	s12 =	simm.s32 $0xDA00;
	v50 =	vperm.xlane v31, v27;
	v49 =	vadd.s32 v23, v48  }
0x23c: {  	[hbm4b:s3+s4] =	stream.indirect_vreg.scatter [tilespmem:s12], [sflag:$0x5], $0x80, v33, vm2, $0xb8;
	[tilespmem:$0x19200] =	vst v63  }
0x23d: {  	s15 =	simm.s32 $0xE200;
	v52 =	vperm.xlane v31, v28;
	v51 =	vadd.s32 v23, v50  }
0x23e: {  	[hbm4b:s3+s4] =	stream.indirect_vreg.scatter [tilespmem:s15], [sflag:$0x5], $0x80, v34, vm2, $0xb8;
	[tilespmem:$0x19200] =	vst v63  }
0x23f: {  	s8 =	simm.s32 $0xEA00;
	v54 =	vperm.xlane v31, v29;
	v53 =	vadd.s32 v23, v52  }
0x240: {  	[hbm4b:s3+s4] =	stream.indirect_vreg.scatter [tilespmem:s8], [sflag:$0x5], $0x80, v49, vm2, $0xb8;
	[tilespmem:$0x19200] =	vst v63  }
0x241: {  	s21 =	simm.s32 $0xF200;
	v31 =	vperm.xlane v31, v30;
	v55 =	vadd.s32 v23, v54  }
0x242: {  	[hbm4b:s3+s4] =	stream.indirect_vreg.scatter [tilespmem:s21], [sflag:$0x5], $0x80, v51, vm2, $0xb8;
	[tilespmem:$0x19200] =	vst v63  }
0x243: {  	v31 =	vadd.s32 v23, v31  }
0x244: {  	[hbm4b:s3+s4] =	stream.indirect_vreg.scatter [tilespmem:s23], [sflag:$0x5], $0x80, v53, vm2, $0xb8;
	[tilespmem:$0x19200] =	vst v63  }
0x245: {  	_ = 	snop  }
0x246: {  	[hbm4b:s3+s4] =	stream.indirect_vreg.scatter [tilespmem:s24], [sflag:$0x5], $0x80, v55, vm2, $0xb8;
	[tilespmem:$0x19200] =	vst v63  }
0x247: {  	s23 =	simm.s32 $0x10A00  }
0x248: {  	[hbm4b:s3+s4] =	stream.indirect_vreg.scatter [tilespmem:s23], [sflag:$0x5], $0x80, v31, vm2, $0xb8;
	[tilespmem:$0x19200] =	vst v63  }
0x249: {  	_ =	swait.ge [sflag:s2], $0x8000  }
0x24a: {  	[sflag:s2] =	ssyncset.done $0x0  }
0x24b: {  	[sflag:s2] =	ssyncadd.s32 $0xFFFF8000  }
0x24c: {  	v31 =	vld [tilespmem:$0x680];
	_ =	sdelay $0x4  }
0x24d: {  	v31 =	vshll.u32 v31, $0xB  }
0x24e: {  	v31 =	vperm.xlane v31, v0;
	_ =	sdelay $0x4  }
0x24f: {  	s7 =	simm.s32 $0x1200  }
0x250: {  	[tilespmem:s7], [sflag:$0x1] =	stream.indirect_vreg.gather [hbm4b:s30+s4], $0x800, v31, vm2, $0x38;
	[tilespmem:$0x19200] =	vst v63  }
0x251: {  	_ =	swait.ge [sflag:s31], $0x8000  }
0x252: {  	[sflag:s31] =	ssyncset.done $0x0  }
0x253: {  	[sflag:s31] =	ssyncadd.s32 $0xFFFF8000  }
0x254: {  	v31 =	vld [tilespmem:$0xE00];
	_ =	sdelay $0x4  }
0x255: {  	v56 =	vshll.u32 v31, $0x3  }
0x256: {  	v31 =	vand.u32 $0x7, v31;
	v32 =	vand.u32 $0xFFFFFFC0, v56  }
0x257: {  	v31 =	vor.u32 v31, v32  }
0x258: {  	v32 =	vperm.xlane v31, v22;
	_ =	sdelay $0x1  }
0x259: {  	v57 =	vperm.xlane v31, v24;
	v32 =	vadd.s32 v23, v32;
	_ =	sdelay $0x1  }
0x25a: {  	v58 =	vperm.xlane v31, v25;
	v33 =	vadd.s32 v23, v57;
	_ =	sdelay $0x1  }
0x25b: {  	s17 =	simm.s32 $0x11200;
	v59 =	vperm.xlane v31, v26;
	v34 =	vadd.s32 v23, v58  }
0x25c: {  	[hbm4b:s3+s4] =	stream.indirect_vreg.scatter [tilespmem:s17], [sflag:$0x6], $0x80, v32, vm2, $0xb8;
	[tilespmem:$0x19200] =	vst v63  }
0x25d: {  	s22 =	simm.s32 $0x11A00;
	v61 =	vperm.xlane v31, v27;
	v60 =	vadd.s32 v23, v59  }
0x25e: {  	[hbm4b:s3+s4] =	stream.indirect_vreg.scatter [tilespmem:s22], [sflag:$0x6], $0x80, v33, vm2, $0xb8;
	[tilespmem:$0x19200] =	vst v63  }
0x25f: {  	s24 =	simm.s32 $0x12200;
	v63 =	vperm.xlane v31, v28;
	v62 =	vadd.s32 v23, v61  }
0x260: {  	[hbm4b:s3+s4] =	stream.indirect_vreg.scatter [tilespmem:s24], [sflag:$0x6], $0x80, v34, vm2, $0xb8;
	[tilespmem:$0x19200] =	vst v63  }
0x261: {  	s1 =	simm.s32 $0x12A00;
	v37 =	vperm.xlane v31, v29;
	v36 =	vadd.s32 v23, v63  }
0x262: {  	[hbm4b:s3+s4] =	stream.indirect_vreg.scatter [tilespmem:s1], [sflag:$0x6], $0x80, v60, vm2, $0xb8;
	[tilespmem:$0x19200] =	vst v63  }
0x263: {  	v31 =	vperm.xlane v31, v30;
	v38 =	vadd.s32 v23, v37;
	s17 =	simm.s32 $0x13200  }
0x264: {  	[hbm4b:s3+s4] =	stream.indirect_vreg.scatter [tilespmem:s17], [sflag:$0x6], $0x80, v62, vm2, $0xb8;
	[tilespmem:$0x19200] =	vst v63  }
0x265: {  	v31 =	vadd.s32 v23, v31  }
0x266: {  	[hbm4b:s3+s4] =	stream.indirect_vreg.scatter [tilespmem:s28], [sflag:$0x6], $0x80, v36, vm2, $0xb8;
	[tilespmem:$0x19200] =	vst v63  }
0x267: {  	_ = 	snop  }
0x268: {  	[hbm4b:s3+s4] =	stream.indirect_vreg.scatter [tilespmem:s26], [sflag:$0x6], $0x80, v38, vm2, $0xb8;
	[tilespmem:$0x19200] =	vst v63  }
0x269: {  	s18 =	simm.s32 $0x14A00  }
0x26a: {  	[hbm4b:s3+s4] =	stream.indirect_vreg.scatter [tilespmem:s18], [sflag:$0x6], $0x80, v31, vm2, $0xb8;
	[tilespmem:$0x19200] =	vst v63  }
0x26b: {  	v31 =	vld [tilespmem:$0xE10];
	_ =	sdelay $0x4  }
0x26c: {  	v39 =	vshll.u32 v31, $0x3  }
0x26d: {  	v31 =	vand.u32 $0x7, v31;
	v32 =	vand.u32 $0xFFFFFFC0, v39  }
0x26e: {  	v31 =	vor.u32 v31, v32  }
0x26f: {  	v32 =	vperm.xlane v31, v22;
	_ =	sdelay $0x1  }
0x270: {  	v40 =	vperm.xlane v31, v24;
	v32 =	vadd.s32 v23, v32;
	_ =	sdelay $0x1  }
0x271: {  	v41 =	vperm.xlane v31, v25;
	v33 =	vadd.s32 v23, v40;
	_ =	sdelay $0x1  }
0x272: {  	s19 =	simm.s32 $0x15200;
	v42 =	vperm.xlane v31, v26;
	v34 =	vadd.s32 v23, v41  }
0x273: {  	[hbm4b:s3+s4] =	stream.indirect_vreg.scatter [tilespmem:s19], [sflag:$0x6], $0x80, v32, vm2, $0xb8;
	[tilespmem:$0x19200] =	vst v63  }
0x274: {  	s20 =	simm.s32 $0x15A00;
	v44 =	vperm.xlane v31, v27;
	v43 =	vadd.s32 v23, v42  }
0x275: {  	[hbm4b:s3+s4] =	stream.indirect_vreg.scatter [tilespmem:s20], [sflag:$0x6], $0x80, v33, vm2, $0xb8;
	[tilespmem:$0x19200] =	vst v63  }
0x276: {  	s21 =	simm.s32 $0x16200;
	v46 =	vperm.xlane v31, v28;
	v45 =	vadd.s32 v23, v44  }
0x277: {  	[hbm4b:s3+s4] =	stream.indirect_vreg.scatter [tilespmem:s21], [sflag:$0x6], $0x80, v34, vm2, $0xb8;
	[tilespmem:$0x19200] =	vst v63  }
0x278: {  	s22 =	simm.s32 $0x16A00;
	v48 =	vperm.xlane v31, v29;
	v47 =	vadd.s32 v23, v46  }
0x279: {  	[hbm4b:s3+s4] =	stream.indirect_vreg.scatter [tilespmem:s22], [sflag:$0x6], $0x80, v43, vm2, $0xb8;
	[tilespmem:$0x19200] =	vst v63  }
0x27a: {  	s24 =	simm.s32 $0x17200;
	v31 =	vperm.xlane v31, v30;
	v49 =	vadd.s32 v23, v48  }
0x27b: {  	[hbm4b:s3+s4] =	stream.indirect_vreg.scatter [tilespmem:s24], [sflag:$0x6], $0x80, v45, vm2, $0xb8;
	[tilespmem:$0x19200] =	vst v63  }
0x27c: {  	s26 =	simm.s32 $0x17A00;
	v31 =	vadd.s32 v23, v31  }
0x27d: {  	[hbm4b:s3+s4] =	stream.indirect_vreg.scatter [tilespmem:s26], [sflag:$0x6], $0x80, v47, vm2, $0xb8;
	[tilespmem:$0x19200] =	vst v63  }
0x27e: {  	_ = 	snop  }
0x27f: {  	[hbm4b:s3+s4] =	stream.indirect_vreg.scatter [tilespmem:s25], [sflag:$0x6], $0x80, v49, vm2, $0xb8;
	[tilespmem:$0x19200] =	vst v63  }
0x280: {  	s28 =	simm.s32 $0x18A00  }
0x281: {  	[hbm4b:s3+s4] =	stream.indirect_vreg.scatter [tilespmem:s28], [sflag:$0x6], $0x80, v31, vm2, $0xb8;
	[tilespmem:$0x19200] =	vst v63  }
0x282: {  	_ =	swait.ge [sflag:s11], $0x8000  }
0x283: {  	[sflag:s11] =	ssyncset.done $0x0  }
0x284: {  	[sflag:s11] =	ssyncadd.s32 $0xFFFF8000  }
0x285: {  	v31 =	vld [tilespmem:$0x700];
	_ =	sdelay $0x4  }
0x286: {  	v31 =	vshll.u32 v31, $0xB  }
0x287: {  	v31 =	vperm.xlane v31, v0;
	_ =	sdelay $0x4  }
0x288: {  	s1 =	simm.s32 $0x9200  }
0x289: {  	[tilespmem:s1], [sflag:$0x2] =	stream.indirect_vreg.gather [hbm4b:s30+s4], $0x800, v31, vm2, $0x38;
	[tilespmem:$0x19200] =	vst v63  }
0x28a: {  	_ =	swait.ge [sflag:s29], $0x8000  }
0x28b: {  	[sflag:s29] =	ssyncset.done $0x0  }
0x28c: {  	[sflag:s29] =	ssyncadd.s32 $0xFFFF8000  }
0x28d: {  	v31 =	vld [tilespmem:$0xE80];
	_ =	sdelay $0x4  }
0x28e: {  	v50 =	vshll.u32 v31, $0x3  }
0x28f: {  	v31 =	vand.u32 $0x7, v31;
	v32 =	vand.u32 $0xFFFFFFC0, v50  }
0x290: {  	v31 =	vor.u32 v31, v32  }
0x291: {  	v32 =	vperm.xlane v31, v22;
	_ =	sdelay $0x1  }
0x292: {  	v51 =	vperm.xlane v31, v24;
	v32 =	vadd.s32 v23, v32;
	_ =	sdelay $0x1  }
0x293: {  	v52 =	vperm.xlane v31, v25;
	v33 =	vadd.s32 v23, v51;
	_ =	sdelay $0x1  }
0x294: {  	v53 =	vperm.xlane v31, v26;
	v34 =	vadd.s32 v23, v52  }
0x295: {  	[hbm4b:s3+s4] =	stream.indirect_vreg.scatter [tilespmem:s7], [sflag:$0x4], $0x80, v32, vm2, $0xb8;
	[tilespmem:$0x19200] =	vst v63  }
0x296: {  	s19 =	simm.s32 $0x1A00;
	v55 =	vperm.xlane v31, v27;
	v54 =	vadd.s32 v23, v53  }
0x297: {  	[hbm4b:s3+s4] =	stream.indirect_vreg.scatter [tilespmem:s19], [sflag:$0x4], $0x80, v33, vm2, $0xb8;
	[tilespmem:$0x19200] =	vst v63  }
0x298: {  	s20 =	simm.s32 $0x2200;
	v57 =	vperm.xlane v31, v28;
	v56 =	vadd.s32 v23, v55  }
0x299: {  	[hbm4b:s3+s4] =	stream.indirect_vreg.scatter [tilespmem:s20], [sflag:$0x4], $0x80, v34, vm2, $0xb8;
	[tilespmem:$0x19200] =	vst v63  }
0x29a: {  	s21 =	simm.s32 $0x2A00;
	v59 =	vperm.xlane v31, v29;
	v58 =	vadd.s32 v23, v57  }
0x29b: {  	[hbm4b:s3+s4] =	stream.indirect_vreg.scatter [tilespmem:s21], [sflag:$0x4], $0x80, v54, vm2, $0xb8;
	[tilespmem:$0x19200] =	vst v63  }
0x29c: {  	s22 =	simm.s32 $0x3200;
	v31 =	vperm.xlane v31, v30;
	v60 =	vadd.s32 v23, v59  }
0x29d: {  	[hbm4b:s3+s4] =	stream.indirect_vreg.scatter [tilespmem:s22], [sflag:$0x4], $0x80, v56, vm2, $0xb8;
	[tilespmem:$0x19200] =	vst v63  }
0x29e: {  	s17 =	simm.s32 $0x3A00;
	v31 =	vadd.s32 v23, v31  }
0x29f: {  	[hbm4b:s3+s4] =	stream.indirect_vreg.scatter [tilespmem:s17], [sflag:$0x4], $0x80, v58, vm2, $0xb8;
	[tilespmem:$0x19200] =	vst v63  }
0x2a0: {  	s18 =	simm.s32 $0x4200  }
0x2a1: {  	[hbm4b:s3+s4] =	stream.indirect_vreg.scatter [tilespmem:s18], [sflag:$0x4], $0x80, v60, vm2, $0xb8;
	[tilespmem:$0x19200] =	vst v63  }
0x2a2: {  	s24 =	simm.s32 $0x4A00  }
0x2a3: {  	[hbm4b:s3+s4] =	stream.indirect_vreg.scatter [tilespmem:s24], [sflag:$0x4], $0x80, v31, vm2, $0xb8;
	[tilespmem:$0x19200] =	vst v63  }
0x2a4: {  	v31 =	vld [tilespmem:$0xE90];
	_ =	sdelay $0x4  }
0x2a5: {  	v61 =	vshll.u32 v31, $0x3  }
0x2a6: {  	v31 =	vand.u32 $0x7, v31;
	v32 =	vand.u32 $0xFFFFFFC0, v61  }
0x2a7: {  	v31 =	vor.u32 v31, v32  }
0x2a8: {  	v32 =	vperm.xlane v31, v22;
	_ =	sdelay $0x1  }
0x2a9: {  	v62 =	vperm.xlane v31, v24;
	v32 =	vadd.s32 v23, v32;
	_ =	sdelay $0x1  }
0x2aa: {  	v63 =	vperm.xlane v31, v25;
	v33 =	vadd.s32 v23, v62;
	_ =	sdelay $0x1  }
0x2ab: {  	s25 =	simm.s32 $0x5200;
	v36 =	vperm.xlane v31, v26;
	v34 =	vadd.s32 v23, v63  }
0x2ac: {  	[hbm4b:s3+s4] =	stream.indirect_vreg.scatter [tilespmem:s25], [sflag:$0x4], $0x80, v32, vm2, $0xb8;
	[tilespmem:$0x19200] =	vst v63  }
0x2ad: {  	s26 =	simm.s32 $0x5A00;
	v38 =	vperm.xlane v31, v27;
	v37 =	vadd.s32 v23, v36  }
0x2ae: {  	[hbm4b:s3+s4] =	stream.indirect_vreg.scatter [tilespmem:s26], [sflag:$0x4], $0x80, v33, vm2, $0xb8;
	[tilespmem:$0x19200] =	vst v63  }
0x2af: {  	s28 =	simm.s32 $0x6200;
	v40 =	vperm.xlane v31, v28;
	v39 =	vadd.s32 v23, v38  }
0x2b0: {  	[hbm4b:s3+s4] =	stream.indirect_vreg.scatter [tilespmem:s28], [sflag:$0x4], $0x80, v34, vm2, $0xb8;
	[tilespmem:$0x19200] =	vst v63  }
0x2b1: {  	s0 =	simm.s32 $0x6A00;
	v42 =	vperm.xlane v31, v29;
	v41 =	vadd.s32 v23, v40  }
0x2b2: {  	[hbm4b:s3+s4] =	stream.indirect_vreg.scatter [tilespmem:s0], [sflag:$0x4], $0x80, v37, vm2, $0xb8;
	[tilespmem:$0x19200] =	vst v63  }
0x2b3: {  	s7 =	simm.s32 $0x7200;
	v31 =	vperm.xlane v31, v30;
	v43 =	vadd.s32 v23, v42  }
0x2b4: {  	[hbm4b:s3+s4] =	stream.indirect_vreg.scatter [tilespmem:s7], [sflag:$0x4], $0x80, v39, vm2, $0xb8;
	[tilespmem:$0x19200] =	vst v63  }
0x2b5: {  	v31 =	vadd.s32 v23, v31;
	s7 =	simm.s32 $0x7A00  }
0x2b6: {  	[hbm4b:s3+s4] =	stream.indirect_vreg.scatter [tilespmem:s7], [sflag:$0x4], $0x80, v41, vm2, $0xb8;
	[tilespmem:$0x19200] =	vst v63  }
0x2b7: {  	s7 =	simm.s32 $0x8200  }
0x2b8: {  	[hbm4b:s3+s4] =	stream.indirect_vreg.scatter [tilespmem:s7], [sflag:$0x4], $0x80, v43, vm2, $0xb8;
	[tilespmem:$0x19200] =	vst v63  }
0x2b9: {  	_ = 	snop  }
0x2ba: {  	[hbm4b:s3+s4] =	stream.indirect_vreg.scatter [tilespmem:s5], [sflag:$0x4], $0x80, v31, vm2, $0xb8;
	[tilespmem:$0x19200] =	vst v63  }
0x2bb: {  	_ =	swait.ge [sflag:s9], $0x8000  }
0x2bc: {  	[sflag:s9] =	ssyncset.done $0x0  }
0x2bd: {  	[sflag:s9] =	ssyncadd.s32 $0xFFFF8000  }
0x2be: {  	v31 =	vld [tilespmem:$0x780];
	_ =	sdelay $0x4  }
0x2bf: {  	v31 =	vshll.u32 v31, $0xB  }
0x2c0: {  	v31 =	vperm.xlane v31, v0;
	_ =	sdelay $0x4  }
0x2c1: {  	s0 =	simm.s32 $0x11200  }
0x2c2: {  	[tilespmem:s0], [sflag:$0x3] =	stream.indirect_vreg.gather [hbm4b:s30+s4], $0x800, v31, vm2, $0x38;
	[tilespmem:$0x19200] =	vst v63  }
0x2c3: {  	_ =	swait.ge [sflag:s10], $0x8000  }
0x2c4: {  	[sflag:s10] =	ssyncset.done $0x0  }
0x2c5: {  	[sflag:s10] =	ssyncadd.s32 $0xFFFF8000  }
0x2c6: {  	v31 =	vld [tilespmem:$0xF00];
	_ =	sdelay $0x4  }
0x2c7: {  	v44 =	vshll.u32 v31, $0x3  }
0x2c8: {  	v31 =	vand.u32 $0x7, v31;
	v32 =	vand.u32 $0xFFFFFFC0, v44  }
0x2c9: {  	v31 =	vor.u32 v31, v32  }
0x2ca: {  	v32 =	vperm.xlane v31, v22;
	_ =	sdelay $0x1  }
0x2cb: {  	v45 =	vperm.xlane v31, v24;
	v32 =	vadd.s32 v23, v32;
	_ =	sdelay $0x1  }
0x2cc: {  	v46 =	vperm.xlane v31, v25;
	v33 =	vadd.s32 v23, v45;
	_ =	sdelay $0x1  }
0x2cd: {  	v47 =	vperm.xlane v31, v26;
	v34 =	vadd.s32 v23, v46  }
0x2ce: {  	[hbm4b:s3+s4] =	stream.indirect_vreg.scatter [tilespmem:s1], [sflag:$0x5], $0x80, v32, vm2, $0xb8;
	[tilespmem:$0x19200] =	vst v63  }
0x2cf: {  	v49 =	vperm.xlane v31, v27;
	v48 =	vadd.s32 v23, v47;
	s1 =	simm.s32 $0x9A00  }
0x2d0: {  	[hbm4b:s3+s4] =	stream.indirect_vreg.scatter [tilespmem:s1], [sflag:$0x5], $0x80, v33, vm2, $0xb8;
	[tilespmem:$0x19200] =	vst v63  }
0x2d1: {  	v51 =	vperm.xlane v31, v28;
	v50 =	vadd.s32 v23, v49  }
0x2d2: {  	[hbm4b:s3+s4] =	stream.indirect_vreg.scatter [tilespmem:s13], [sflag:$0x5], $0x80, v34, vm2, $0xb8;
	[tilespmem:$0x19200] =	vst v63  }
0x2d3: {  	v53 =	vperm.xlane v31, v29;
	v52 =	vadd.s32 v23, v51;
	s13 =	simm.s32 $0xAA00  }
0x2d4: {  	[hbm4b:s3+s4] =	stream.indirect_vreg.scatter [tilespmem:s13], [sflag:$0x5], $0x80, v48, vm2, $0xb8;
	[tilespmem:$0x19200] =	vst v63  }
0x2d5: {  	v31 =	vperm.xlane v31, v30;
	v54 =	vadd.s32 v23, v53  }
0x2d6: {  	[hbm4b:s3+s4] =	stream.indirect_vreg.scatter [tilespmem:s14], [sflag:$0x5], $0x80, v50, vm2, $0xb8;
	[tilespmem:$0x19200] =	vst v63  }
0x2d7: {  	v31 =	vadd.s32 v23, v31;
	s13 =	simm.s32 $0xBA00  }
0x2d8: {  	[hbm4b:s3+s4] =	stream.indirect_vreg.scatter [tilespmem:s13], [sflag:$0x5], $0x80, v52, vm2, $0xb8;
	[tilespmem:$0x19200] =	vst v63  }
0x2d9: {  	s1 =	simm.s32 $0xC200  }
0x2da: {  	[hbm4b:s3+s4] =	stream.indirect_vreg.scatter [tilespmem:s1], [sflag:$0x5], $0x80, v54, vm2, $0xb8;
	[tilespmem:$0x19200] =	vst v63  }
0x2db: {  	_ = 	snop  }
0x2dc: {  	[hbm4b:s3+s4] =	stream.indirect_vreg.scatter [tilespmem:s6], [sflag:$0x5], $0x80, v31, vm2, $0xb8;
	[tilespmem:$0x19200] =	vst v63  }
0x2dd: {  	v31 =	vld [tilespmem:$0xF10];
	_ =	sdelay $0x4  }
0x2de: {  	v55 =	vshll.u32 v31, $0x3  }
0x2df: {  	v31 =	vand.u32 $0x7, v31;
	v32 =	vand.u32 $0xFFFFFFC0, v55  }
0x2e0: {  	v31 =	vor.u32 v31, v32  }
0x2e1: {  	v32 =	vperm.xlane v31, v22;
	_ =	sdelay $0x1  }
0x2e2: {  	v56 =	vperm.xlane v31, v24;
	v32 =	vadd.s32 v23, v32;
	_ =	sdelay $0x1  }
0x2e3: {  	v57 =	vperm.xlane v31, v25;
	v33 =	vadd.s32 v23, v56;
	_ =	sdelay $0x1  }
0x2e4: {  	v58 =	vperm.xlane v31, v26;
	v34 =	vadd.s32 v23, v57  }
0x2e5: {  	[hbm4b:s3+s4] =	stream.indirect_vreg.scatter [tilespmem:s16], [sflag:$0x5], $0x80, v32, vm2, $0xb8;
	[tilespmem:$0x19200] =	vst v63  }
0x2e6: {  	v60 =	vperm.xlane v31, v27;
	v59 =	vadd.s32 v23, v58  }
0x2e7: {  	[hbm4b:s3+s4] =	stream.indirect_vreg.scatter [tilespmem:s12], [sflag:$0x5], $0x80, v33, vm2, $0xb8;
	[tilespmem:$0x19200] =	vst v63  }
0x2e8: {  	v62 =	vperm.xlane v31, v28;
	v61 =	vadd.s32 v23, v60  }
0x2e9: {  	[hbm4b:s3+s4] =	stream.indirect_vreg.scatter [tilespmem:s15], [sflag:$0x5], $0x80, v34, vm2, $0xb8;
	[tilespmem:$0x19200] =	vst v63  }
0x2ea: {  	v36 =	vperm.xlane v31, v29;
	v63 =	vadd.s32 v23, v62  }
0x2eb: {  	[hbm4b:s3+s4] =	stream.indirect_vreg.scatter [tilespmem:s8], [sflag:$0x5], $0x80, v59, vm2, $0xb8;
	[tilespmem:$0x19200] =	vst v63  }
0x2ec: {  	v31 =	vperm.xlane v31, v30;
	v37 =	vadd.s32 v23, v36;
	s15 =	simm.s32 $0xF200  }
0x2ed: {  	[hbm4b:s3+s4] =	stream.indirect_vreg.scatter [tilespmem:s15], [sflag:$0x5], $0x80, v61, vm2, $0xb8;
	[tilespmem:$0x19200] =	vst v63  }
0x2ee: {  	s1 =	simm.s32 $0xFA00;
	v31 =	vadd.s32 v23, v31  }
0x2ef: {  	[hbm4b:s3+s4] =	stream.indirect_vreg.scatter [tilespmem:s1], [sflag:$0x5], $0x80, v63, vm2, $0xb8;
	[tilespmem:$0x19200] =	vst v63  }
0x2f0: {  	s6 =	simm.s32 $0x10200  }
0x2f1: {  	[hbm4b:s3+s4] =	stream.indirect_vreg.scatter [tilespmem:s6], [sflag:$0x5], $0x80, v37, vm2, $0xb8;
	[tilespmem:$0x19200] =	vst v63  }
0x2f2: {  	_ = 	snop  }
0x2f3: {  	[hbm4b:s3+s4] =	stream.indirect_vreg.scatter [tilespmem:s23], [sflag:$0x5], $0x80, v31, vm2, $0xb8;
	[tilespmem:$0x19200] =	vst v63  }
0x2f4: {  	_ =	swait.ge [sflag:s2], $0x8000  }
0x2f5: {  	[sflag:s2] =	ssyncset.done $0x0  }
0x2f6: {  	[sflag:s2] =	ssyncadd.s32 $0xFFFF8000  }
0x2f7: {  	v31 =	vld [tilespmem:$0x800];
	_ =	sdelay $0x4  }
0x2f8: {  	v31 =	vshll.u32 v31, $0xB  }
0x2f9: {  	v31 =	vperm.xlane v31, v0;
	_ =	sdelay $0x4  }
0x2fa: {  	s5 =	simm.s32 $0x1200  }
0x2fb: {  	[tilespmem:s5], [sflag:$0x1] =	stream.indirect_vreg.gather [hbm4b:s30+s4], $0x800, v31, vm2, $0x38;
	[tilespmem:$0x19200] =	vst v63  }
0x2fc: {  	_ =	swait.ge [sflag:s31], $0x8000  }
0x2fd: {  	[sflag:s31] =	ssyncset.done $0x0  }
0x2fe: {  	[sflag:s31] =	ssyncadd.s32 $0xFFFF8000  }
0x2ff: {  	v31 =	vld [tilespmem:$0xF80];
	_ =	sdelay $0x4  }
0x300: {  	v38 =	vshll.u32 v31, $0x3  }
0x301: {  	v31 =	vand.u32 $0x7, v31;
	v32 =	vand.u32 $0xFFFFFFC0, v38  }
0x302: {  	v31 =	vor.u32 v31, v32  }
0x303: {  	v32 =	vperm.xlane v31, v22;
	_ =	sdelay $0x1  }
0x304: {  	v39 =	vperm.xlane v31, v24;
	v32 =	vadd.s32 v23, v32;
	_ =	sdelay $0x1  }
0x305: {  	v40 =	vperm.xlane v31, v25;
	v33 =	vadd.s32 v23, v39;
	_ =	sdelay $0x1  }
0x306: {  	v41 =	vperm.xlane v31, v26;
	v34 =	vadd.s32 v23, v40  }
0x307: {  	[hbm4b:s3+s4] =	stream.indirect_vreg.scatter [tilespmem:s0], [sflag:$0x6], $0x80, v32, vm2, $0xb8;
	[tilespmem:$0x19200] =	vst v63  }
0x308: {  	s8 =	simm.s32 $0x11A00;
	v43 =	vperm.xlane v31, v27;
	v42 =	vadd.s32 v23, v41  }
0x309: {  	[hbm4b:s3+s4] =	stream.indirect_vreg.scatter [tilespmem:s8], [sflag:$0x6], $0x80, v33, vm2, $0xb8;
	[tilespmem:$0x19200] =	vst v63  }
0x30a: {  	s12 =	simm.s32 $0x12200;
	v45 =	vperm.xlane v31, v28;
	v44 =	vadd.s32 v23, v43  }
0x30b: {  	[hbm4b:s3+s4] =	stream.indirect_vreg.scatter [tilespmem:s12], [sflag:$0x6], $0x80, v34, vm2, $0xb8;
	[tilespmem:$0x19200] =	vst v63  }
0x30c: {  	s15 =	simm.s32 $0x12A00;
	v47 =	vperm.xlane v31, v29;
	v46 =	vadd.s32 v23, v45  }
0x30d: {  	[hbm4b:s3+s4] =	stream.indirect_vreg.scatter [tilespmem:s15], [sflag:$0x6], $0x80, v42, vm2, $0xb8;
	[tilespmem:$0x19200] =	vst v63  }
0x30e: {  	s1 =	simm.s32 $0x13200;
	v31 =	vperm.xlane v31, v30;
	v48 =	vadd.s32 v23, v47  }
0x30f: {  	[hbm4b:s3+s4] =	stream.indirect_vreg.scatter [tilespmem:s1], [sflag:$0x6], $0x80, v44, vm2, $0xb8;
	[tilespmem:$0x19200] =	vst v63  }
0x310: {  	v31 =	vadd.s32 v23, v31;
	s8 =	simm.s32 $0x13A00  }
0x311: {  	[hbm4b:s3+s4] =	stream.indirect_vreg.scatter [tilespmem:s8], [sflag:$0x6], $0x80, v46, vm2, $0xb8;
	[tilespmem:$0x19200] =	vst v63  }
0x312: {  	s12 =	simm.s32 $0x14200  }
0x313: {  	[hbm4b:s3+s4] =	stream.indirect_vreg.scatter [tilespmem:s12], [sflag:$0x6], $0x80, v48, vm2, $0xb8;
	[tilespmem:$0x19200] =	vst v63  }
0x314: {  	s15 =	simm.s32 $0x14A00  }
0x315: {  	[hbm4b:s3+s4] =	stream.indirect_vreg.scatter [tilespmem:s15], [sflag:$0x6], $0x80, v31, vm2, $0xb8;
	[tilespmem:$0x19200] =	vst v63  }
0x316: {  	v31 =	vld [tilespmem:$0xF90];
	_ =	sdelay $0x4  }
0x317: {  	v49 =	vshll.u32 v31, $0x3  }
0x318: {  	v31 =	vand.u32 $0x7, v31;
	v32 =	vand.u32 $0xFFFFFFC0, v49  }
0x319: {  	v31 =	vor.u32 v31, v32  }
0x31a: {  	v32 =	vperm.xlane v31, v22;
	_ =	sdelay $0x1  }
0x31b: {  	v50 =	vperm.xlane v31, v24;
	v32 =	vadd.s32 v23, v32;
	_ =	sdelay $0x1  }
0x31c: {  	v51 =	vperm.xlane v31, v25;
	v33 =	vadd.s32 v23, v50;
	_ =	sdelay $0x1  }
0x31d: {  	s1 =	simm.s32 $0x15200;
	v52 =	vperm.xlane v31, v26;
	v34 =	vadd.s32 v23, v51  }
0x31e: {  	[hbm4b:s3+s4] =	stream.indirect_vreg.scatter [tilespmem:s1], [sflag:$0x6], $0x80, v32, vm2, $0xb8;
	[tilespmem:$0x19200] =	vst v63  }
0x31f: {  	s8 =	simm.s32 $0x15A00;
	v54 =	vperm.xlane v31, v27;
	v53 =	vadd.s32 v23, v52  }
0x320: {  	[hbm4b:s3+s4] =	stream.indirect_vreg.scatter [tilespmem:s8], [sflag:$0x6], $0x80, v33, vm2, $0xb8;
	[tilespmem:$0x19200] =	vst v63  }
0x321: {  	s12 =	simm.s32 $0x16200;
	v56 =	vperm.xlane v31, v28;
	v55 =	vadd.s32 v23, v54  }
0x322: {  	[hbm4b:s3+s4] =	stream.indirect_vreg.scatter [tilespmem:s12], [sflag:$0x6], $0x80, v34, vm2, $0xb8;
	[tilespmem:$0x19200] =	vst v63  }
0x323: {  	s15 =	simm.s32 $0x16A00;
	v58 =	vperm.xlane v31, v29;
	v57 =	vadd.s32 v23, v56  }
0x324: {  	[hbm4b:s3+s4] =	stream.indirect_vreg.scatter [tilespmem:s15], [sflag:$0x6], $0x80, v53, vm2, $0xb8;
	[tilespmem:$0x19200] =	vst v63  }
0x325: {  	v31 =	vperm.xlane v31, v30;
	v59 =	vadd.s32 v23, v58;
	s1 =	simm.s32 $0x17200  }
0x326: {  	[hbm4b:s3+s4] =	stream.indirect_vreg.scatter [tilespmem:s1], [sflag:$0x6], $0x80, v55, vm2, $0xb8;
	[tilespmem:$0x19200] =	vst v63  }
0x327: {  	v31 =	vadd.s32 v23, v31;
	s8 =	simm.s32 $0x17A00  }
0x328: {  	[hbm4b:s3+s4] =	stream.indirect_vreg.scatter [tilespmem:s8], [sflag:$0x6], $0x80, v57, vm2, $0xb8;
	[tilespmem:$0x19200] =	vst v63  }
0x329: {  	s12 =	simm.s32 $0x18200  }
0x32a: {  	[hbm4b:s3+s4] =	stream.indirect_vreg.scatter [tilespmem:s12], [sflag:$0x6], $0x80, v59, vm2, $0xb8;
	[tilespmem:$0x19200] =	vst v63  }
0x32b: {  	s15 =	simm.s32 $0x18A00  }
0x32c: {  	[hbm4b:s3+s4] =	stream.indirect_vreg.scatter [tilespmem:s15], [sflag:$0x6], $0x80, v31, vm2, $0xb8;
	[tilespmem:$0x19200] =	vst v63  }
0x32d: {  	_ =	swait.ge [sflag:s11], $0x8000  }
0x32e: {  	[sflag:s11] =	ssyncset.done $0x0  }
0x32f: {  	[sflag:s11] =	ssyncadd.s32 $0xFFFF8000  }
0x330: {  	v31 =	vld [tilespmem:$0x880];
	_ =	sdelay $0x4  }
0x331: {  	v31 =	vshll.u32 v31, $0xB  }
0x332: {  	v31 =	vperm.xlane v31, v0;
	_ =	sdelay $0x4  }
0x333: {  	s7 =	simm.s32 $0x9200  }
0x334: {  	[tilespmem:s7], [sflag:$0x2] =	stream.indirect_vreg.gather [hbm4b:s30+s4], $0x800, v31, vm2, $0x38;
	[tilespmem:$0x19200] =	vst v63  }
0x335: {  	_ =	swait.ge [sflag:s29], $0x8000  }
0x336: {  	[sflag:s29] =	ssyncset.done $0x0  }
0x337: {  	[sflag:s29] =	ssyncadd.s32 $0xFFFF8000  }
0x338: {  	v31 =	vld [tilespmem:$0x1000];
	_ =	sdelay $0x4  }
0x339: {  	v60 =	vshll.u32 v31, $0x3  }
0x33a: {  	v31 =	vand.u32 $0x7, v31;
	v32 =	vand.u32 $0xFFFFFFC0, v60  }
0x33b: {  	v31 =	vor.u32 v31, v32  }
0x33c: {  	v32 =	vperm.xlane v31, v22;
	_ =	sdelay $0x1  }
0x33d: {  	v61 =	vperm.xlane v31, v24;
	v32 =	vadd.s32 v23, v32;
	_ =	sdelay $0x1  }
0x33e: {  	v62 =	vperm.xlane v31, v25;
	v33 =	vadd.s32 v23, v61;
	_ =	sdelay $0x1  }
0x33f: {  	v63 =	vperm.xlane v31, v26;
	v34 =	vadd.s32 v23, v62  }
0x340: {  	[hbm4b:s3+s4] =	stream.indirect_vreg.scatter [tilespmem:s5], [sflag:$0x4], $0x80, v32, vm2, $0xb8;
	[tilespmem:$0x19200] =	vst v63  }
0x341: {  	v37 =	vperm.xlane v31, v27;
	v36 =	vadd.s32 v23, v63  }
0x342: {  	[hbm4b:s3+s4] =	stream.indirect_vreg.scatter [tilespmem:s19], [sflag:$0x4], $0x80, v33, vm2, $0xb8;
	[tilespmem:$0x19200] =	vst v63  }
0x343: {  	v39 =	vperm.xlane v31, v28;
	v38 =	vadd.s32 v23, v37  }
0x344: {  	[hbm4b:s3+s4] =	stream.indirect_vreg.scatter [tilespmem:s20], [sflag:$0x4], $0x80, v34, vm2, $0xb8;
	[tilespmem:$0x19200] =	vst v63  }
0x345: {  	v41 =	vperm.xlane v31, v29;
	v40 =	vadd.s32 v23, v39  }
0x346: {  	[hbm4b:s3+s4] =	stream.indirect_vreg.scatter [tilespmem:s21], [sflag:$0x4], $0x80, v36, vm2, $0xb8;
	[tilespmem:$0x19200] =	vst v63  }
0x347: {  	v31 =	vperm.xlane v31, v30;
	v42 =	vadd.s32 v23, v41  }
0x348: {  	[hbm4b:s3+s4] =	stream.indirect_vreg.scatter [tilespmem:s22], [sflag:$0x4], $0x80, v38, vm2, $0xb8;
	[tilespmem:$0x19200] =	vst v63  }
0x349: {  	v31 =	vadd.s32 v23, v31  }
0x34a: {  	[hbm4b:s3+s4] =	stream.indirect_vreg.scatter [tilespmem:s17], [sflag:$0x4], $0x80, v40, vm2, $0xb8;
	[tilespmem:$0x19200] =	vst v63  }
0x34b: {  	_ = 	snop  }
0x34c: {  	[hbm4b:s3+s4] =	stream.indirect_vreg.scatter [tilespmem:s18], [sflag:$0x4], $0x80, v42, vm2, $0xb8;
	[tilespmem:$0x19200] =	vst v63  }
0x34d: {  	_ = 	snop  }
0x34e: {  	[hbm4b:s3+s4] =	stream.indirect_vreg.scatter [tilespmem:s24], [sflag:$0x4], $0x80, v31, vm2, $0xb8;
	[tilespmem:$0x19200] =	vst v63  }
0x34f: {  	v31 =	vld [tilespmem:$0x1010];
	_ =	sdelay $0x4  }
0x350: {  	v43 =	vshll.u32 v31, $0x3  }
0x351: {  	v31 =	vand.u32 $0x7, v31;
	v32 =	vand.u32 $0xFFFFFFC0, v43  }
0x352: {  	v31 =	vor.u32 v31, v32  }
0x353: {  	v32 =	vperm.xlane v31, v22;
	_ =	sdelay $0x1  }
0x354: {  	v44 =	vperm.xlane v31, v24;
	v32 =	vadd.s32 v23, v32;
	_ =	sdelay $0x1  }
0x355: {  	v45 =	vperm.xlane v31, v25;
	v33 =	vadd.s32 v23, v44;
	_ =	sdelay $0x1  }
0x356: {  	v46 =	vperm.xlane v31, v26;
	v34 =	vadd.s32 v23, v45  }
0x357: {  	[hbm4b:s3+s4] =	stream.indirect_vreg.scatter [tilespmem:s25], [sflag:$0x4], $0x80, v32, vm2, $0xb8;
	[tilespmem:$0x19200] =	vst v63  }
0x358: {  	v48 =	vperm.xlane v31, v27;
	v47 =	vadd.s32 v23, v46  }
0x359: {  	[hbm4b:s3+s4] =	stream.indirect_vreg.scatter [tilespmem:s26], [sflag:$0x4], $0x80, v33, vm2, $0xb8;
	[tilespmem:$0x19200] =	vst v63  }
0x35a: {  	v50 =	vperm.xlane v31, v28;
	v49 =	vadd.s32 v23, v48  }
0x35b: {  	[hbm4b:s3+s4] =	stream.indirect_vreg.scatter [tilespmem:s28], [sflag:$0x4], $0x80, v34, vm2, $0xb8;
	[tilespmem:$0x19200] =	vst v63  }
0x35c: {  	s1 =	simm.s32 $0x6A00;
	v52 =	vperm.xlane v31, v29;
	v51 =	vadd.s32 v23, v50  }
0x35d: {  	[hbm4b:s3+s4] =	stream.indirect_vreg.scatter [tilespmem:s1], [sflag:$0x4], $0x80, v47, vm2, $0xb8;
	[tilespmem:$0x19200] =	vst v63  }
0x35e: {  	s8 =	simm.s32 $0x7200;
	v31 =	vperm.xlane v31, v30;
	v53 =	vadd.s32 v23, v52  }
0x35f: {  	[hbm4b:s3+s4] =	stream.indirect_vreg.scatter [tilespmem:s8], [sflag:$0x4], $0x80, v49, vm2, $0xb8;
	[tilespmem:$0x19200] =	vst v63  }
0x360: {  	s0 =	simm.s32 $0x7A00;
	v31 =	vadd.s32 v23, v31  }
0x361: {  	[hbm4b:s3+s4] =	stream.indirect_vreg.scatter [tilespmem:s0], [sflag:$0x4], $0x80, v51, vm2, $0xb8;
	[tilespmem:$0x19200] =	vst v63  }
0x362: {  	s1 =	simm.s32 $0x8200  }
0x363: {  	[hbm4b:s3+s4] =	stream.indirect_vreg.scatter [tilespmem:s1], [sflag:$0x4], $0x80, v53, vm2, $0xb8;
	[tilespmem:$0x19200] =	vst v63  }
0x364: {  	s28 =	simm.s32 $0x8A00  }
0x365: {  	[hbm4b:s3+s4] =	stream.indirect_vreg.scatter [tilespmem:s28], [sflag:$0x4], $0x80, v31, vm2, $0xb8;
	[tilespmem:$0x19200] =	vst v63  }
0x366: {  	_ =	swait.ge [sflag:s9], $0x8000  }
0x367: {  	[sflag:s9] =	ssyncset.done $0x0  }
0x368: {  	[sflag:s9] =	ssyncadd.s32 $0xFFFF8000  }
0x369: {  	v31 =	vld [tilespmem:$0x900];
	_ =	sdelay $0x4  }
0x36a: {  	v31 =	vshll.u32 v31, $0xB  }
0x36b: {  	v31 =	vperm.xlane v31, v0;
	_ =	sdelay $0x4  }
0x36c: {  	s6 =	simm.s32 $0x11200  }
0x36d: {  	[tilespmem:s6], [sflag:$0x3] =	stream.indirect_vreg.gather [hbm4b:s30+s4], $0x800, v31, vm2, $0x38;
	[tilespmem:$0x19200] =	vst v63  }
0x36e: {  	_ =	swait.ge [sflag:s10], $0x8000  }
0x36f: {  	[sflag:s10] =	ssyncset.done $0x0  }
0x370: {  	[sflag:s10] =	ssyncadd.s32 $0xFFFF8000  }
0x371: {  	v31 =	vld [tilespmem:$0x1080];
	_ =	sdelay $0x4  }
0x372: {  	v54 =	vshll.u32 v31, $0x3  }
0x373: {  	v31 =	vand.u32 $0x7, v31;
	v32 =	vand.u32 $0xFFFFFFC0, v54  }
0x374: {  	v31 =	vor.u32 v31, v32  }
0x375: {  	v32 =	vperm.xlane v31, v22;
	_ =	sdelay $0x1  }
0x376: {  	v55 =	vperm.xlane v31, v24;
	v32 =	vadd.s32 v23, v32;
	_ =	sdelay $0x1  }
0x377: {  	v56 =	vperm.xlane v31, v25;
	v33 =	vadd.s32 v23, v55;
	_ =	sdelay $0x1  }
0x378: {  	v57 =	vperm.xlane v31, v26;
	v34 =	vadd.s32 v23, v56  }
0x379: {  	[hbm4b:s3+s4] =	stream.indirect_vreg.scatter [tilespmem:s7], [sflag:$0x5], $0x80, v32, vm2, $0xb8;
	[tilespmem:$0x19200] =	vst v63  }
0x37a: {  	v59 =	vperm.xlane v31, v27;
	v58 =	vadd.s32 v23, v57;
	s7 =	simm.s32 $0x9A00  }
0x37b: {  	[hbm4b:s3+s4] =	stream.indirect_vreg.scatter [tilespmem:s7], [sflag:$0x5], $0x80, v33, vm2, $0xb8;
	[tilespmem:$0x19200] =	vst v63  }
0x37c: {  	v61 =	vperm.xlane v31, v28;
	v60 =	vadd.s32 v23, v59;
	s7 =	simm.s32 $0xA200  }
0x37d: {  	[hbm4b:s3+s4] =	stream.indirect_vreg.scatter [tilespmem:s7], [sflag:$0x5], $0x80, v34, vm2, $0xb8;
	[tilespmem:$0x19200] =	vst v63  }
0x37e: {  	v63 =	vperm.xlane v31, v29;
	v62 =	vadd.s32 v23, v61;
	s7 =	simm.s32 $0xAA00  }
0x37f: {  	[hbm4b:s3+s4] =	stream.indirect_vreg.scatter [tilespmem:s7], [sflag:$0x5], $0x80, v58, vm2, $0xb8;
	[tilespmem:$0x19200] =	vst v63  }
0x380: {  	s14 =	simm.s32 $0xB200;
	v31 =	vperm.xlane v31, v30;
	v36 =	vadd.s32 v23, v63  }
0x381: {  	[hbm4b:s3+s4] =	stream.indirect_vreg.scatter [tilespmem:s14], [sflag:$0x5], $0x80, v60, vm2, $0xb8;
	[tilespmem:$0x19200] =	vst v63  }
0x382: {  	v31 =	vadd.s32 v23, v31  }
0x383: {  	[hbm4b:s3+s4] =	stream.indirect_vreg.scatter [tilespmem:s13], [sflag:$0x5], $0x80, v62, vm2, $0xb8;
	[tilespmem:$0x19200] =	vst v63  }
0x384: {  	s14 =	simm.s32 $0xC200  }
0x385: {  	[hbm4b:s3+s4] =	stream.indirect_vreg.scatter [tilespmem:s14], [sflag:$0x5], $0x80, v36, vm2, $0xb8;
	[tilespmem:$0x19200] =	vst v63  }
0x386: {  	s13 =	simm.s32 $0xCA00  }
0x387: {  	[hbm4b:s3+s4] =	stream.indirect_vreg.scatter [tilespmem:s13], [sflag:$0x5], $0x80, v31, vm2, $0xb8;
	[tilespmem:$0x19200] =	vst v63  }
0x388: {  	v31 =	vld [tilespmem:$0x1090];
	_ =	sdelay $0x4  }
0x389: {  	v37 =	vshll.u32 v31, $0x3  }
0x38a: {  	v31 =	vand.u32 $0x7, v31;
	v32 =	vand.u32 $0xFFFFFFC0, v37  }
0x38b: {  	v31 =	vor.u32 v31, v32  }
0x38c: {  	v32 =	vperm.xlane v31, v22;
	_ =	sdelay $0x1  }
0x38d: {  	v38 =	vperm.xlane v31, v24;
	v32 =	vadd.s32 v23, v32;
	_ =	sdelay $0x1  }
0x38e: {  	v39 =	vperm.xlane v31, v25;
	v33 =	vadd.s32 v23, v38;
	_ =	sdelay $0x1  }
0x38f: {  	s16 =	simm.s32 $0xD200;
	v40 =	vperm.xlane v31, v26;
	v34 =	vadd.s32 v23, v39  }
0x390: {  	[hbm4b:s3+s4] =	stream.indirect_vreg.scatter [tilespmem:s16], [sflag:$0x5], $0x80, v32, vm2, $0xb8;
	[tilespmem:$0x19200] =	vst v63  }
0x391: {  	s14 =	simm.s32 $0xDA00;
	v42 =	vperm.xlane v31, v27;
	v41 =	vadd.s32 v23, v40  }
0x392: {  	[hbm4b:s3+s4] =	stream.indirect_vreg.scatter [tilespmem:s14], [sflag:$0x5], $0x80, v33, vm2, $0xb8;
	[tilespmem:$0x19200] =	vst v63  }
0x393: {  	v44 =	vperm.xlane v31, v28;
	v43 =	vadd.s32 v23, v42;
	s16 =	simm.s32 $0xE200  }
0x394: {  	[hbm4b:s3+s4] =	stream.indirect_vreg.scatter [tilespmem:s16], [sflag:$0x5], $0x80, v34, vm2, $0xb8;
	[tilespmem:$0x19200] =	vst v63  }
0x395: {  	s13 =	simm.s32 $0xEA00;
	v46 =	vperm.xlane v31, v29;
	v45 =	vadd.s32 v23, v44  }
0x396: {  	[hbm4b:s3+s4] =	stream.indirect_vreg.scatter [tilespmem:s13], [sflag:$0x5], $0x80, v41, vm2, $0xb8;
	[tilespmem:$0x19200] =	vst v63  }
0x397: {  	v31 =	vperm.xlane v31, v30;
	v47 =	vadd.s32 v23, v46;
	s14 =	simm.s32 $0xF200  }
0x398: {  	[hbm4b:s3+s4] =	stream.indirect_vreg.scatter [tilespmem:s14], [sflag:$0x5], $0x80, v43, vm2, $0xb8;
	[tilespmem:$0x19200] =	vst v63  }
0x399: {  	v31 =	vadd.s32 v23, v31;
	s16 =	simm.s32 $0xFA00  }
0x39a: {  	[hbm4b:s3+s4] =	stream.indirect_vreg.scatter [tilespmem:s16], [sflag:$0x5], $0x80, v45, vm2, $0xb8;
	[tilespmem:$0x19200] =	vst v63  }
0x39b: {  	s13 =	simm.s32 $0x10200  }
0x39c: {  	[hbm4b:s3+s4] =	stream.indirect_vreg.scatter [tilespmem:s13], [sflag:$0x5], $0x80, v47, vm2, $0xb8;
	[tilespmem:$0x19200] =	vst v63  }
0x39d: {  	s23 =	simm.s32 $0x10A00  }
0x39e: {  	[hbm4b:s3+s4] =	stream.indirect_vreg.scatter [tilespmem:s23], [sflag:$0x5], $0x80, v31, vm2, $0xb8;
	[tilespmem:$0x19200] =	vst v63  }
0x39f: {  	_ =	swait.ge [sflag:s2], $0x8000  }
0x3a0: {  	[sflag:s2] =	ssyncset.done $0x0  }
0x3a1: {  	[sflag:s2] =	ssyncadd.s32 $0xFFFF8000  }
0x3a2: {  	v31 =	vld [tilespmem:$0x980];
	_ =	sdelay $0x4  }
0x3a3: {  	v31 =	vshll.u32 v31, $0xB  }
0x3a4: {  	v31 =	vperm.xlane v31, v0;
	_ =	sdelay $0x4  }
0x3a5: {  	s5 =	simm.s32 $0x1200  }
0x3a6: {  	[tilespmem:s5], [sflag:$0x1] =	stream.indirect_vreg.gather [hbm4b:s30+s4], $0x800, v31, vm2, $0x38;
	[tilespmem:$0x19200] =	vst v63  }
0x3a7: {  	_ =	swait.ge [sflag:s31], $0x8000  }
0x3a8: {  	[sflag:s31] =	ssyncset.done $0x0  }
0x3a9: {  	[sflag:s31] =	ssyncadd.s32 $0xFFFF8000  }
0x3aa: {  	v31 =	vld [tilespmem:$0x1100];
	_ =	sdelay $0x4  }
0x3ab: {  	v48 =	vshll.u32 v31, $0x3  }
0x3ac: {  	v31 =	vand.u32 $0x7, v31;
	v32 =	vand.u32 $0xFFFFFFC0, v48  }
0x3ad: {  	v31 =	vor.u32 v31, v32  }
0x3ae: {  	v32 =	vperm.xlane v31, v22;
	_ =	sdelay $0x1  }
0x3af: {  	v49 =	vperm.xlane v31, v24;
	v32 =	vadd.s32 v23, v32;
	_ =	sdelay $0x1  }
0x3b0: {  	v50 =	vperm.xlane v31, v25;
	v33 =	vadd.s32 v23, v49;
	_ =	sdelay $0x1  }
0x3b1: {  	v51 =	vperm.xlane v31, v26;
	v34 =	vadd.s32 v23, v50  }
0x3b2: {  	[hbm4b:s3+s4] =	stream.indirect_vreg.scatter [tilespmem:s6], [sflag:$0x6], $0x80, v32, vm2, $0xb8;
	[tilespmem:$0x19200] =	vst v63  }
0x3b3: {  	s14 =	simm.s32 $0x11A00;
	v53 =	vperm.xlane v31, v27;
	v52 =	vadd.s32 v23, v51  }
0x3b4: {  	[hbm4b:s3+s4] =	stream.indirect_vreg.scatter [tilespmem:s14], [sflag:$0x6], $0x80, v33, vm2, $0xb8;
	[tilespmem:$0x19200] =	vst v63  }
0x3b5: {  	s16 =	simm.s32 $0x12200;
	v55 =	vperm.xlane v31, v28;
	v54 =	vadd.s32 v23, v53  }
0x3b6: {  	[hbm4b:s3+s4] =	stream.indirect_vreg.scatter [tilespmem:s16], [sflag:$0x6], $0x80, v34, vm2, $0xb8;
	[tilespmem:$0x19200] =	vst v63  }
0x3b7: {  	s23 =	simm.s32 $0x12A00;
	v57 =	vperm.xlane v31, v29;
	v56 =	vadd.s32 v23, v55  }
0x3b8: {  	[hbm4b:s3+s4] =	stream.indirect_vreg.scatter [tilespmem:s23], [sflag:$0x6], $0x80, v52, vm2, $0xb8;
	[tilespmem:$0x19200] =	vst v63  }
0x3b9: {  	s30 =	simm.s32 $0x13200;
	v31 =	vperm.xlane v31, v30;
	v58 =	vadd.s32 v23, v57  }
0x3ba: {  	[hbm4b:s3+s4] =	stream.indirect_vreg.scatter [tilespmem:s30], [sflag:$0x6], $0x80, v54, vm2, $0xb8;
	[tilespmem:$0x19200] =	vst v63  }
0x3bb: {  	s7 =	simm.s32 $0x13A00;
	v31 =	vadd.s32 v23, v31  }
0x3bc: {  	[hbm4b:s3+s4] =	stream.indirect_vreg.scatter [tilespmem:s7], [sflag:$0x6], $0x80, v56, vm2, $0xb8;
	[tilespmem:$0x19200] =	vst v63  }
0x3bd: {  	s13 =	simm.s32 $0x14200  }
0x3be: {  	[hbm4b:s3+s4] =	stream.indirect_vreg.scatter [tilespmem:s13], [sflag:$0x6], $0x80, v58, vm2, $0xb8;
	[tilespmem:$0x19200] =	vst v63  }
0x3bf: {  	s14 =	simm.s32 $0x14A00  }
0x3c0: {  	[hbm4b:s3+s4] =	stream.indirect_vreg.scatter [tilespmem:s14], [sflag:$0x6], $0x80, v31, vm2, $0xb8;
	[tilespmem:$0x19200] =	vst v63  }
0x3c1: {  	v31 =	vld [tilespmem:$0x1110];
	_ =	sdelay $0x4  }
0x3c2: {  	v59 =	vshll.u32 v31, $0x3  }
0x3c3: {  	v31 =	vand.u32 $0x7, v31;
	v32 =	vand.u32 $0xFFFFFFC0, v59  }
0x3c4: {  	v31 =	vor.u32 v31, v32  }
0x3c5: {  	v32 =	vperm.xlane v31, v22;
	_ =	sdelay $0x1  }
0x3c6: {  	v60 =	vperm.xlane v31, v24;
	v32 =	vadd.s32 v23, v32;
	_ =	sdelay $0x1  }
0x3c7: {  	v61 =	vperm.xlane v31, v25;
	v33 =	vadd.s32 v23, v60;
	_ =	sdelay $0x1  }
0x3c8: {  	s16 =	simm.s32 $0x15200;
	v62 =	vperm.xlane v31, v26;
	v34 =	vadd.s32 v23, v61  }
0x3c9: {  	[hbm4b:s3+s4] =	stream.indirect_vreg.scatter [tilespmem:s16], [sflag:$0x6], $0x80, v32, vm2, $0xb8;
	[tilespmem:$0x19200] =	vst v63  }
0x3ca: {  	s23 =	simm.s32 $0x15A00;
	v36 =	vperm.xlane v31, v27;
	v63 =	vadd.s32 v23, v62  }
0x3cb: {  	[hbm4b:s3+s4] =	stream.indirect_vreg.scatter [tilespmem:s23], [sflag:$0x6], $0x80, v33, vm2, $0xb8;
	[tilespmem:$0x19200] =	vst v63  }
0x3cc: {  	s30 =	simm.s32 $0x16200;
	v38 =	vperm.xlane v31, v28;
	v37 =	vadd.s32 v23, v36  }
0x3cd: {  	[hbm4b:s3+s4] =	stream.indirect_vreg.scatter [tilespmem:s30], [sflag:$0x6], $0x80, v34, vm2, $0xb8;
	[tilespmem:$0x19200] =	vst v63  }
0x3ce: {  	s7 =	simm.s32 $0x16A00;
	v40 =	vperm.xlane v31, v29;
	v39 =	vadd.s32 v23, v38  }
0x3cf: {  	[hbm4b:s3+s4] =	stream.indirect_vreg.scatter [tilespmem:s7], [sflag:$0x6], $0x80, v63, vm2, $0xb8;
	[tilespmem:$0x19200] =	vst v63  }
0x3d0: {  	s13 =	simm.s32 $0x17200;
	v31 =	vperm.xlane v31, v30;
	v41 =	vadd.s32 v23, v40  }
0x3d1: {  	[hbm4b:s3+s4] =	stream.indirect_vreg.scatter [tilespmem:s13], [sflag:$0x6], $0x80, v37, vm2, $0xb8;
	[tilespmem:$0x19200] =	vst v63  }
0x3d2: {  	s14 =	simm.s32 $0x17A00;
	v31 =	vadd.s32 v23, v31  }
0x3d3: {  	[hbm4b:s3+s4] =	stream.indirect_vreg.scatter [tilespmem:s14], [sflag:$0x6], $0x80, v39, vm2, $0xb8;
	[tilespmem:$0x19200] =	vst v63  }
0x3d4: {  	s16 =	simm.s32 $0x18200  }
0x3d5: {  	[hbm4b:s3+s4] =	stream.indirect_vreg.scatter [tilespmem:s16], [sflag:$0x6], $0x80, v41, vm2, $0xb8;
	[tilespmem:$0x19200] =	vst v63  }
0x3d6: {  	s23 =	simm.s32 $0x18A00  }
0x3d7: {  	[hbm4b:s3+s4] =	stream.indirect_vreg.scatter [tilespmem:s23], [sflag:$0x6], $0x80, v31, vm2, $0xb8;
	[tilespmem:$0x19200] =	vst v63  }
0x3d8: {  	_ =	swait.ge [sflag:s29], $0x8000  }
0x3d9: {  	[sflag:s29] =	ssyncset.done $0x0  }
0x3da: {  	[sflag:s29] =	ssyncadd.s32 $0xFFFF8000  }
0x3db: {  	v31 =	vld [tilespmem:$0x1180];
	_ =	sdelay $0x4  }
0x3dc: {  	v42 =	vshll.u32 v31, $0x3  }
0x3dd: {  	v31 =	vand.u32 $0x7, v31;
	v32 =	vand.u32 $0xFFFFFFC0, v42  }
0x3de: {  	v31 =	vor.u32 v31, v32  }
0x3df: {  	v32 =	vperm.xlane v31, v22;
	_ =	sdelay $0x1  }
0x3e0: {  	v43 =	vperm.xlane v31, v24;
	v32 =	vadd.s32 v23, v32;
	_ =	sdelay $0x1  }
0x3e1: {  	v44 =	vperm.xlane v31, v25;
	v33 =	vadd.s32 v23, v43;
	_ =	sdelay $0x1  }
0x3e2: {  	v45 =	vperm.xlane v31, v26;
	v34 =	vadd.s32 v23, v44  }
0x3e3: {  	[hbm4b:s3+s4] =	stream.indirect_vreg.scatter [tilespmem:s5], [sflag:$0x4], $0x80, v32, vm2, $0xb8;
	[tilespmem:$0x19200] =	vst v63  }
0x3e4: {  	s19 =	simm.s32 $0x1A00;
	v47 =	vperm.xlane v31, v27;
	v46 =	vadd.s32 v23, v45  }
0x3e5: {  	[hbm4b:s3+s4] =	stream.indirect_vreg.scatter [tilespmem:s19], [sflag:$0x4], $0x80, v33, vm2, $0xb8;
	[tilespmem:$0x19200] =	vst v63  }
0x3e6: {  	s20 =	simm.s32 $0x2200;
	v49 =	vperm.xlane v31, v28;
	v48 =	vadd.s32 v23, v47  }
0x3e7: {  	[hbm4b:s3+s4] =	stream.indirect_vreg.scatter [tilespmem:s20], [sflag:$0x4], $0x80, v34, vm2, $0xb8;
	[tilespmem:$0x19200] =	vst v63  }
0x3e8: {  	s21 =	simm.s32 $0x2A00;
	v51 =	vperm.xlane v31, v29;
	v50 =	vadd.s32 v23, v49  }
0x3e9: {  	[hbm4b:s3+s4] =	stream.indirect_vreg.scatter [tilespmem:s21], [sflag:$0x4], $0x80, v46, vm2, $0xb8;
	[tilespmem:$0x19200] =	vst v63  }
0x3ea: {  	s22 =	simm.s32 $0x3200;
	v31 =	vperm.xlane v31, v30;
	v52 =	vadd.s32 v23, v51  }
0x3eb: {  	[hbm4b:s3+s4] =	stream.indirect_vreg.scatter [tilespmem:s22], [sflag:$0x4], $0x80, v48, vm2, $0xb8;
	[tilespmem:$0x19200] =	vst v63  }
0x3ec: {  	s12 =	simm.s32 $0x3A00;
	v31 =	vadd.s32 v23, v31  }
0x3ed: {  	[hbm4b:s3+s4] =	stream.indirect_vreg.scatter [tilespmem:s12], [sflag:$0x4], $0x80, v50, vm2, $0xb8;
	[tilespmem:$0x19200] =	vst v63  }
0x3ee: {  	s15 =	simm.s32 $0x4200  }
0x3ef: {  	[hbm4b:s3+s4] =	stream.indirect_vreg.scatter [tilespmem:s15], [sflag:$0x4], $0x80, v52, vm2, $0xb8;
	[tilespmem:$0x19200] =	vst v63  }
0x3f0: {  	s17 =	simm.s32 $0x4A00  }
0x3f1: {  	[hbm4b:s3+s4] =	stream.indirect_vreg.scatter [tilespmem:s17], [sflag:$0x4], $0x80, v31, vm2, $0xb8;
	[tilespmem:$0x19200] =	vst v63  }
0x3f2: {  	v31 =	vld [tilespmem:$0x1190];
	_ =	sdelay $0x4  }
0x3f3: {  	v53 =	vshll.u32 v31, $0x3  }
0x3f4: {  	v31 =	vand.u32 $0x7, v31;
	v32 =	vand.u32 $0xFFFFFFC0, v53  }
0x3f5: {  	v31 =	vor.u32 v31, v32  }
0x3f6: {  	v32 =	vperm.xlane v31, v22;
	_ =	sdelay $0x1  }
0x3f7: {  	v54 =	vperm.xlane v31, v24;
	v32 =	vadd.s32 v23, v32;
	_ =	sdelay $0x1  }
0x3f8: {  	v55 =	vperm.xlane v31, v25;
	v33 =	vadd.s32 v23, v54;
	_ =	sdelay $0x1  }
0x3f9: {  	s18 =	simm.s32 $0x5200;
	v56 =	vperm.xlane v31, v26;
	v34 =	vadd.s32 v23, v55  }
0x3fa: {  	[hbm4b:s3+s4] =	stream.indirect_vreg.scatter [tilespmem:s18], [sflag:$0x4], $0x80, v32, vm2, $0xb8;
	[tilespmem:$0x19200] =	vst v63  }
0x3fb: {  	s24 =	simm.s32 $0x5A00;
	v58 =	vperm.xlane v31, v27;
	v57 =	vadd.s32 v23, v56  }
0x3fc: {  	[hbm4b:s3+s4] =	stream.indirect_vreg.scatter [tilespmem:s24], [sflag:$0x4], $0x80, v33, vm2, $0xb8;
	[tilespmem:$0x19200] =	vst v63  }
0x3fd: {  	s25 =	simm.s32 $0x6200;
	v60 =	vperm.xlane v31, v28;
	v59 =	vadd.s32 v23, v58  }
0x3fe: {  	[hbm4b:s3+s4] =	stream.indirect_vreg.scatter [tilespmem:s25], [sflag:$0x4], $0x80, v34, vm2, $0xb8;
	[tilespmem:$0x19200] =	vst v63  }
0x3ff: {  	s26 =	simm.s32 $0x6A00;
	v62 =	vperm.xlane v31, v29;
	v61 =	vadd.s32 v23, v60  }
0x400: {  	[hbm4b:s3+s4] =	stream.indirect_vreg.scatter [tilespmem:s26], [sflag:$0x4], $0x80, v57, vm2, $0xb8;
	[tilespmem:$0x19200] =	vst v63  }
0x401: {  	s8 =	simm.s32 $0x7200;
	v31 =	vperm.xlane v31, v30;
	v63 =	vadd.s32 v23, v62  }
0x402: {  	[hbm4b:s3+s4] =	stream.indirect_vreg.scatter [tilespmem:s8], [sflag:$0x4], $0x80, v59, vm2, $0xb8;
	[tilespmem:$0x19200] =	vst v63  }
0x403: {  	v31 =	vadd.s32 v23, v31  }
0x404: {  	[hbm4b:s3+s4] =	stream.indirect_vreg.scatter [tilespmem:s0], [sflag:$0x4], $0x80, v61, vm2, $0xb8;
	[tilespmem:$0x19200] =	vst v63  }
0x405: {  	_ = 	snop  }
0x406: {  	[hbm4b:s3+s4] =	stream.indirect_vreg.scatter [tilespmem:s1], [sflag:$0x4], $0x80, v63, vm2, $0xb8;
	[tilespmem:$0x19200] =	vst v63  }
0x407: {  	_ = 	snop  }
0x408: {  	[hbm4b:s3+s4] =	stream.indirect_vreg.scatter [tilespmem:s28], [sflag:$0x4], $0x80, v31, vm2, $0xb8;
	[tilespmem:$0x19200] =	vst v63  }
0x409: {  	s30 =	rddreg [dreg:$0x5];
	_ =	swait.ge [sflag:s11], $0x8000  }
0x40a: {  	[sflag:s11] =	ssyncset.done $0x0  }
0x40b: {  	[sflag:s11] =	ssyncadd.s32 $0xFFFF8000  }
0x40c: {  	p0 =	sne.s32 s30, $0x1;
	_ =	swait.ge [sflag:s9], $0x8000  }
.Ltmp0:
0x40d: {  	[sflag:s9] =	ssyncset.done $0x0;
	(pc) =	sbr.rel @p0 .LBB2_1-.Ltmp0, $4  }
0x40e: {  	[sflag:s9] =	ssyncadd.s32 $0xFFFF8000  }
0x40f: {  	_ =	swait.ge [sflag:s2], $0x8000  }
0x410: {  	[sflag:s2] =	ssyncset.done $0x0  }
0x411: {  	s5 =	sadd.s32 $0xFFFFFFFF, s30;
	[sflag:s2] =	ssyncadd.s32 $0xFFFF8000  }
0x412: {  	_ =	sfence.sel $0x180000  }
0x413: {  	[bflag:$0x0] =	sbarrier.arrive $0xFFFF  }
0x414: {  	_ =	strace $0x90000047  }
0x415: {  	s0 =	stileid.u32;
	[bflag:$0x2] =	sbarrier.arrive $0xFFFF  }
0x416: {  	p0 =	sne.s32 s0, $0x0;
	s0 =	rddreg [dreg:$0x3]  }
0x417: {  	s0 =	sadd.s32 @!p0 $0x100000, s0  }
0x418: {  	[sflag:s0] =	ssyncadd.tile.s32 @!p0 $0x1;
	_ =	shalt  }
.Lfunc_end2:
_tile_overlayer_lowered:
.L_overlay_start_2:
0x419: {  	(tag) =	ssettag $0x2  }
0x41a: {  	s0 =	rddreg [dreg:$0x0];
	s2 =	stileid.u32  }
0x41b: {  	s1 =	rddreg [dreg:$0x1];
	p0 =	sne.s32 s2, $0x0  }
0x41c: {  	s3 =	rddreg [dreg:$0x2];
	[bflag:$0x3] =	sbarrier.arrive $0xFFFF;
	s2 =	simm.s32 @!p0 $0x1C07  }
0x41d: {  	[timem:s3], [sflag:s2] =	dma.local @!p0 [hbm:s0], s1  }
0x41e: {  	s0 =	simm.s32 @!p0 $0x7  }
0x41f: {  	_ =	swait.ge @!p0 [sflag:s0], s1  }
0x420: {  	s1 =	ssub.s32 @!p0 $0x0, s1;
	[sflag:s0] =	ssyncset.done @!p0 $0x0  }
0x421: {  	[sflag:s0] =	ssyncadd.s32 @!p0 s1  }
0x422: {  	[bflag:$0x3] =	sbarrier.arrive $0xFFFF  }
0x423: {  	_ =	shalt  }

</sc_bundles>
